<compile_context>
chip_gen: v7x
topology: tpu7x:2x2x1
jax: 0.10.2.dev20260603
libtpu: 0.0.44.dev20260713+nightly
codegen_flags: <defaults>
</compile_context>

<pallas_src>
import dataclasses
import functools

import jax
import jax.numpy as jnp
from jax import lax
from jax.experimental import pallas as pl
from jax.experimental.pallas import tpu as pltpu
from jax.experimental.pallas import tpu_sc as plsc

EMB = 128
NCLS = 16
NHEADS = 4
HD = EMB // NHEADS
BLK = 128
KSUB = 2
CH = KSUB * BLK

NCORES = 2
NSUB = 16
NW = NCORES * NSUB


@functools.cache
def _mesh():
    return plsc.VectorSubcoreMesh(core_axis_name="core", subcore_axis_name="subcore")


@functools.cache
def _sc_params():
    cp = pltpu.CompilerParams()
    if "needs_layout_passes" in pltpu.CompilerParams.__dataclass_fields__:
        cp = dataclasses.replace(cp, needs_layout_passes=False)
    return cp


def _splits(n):
    nch = n // CH
    rem = n - nch * CH
    nx = rem // BLK
    tail = rem - nx * BLK
    assert tail % 8 == 0
    return nch, nx, tail


def _fill2d(ref, rows, cols, value):
    val = jnp.full((16,), value, jnp.float32)

    @pl.loop(0, rows)
    def _(i):
        for j in range(cols // 16):
            ref[i, pl.ds(j * 16, 16)] = val


def _segment_sums_sc(v_s, c_s, vcls2d, ccls2d, vcls1d, ccls1d):
    nv = v_s.shape[0]
    nc = c_s.shape[0]
    nch_v, nx_v, tail_v = _splits(nv)
    nch_c, nx_c, tail_c = _splits(nc)

    out_type = [
        jax.ShapeDtypeStruct((NCORES, NCLS, EMB), jnp.float32),
        jax.ShapeDtypeStruct((NCORES, NSUB, NCLS), jnp.float32),
        jax.ShapeDtypeStruct((NCORES, NCLS, EMB), jnp.float32),
        jax.ShapeDtypeStruct((NCORES, NSUB, NCLS), jnp.float32),
    ]
    scratch_types = [
        pltpu.VMEM_SHARED((NCLS, EMB), jnp.float32),
        pltpu.VMEM_SHARED((NCLS, EMB), jnp.float32),
        pltpu.VMEM((CH, EMB), jnp.float32),
        pltpu.VMEM((CH, EMB), jnp.float32),
        pltpu.VMEM((KSUB, BLK), jnp.int32),
        pltpu.VMEM((KSUB, BLK), jnp.int32),
        pltpu.VMEM((NCLS,), jnp.float32),
        pltpu.VMEM((NCLS,), jnp.float32),
        pltpu.VMEM((NCLS, EMB), jnp.float32),
        pltpu.SemaphoreType.DMA,
        pltpu.SemaphoreType.DMA,
        pltpu.SemaphoreType.DMA,
        pltpu.SemaphoreType.DMA,
        pltpu.SemaphoreType.DMA,
        pltpu.SemaphoreType.DMA,
    ]
    if nx_v:
        scratch_types += [pltpu.VMEM((KSUB, BLK), jnp.int32),
                          pltpu.VMEM((BLK, EMB), jnp.float32)]
    if tail_v:
        scratch_types += [pltpu.VMEM((tail_v,), jnp.int32),
                          pltpu.VMEM((tail_v, EMB), jnp.float32)]
    if tail_c:
        scratch_types += [pltpu.VMEM((tail_c,), jnp.int32),
                          pltpu.VMEM((tail_c, EMB), jnp.float32)]

    @functools.partial(pl.kernel, mesh=_mesh(), out_type=out_type,
                       scratch_types=scratch_types,
                       compiler_params=_sc_params())
    def kern(v_s_hbm, c_s_hbm, vcls2_hbm, ccls2_hbm, vcls1_hbm, ccls1_hbm,
             vsum_hbm, vcnt_hbm, csum_hbm, ccnt_hbm,
             vacc_sh, cacc_sh,
             rows0, rows1, idx0, idx1, vcnt_loc, ccnt_loc, zero_w,
             s_i0, s_r0, s_i1, s_r1, s_s0, s_s1, *extra):
        cid = lax.axis_index("core")
        sid = lax.axis_index("subcore")
        wid = sid * NCORES + cid

        ones16 = jnp.ones((NCLS,), jnp.float32)
        vcnt_loc[...] = jnp.zeros((NCLS,), jnp.float32)
        ccnt_loc[...] = jnp.zeros((NCLS,), jnp.float32)

        def count_ids(vec16, cnt_ref):
            plsc.addupdate_scatter(cnt_ref, [vec16], ones16)

        @pl.when(sid == 0)
        def _():
            _fill2d(zero_w, NCLS, EMB, 0.0)
            pltpu.sync_copy(zero_w, vacc_sh)
            pltpu.sync_copy(zero_w, cacc_sh)

        plsc.subcore_barrier()

        def branch(rows_hbm, cls2_hbm, acc_sh, cnt_ref, nch):
            def start(ch, idxb, rowsb, s_i, s_r):
                base = pl.multiple_of(ch * CH, CH)
                pltpu.async_copy(cls2_hbm.at[ch], idxb, s_i)
                pltpu.async_copy(rows_hbm.at[pl.ds(base, CH)], rowsb, s_r)

            def wait(ch, idxb, rowsb, s_i, s_r):
                base = pl.multiple_of(ch * CH, CH)
                pltpu.make_async_copy(cls2_hbm.at[ch], idxb, s_i).wait()
                pltpu.make_async_copy(
                    rows_hbm.at[pl.ds(base, CH)], rowsb, s_r).wait()

            def work(ch, idxb, rowsb, s_i, s_r, s_s):
                wait(ch, idxb, rowsb, s_i, s_r)
                hs = []
                for j in range(KSUB):
                    hs.append(pltpu.async_copy(
                        rowsb.at[pl.ds(j * BLK, BLK)],
                        acc_sh.at[idxb.at[j]], s_s, add=True))
                for j in range(KSUB):
                    for g in range(BLK // NCLS):
                        count_ids(idxb[j, pl.ds(g * NCLS, NCLS)], cnt_ref)
                for h in hs:
                    h.wait()

                @pl.when(ch + 2 * NW < nch)
                def _():
                    start(ch + 2 * NW, idxb, rowsb, s_i, s_r)

            @pl.when(wid < nch)
            def _():
                start(wid, idx0, rows0, s_i0, s_r0)

            @pl.when(wid + NW < nch)
            def _():
                start(wid + NW, idx1, rows1, s_i1, s_r1)

            @pl.loop(wid, nch, step=2 * NW)
            def _(ch):
                work(ch, idx0, rows0, s_i0, s_r0, s_s0)

                @pl.when(ch + NW < nch)
                def _():
                    work(ch + NW, idx1, rows1, s_i1, s_r1, s_s1)

        branch(v_s_hbm, vcls2_hbm, vacc_sh, vcnt_loc, nch_v)
        branch(c_s_hbm, ccls2_hbm, cacc_sh, ccnt_loc, nch_c)

        ei = 0
        for x in range(nx_v):
            e_idx, e_rows = extra[ei], extra[ei + 1]
            ei += 2
            base = nch_v * CH + x * BLK

            @pl.when((cid == 0) & (sid == 2 + x))
            def _():
                pltpu.sync_copy(vcls2_hbm.at[nch_v], e_idx)
                pltpu.sync_copy(v_s_hbm.at[pl.ds(base, BLK)], e_rows)
                pltpu.sync_copy(e_rows, vacc_sh.at[e_idx.at[x]], add=True)
                for g in range(BLK // NCLS):
                    count_ids(e_idx[x, pl.ds(g * NCLS, NCLS)], vcnt_loc)

        if tail_v:
            t_idx, t_rows = extra[ei], extra[ei + 1]
            ei += 2
            base = nch_v * CH + nx_v * BLK

            @pl.when((cid == 0) & (sid == 1))
            def _():
                pltpu.sync_copy(vcls1_hbm.at[0, pl.ds(base, tail_v)], t_idx)
                pltpu.sync_copy(v_s_hbm.at[pl.ds(base, tail_v)], t_rows)
                pltpu.sync_copy(t_rows, vacc_sh.at[t_idx], add=True)
                for g in range(tail_v // NCLS):
                    count_ids(t_idx[pl.ds(g * NCLS, NCLS)], vcnt_loc)
        if tail_c:
            t_idx, t_rows = extra[ei], extra[ei + 1]
            base = nch_c * CH + nx_c * BLK

            @pl.when((cid == 1) & (sid == 1))
            def _():
                pltpu.sync_copy(ccls1_hbm.at[0, pl.ds(base, tail_c)], t_idx)
                pltpu.sync_copy(c_s_hbm.at[pl.ds(base, tail_c)], t_rows)
                pltpu.sync_copy(t_rows, cacc_sh.at[t_idx], add=True)
                for g in range(tail_c // NCLS):
                    count_ids(t_idx[pl.ds(g * NCLS, NCLS)], ccnt_loc)

        pltpu.sync_copy(vcnt_loc, vcnt_hbm.at[cid, sid])
        pltpu.sync_copy(ccnt_loc, ccnt_hbm.at[cid, sid])

        plsc.subcore_barrier()

        @pl.when(sid == 0)
        def _():
            pltpu.sync_copy(vacc_sh, vsum_hbm.at[cid])
            pltpu.sync_copy(cacc_sh, csum_hbm.at[cid])

    return kern(v_s, c_s, vcls2d, ccls2d, vcls1d, ccls1d)


def _mha_body(sem, sum2, cnt2, Wqkv, bqkv, Wo, bo):
    fea_sum = sum2[0] + sum2[1]
    cnt = jnp.sum(cnt2[0] + cnt2[1], axis=1, keepdims=True)
    fea = fea_sum / (cnt + 1e-8)

    dn_t = (((1,), (1,)), ((), ()))
    q = lax.dot_general(sem, Wqkv[0:EMB], dn_t,
                        preferred_element_type=jnp.float32) + bqkv[0, 0:EMB]
    k = lax.dot_general(fea, Wqkv[EMB:2 * EMB], dn_t,
                        preferred_element_type=jnp.float32) + bqkv[0, EMB:2 * EMB]
    v = lax.dot_general(fea, Wqkv[2 * EMB:3 * EMB], dn_t,
                        preferred_element_type=jnp.float32) + bqkv[0, 2 * EMB:3 * EMB]

    outs = []
    scale = 1.0 / (HD ** 0.5)
    for h in range(NHEADS):
        qh = q[:, h * HD:(h + 1) * HD]
        kh = k[:, h * HD:(h + 1) * HD]
        vh = v[:, h * HD:(h + 1) * HD]
        scores = lax.dot_general(qh, kh, dn_t,
                                 preferred_element_type=jnp.float32) * scale
        m = jnp.max(scores, axis=-1, keepdims=True)
        e = jnp.exp(scores - m)
        attn = e / jnp.sum(e, axis=-1, keepdims=True)
        outs.append(lax.dot_general(attn, vh, (((1,), (0,)), ((), ())),
                                    preferred_element_type=jnp.float32))
    o = jnp.concatenate(outs, axis=1)
    return lax.dot_general(o, Wo, dn_t,
                           preferred_element_type=jnp.float32) + bo[0]


def _attn_tc(vsum, vcnt, csum, ccnt, v_sem, c_sem,
             Wqkv_v, bqkv_v, Wo_v, bo_v, Wqkv_c, bqkv_c, Wo_c, bo_c):
    def body(vsum_r, vcnt_r, csum_r, ccnt_r, vsem_r, csem_r,
             wqv_r, bqv_r, wov_r, bov_r, wqc_r, bqc_r, woc_r, boc_r,
             vfin_r, cfin_r):
        vfin_r[...] = _mha_body(vsem_r[...], vsum_r[...], vcnt_r[...],
                                wqv_r[...], bqv_r[...], wov_r[...], bov_r[...])
        cfin_r[...] = _mha_body(csem_r[...], csum_r[...], ccnt_r[...],
                                wqc_r[...], bqc_r[...], woc_r[...], boc_r[...])

    return pl.pallas_call(
        body,
        out_shape=[jax.ShapeDtypeStruct((NCLS, EMB), jnp.float32),
                   jax.ShapeDtypeStruct((NCLS, EMB), jnp.float32)],
    )(vsum, vcnt, csum, ccnt, v_sem, c_sem,
      Wqkv_v, bqkv_v.reshape(1, -1), Wo_v, bo_v.reshape(1, -1),
      Wqkv_c, bqkv_c.reshape(1, -1), Wo_c, bo_c.reshape(1, -1))


def _gather_sc(vfin, cfin, vcls2d, ccls2d, vcls1d, ccls1d, nv, nc):
    nch_v, nx_v, tail_v = _splits(nv)
    nch_c, nx_c, tail_c = _splits(nc)

    out_type = [
        jax.ShapeDtypeStruct((nv, EMB), jnp.float32),
        jax.ShapeDtypeStruct((nc, EMB), jnp.float32),
    ]
    scratch_types = [
        pltpu.VMEM_SHARED((NCLS, EMB), jnp.float32),
        pltpu.VMEM_SHARED((NCLS, EMB), jnp.float32),
        pltpu.VMEM((CH, EMB), jnp.float32),
        pltpu.VMEM((CH, EMB), jnp.float32),
        pltpu.VMEM((KSUB, BLK), jnp.int32),
        pltpu.VMEM((KSUB, BLK), jnp.int32),
        pltpu.SemaphoreType.DMA,
        pltpu.SemaphoreType.DMA,
        pltpu.SemaphoreType.DMA,
        pltpu.SemaphoreType.DMA,
        pltpu.SemaphoreType.DMA,
        pltpu.SemaphoreType.DMA,
    ]
    if nx_v:
        scratch_types += [pltpu.VMEM((KSUB, BLK), jnp.int32),
                          pltpu.VMEM((BLK, EMB), jnp.float32)]
    if tail_v:
        scratch_types += [pltpu.VMEM((tail_v,), jnp.int32),
                          pltpu.VMEM((tail_v, EMB), jnp.float32)]
    if tail_c:
        scratch_types += [pltpu.VMEM((tail_c,), jnp.int32),
                          pltpu.VMEM((tail_c, EMB), jnp.float32)]

    @functools.partial(pl.kernel, mesh=_mesh(), out_type=out_type,
                       scratch_types=scratch_types)
    def kern(vfin_hbm, cfin_hbm, vcls2_hbm, ccls2_hbm, vcls1_hbm, ccls1_hbm,
             vout_hbm, cout_hbm,
             vfin_sh, cfin_sh, rows0, rows1, idx0, idx1,
             s_i0, s_i1, s_g0, s_g1, s_w0, s_w1, *extra):
        cid = lax.axis_index("core")
        sid = lax.axis_index("subcore")
        wid = sid * NCORES + cid

        @pl.when(sid == 0)
        def _():
            pltpu.sync_copy(vfin_hbm, vfin_sh)
            pltpu.sync_copy(cfin_hbm, cfin_sh)

        plsc.subcore_barrier()

        def branch(fin_sh, cls2_hbm, out_hbm, nch):
            def work(ch, idxb, rowsb, s_i, s_g, s_w):
                base = pl.multiple_of(ch * CH, CH)
                pltpu.make_async_copy(cls2_hbm.at[ch], idxb, s_i).wait()

                @pl.when(ch >= wid + 2 * NW)
                def _():
                    pltpu.make_async_copy(
                        rowsb, out_hbm.at[pl.ds(base, CH)], s_w).wait()

                hs = [pltpu.async_copy(fin_sh.at[idxb.at[j]],
                                       rowsb.at[pl.ds(j * BLK, BLK)], s_g)
                      for j in range(KSUB)]
                for h in hs:
                    h.wait()
                pltpu.async_copy(rowsb, out_hbm.at[pl.ds(base, CH)], s_w)

                @pl.when(ch + 2 * NW < nch)
                def _():
                    pltpu.async_copy(cls2_hbm.at[ch + 2 * NW], idxb, s_i)

            @pl.when(wid < nch)
            def _():
                pltpu.async_copy(cls2_hbm.at[wid], idx0, s_i0)

            @pl.when(wid + NW < nch)
            def _():
                pltpu.async_copy(cls2_hbm.at[wid + NW], idx1, s_i1)

            @pl.loop(wid, nch, step=2 * NW)
            def _(ch):
                work(ch, idx0, rows0, s_i0, s_g0, s_w0)

                @pl.when(ch + NW < nch)
                def _():
                    work(ch + NW, idx1, rows1, s_i1, s_g1, s_w1)

            @pl.when(wid < nch)
            def _():
                pltpu.make_async_copy(rows0, out_hbm.at[pl.ds(0, CH)], s_w0).wait()

            @pl.when(wid + NW < nch)
            def _():
                pltpu.make_async_copy(rows1, out_hbm.at[pl.ds(0, CH)], s_w1).wait()

        branch(vfin_sh, vcls2_hbm, vout_hbm, nch_v)
        branch(cfin_sh, ccls2_hbm, cout_hbm, nch_c)

        ei = 0
        for x in range(nx_v):
            e_idx, e_rows = extra[ei], extra[ei + 1]
            ei += 2
            base = nch_v * CH + x * BLK

            @pl.when((cid == 0) & (sid == 2 + x))
            def _():
                pltpu.sync_copy(vcls2_hbm.at[nch_v], e_idx)
                pltpu.sync_copy(vfin_sh.at[e_idx.at[x]], e_rows)
                pltpu.sync_copy(e_rows, vout_hbm.at[pl.ds(base, BLK)])

        if tail_v:
            t_idx, t_rows = extra[ei], extra[ei + 1]
            ei += 2
            base = nch_v * CH + nx_v * BLK

            @pl.when((cid == 0) & (sid == 1))
            def _():
                pltpu.sync_copy(vcls1_hbm.at[0, pl.ds(base, tail_v)], t_idx)
                pltpu.sync_copy(vfin_sh.at[t_idx], t_rows)
                pltpu.sync_copy(t_rows, vout_hbm.at[pl.ds(base, tail_v)])
        if tail_c:
            t_idx, t_rows = extra[ei], extra[ei + 1]
            base = nch_c * CH + nx_c * BLK

            @pl.when((cid == 1) & (sid == 1))
            def _():
                pltpu.sync_copy(ccls1_hbm.at[0, pl.ds(base, tail_c)], t_idx)
                pltpu.sync_copy(cfin_sh.at[t_idx], t_rows)
                pltpu.sync_copy(t_rows, cout_hbm.at[pl.ds(base, tail_c)])

    return kern(vfin, cfin, vcls2d, ccls2d, vcls1d, ccls1d)


def kernel(v_s, c_s, v_sem, c_sem, v_class, c_class,
           Wqkv_v, bqkv_v, Wo_v, bo_v, Wqkv_c, bqkv_c, Wo_c, bo_c):
    nv = v_s.shape[0]
    nc = c_s.shape[0]
    pad_v = (-nv) % CH
    pad_c = (-nc) % CH
    vcls2d = jnp.pad(v_class, (0, pad_v)).reshape(-1, KSUB, BLK)
    ccls2d = jnp.pad(c_class, (0, pad_c)).reshape(-1, KSUB, BLK)
    vcls1d = v_class.reshape(1, nv)
    ccls1d = c_class.reshape(1, nc)

    vsum, vcnt, csum, ccnt = _segment_sums_sc(v_s, c_s, vcls2d, ccls2d,
                                              vcls1d, ccls1d)
    vcnt = jnp.swapaxes(vcnt, 1, 2)
    ccnt = jnp.swapaxes(ccnt, 1, 2)
    vfin, cfin = _attn_tc(vsum, vcnt, csum, ccnt, v_sem, c_sem,
                          Wqkv_v, bqkv_v, Wo_v, bo_v,
                          Wqkv_c, bqkv_c, Wo_c, bo_c)
    v_updates, c_updates = _gather_sc(vfin, cfin, vcls2d, ccls2d,
                                      vcls1d, ccls1d, nv, nc)
    return (v_updates, c_updates)

# --- scband reference (transcript-rebuilt; emitter-appended) ---
"""Pipeline reference for scband-gnnpolicy-class-58884001628287 (READ-ONLY COPY).

The authoritative reference and input builder live on the scoring server;
editing this copy changes nothing except your own understanding.
"""

import jax, jax.numpy as jnp
import numpy as np

V_N = 16
C_N = 16
EMB = 128
NHEADS = 4
N_V = 100000
N_C = 50000


def setup_inputs(seed: int = 0) -> dict:
    key = jax.random.key(seed)
    ks = jax.random.split(key, 12)
    inp = {
        "v_s": jax.random.normal(ks[0], (N_V, EMB), dtype=jnp.float32),
        "c_s": jax.random.normal(ks[1], (N_C, EMB), dtype=jnp.float32),
        "v_sem": jax.random.normal(ks[2], (V_N, EMB), dtype=jnp.float32),
        "c_sem": jax.random.normal(ks[3], (C_N, EMB), dtype=jnp.float32),
        "v_class": jax.random.randint(ks[4], (N_V,), 0, V_N, dtype=jnp.int32),
        "c_class": jax.random.randint(ks[5], (N_C,), 0, C_N, dtype=jnp.int32),
        # learned params: two nn.MultiheadAttention blocks (cross_att_var, cross_att_con)
        "Wqkv_v": jax.random.normal(ks[6], (3 * EMB, EMB), dtype=jnp.float32) * 0.05,
        "bqkv_v": jnp.zeros((3 * EMB,), dtype=jnp.float32),
        "Wo_v": jax.random.normal(ks[7], (EMB, EMB), dtype=jnp.float32) * 0.05,
        "bo_v": jnp.zeros((EMB,), dtype=jnp.float32),
        "Wqkv_c": jax.random.normal(ks[8], (3 * EMB, EMB), dtype=jnp.float32) * 0.05,
        "bqkv_c": jnp.zeros((3 * EMB,), dtype=jnp.float32),
        "Wo_c": jax.random.normal(ks[9], (EMB, EMB), dtype=jnp.float32) * 0.05,
        "bo_c": jnp.zeros((EMB,), dtype=jnp.float32),
    }
    return inp


def _mha(q, kv, Wqkv, bqkv, Wo, bo):
    # Faithful torch.nn.MultiheadAttention with batch=1 (batch dim squeezed out).
    E = q.shape[-1]
    hd = E // NHEADS
    Q = q @ Wqkv[:E].T + bqkv[:E]
    K = kv @ Wqkv[E:2 * E].T + bqkv[E:2 * E]
    V = kv @ Wqkv[2 * E:].T + bqkv[2 * E:]
    Qh = Q.reshape(-1, NHEADS, hd).transpose(1, 0, 2)
    Kh = K.reshape(-1, NHEADS, hd).transpose(1, 0, 2)
    Vh = V.reshape(-1, NHEADS, hd).transpose(1, 0, 2)
    scores = (Qh @ Kh.transpose(0, 2, 1)) / jnp.sqrt(jnp.float32(hd))
    attn = jax.nn.softmax(scores, axis=-1)
    O = (attn @ Vh).transpose(1, 0, 2).reshape(-1, E)
    return O @ Wo.T + bo


def reference(v_s, c_s, v_sem, c_sem, v_class, c_class,
              Wqkv_v, bqkv_v, Wo_v, bo_v, Wqkv_c, bqkv_c, Wo_c, bo_c):
    # Anchor3: class-anchored message passing on bipartite var/con graph.
    # mask.T @ x  <=> segment_sum(x, class);  mask @ y <=> y[class]  (identical math)
    v_cnt = jax.ops.segment_sum(jnp.ones((v_s.shape[0],), jnp.float32), v_class, num_segments=V_N) + 1e-08
    v_fea = jax.ops.segment_sum(v_s, v_class, num_segments=V_N) / v_cnt[:, None]
    v_fin = _mha(v_sem, v_fea, Wqkv_v, bqkv_v, Wo_v, bo_v)
    v_updates = jnp.take(v_fin, v_class, axis=0)

    c_cnt = jax.ops.segment_sum(jnp.ones((c_s.shape[0],), jnp.float32), c_class, num_segments=C_N) + 1e-08
    c_fea = jax.ops.segment_sum(c_s, c_class, num_segments=C_N) / c_cnt[:, None]
    c_fin = _mha(c_sem, c_fea, Wqkv_c, bqkv_c, Wo_c, bo_c)
    c_updates = jnp.take(c_fin, c_class, axis=0)
    return (v_updates, c_updates)

if __name__ == "__main__":
    import jax
    _d = setup_inputs()
    print(jax.jit(kernel)(*tuple(_d.values())))

</pallas_src>

<mosaic_0001>
#map = affine_map<(d0, d1) -> (0, 0)>
#map1 = affine_map<(d0, d1) -> (0, 0, 0)>
module attributes {stable_mosaic.version = 14 : i64} {
  func.func @kern(%arg0: i32, %arg1: i32, %arg2: memref<16x128xf32, #tpu.memory_space<hbm>>, %arg3: memref<16x128xf32, #tpu.memory_space<hbm>>, %arg4: memref<391x2x128xi32, #tpu.memory_space<hbm>>, %arg5: memref<196x2x128xi32, #tpu.memory_space<hbm>>, %arg6: memref<1x100000xi32, #tpu.memory_space<hbm>>, %arg7: memref<1x50000xi32, #tpu.memory_space<hbm>>, %arg8: memref<100000x128xf32, #tpu.memory_space<hbm>>, %arg9: memref<50000x128xf32, #tpu.memory_space<hbm>>, %arg10: memref<16x128xf32, #tpu.memory_space<vmem_shared>>, %arg11: memref<16x128xf32, #tpu.memory_space<vmem_shared>>, %arg12: memref<256x128xf32, #tpu.memory_space<vmem>>, %arg13: memref<256x128xf32, #tpu.memory_space<vmem>>, %arg14: memref<2x128xi32, #tpu.memory_space<vmem>>, %arg15: memref<2x128xi32, #tpu.memory_space<vmem>>, %arg16: memref<!tpu.dma_semaphore, #tpu.memory_space<semaphore_mem>>, %arg17: memref<!tpu.dma_semaphore, #tpu.memory_space<semaphore_mem>>, %arg18: memref<!tpu.dma_semaphore, #tpu.memory_space<semaphore_mem>>, %arg19: memref<!tpu.dma_semaphore, #tpu.memory_space<semaphore_mem>>, %arg20: memref<!tpu.dma_semaphore, #tpu.memory_space<semaphore_mem>>, %arg21: memref<!tpu.dma_semaphore, #tpu.memory_space<semaphore_mem>>, %arg22: memref<2x128xi32, #tpu.memory_space<vmem>>, %arg23: memref<128x128xf32, #tpu.memory_space<vmem>>, %arg24: memref<32xi32, #tpu.memory_space<vmem>>, %arg25: memref<32x128xf32, #tpu.memory_space<vmem>>, %arg26: memref<80xi32, #tpu.memory_space<vmem>>, %arg27: memref<80x128xf32, #tpu.memory_space<vmem>>) attributes {dimension_semantics = [#tpu.dimension_semantics<core_parallel>, #tpu.dimension_semantics<subcore_parallel>], iteration_bounds = array<i64: 2, 16>, scalar_prefetch = 0 : i64, scratch_operands = 18 : i64, tpu.core_type = #tpu.core_type<sc_vector_subcore>, window_params = [{transform_indices = #map}, {transform_indices = #map}, {transform_indices = #map1}, {transform_indices = #map1}, {transform_indices = #map}, {transform_indices = #map}, {transform_indices = #map}, {transform_indices = #map}]} {
    %mul3A = arith.constant 2 : i32
    %mul3A_0 = arith.muli %arg1, %mul3A : i32
    %add3A = arith.addi %mul3A_0, %arg0 : i32
    %eq3A = arith.constant 0 : i32
    %eq3A_1 = arith.cmpi eq, %arg1, %eq3A : i32
    %convert_element_type3A = arith.extui %eq3A_1 : i1 to i32
    %cond3A = arith.constant 0 : i32
    %cond3A_2 = arith.cmpi ne, %convert_element_type3A, %cond3A : i32
    scf.if %cond3A_2 {
      "tpu.region"() ({
        %run_scoped3A = tpu.sem_alloc : memref<!tpu.dma_semaphore, #tpu.memory_space<semaphore_mem>>
        tpu.enqueue_dma source(%arg2 : memref<16x128xf32, #tpu.memory_space<hbm>>) target(%arg10 : memref<16x128xf32, #tpu.memory_space<vmem_shared>>) target_semaphore(%run_scoped3A : memref<!tpu.dma_semaphore, #tpu.memory_space<semaphore_mem>>)
        tpu.wait_dma2 semaphore(%run_scoped3A : memref<!tpu.dma_semaphore, #tpu.memory_space<semaphore_mem>>) src(%arg2 : memref<16x128xf32, #tpu.memory_space<hbm>>) dst(%arg10 : memref<16x128xf32, #tpu.memory_space<vmem_shared>>)
        tpu.yield
      }) : () -> ()
      "tpu.region"() ({
        %run_scoped3A = tpu.sem_alloc : memref<!tpu.dma_semaphore, #tpu.memory_space<semaphore_mem>>
        tpu.enqueue_dma source(%arg3 : memref<16x128xf32, #tpu.memory_space<hbm>>) target(%arg11 : memref<16x128xf32, #tpu.memory_space<vmem_shared>>) target_semaphore(%run_scoped3A : memref<!tpu.dma_semaphore, #tpu.memory_space<semaphore_mem>>)
        tpu.wait_dma2 semaphore(%run_scoped3A : memref<!tpu.dma_semaphore, #tpu.memory_space<semaphore_mem>>) src(%arg3 : memref<16x128xf32, #tpu.memory_space<hbm>>) dst(%arg11 : memref<16x128xf32, #tpu.memory_space<vmem_shared>>)
        tpu.yield
      }) : () -> ()
    } else {
    }
    %barrier3A = arith.constant 0 : index
    tpu.barrier barrier_id(%barrier3A)
    %lt3A = arith.constant 390 : i32
    %lt3A_3 = arith.cmpi slt, %add3A, %lt3A : i32
    %convert_element_type3A_4 = arith.extui %lt3A_3 : i1 to i32
    %cond3A_5 = arith.constant 0 : i32
    %cond3A_6 = arith.cmpi ne, %convert_element_type3A_4, %cond3A_5 : i32
    scf.if %cond3A_6 {
      %dma_start3A = arith.constant 0 : i32
      %dma_start3A_106 = arith.constant 0 : i32
      %dma_start3A_107 = tpu.memref_slice %arg4[%add3A, %dma_start3A, %dma_start3A_106] : memref<391x2x128xi32, #tpu.memory_space<hbm>> -> memref<1x2x128xi32, #tpu.memory_space<hbm>>
      %dma_start3A_108 = tpu.memref_squeeze %dma_start3A_107 : memref<1x2x128xi32, #tpu.memory_space<hbm>> -> memref<2x128xi32, #tpu.memory_space<hbm>>
      %dma_start3A_109 = arith.constant 0 : i32
      %dma_start3A_110 = arith.constant 0 : i32
      %dma_start3A_111 = tpu.memref_slice %arg4[%add3A, %dma_start3A_109, %dma_start3A_110] : memref<391x2x128xi32, #tpu.memory_space<hbm>> -> memref<1x2x128xi32, #tpu.memory_space<hbm>>
      %dma_start3A_112 = tpu.memref_squeeze %dma_start3A_111 : memref<1x2x128xi32, #tpu.memory_space<hbm>> -> memref<2x128xi32, #tpu.memory_space<hbm>>
      tpu.enqueue_dma source(%dma_start3A_112 : memref<2x128xi32, #tpu.memory_space<hbm>>) target(%arg14 : memref<2x128xi32, #tpu.memory_space<vmem>>) target_semaphore(%arg16 : memref<!tpu.dma_semaphore, #tpu.memory_space<semaphore_mem>>)
    } else {
    }
    %add3A_7 = arith.constant 32 : i32
    %add3A_8 = arith.addi %add3A, %add3A_7 : i32
    %lt3A_9 = arith.constant 390 : i32
    %lt3A_10 = arith.cmpi slt, %add3A_8, %lt3A_9 : i32
    %convert_element_type3A_11 = arith.extui %lt3A_10 : i1 to i32
    %cond3A_12 = arith.constant 0 : i32
    %cond3A_13 = arith.cmpi ne, %convert_element_type3A_11, %cond3A_12 : i32
    scf.if %cond3A_13 {
      %add3A_106 = arith.constant 32 : i32
      %add3A_107 = arith.addi %add3A, %add3A_106 : i32
      %dma_start3A = arith.constant 0 : i32
      %dma_start3A_108 = arith.constant 0 : i32
      %dma_start3A_109 = tpu.memref_slice %arg4[%add3A_107, %dma_start3A, %dma_start3A_108] : memref<391x2x128xi32, #tpu.memory_space<hbm>> -> memref<1x2x128xi32, #tpu.memory_space<hbm>>
      %dma_start3A_110 = tpu.memref_squeeze %dma_start3A_109 : memref<1x2x128xi32, #tpu.memory_space<hbm>> -> memref<2x128xi32, #tpu.memory_space<hbm>>
      %dma_start3A_111 = arith.constant 0 : i32
      %dma_start3A_112 = arith.constant 0 : i32
      %dma_start3A_113 = tpu.memref_slice %arg4[%add3A_107, %dma_start3A_111, %dma_start3A_112] : memref<391x2x128xi32, #tpu.memory_space<hbm>> -> memref<1x2x128xi32, #tpu.memory_space<hbm>>
      %dma_start3A_114 = tpu.memref_squeeze %dma_start3A_113 : memref<1x2x128xi32, #tpu.memory_space<hbm>> -> memref<2x128xi32, #tpu.memory_space<hbm>>
      tpu.enqueue_dma source(%dma_start3A_114 : memref<2x128xi32, #tpu.memory_space<hbm>>) target(%arg15 : memref<2x128xi32, #tpu.memory_space<vmem>>) target_semaphore(%arg17 : memref<!tpu.dma_semaphore, #tpu.memory_space<semaphore_mem>>)
    } else {
    }
    %sub3A = arith.constant 390 : i32
    %sub3A_14 = arith.subi %sub3A, %add3A : i32
    %sub3A_15 = arith.constant 64 : i32
    %sub3A_16 = arith.constant 1 : i32
    %sub3A_17 = arith.subi %sub3A_15, %sub3A_16 : i32
    %add3A_18 = arith.addi %sub3A_14, %sub3A_17 : i32
    %div3A = arith.constant 64 : i32
    %div3A_19 = arith.divsi %add3A_18, %div3A : i32
    %while3A = arith.constant 64 : i32
    %while3A_20 = arith.constant 0 : i32
    %while3A_21 = arith.subi %div3A_19, %while3A_20 : i32
    %while3A_22 = arith.addi %while3A_20, %while3A_21 : i32
    %while3A_23 = arith.constant 1 : i32
    %while3A_24 = arith.divsi %while3A_21, %while3A_23 : i32
    %while3A_25 = arith.muli %while3A_24, %while3A_23 : i32
    %while3A_26 = arith.addi %while3A_20, %while3A_25 : i32
    %while3A_27 = arith.constant 1 : i32
    scf.for %while3A_106 = %while3A_20 to %while3A_26 step %while3A_27  : i32 {
      %mul3A_107 = arith.muli %while3A_106, %while3A : i32
      %add3A_108 = arith.addi %add3A, %mul3A_107 : i32
      %mul3A_109 = arith.constant 256 : i32
      %mul3A_110 = arith.muli %add3A_108, %mul3A_109 : i32
      %multiple_of3A = tpu.assume_multiple %mul3A_110, 256 : i32
      %dma_wait3A = arith.constant 0 : i32
      %dma_wait3A_111 = arith.constant 0 : i32
      %dma_wait3A_112 = tpu.memref_slice %arg4[%add3A_108, %dma_wait3A, %dma_wait3A_111] : memref<391x2x128xi32, #tpu.memory_space<hbm>> -> memref<1x2x128xi32, #tpu.memory_space<hbm>>
      %dma_wait3A_113 = tpu.memref_squeeze %dma_wait3A_112 : memref<1x2x128xi32, #tpu.memory_space<hbm>> -> memref<2x128xi32, #tpu.memory_space<hbm>>
      %dma_wait3A_114 = arith.constant 0 : i32
      %dma_wait3A_115 = arith.constant 0 : i32
      %dma_wait3A_116 = tpu.memref_slice %arg4[%add3A_108, %dma_wait3A_114, %dma_wait3A_115] : memref<391x2x128xi32, #tpu.memory_space<hbm>> -> memref<1x2x128xi32, #tpu.memory_space<hbm>>
      %dma_wait3A_117 = tpu.memref_squeeze %dma_wait3A_116 : memref<1x2x128xi32, #tpu.memory_space<hbm>> -> memref<2x128xi32, #tpu.memory_space<hbm>>
      tpu.wait_dma2 semaphore(%arg16 : memref<!tpu.dma_semaphore, #tpu.memory_space<semaphore_mem>>) src(%dma_wait3A_117 : memref<2x128xi32, #tpu.memory_space<hbm>>) dst(%arg14 : memref<2x128xi32, #tpu.memory_space<vmem>>)
      %add3A_118 = arith.constant 64 : i32
      %add3A_119 = arith.addi %add3A, %add3A_118 : i32
      %ge3A = arith.cmpi sge, %add3A_108, %add3A_119 : i32
      %convert_element_type3A_120 = arith.extui %ge3A : i1 to i32
      %cond3A_121 = arith.constant 0 : i32
      %cond3A_122 = arith.cmpi ne, %convert_element_type3A_120, %cond3A_121 : i32
      scf.if %cond3A_122 {
        %dma_wait3A_180 = arith.constant 0 : i32
        %dma_wait3A_181 = tpu.memref_slice %arg8[%multiple_of3A, %dma_wait3A_180] : memref<100000x128xf32, #tpu.memory_space<hbm>> -> memref<256x128xf32, #tpu.memory_space<hbm>>
        %dma_wait3A_182 = arith.constant 0 : i32
        %dma_wait3A_183 = tpu.memref_slice %arg8[%multiple_of3A, %dma_wait3A_182] : memref<100000x128xf32, #tpu.memory_space<hbm>> -> memref<256x128xf32, #tpu.memory_space<hbm>>
        tpu.wait_dma2 semaphore(%arg20 : memref<!tpu.dma_semaphore, #tpu.memory_space<semaphore_mem>>) src(%arg12 : memref<256x128xf32, #tpu.memory_space<vmem>>) dst(%dma_wait3A_183 : memref<256x128xf32, #tpu.memory_space<hbm>>)
      } else {
      }
      %dma_start3A = arith.constant 0 : i32
      %dma_start3A_123 = arith.constant 0 : i32
      %dma_start3A_124 = arith.constant 0 : i32
      %dma_start3A_125 = tpu.memref_slice %arg12[%dma_start3A_123, %dma_start3A_124] : memref<256x128xf32, #tpu.memory_space<vmem>> -> memref<128x128xf32, #tpu.memory_space<vmem>>
      %dma_start3A_126 = arith.constant 0 : i32
      %dma_start3A_127 = tpu.memref_slice %arg14[%dma_start3A, %dma_start3A_126] : memref<2x128xi32, #tpu.memory_space<vmem>> -> memref<1x128xi32, #tpu.memory_space<vmem>>
      %dma_start3A_128 = tpu.memref_squeeze %dma_start3A_127 : memref<1x128xi32, #tpu.memory_space<vmem>> -> memref<128xi32, #tpu.memory_space<vmem>>
      %dma_start3A_129 = arith.constant 0 : i32
      %dma_start3A_130 = arith.constant 0 : i32
      %dma_start3A_131 = tpu.memref_slice %arg10[%dma_start3A_129, %dma_start3A_130] : memref<16x128xf32, #tpu.memory_space<vmem_shared>> -> memref<16x128xf32, #tpu.memory_space<vmem_shared>>
      tpu.enqueue_indirect_dma source(%dma_start3A_131 : memref<16x128xf32, #tpu.memory_space<vmem_shared>>) target(%dma_start3A_125 : memref<128x128xf32, #tpu.memory_space<vmem>>) offsets(%dma_start3A_128 : memref<128xi32, #tpu.memory_space<vmem>>) semaphore(%arg18 : memref<!tpu.dma_semaphore, #tpu.memory_space<semaphore_mem>>)
      %dma_start3A_132 = arith.constant 1 : i32
      %dma_start3A_133 = arith.constant 128 : i32
      %dma_start3A_134 = arith.constant 0 : i32
      %dma_start3A_135 = tpu.memref_slice %arg12[%dma_start3A_133, %dma_start3A_134] : memref<256x128xf32, #tpu.memory_space<vmem>> -> memref<128x128xf32, #tpu.memory_space<vmem>>
      %dma_start3A_136 = arith.constant 0 : i32
      %dma_start3A_137 = tpu.memref_slice %arg14[%dma_start3A_132, %dma_start3A_136] : memref<2x128xi32, #tpu.memory_space<vmem>> -> memref<1x128xi32, #tpu.memory_space<vmem>>
      %dma_start3A_138 = tpu.memref_squeeze %dma_start3A_137 : memref<1x128xi32, #tpu.memory_space<vmem>> -> memref<128xi32, #tpu.memory_space<vmem>>
      %dma_start3A_139 = arith.constant 0 : i32
      %dma_start3A_140 = arith.constant 0 : i32
      %dma_start3A_141 = tpu.memref_slice %arg10[%dma_start3A_139, %dma_start3A_140] : memref<16x128xf32, #tpu.memory_space<vmem_shared>> -> memref<16x128xf32, #tpu.memory_space<vmem_shared>>
      tpu.enqueue_indirect_dma source(%dma_start3A_141 : memref<16x128xf32, #tpu.memory_space<vmem_shared>>) target(%dma_start3A_135 : memref<128x128xf32, #tpu.memory_space<vmem>>) offsets(%dma_start3A_138 : memref<128xi32, #tpu.memory_space<vmem>>) semaphore(%arg18 : memref<!tpu.dma_semaphore, #tpu.memory_space<semaphore_mem>>)
      %dma_wait3A_142 = arith.constant 0 : i32
      %dma_wait3A_143 = arith.constant 0 : i32
      %dma_wait3A_144 = arith.constant 0 : i32
      %dma_wait3A_145 = tpu.memref_slice %arg12[%dma_wait3A_143, %dma_wait3A_144] : memref<256x128xf32, #tpu.memory_space<vmem>> -> memref<128x128xf32, #tpu.memory_space<vmem>>
      %dma_wait3A_146 = arith.constant 0 : i32
      %dma_wait3A_147 = tpu.memref_slice %arg14[%dma_wait3A_142, %dma_wait3A_146] : memref<2x128xi32, #tpu.memory_space<vmem>> -> memref<1x128xi32, #tpu.memory_space<vmem>>
      %dma_wait3A_148 = tpu.memref_squeeze %dma_wait3A_147 : memref<1x128xi32, #tpu.memory_space<vmem>> -> memref<128xi32, #tpu.memory_space<vmem>>
      %dma_wait3A_149 = arith.constant 0 : i32
      %dma_wait3A_150 = arith.constant 0 : i32
      %dma_wait3A_151 = tpu.memref_slice %arg10[%dma_wait3A_149, %dma_wait3A_150] : memref<16x128xf32, #tpu.memory_space<vmem_shared>> -> memref<16x128xf32, #tpu.memory_space<vmem_shared>>
      tpu.wait_indirect_dma semaphore(%arg18 : memref<!tpu.dma_semaphore, #tpu.memory_space<semaphore_mem>>) src(%dma_wait3A_151 : memref<16x128xf32, #tpu.memory_space<vmem_shared>>) dst(%dma_wait3A_145 : memref<128x128xf32, #tpu.memory_space<vmem>>)
      %dma_wait3A_152 = arith.constant 1 : i32
      %dma_wait3A_153 = arith.constant 128 : i32
      %dma_wait3A_154 = arith.constant 0 : i32
      %dma_wait3A_155 = tpu.memref_slice %arg12[%dma_wait3A_153, %dma_wait3A_154] : memref<256x128xf32, #tpu.memory_space<vmem>> -> memref<128x128xf32, #tpu.memory_space<vmem>>
      %dma_wait3A_156 = arith.constant 0 : i32
      %dma_wait3A_157 = tpu.memref_slice %arg14[%dma_wait3A_152, %dma_wait3A_156] : memref<2x128xi32, #tpu.memory_space<vmem>> -> memref<1x128xi32, #tpu.memory_space<vmem>>
      %dma_wait3A_158 = tpu.memref_squeeze %dma_wait3A_157 : memref<1x128xi32, #tpu.memory_space<vmem>> -> memref<128xi32, #tpu.memory_space<vmem>>
      %dma_wait3A_159 = arith.constant 0 : i32
      %dma_wait3A_160 = arith.constant 0 : i32
      %dma_wait3A_161 = tpu.memref_slice %arg10[%dma_wait3A_159, %dma_wait3A_160] : memref<16x128xf32, #tpu.memory_space<vmem_shared>> -> memref<16x128xf32, #tpu.memory_space<vmem_shared>>
      tpu.wait_indirect_dma semaphore(%arg18 : memref<!tpu.dma_semaphore, #tpu.memory_space<semaphore_mem>>) src(%dma_wait3A_161 : memref<16x128xf32, #tpu.memory_space<vmem_shared>>) dst(%dma_wait3A_155 : memref<128x128xf32, #tpu.memory_space<vmem>>)
      %dma_start3A_162 = arith.constant 0 : i32
      %dma_start3A_163 = tpu.memref_slice %arg8[%multiple_of3A, %dma_start3A_162] : memref<100000x128xf32, #tpu.memory_space<hbm>> -> memref<256x128xf32, #tpu.memory_space<hbm>>
      %dma_start3A_164 = arith.constant 0 : i32
      %dma_start3A_165 = tpu.memref_slice %arg8[%multiple_of3A, %dma_start3A_164] : memref<100000x128xf32, #tpu.memory_space<hbm>> -> memref<256x128xf32, #tpu.memory_space<hbm>>
      tpu.enqueue_dma source(%arg12 : memref<256x128xf32, #tpu.memory_space<vmem>>) target(%dma_start3A_165 : memref<256x128xf32, #tpu.memory_space<hbm>>) target_semaphore(%arg20 : memref<!tpu.dma_semaphore, #tpu.memory_space<semaphore_mem>>)
      %add3A_166 = arith.constant 64 : i32
      %add3A_167 = arith.addi %add3A_108, %add3A_166 : i32
      %lt3A_168 = arith.constant 390 : i32
      %lt3A_169 = arith.cmpi slt, %add3A_167, %lt3A_168 : i32
      %convert_element_type3A_170 = arith.extui %lt3A_169 : i1 to i32
      %cond3A_171 = arith.constant 0 : i32
      %cond3A_172 = arith.cmpi ne, %convert_element_type3A_170, %cond3A_171 : i32
      scf.if %cond3A_172 {
        %add3A_180 = arith.constant 64 : i32
        %add3A_181 = arith.addi %add3A_108, %add3A_180 : i32
        %dma_start3A_182 = arith.constant 0 : i32
        %dma_start3A_183 = arith.constant 0 : i32
        %dma_start3A_184 = tpu.memref_slice %arg4[%add3A_181, %dma_start3A_182, %dma_start3A_183] : memref<391x2x128xi32, #tpu.memory_space<hbm>> -> memref<1x2x128xi32, #tpu.memory_space<hbm>>
        %dma_start3A_185 = tpu.memref_squeeze %dma_start3A_184 : memref<1x2x128xi32, #tpu.memory_space<hbm>> -> memref<2x128xi32, #tpu.memory_space<hbm>>
        %dma_start3A_186 = arith.constant 0 : i32
        %dma_start3A_187 = arith.constant 0 : i32
        %dma_start3A_188 = tpu.memref_slice %arg4[%add3A_181, %dma_start3A_186, %dma_start3A_187] : memref<391x2x128xi32, #tpu.memory_space<hbm>> -> memref<1x2x128xi32, #tpu.memory_space<hbm>>
        %dma_start3A_189 = tpu.memref_squeeze %dma_start3A_188 : memref<1x2x128xi32, #tpu.memory_space<hbm>> -> memref<2x128xi32, #tpu.memory_space<hbm>>
        tpu.enqueue_dma source(%dma_start3A_189 : memref<2x128xi32, #tpu.memory_space<hbm>>) target(%arg14 : memref<2x128xi32, #tpu.memory_space<vmem>>) target_semaphore(%arg16 : memref<!tpu.dma_semaphore, #tpu.memory_space<semaphore_mem>>)
      } else {
      }
      %add3A_173 = arith.constant 32 : i32
      %add3A_174 = arith.addi %add3A_108, %add3A_173 : i32
      %lt3A_175 = arith.constant 390 : i32
      %lt3A_176 = arith.cmpi slt, %add3A_174, %lt3A_175 : i32
      %convert_element_type3A_177 = arith.extui %lt3A_176 : i1 to i32
      %cond3A_178 = arith.constant 0 : i32
      %cond3A_179 = arith.cmpi ne, %convert_element_type3A_177, %cond3A_178 : i32
      scf.if %cond3A_179 {
        %add3A_180 = arith.constant 32 : i32
        %add3A_181 = arith.addi %add3A_108, %add3A_180 : i32
        %mul3A_182 = arith.constant 256 : i32
        %mul3A_183 = arith.muli %add3A_181, %mul3A_182 : i32
        %multiple_of3A_184 = tpu.assume_multiple %mul3A_183, 256 : i32
        %dma_wait3A_185 = arith.constant 0 : i32
        %dma_wait3A_186 = arith.constant 0 : i32
        %dma_wait3A_187 = tpu.memref_slice %arg4[%add3A_181, %dma_wait3A_185, %dma_wait3A_186] : memref<391x2x128xi32, #tpu.memory_space<hbm>> -> memref<1x2x128xi32, #tpu.memory_space<hbm>>
        %dma_wait3A_188 = tpu.memref_squeeze %dma_wait3A_187 : memref<1x2x128xi32, #tpu.memory_space<hbm>> -> memref<2x128xi32, #tpu.memory_space<hbm>>
        %dma_wait3A_189 = arith.constant 0 : i32
        %dma_wait3A_190 = arith.constant 0 : i32
        %dma_wait3A_191 = tpu.memref_slice %arg4[%add3A_181, %dma_wait3A_189, %dma_wait3A_190] : memref<391x2x128xi32, #tpu.memory_space<hbm>> -> memref<1x2x128xi32, #tpu.memory_space<hbm>>
        %dma_wait3A_192 = tpu.memref_squeeze %dma_wait3A_191 : memref<1x2x128xi32, #tpu.memory_space<hbm>> -> memref<2x128xi32, #tpu.memory_space<hbm>>
        tpu.wait_dma2 semaphore(%arg17 : memref<!tpu.dma_semaphore, #tpu.memory_space<semaphore_mem>>) src(%dma_wait3A_192 : memref<2x128xi32, #tpu.memory_space<hbm>>) dst(%arg15 : memref<2x128xi32, #tpu.memory_space<vmem>>)
        %add3A_193 = arith.constant 64 : i32
        %add3A_194 = arith.addi %add3A, %add3A_193 : i32
        %ge3A_195 = arith.cmpi sge, %add3A_181, %add3A_194 : i32
        %convert_element_type3A_196 = arith.extui %ge3A_195 : i1 to i32
        %cond3A_197 = arith.constant 0 : i32
        %cond3A_198 = arith.cmpi ne, %convert_element_type3A_196, %cond3A_197 : i32
        scf.if %cond3A_198 {
          %dma_wait3A_250 = arith.constant 0 : i32
          %dma_wait3A_251 = tpu.memref_slice %arg8[%multiple_of3A_184, %dma_wait3A_250] : memref<100000x128xf32, #tpu.memory_space<hbm>> -> memref<256x128xf32, #tpu.memory_space<hbm>>
          %dma_wait3A_252 = arith.constant 0 : i32
          %dma_wait3A_253 = tpu.memref_slice %arg8[%multiple_of3A_184, %dma_wait3A_252] : memref<100000x128xf32, #tpu.memory_space<hbm>> -> memref<256x128xf32, #tpu.memory_space<hbm>>
          tpu.wait_dma2 semaphore(%arg21 : memref<!tpu.dma_semaphore, #tpu.memory_space<semaphore_mem>>) src(%arg13 : memref<256x128xf32, #tpu.memory_space<vmem>>) dst(%dma_wait3A_253 : memref<256x128xf32, #tpu.memory_space<hbm>>)
        } else {
        }
        %dma_start3A_199 = arith.constant 0 : i32
        %dma_start3A_200 = arith.constant 0 : i32
        %dma_start3A_201 = arith.constant 0 : i32
        %dma_start3A_202 = tpu.memref_slice %arg13[%dma_start3A_200, %dma_start3A_201] : memref<256x128xf32, #tpu.memory_space<vmem>> -> memref<128x128xf32, #tpu.memory_space<vmem>>
        %dma_start3A_203 = arith.constant 0 : i32
        %dma_start3A_204 = tpu.memref_slice %arg15[%dma_start3A_199, %dma_start3A_203] : memref<2x128xi32, #tpu.memory_space<vmem>> -> memref<1x128xi32, #tpu.memory_space<vmem>>
        %dma_start3A_205 = tpu.memref_squeeze %dma_start3A_204 : memref<1x128xi32, #tpu.memory_space<vmem>> -> memref<128xi32, #tpu.memory_space<vmem>>
        %dma_start3A_206 = arith.constant 0 : i32
        %dma_start3A_207 = arith.constant 0 : i32
        %dma_start3A_208 = tpu.memref_slice %arg10[%dma_start3A_206, %dma_start3A_207] : memref<16x128xf32, #tpu.memory_space<vmem_shared>> -> memref<16x128xf32, #tpu.memory_space<vmem_shared>>
        tpu.enqueue_indirect_dma source(%dma_start3A_208 : memref<16x128xf32, #tpu.memory_space<vmem_shared>>) target(%dma_start3A_202 : memref<128x128xf32, #tpu.memory_space<vmem>>) offsets(%dma_start3A_205 : memref<128xi32, #tpu.memory_space<vmem>>) semaphore(%arg19 : memref<!tpu.dma_semaphore, #tpu.memory_space<semaphore_mem>>)
        %dma_start3A_209 = arith.constant 1 : i32
        %dma_start3A_210 = arith.constant 128 : i32
        %dma_start3A_211 = arith.constant 0 : i32
        %dma_start3A_212 = tpu.memref_slice %arg13[%dma_start3A_210, %dma_start3A_211] : memref<256x128xf32, #tpu.memory_space<vmem>> -> memref<128x128xf32, #tpu.memory_space<vmem>>
        %dma_start3A_213 = arith.constant 0 : i32
        %dma_start3A_214 = tpu.memref_slice %arg15[%dma_start3A_209, %dma_start3A_213] : memref<2x128xi32, #tpu.memory_space<vmem>> -> memref<1x128xi32, #tpu.memory_space<vmem>>
        %dma_start3A_215 = tpu.memref_squeeze %dma_start3A_214 : memref<1x128xi32, #tpu.memory_space<vmem>> -> memref<128xi32, #tpu.memory_space<vmem>>
        %dma_start3A_216 = arith.constant 0 : i32
        %dma_start3A_217 = arith.constant 0 : i32
        %dma_start3A_218 = tpu.memref_slice %arg10[%dma_start3A_216, %dma_start3A_217] : memref<16x128xf32, #tpu.memory_space<vmem_shared>> -> memref<16x128xf32, #tpu.memory_space<vmem_shared>>
        tpu.enqueue_indirect_dma source(%dma_start3A_218 : memref<16x128xf32, #tpu.memory_space<vmem_shared>>) target(%dma_start3A_212 : memref<128x128xf32, #tpu.memory_space<vmem>>) offsets(%dma_start3A_215 : memref<128xi32, #tpu.memory_space<vmem>>) semaphore(%arg19 : memref<!tpu.dma_semaphore, #tpu.memory_space<semaphore_mem>>)
        %dma_wait3A_219 = arith.constant 0 : i32
        %dma_wait3A_220 = arith.constant 0 : i32
        %dma_wait3A_221 = arith.constant 0 : i32
        %dma_wait3A_222 = tpu.memref_slice %arg13[%dma_wait3A_220, %dma_wait3A_221] : memref<256x128xf32, #tpu.memory_space<vmem>> -> memref<128x128xf32, #tpu.memory_space<vmem>>
        %dma_wait3A_223 = arith.constant 0 : i32
        %dma_wait3A_224 = tpu.memref_slice %arg15[%dma_wait3A_219, %dma_wait3A_223] : memref<2x128xi32, #tpu.memory_space<vmem>> -> memref<1x128xi32, #tpu.memory_space<vmem>>
        %dma_wait3A_225 = tpu.memref_squeeze %dma_wait3A_224 : memref<1x128xi32, #tpu.memory_space<vmem>> -> memref<128xi32, #tpu.memory_space<vmem>>
        %dma_wait3A_226 = arith.constant 0 : i32
        %dma_wait3A_227 = arith.constant 0 : i32
        %dma_wait3A_228 = tpu.memref_slice %arg10[%dma_wait3A_226, %dma_wait3A_227] : memref<16x128xf32, #tpu.memory_space<vmem_shared>> -> memref<16x128xf32, #tpu.memory_space<vmem_shared>>
        tpu.wait_indirect_dma semaphore(%arg19 : memref<!tpu.dma_semaphore, #tpu.memory_space<semaphore_mem>>) src(%dma_wait3A_228 : memref<16x128xf32, #tpu.memory_space<vmem_shared>>) dst(%dma_wait3A_222 : memref<128x128xf32, #tpu.memory_space<vmem>>)
        %dma_wait3A_229 = arith.constant 1 : i32
        %dma_wait3A_230 = arith.constant 128 : i32
        %dma_wait3A_231 = arith.constant 0 : i32
        %dma_wait3A_232 = tpu.memref_slice %arg13[%dma_wait3A_230, %dma_wait3A_231] : memref<256x128xf32, #tpu.memory_space<vmem>> -> memref<128x128xf32, #tpu.memory_space<vmem>>
        %dma_wait3A_233 = arith.constant 0 : i32
        %dma_wait3A_234 = tpu.memref_slice %arg15[%dma_wait3A_229, %dma_wait3A_233] : memref<2x128xi32, #tpu.memory_space<vmem>> -> memref<1x128xi32, #tpu.memory_space<vmem>>
        %dma_wait3A_235 = tpu.memref_squeeze %dma_wait3A_234 : memref<1x128xi32, #tpu.memory_space<vmem>> -> memref<128xi32, #tpu.memory_space<vmem>>
        %dma_wait3A_236 = arith.constant 0 : i32
        %dma_wait3A_237 = arith.constant 0 : i32
        %dma_wait3A_238 = tpu.memref_slice %arg10[%dma_wait3A_236, %dma_wait3A_237] : memref<16x128xf32, #tpu.memory_space<vmem_shared>> -> memref<16x128xf32, #tpu.memory_space<vmem_shared>>
        tpu.wait_indirect_dma semaphore(%arg19 : memref<!tpu.dma_semaphore, #tpu.memory_space<semaphore_mem>>) src(%dma_wait3A_238 : memref<16x128xf32, #tpu.memory_space<vmem_shared>>) dst(%dma_wait3A_232 : memref<128x128xf32, #tpu.memory_space<vmem>>)
        %dma_start3A_239 = arith.constant 0 : i32
        %dma_start3A_240 = tpu.memref_slice %arg8[%multiple_of3A_184, %dma_start3A_239] : memref<100000x128xf32, #tpu.memory_space<hbm>> -> memref<256x128xf32, #tpu.memory_space<hbm>>
        %dma_start3A_241 = arith.constant 0 : i32
        %dma_start3A_242 = tpu.memref_slice %arg8[%multiple_of3A_184, %dma_start3A_241] : memref<100000x128xf32, #tpu.memory_space<hbm>> -> memref<256x128xf32, #tpu.memory_space<hbm>>
        tpu.enqueue_dma source(%arg13 : memref<256x128xf32, #tpu.memory_space<vmem>>) target(%dma_start3A_242 : memref<256x128xf32, #tpu.memory_space<hbm>>) target_semaphore(%arg21 : memref<!tpu.dma_semaphore, #tpu.memory_space<semaphore_mem>>)
        %add3A_243 = arith.constant 64 : i32
        %add3A_244 = arith.addi %add3A_181, %add3A_243 : i32
        %lt3A_245 = arith.constant 390 : i32
        %lt3A_246 = arith.cmpi slt, %add3A_244, %lt3A_245 : i32
        %convert_element_type3A_247 = arith.extui %lt3A_246 : i1 to i32
        %cond3A_248 = arith.constant 0 : i32
        %cond3A_249 = arith.cmpi ne, %convert_element_type3A_247, %cond3A_248 : i32
        scf.if %cond3A_249 {
          %add3A_250 = arith.constant 64 : i32
          %add3A_251 = arith.addi %add3A_181, %add3A_250 : i32
          %dma_start3A_252 = arith.constant 0 : i32
          %dma_start3A_253 = arith.constant 0 : i32
          %dma_start3A_254 = tpu.memref_slice %arg4[%add3A_251, %dma_start3A_252, %dma_start3A_253] : memref<391x2x128xi32, #tpu.memory_space<hbm>> -> memref<1x2x128xi32, #tpu.memory_space<hbm>>
          %dma_start3A_255 = tpu.memref_squeeze %dma_start3A_254 : memref<1x2x128xi32, #tpu.memory_space<hbm>> -> memref<2x128xi32, #tpu.memory_space<hbm>>
          %dma_start3A_256 = arith.constant 0 : i32
          %dma_start3A_257 = arith.constant 0 : i32
          %dma_start3A_258 = tpu.memref_slice %arg4[%add3A_251, %dma_start3A_256, %dma_start3A_257] : memref<391x2x128xi32, #tpu.memory_space<hbm>> -> memref<1x2x128xi32, #tpu.memory_space<hbm>>
          %dma_start3A_259 = tpu.memref_squeeze %dma_start3A_258 : memref<1x2x128xi32, #tpu.memory_space<hbm>> -> memref<2x128xi32, #tpu.memory_space<hbm>>
          tpu.enqueue_dma source(%dma_start3A_259 : memref<2x128xi32, #tpu.memory_space<hbm>>) target(%arg15 : memref<2x128xi32, #tpu.memory_space<vmem>>) target_semaphore(%arg17 : memref<!tpu.dma_semaphore, #tpu.memory_space<semaphore_mem>>)
        } else {
        }
      } else {
      }
    }
    %while3A_28 = arith.constant 1 : i32
    scf.for %while3A_106 = %while3A_26 to %while3A_22 step %while3A_28  : i32 {
      %mul3A_107 = arith.muli %while3A_106, %while3A : i32
      %add3A_108 = arith.addi %add3A, %mul3A_107 : i32
      %mul3A_109 = arith.constant 256 : i32
      %mul3A_110 = arith.muli %add3A_108, %mul3A_109 : i32
      %multiple_of3A = tpu.assume_multiple %mul3A_110, 256 : i32
      %dma_wait3A = arith.constant 0 : i32
      %dma_wait3A_111 = arith.constant 0 : i32
      %dma_wait3A_112 = tpu.memref_slice %arg4[%add3A_108, %dma_wait3A, %dma_wait3A_111] : memref<391x2x128xi32, #tpu.memory_space<hbm>> -> memref<1x2x128xi32, #tpu.memory_space<hbm>>
      %dma_wait3A_113 = tpu.memref_squeeze %dma_wait3A_112 : memref<1x2x128xi32, #tpu.memory_space<hbm>> -> memref<2x128xi32, #tpu.memory_space<hbm>>
      %dma_wait3A_114 = arith.constant 0 : i32
      %dma_wait3A_115 = arith.constant 0 : i32
      %dma_wait3A_116 = tpu.memref_slice %arg4[%add3A_108, %dma_wait3A_114, %dma_wait3A_115] : memref<391x2x128xi32, #tpu.memory_space<hbm>> -> memref<1x2x128xi32, #tpu.memory_space<hbm>>
      %dma_wait3A_117 = tpu.memref_squeeze %dma_wait3A_116 : memref<1x2x128xi32, #tpu.memory_space<hbm>> -> memref<2x128xi32, #tpu.memory_space<hbm>>
      tpu.wait_dma2 semaphore(%arg16 : memref<!tpu.dma_semaphore, #tpu.memory_space<semaphore_mem>>) src(%dma_wait3A_117 : memref<2x128xi32, #tpu.memory_space<hbm>>) dst(%arg14 : memref<2x128xi32, #tpu.memory_space<vmem>>)
      %add3A_118 = arith.constant 64 : i32
      %add3A_119 = arith.addi %add3A, %add3A_118 : i32
      %ge3A = arith.cmpi sge, %add3A_108, %add3A_119 : i32
      %convert_element_type3A_120 = arith.extui %ge3A : i1 to i32
      %cond3A_121 = arith.constant 0 : i32
      %cond3A_122 = arith.cmpi ne, %convert_element_type3A_120, %cond3A_121 : i32
      scf.if %cond3A_122 {
        %dma_wait3A_180 = arith.constant 0 : i32
        %dma_wait3A_181 = tpu.memref_slice %arg8[%multiple_of3A, %dma_wait3A_180] : memref<100000x128xf32, #tpu.memory_space<hbm>> -> memref<256x128xf32, #tpu.memory_space<hbm>>
        %dma_wait3A_182 = arith.constant 0 : i32
        %dma_wait3A_183 = tpu.memref_slice %arg8[%multiple_of3A, %dma_wait3A_182] : memref<100000x128xf32, #tpu.memory_space<hbm>> -> memref<256x128xf32, #tpu.memory_space<hbm>>
        tpu.wait_dma2 semaphore(%arg20 : memref<!tpu.dma_semaphore, #tpu.memory_space<semaphore_mem>>) src(%arg12 : memref<256x128xf32, #tpu.memory_space<vmem>>) dst(%dma_wait3A_183 : memref<256x128xf32, #tpu.memory_space<hbm>>)
      } else {
      }
      %dma_start3A = arith.constant 0 : i32
      %dma_start3A_123 = arith.constant 0 : i32
      %dma_start3A_124 = arith.constant 0 : i32
      %dma_start3A_125 = tpu.memref_slice %arg12[%dma_start3A_123, %dma_start3A_124] : memref<256x128xf32, #tpu.memory_space<vmem>> -> memref<128x128xf32, #tpu.memory_space<vmem>>
      %dma_start3A_126 = arith.constant 0 : i32
      %dma_start3A_127 = tpu.memref_slice %arg14[%dma_start3A, %dma_start3A_126] : memref<2x128xi32, #tpu.memory_space<vmem>> -> memref<1x128xi32, #tpu.memory_space<vmem>>
      %dma_start3A_128 = tpu.memref_squeeze %dma_start3A_127 : memref<1x128xi32, #tpu.memory_space<vmem>> -> memref<128xi32, #tpu.memory_space<vmem>>
      %dma_start3A_129 = arith.constant 0 : i32
      %dma_start3A_130 = arith.constant 0 : i32
      %dma_start3A_131 = tpu.memref_slice %arg10[%dma_start3A_129, %dma_start3A_130] : memref<16x128xf32, #tpu.memory_space<vmem_shared>> -> memref<16x128xf32, #tpu.memory_space<vmem_shared>>
      tpu.enqueue_indirect_dma source(%dma_start3A_131 : memref<16x128xf32, #tpu.memory_space<vmem_shared>>) target(%dma_start3A_125 : memref<128x128xf32, #tpu.memory_space<vmem>>) offsets(%dma_start3A_128 : memref<128xi32, #tpu.memory_space<vmem>>) semaphore(%arg18 : memref<!tpu.dma_semaphore, #tpu.memory_space<semaphore_mem>>)
      %dma_start3A_132 = arith.constant 1 : i32
      %dma_start3A_133 = arith.constant 128 : i32
      %dma_start3A_134 = arith.constant 0 : i32
      %dma_start3A_135 = tpu.memref_slice %arg12[%dma_start3A_133, %dma_start3A_134] : memref<256x128xf32, #tpu.memory_space<vmem>> -> memref<128x128xf32, #tpu.memory_space<vmem>>
      %dma_start3A_136 = arith.constant 0 : i32
      %dma_start3A_137 = tpu.memref_slice %arg14[%dma_start3A_132, %dma_start3A_136] : memref<2x128xi32, #tpu.memory_space<vmem>> -> memref<1x128xi32, #tpu.memory_space<vmem>>
      %dma_start3A_138 = tpu.memref_squeeze %dma_start3A_137 : memref<1x128xi32, #tpu.memory_space<vmem>> -> memref<128xi32, #tpu.memory_space<vmem>>
      %dma_start3A_139 = arith.constant 0 : i32
      %dma_start3A_140 = arith.constant 0 : i32
      %dma_start3A_141 = tpu.memref_slice %arg10[%dma_start3A_139, %dma_start3A_140] : memref<16x128xf32, #tpu.memory_space<vmem_shared>> -> memref<16x128xf32, #tpu.memory_space<vmem_shared>>
      tpu.enqueue_indirect_dma source(%dma_start3A_141 : memref<16x128xf32, #tpu.memory_space<vmem_shared>>) target(%dma_start3A_135 : memref<128x128xf32, #tpu.memory_space<vmem>>) offsets(%dma_start3A_138 : memref<128xi32, #tpu.memory_space<vmem>>) semaphore(%arg18 : memref<!tpu.dma_semaphore, #tpu.memory_space<semaphore_mem>>)
      %dma_wait3A_142 = arith.constant 0 : i32
      %dma_wait3A_143 = arith.constant 0 : i32
      %dma_wait3A_144 = arith.constant 0 : i32
      %dma_wait3A_145 = tpu.memref_slice %arg12[%dma_wait3A_143, %dma_wait3A_144] : memref<256x128xf32, #tpu.memory_space<vmem>> -> memref<128x128xf32, #tpu.memory_space<vmem>>
      %dma_wait3A_146 = arith.constant 0 : i32
      %dma_wait3A_147 = tpu.memref_slice %arg14[%dma_wait3A_142, %dma_wait3A_146] : memref<2x128xi32, #tpu.memory_space<vmem>> -> memref<1x128xi32, #tpu.memory_space<vmem>>
      %dma_wait3A_148 = tpu.memref_squeeze %dma_wait3A_147 : memref<1x128xi32, #tpu.memory_space<vmem>> -> memref<128xi32, #tpu.memory_space<vmem>>
      %dma_wait3A_149 = arith.constant 0 : i32
      %dma_wait3A_150 = arith.constant 0 : i32
      %dma_wait3A_151 = tpu.memref_slice %arg10[%dma_wait3A_149, %dma_wait3A_150] : memref<16x128xf32, #tpu.memory_space<vmem_shared>> -> memref<16x128xf32, #tpu.memory_space<vmem_shared>>
      tpu.wait_indirect_dma semaphore(%arg18 : memref<!tpu.dma_semaphore, #tpu.memory_space<semaphore_mem>>) src(%dma_wait3A_151 : memref<16x128xf32, #tpu.memory_space<vmem_shared>>) dst(%dma_wait3A_145 : memref<128x128xf32, #tpu.memory_space<vmem>>)
      %dma_wait3A_152 = arith.constant 1 : i32
      %dma_wait3A_153 = arith.constant 128 : i32
      %dma_wait3A_154 = arith.constant 0 : i32
      %dma_wait3A_155 = tpu.memref_slice %arg12[%dma_wait3A_153, %dma_wait3A_154] : memref<256x128xf32, #tpu.memory_space<vmem>> -> memref<128x128xf32, #tpu.memory_space<vmem>>
      %dma_wait3A_156 = arith.constant 0 : i32
      %dma_wait3A_157 = tpu.memref_slice %arg14[%dma_wait3A_152, %dma_wait3A_156] : memref<2x128xi32, #tpu.memory_space<vmem>> -> memref<1x128xi32, #tpu.memory_space<vmem>>
      %dma_wait3A_158 = tpu.memref_squeeze %dma_wait3A_157 : memref<1x128xi32, #tpu.memory_space<vmem>> -> memref<128xi32, #tpu.memory_space<vmem>>
      %dma_wait3A_159 = arith.constant 0 : i32
      %dma_wait3A_160 = arith.constant 0 : i32
      %dma_wait3A_161 = tpu.memref_slice %arg10[%dma_wait3A_159, %dma_wait3A_160] : memref<16x128xf32, #tpu.memory_space<vmem_shared>> -> memref<16x128xf32, #tpu.memory_space<vmem_shared>>
      tpu.wait_indirect_dma semaphore(%arg18 : memref<!tpu.dma_semaphore, #tpu.memory_space<semaphore_mem>>) src(%dma_wait3A_161 : memref<16x128xf32, #tpu.memory_space<vmem_shared>>) dst(%dma_wait3A_155 : memref<128x128xf32, #tpu.memory_space<vmem>>)
      %dma_start3A_162 = arith.constant 0 : i32
      %dma_start3A_163 = tpu.memref_slice %arg8[%multiple_of3A, %dma_start3A_162] : memref<100000x128xf32, #tpu.memory_space<hbm>> -> memref<256x128xf32, #tpu.memory_space<hbm>>
      %dma_start3A_164 = arith.constant 0 : i32
      %dma_start3A_165 = tpu.memref_slice %arg8[%multiple_of3A, %dma_start3A_164] : memref<100000x128xf32, #tpu.memory_space<hbm>> -> memref<256x128xf32, #tpu.memory_space<hbm>>
      tpu.enqueue_dma source(%arg12 : memref<256x128xf32, #tpu.memory_space<vmem>>) target(%dma_start3A_165 : memref<256x128xf32, #tpu.memory_space<hbm>>) target_semaphore(%arg20 : memref<!tpu.dma_semaphore, #tpu.memory_space<semaphore_mem>>)
      %add3A_166 = arith.constant 64 : i32
      %add3A_167 = arith.addi %add3A_108, %add3A_166 : i32
      %lt3A_168 = arith.constant 390 : i32
      %lt3A_169 = arith.cmpi slt, %add3A_167, %lt3A_168 : i32
      %convert_element_type3A_170 = arith.extui %lt3A_169 : i1 to i32
      %cond3A_171 = arith.constant 0 : i32
      %cond3A_172 = arith.cmpi ne, %convert_element_type3A_170, %cond3A_171 : i32
      scf.if %cond3A_172 {
        %add3A_180 = arith.constant 64 : i32
        %add3A_181 = arith.addi %add3A_108, %add3A_180 : i32
        %dma_start3A_182 = arith.constant 0 : i32
        %dma_start3A_183 = arith.constant 0 : i32
        %dma_start3A_184 = tpu.memref_slice %arg4[%add3A_181, %dma_start3A_182, %dma_start3A_183] : memref<391x2x128xi32, #tpu.memory_space<hbm>> -> memref<1x2x128xi32, #tpu.memory_space<hbm>>
        %dma_start3A_185 = tpu.memref_squeeze %dma_start3A_184 : memref<1x2x128xi32, #tpu.memory_space<hbm>> -> memref<2x128xi32, #tpu.memory_space<hbm>>
        %dma_start3A_186 = arith.constant 0 : i32
        %dma_start3A_187 = arith.constant 0 : i32
        %dma_start3A_188 = tpu.memref_slice %arg4[%add3A_181, %dma_start3A_186, %dma_start3A_187] : memref<391x2x128xi32, #tpu.memory_space<hbm>> -> memref<1x2x128xi32, #tpu.memory_space<hbm>>
        %dma_start3A_189 = tpu.memref_squeeze %dma_start3A_188 : memref<1x2x128xi32, #tpu.memory_space<hbm>> -> memref<2x128xi32, #tpu.memory_space<hbm>>
        tpu.enqueue_dma source(%dma_start3A_189 : memref<2x128xi32, #tpu.memory_space<hbm>>) target(%arg14 : memref<2x128xi32, #tpu.memory_space<vmem>>) target_semaphore(%arg16 : memref<!tpu.dma_semaphore, #tpu.memory_space<semaphore_mem>>)
      } else {
      }
      %add3A_173 = arith.constant 32 : i32
      %add3A_174 = arith.addi %add3A_108, %add3A_173 : i32
      %lt3A_175 = arith.constant 390 : i32
      %lt3A_176 = arith.cmpi slt, %add3A_174, %lt3A_175 : i32
      %convert_element_type3A_177 = arith.extui %lt3A_176 : i1 to i32
      %cond3A_178 = arith.constant 0 : i32
      %cond3A_179 = arith.cmpi ne, %convert_element_type3A_177, %cond3A_178 : i32
      scf.if %cond3A_179 {
        %add3A_180 = arith.constant 32 : i32
        %add3A_181 = arith.addi %add3A_108, %add3A_180 : i32
        %mul3A_182 = arith.constant 256 : i32
        %mul3A_183 = arith.muli %add3A_181, %mul3A_182 : i32
        %multiple_of3A_184 = tpu.assume_multiple %mul3A_183, 256 : i32
        %dma_wait3A_185 = arith.constant 0 : i32
        %dma_wait3A_186 = arith.constant 0 : i32
        %dma_wait3A_187 = tpu.memref_slice %arg4[%add3A_181, %dma_wait3A_185, %dma_wait3A_186] : memref<391x2x128xi32, #tpu.memory_space<hbm>> -> memref<1x2x128xi32, #tpu.memory_space<hbm>>
        %dma_wait3A_188 = tpu.memref_squeeze %dma_wait3A_187 : memref<1x2x128xi32, #tpu.memory_space<hbm>> -> memref<2x128xi32, #tpu.memory_space<hbm>>
        %dma_wait3A_189 = arith.constant 0 : i32
        %dma_wait3A_190 = arith.constant 0 : i32
        %dma_wait3A_191 = tpu.memref_slice %arg4[%add3A_181, %dma_wait3A_189, %dma_wait3A_190] : memref<391x2x128xi32, #tpu.memory_space<hbm>> -> memref<1x2x128xi32, #tpu.memory_space<hbm>>
        %dma_wait3A_192 = tpu.memref_squeeze %dma_wait3A_191 : memref<1x2x128xi32, #tpu.memory_space<hbm>> -> memref<2x128xi32, #tpu.memory_space<hbm>>
        tpu.wait_dma2 semaphore(%arg17 : memref<!tpu.dma_semaphore, #tpu.memory_space<semaphore_mem>>) src(%dma_wait3A_192 : memref<2x128xi32, #tpu.memory_space<hbm>>) dst(%arg15 : memref<2x128xi32, #tpu.memory_space<vmem>>)
        %add3A_193 = arith.constant 64 : i32
        %add3A_194 = arith.addi %add3A, %add3A_193 : i32
        %ge3A_195 = arith.cmpi sge, %add3A_181, %add3A_194 : i32
        %convert_element_type3A_196 = arith.extui %ge3A_195 : i1 to i32
        %cond3A_197 = arith.constant 0 : i32
        %cond3A_198 = arith.cmpi ne, %convert_element_type3A_196, %cond3A_197 : i32
        scf.if %cond3A_198 {
          %dma_wait3A_250 = arith.constant 0 : i32
          %dma_wait3A_251 = tpu.memref_slice %arg8[%multiple_of3A_184, %dma_wait3A_250] : memref<100000x128xf32, #tpu.memory_space<hbm>> -> memref<256x128xf32, #tpu.memory_space<hbm>>
          %dma_wait3A_252 = arith.constant 0 : i32
          %dma_wait3A_253 = tpu.memref_slice %arg8[%multiple_of3A_184, %dma_wait3A_252] : memref<100000x128xf32, #tpu.memory_space<hbm>> -> memref<256x128xf32, #tpu.memory_space<hbm>>
          tpu.wait_dma2 semaphore(%arg21 : memref<!tpu.dma_semaphore, #tpu.memory_space<semaphore_mem>>) src(%arg13 : memref<256x128xf32, #tpu.memory_space<vmem>>) dst(%dma_wait3A_253 : memref<256x128xf32, #tpu.memory_space<hbm>>)
        } else {
        }
        %dma_start3A_199 = arith.constant 0 : i32
        %dma_start3A_200 = arith.constant 0 : i32
        %dma_start3A_201 = arith.constant 0 : i32
        %dma_start3A_202 = tpu.memref_slice %arg13[%dma_start3A_200, %dma_start3A_201] : memref<256x128xf32, #tpu.memory_space<vmem>> -> memref<128x128xf32, #tpu.memory_space<vmem>>
        %dma_start3A_203 = arith.constant 0 : i32
        %dma_start3A_204 = tpu.memref_slice %arg15[%dma_start3A_199, %dma_start3A_203] : memref<2x128xi32, #tpu.memory_space<vmem>> -> memref<1x128xi32, #tpu.memory_space<vmem>>
        %dma_start3A_205 = tpu.memref_squeeze %dma_start3A_204 : memref<1x128xi32, #tpu.memory_space<vmem>> -> memref<128xi32, #tpu.memory_space<vmem>>
        %dma_start3A_206 = arith.constant 0 : i32
        %dma_start3A_207 = arith.constant 0 : i32
        %dma_start3A_208 = tpu.memref_slice %arg10[%dma_start3A_206, %dma_start3A_207] : memref<16x128xf32, #tpu.memory_space<vmem_shared>> -> memref<16x128xf32, #tpu.memory_space<vmem_shared>>
        tpu.enqueue_indirect_dma source(%dma_start3A_208 : memref<16x128xf32, #tpu.memory_space<vmem_shared>>) target(%dma_start3A_202 : memref<128x128xf32, #tpu.memory_space<vmem>>) offsets(%dma_start3A_205 : memref<128xi32, #tpu.memory_space<vmem>>) semaphore(%arg19 : memref<!tpu.dma_semaphore, #tpu.memory_space<semaphore_mem>>)
        %dma_start3A_209 = arith.constant 1 : i32
        %dma_start3A_210 = arith.constant 128 : i32
        %dma_start3A_211 = arith.constant 0 : i32
        %dma_start3A_212 = tpu.memref_slice %arg13[%dma_start3A_210, %dma_start3A_211] : memref<256x128xf32, #tpu.memory_space<vmem>> -> memref<128x128xf32, #tpu.memory_space<vmem>>
        %dma_start3A_213 = arith.constant 0 : i32
        %dma_start3A_214 = tpu.memref_slice %arg15[%dma_start3A_209, %dma_start3A_213] : memref<2x128xi32, #tpu.memory_space<vmem>> -> memref<1x128xi32, #tpu.memory_space<vmem>>
        %dma_start3A_215 = tpu.memref_squeeze %dma_start3A_214 : memref<1x128xi32, #tpu.memory_space<vmem>> -> memref<128xi32, #tpu.memory_space<vmem>>
        %dma_start3A_216 = arith.constant 0 : i32
        %dma_start3A_217 = arith.constant 0 : i32
        %dma_start3A_218 = tpu.memref_slice %arg10[%dma_start3A_216, %dma_start3A_217] : memref<16x128xf32, #tpu.memory_space<vmem_shared>> -> memref<16x128xf32, #tpu.memory_space<vmem_shared>>
        tpu.enqueue_indirect_dma source(%dma_start3A_218 : memref<16x128xf32, #tpu.memory_space<vmem_shared>>) target(%dma_start3A_212 : memref<128x128xf32, #tpu.memory_space<vmem>>) offsets(%dma_start3A_215 : memref<128xi32, #tpu.memory_space<vmem>>) semaphore(%arg19 : memref<!tpu.dma_semaphore, #tpu.memory_space<semaphore_mem>>)
        %dma_wait3A_219 = arith.constant 0 : i32
        %dma_wait3A_220 = arith.constant 0 : i32
        %dma_wait3A_221 = arith.constant 0 : i32
        %dma_wait3A_222 = tpu.memref_slice %arg13[%dma_wait3A_220, %dma_wait3A_221] : memref<256x128xf32, #tpu.memory_space<vmem>> -> memref<128x128xf32, #tpu.memory_space<vmem>>
        %dma_wait3A_223 = arith.constant 0 : i32
        %dma_wait3A_224 = tpu.memref_slice %arg15[%dma_wait3A_219, %dma_wait3A_223] : memref<2x128xi32, #tpu.memory_space<vmem>> -> memref<1x128xi32, #tpu.memory_space<vmem>>
        %dma_wait3A_225 = tpu.memref_squeeze %dma_wait3A_224 : memref<1x128xi32, #tpu.memory_space<vmem>> -> memref<128xi32, #tpu.memory_space<vmem>>
        %dma_wait3A_226 = arith.constant 0 : i32
        %dma_wait3A_227 = arith.constant 0 : i32
        %dma_wait3A_228 = tpu.memref_slice %arg10[%dma_wait3A_226, %dma_wait3A_227] : memref<16x128xf32, #tpu.memory_space<vmem_shared>> -> memref<16x128xf32, #tpu.memory_space<vmem_shared>>
        tpu.wait_indirect_dma semaphore(%arg19 : memref<!tpu.dma_semaphore, #tpu.memory_space<semaphore_mem>>) src(%dma_wait3A_228 : memref<16x128xf32, #tpu.memory_space<vmem_shared>>) dst(%dma_wait3A_222 : memref<128x128xf32, #tpu.memory_space<vmem>>)
        %dma_wait3A_229 = arith.constant 1 : i32
        %dma_wait3A_230 = arith.constant 128 : i32
        %dma_wait3A_231 = arith.constant 0 : i32
        %dma_wait3A_232 = tpu.memref_slice %arg13[%dma_wait3A_230, %dma_wait3A_231] : memref<256x128xf32, #tpu.memory_space<vmem>> -> memref<128x128xf32, #tpu.memory_space<vmem>>
        %dma_wait3A_233 = arith.constant 0 : i32
        %dma_wait3A_234 = tpu.memref_slice %arg15[%dma_wait3A_229, %dma_wait3A_233] : memref<2x128xi32, #tpu.memory_space<vmem>> -> memref<1x128xi32, #tpu.memory_space<vmem>>
        %dma_wait3A_235 = tpu.memref_squeeze %dma_wait3A_234 : memref<1x128xi32, #tpu.memory_space<vmem>> -> memref<128xi32, #tpu.memory_space<vmem>>
        %dma_wait3A_236 = arith.constant 0 : i32
        %dma_wait3A_237 = arith.constant 0 : i32
        %dma_wait3A_238 = tpu.memref_slice %arg10[%dma_wait3A_236, %dma_wait3A_237] : memref<16x128xf32, #tpu.memory_space<vmem_shared>> -> memref<16x128xf32, #tpu.memory_space<vmem_shared>>
        tpu.wait_indirect_dma semaphore(%arg19 : memref<!tpu.dma_semaphore, #tpu.memory_space<semaphore_mem>>) src(%dma_wait3A_238 : memref<16x128xf32, #tpu.memory_space<vmem_shared>>) dst(%dma_wait3A_232 : memref<128x128xf32, #tpu.memory_space<vmem>>)
        %dma_start3A_239 = arith.constant 0 : i32
        %dma_start3A_240 = tpu.memref_slice %arg8[%multiple_of3A_184, %dma_start3A_239] : memref<100000x128xf32, #tpu.memory_space<hbm>> -> memref<256x128xf32, #tpu.memory_space<hbm>>
        %dma_start3A_241 = arith.constant 0 : i32
        %dma_start3A_242 = tpu.memref_slice %arg8[%multiple_of3A_184, %dma_start3A_241] : memref<100000x128xf32, #tpu.memory_space<hbm>> -> memref<256x128xf32, #tpu.memory_space<hbm>>
        tpu.enqueue_dma source(%arg13 : memref<256x128xf32, #tpu.memory_space<vmem>>) target(%dma_start3A_242 : memref<256x128xf32, #tpu.memory_space<hbm>>) target_semaphore(%arg21 : memref<!tpu.dma_semaphore, #tpu.memory_space<semaphore_mem>>)
        %add3A_243 = arith.constant 64 : i32
        %add3A_244 = arith.addi %add3A_181, %add3A_243 : i32
        %lt3A_245 = arith.constant 390 : i32
        %lt3A_246 = arith.cmpi slt, %add3A_244, %lt3A_245 : i32
        %convert_element_type3A_247 = arith.extui %lt3A_246 : i1 to i32
        %cond3A_248 = arith.constant 0 : i32
        %cond3A_249 = arith.cmpi ne, %convert_element_type3A_247, %cond3A_248 : i32
        scf.if %cond3A_249 {
          %add3A_250 = arith.constant 64 : i32
          %add3A_251 = arith.addi %add3A_181, %add3A_250 : i32
          %dma_start3A_252 = arith.constant 0 : i32
          %dma_start3A_253 = arith.constant 0 : i32
          %dma_start3A_254 = tpu.memref_slice %arg4[%add3A_251, %dma_start3A_252, %dma_start3A_253] : memref<391x2x128xi32, #tpu.memory_space<hbm>> -> memref<1x2x128xi32, #tpu.memory_space<hbm>>
          %dma_start3A_255 = tpu.memref_squeeze %dma_start3A_254 : memref<1x2x128xi32, #tpu.memory_space<hbm>> -> memref<2x128xi32, #tpu.memory_space<hbm>>
          %dma_start3A_256 = arith.constant 0 : i32
          %dma_start3A_257 = arith.constant 0 : i32
          %dma_start3A_258 = tpu.memref_slice %arg4[%add3A_251, %dma_start3A_256, %dma_start3A_257] : memref<391x2x128xi32, #tpu.memory_space<hbm>> -> memref<1x2x128xi32, #tpu.memory_space<hbm>>
          %dma_start3A_259 = tpu.memref_squeeze %dma_start3A_258 : memref<1x2x128xi32, #tpu.memory_space<hbm>> -> memref<2x128xi32, #tpu.memory_space<hbm>>
          tpu.enqueue_dma source(%dma_start3A_259 : memref<2x128xi32, #tpu.memory_space<hbm>>) target(%arg15 : memref<2x128xi32, #tpu.memory_space<vmem>>) target_semaphore(%arg17 : memref<!tpu.dma_semaphore, #tpu.memory_space<semaphore_mem>>)
        } else {
        }
      } else {
      }
    }
    %lt3A_29 = arith.constant 390 : i32
    %lt3A_30 = arith.cmpi slt, %add3A, %lt3A_29 : i32
    %convert_element_type3A_31 = arith.extui %lt3A_30 : i1 to i32
    %cond3A_32 = arith.constant 0 : i32
    %cond3A_33 = arith.cmpi ne, %convert_element_type3A_31, %cond3A_32 : i32
    scf.if %cond3A_33 {
      %dma_wait3A = arith.constant 0 : i32
      %dma_wait3A_106 = arith.constant 0 : i32
      %dma_wait3A_107 = tpu.memref_slice %arg8[%dma_wait3A, %dma_wait3A_106] : memref<100000x128xf32, #tpu.memory_space<hbm>> -> memref<256x128xf32, #tpu.memory_space<hbm>>
      %dma_wait3A_108 = arith.constant 0 : i32
      %dma_wait3A_109 = arith.constant 0 : i32
      %dma_wait3A_110 = tpu.memref_slice %arg8[%dma_wait3A_108, %dma_wait3A_109] : memref<100000x128xf32, #tpu.memory_space<hbm>> -> memref<256x128xf32, #tpu.memory_space<hbm>>
      tpu.wait_dma2 semaphore(%arg20 : memref<!tpu.dma_semaphore, #tpu.memory_space<semaphore_mem>>) src(%arg12 : memref<256x128xf32, #tpu.memory_space<vmem>>) dst(%dma_wait3A_110 : memref<256x128xf32, #tpu.memory_space<hbm>>)
    } else {
    }
    %add3A_34 = arith.constant 32 : i32
    %add3A_35 = arith.addi %add3A, %add3A_34 : i32
    %lt3A_36 = arith.constant 390 : i32
    %lt3A_37 = arith.cmpi slt, %add3A_35, %lt3A_36 : i32
    %convert_element_type3A_38 = arith.extui %lt3A_37 : i1 to i32
    %cond3A_39 = arith.constant 0 : i32
    %cond3A_40 = arith.cmpi ne, %convert_element_type3A_38, %cond3A_39 : i32
    scf.if %cond3A_40 {
      %dma_wait3A = arith.constant 0 : i32
      %dma_wait3A_106 = arith.constant 0 : i32
      %dma_wait3A_107 = tpu.memref_slice %arg8[%dma_wait3A, %dma_wait3A_106] : memref<100000x128xf32, #tpu.memory_space<hbm>> -> memref<256x128xf32, #tpu.memory_space<hbm>>
      %dma_wait3A_108 = arith.constant 0 : i32
      %dma_wait3A_109 = arith.constant 0 : i32
      %dma_wait3A_110 = tpu.memref_slice %arg8[%dma_wait3A_108, %dma_wait3A_109] : memref<100000x128xf32, #tpu.memory_space<hbm>> -> memref<256x128xf32, #tpu.memory_space<hbm>>
      tpu.wait_dma2 semaphore(%arg21 : memref<!tpu.dma_semaphore, #tpu.memory_space<semaphore_mem>>) src(%arg13 : memref<256x128xf32, #tpu.memory_space<vmem>>) dst(%dma_wait3A_110 : memref<256x128xf32, #tpu.memory_space<hbm>>)
    } else {
    }
    %lt3A_41 = arith.constant 195 : i32
    %lt3A_42 = arith.cmpi slt, %add3A, %lt3A_41 : i32
    %convert_element_type3A_43 = arith.extui %lt3A_42 : i1 to i32
    %cond3A_44 = arith.constant 0 : i32
    %cond3A_45 = arith.cmpi ne, %convert_element_type3A_43, %cond3A_44 : i32
    scf.if %cond3A_45 {
      %dma_start3A = arith.constant 0 : i32
      %dma_start3A_106 = arith.constant 0 : i32
      %dma_start3A_107 = tpu.memref_slice %arg5[%add3A, %dma_start3A, %dma_start3A_106] : memref<196x2x128xi32, #tpu.memory_space<hbm>> -> memref<1x2x128xi32, #tpu.memory_space<hbm>>
      %dma_start3A_108 = tpu.memref_squeeze %dma_start3A_107 : memref<1x2x128xi32, #tpu.memory_space<hbm>> -> memref<2x128xi32, #tpu.memory_space<hbm>>
      %dma_start3A_109 = arith.constant 0 : i32
      %dma_start3A_110 = arith.constant 0 : i32
      %dma_start3A_111 = tpu.memref_slice %arg5[%add3A, %dma_start3A_109, %dma_start3A_110] : memref<196x2x128xi32, #tpu.memory_space<hbm>> -> memref<1x2x128xi32, #tpu.memory_space<hbm>>
      %dma_start3A_112 = tpu.memref_squeeze %dma_start3A_111 : memref<1x2x128xi32, #tpu.memory_space<hbm>> -> memref<2x128xi32, #tpu.memory_space<hbm>>
      tpu.enqueue_dma source(%dma_start3A_112 : memref<2x128xi32, #tpu.memory_space<hbm>>) target(%arg14 : memref<2x128xi32, #tpu.memory_space<vmem>>) target_semaphore(%arg16 : memref<!tpu.dma_semaphore, #tpu.memory_space<semaphore_mem>>)
    } else {
    }
    %add3A_46 = arith.constant 32 : i32
    %add3A_47 = arith.addi %add3A, %add3A_46 : i32
    %lt3A_48 = arith.constant 195 : i32
    %lt3A_49 = arith.cmpi slt, %add3A_47, %lt3A_48 : i32
    %convert_element_type3A_50 = arith.extui %lt3A_49 : i1 to i32
    %cond3A_51 = arith.constant 0 : i32
    %cond3A_52 = arith.cmpi ne, %convert_element_type3A_50, %cond3A_51 : i32
    scf.if %cond3A_52 {
      %add3A_106 = arith.constant 32 : i32
      %add3A_107 = arith.addi %add3A, %add3A_106 : i32
      %dma_start3A = arith.constant 0 : i32
      %dma_start3A_108 = arith.constant 0 : i32
      %dma_start3A_109 = tpu.memref_slice %arg5[%add3A_107, %dma_start3A, %dma_start3A_108] : memref<196x2x128xi32, #tpu.memory_space<hbm>> -> memref<1x2x128xi32, #tpu.memory_space<hbm>>
      %dma_start3A_110 = tpu.memref_squeeze %dma_start3A_109 : memref<1x2x128xi32, #tpu.memory_space<hbm>> -> memref<2x128xi32, #tpu.memory_space<hbm>>
      %dma_start3A_111 = arith.constant 0 : i32
      %dma_start3A_112 = arith.constant 0 : i32
      %dma_start3A_113 = tpu.memref_slice %arg5[%add3A_107, %dma_start3A_111, %dma_start3A_112] : memref<196x2x128xi32, #tpu.memory_space<hbm>> -> memref<1x2x128xi32, #tpu.memory_space<hbm>>
      %dma_start3A_114 = tpu.memref_squeeze %dma_start3A_113 : memref<1x2x128xi32, #tpu.memory_space<hbm>> -> memref<2x128xi32, #tpu.memory_space<hbm>>
      tpu.enqueue_dma source(%dma_start3A_114 : memref<2x128xi32, #tpu.memory_space<hbm>>) target(%arg15 : memref<2x128xi32, #tpu.memory_space<vmem>>) target_semaphore(%arg17 : memref<!tpu.dma_semaphore, #tpu.memory_space<semaphore_mem>>)
    } else {
    }
    %sub3A_53 = arith.constant 195 : i32
    %sub3A_54 = arith.subi %sub3A_53, %add3A : i32
    %sub3A_55 = arith.constant 64 : i32
    %sub3A_56 = arith.constant 1 : i32
    %sub3A_57 = arith.subi %sub3A_55, %sub3A_56 : i32
    %add3A_58 = arith.addi %sub3A_54, %sub3A_57 : i32
    %div3A_59 = arith.constant 64 : i32
    %div3A_60 = arith.divsi %add3A_58, %div3A_59 : i32
    %while3A_61 = arith.constant 64 : i32
    %while3A_62 = arith.constant 0 : i32
    %while3A_63 = arith.subi %div3A_60, %while3A_62 : i32
    %while3A_64 = arith.addi %while3A_62, %while3A_63 : i32
    %while3A_65 = arith.constant 1 : i32
    %while3A_66 = arith.divsi %while3A_63, %while3A_65 : i32
    %while3A_67 = arith.muli %while3A_66, %while3A_65 : i32
    %while3A_68 = arith.addi %while3A_62, %while3A_67 : i32
    %while3A_69 = arith.constant 1 : i32
    scf.for %while3A_106 = %while3A_62 to %while3A_68 step %while3A_69  : i32 {
      %mul3A_107 = arith.muli %while3A_106, %while3A_61 : i32
      %add3A_108 = arith.addi %add3A, %mul3A_107 : i32
      %mul3A_109 = arith.constant 256 : i32
      %mul3A_110 = arith.muli %add3A_108, %mul3A_109 : i32
      %multiple_of3A = tpu.assume_multiple %mul3A_110, 256 : i32
      %dma_wait3A = arith.constant 0 : i32
      %dma_wait3A_111 = arith.constant 0 : i32
      %dma_wait3A_112 = tpu.memref_slice %arg5[%add3A_108, %dma_wait3A, %dma_wait3A_111] : memref<196x2x128xi32, #tpu.memory_space<hbm>> -> memref<1x2x128xi32, #tpu.memory_space<hbm>>
      %dma_wait3A_113 = tpu.memref_squeeze %dma_wait3A_112 : memref<1x2x128xi32, #tpu.memory_space<hbm>> -> memref<2x128xi32, #tpu.memory_space<hbm>>
      %dma_wait3A_114 = arith.constant 0 : i32
      %dma_wait3A_115 = arith.constant 0 : i32
      %dma_wait3A_116 = tpu.memref_slice %arg5[%add3A_108, %dma_wait3A_114, %dma_wait3A_115] : memref<196x2x128xi32, #tpu.memory_space<hbm>> -> memref<1x2x128xi32, #tpu.memory_space<hbm>>
      %dma_wait3A_117 = tpu.memref_squeeze %dma_wait3A_116 : memref<1x2x128xi32, #tpu.memory_space<hbm>> -> memref<2x128xi32, #tpu.memory_space<hbm>>
      tpu.wait_dma2 semaphore(%arg16 : memref<!tpu.dma_semaphore, #tpu.memory_space<semaphore_mem>>) src(%dma_wait3A_117 : memref<2x128xi32, #tpu.memory_space<hbm>>) dst(%arg14 : memref<2x128xi32, #tpu.memory_space<vmem>>)
      %add3A_118 = arith.constant 64 : i32
      %add3A_119 = arith.addi %add3A, %add3A_118 : i32
      %ge3A = arith.cmpi sge, %add3A_108, %add3A_119 : i32
      %convert_element_type3A_120 = arith.extui %ge3A : i1 to i32
      %cond3A_121 = arith.constant 0 : i32
      %cond3A_122 = arith.cmpi ne, %convert_element_type3A_120, %cond3A_121 : i32
      scf.if %cond3A_122 {
        %dma_wait3A_180 = arith.constant 0 : i32
        %dma_wait3A_181 = tpu.memref_slice %arg9[%multiple_of3A, %dma_wait3A_180] : memref<50000x128xf32, #tpu.memory_space<hbm>> -> memref<256x128xf32, #tpu.memory_space<hbm>>
        %dma_wait3A_182 = arith.constant 0 : i32
        %dma_wait3A_183 = tpu.memref_slice %arg9[%multiple_of3A, %dma_wait3A_182] : memref<50000x128xf32, #tpu.memory_space<hbm>> -> memref<256x128xf32, #tpu.memory_space<hbm>>
        tpu.wait_dma2 semaphore(%arg20 : memref<!tpu.dma_semaphore, #tpu.memory_space<semaphore_mem>>) src(%arg12 : memref<256x128xf32, #tpu.memory_space<vmem>>) dst(%dma_wait3A_183 : memref<256x128xf32, #tpu.memory_space<hbm>>)
      } else {
      }
      %dma_start3A = arith.constant 0 : i32
      %dma_start3A_123 = arith.constant 0 : i32
      %dma_start3A_124 = arith.constant 0 : i32
      %dma_start3A_125 = tpu.memref_slice %arg12[%dma_start3A_123, %dma_start3A_124] : memref<256x128xf32, #tpu.memory_space<vmem>> -> memref<128x128xf32, #tpu.memory_space<vmem>>
      %dma_start3A_126 = arith.constant 0 : i32
      %dma_start3A_127 = tpu.memref_slice %arg14[%dma_start3A, %dma_start3A_126] : memref<2x128xi32, #tpu.memory_space<vmem>> -> memref<1x128xi32, #tpu.memory_space<vmem>>
      %dma_start3A_128 = tpu.memref_squeeze %dma_start3A_127 : memref<1x128xi32, #tpu.memory_space<vmem>> -> memref<128xi32, #tpu.memory_space<vmem>>
      %dma_start3A_129 = arith.constant 0 : i32
      %dma_start3A_130 = arith.constant 0 : i32
      %dma_start3A_131 = tpu.memref_slice %arg11[%dma_start3A_129, %dma_start3A_130] : memref<16x128xf32, #tpu.memory_space<vmem_shared>> -> memref<16x128xf32, #tpu.memory_space<vmem_shared>>
      tpu.enqueue_indirect_dma source(%dma_start3A_131 : memref<16x128xf32, #tpu.memory_space<vmem_shared>>) target(%dma_start3A_125 : memref<128x128xf32, #tpu.memory_space<vmem>>) offsets(%dma_start3A_128 : memref<128xi32, #tpu.memory_space<vmem>>) semaphore(%arg18 : memref<!tpu.dma_semaphore, #tpu.memory_space<semaphore_mem>>)
      %dma_start3A_132 = arith.constant 1 : i32
      %dma_start3A_133 = arith.constant 128 : i32
      %dma_start3A_134 = arith.constant 0 : i32
      %dma_start3A_135 = tpu.memref_slice %arg12[%dma_start3A_133, %dma_start3A_134] : memref<256x128xf32, #tpu.memory_space<vmem>> -> memref<128x128xf32, #tpu.memory_space<vmem>>
      %dma_start3A_136 = arith.constant 0 : i32
      %dma_start3A_137 = tpu.memref_slice %arg14[%dma_start3A_132, %dma_start3A_136] : memref<2x128xi32, #tpu.memory_space<vmem>> -> memref<1x128xi32, #tpu.memory_space<vmem>>
      %dma_start3A_138 = tpu.memref_squeeze %dma_start3A_137 : memref<1x128xi32, #tpu.memory_space<vmem>> -> memref<128xi32, #tpu.memory_space<vmem>>
      %dma_start3A_139 = arith.constant 0 : i32
      %dma_start3A_140 = arith.constant 0 : i32
      %dma_start3A_141 = tpu.memref_slice %arg11[%dma_start3A_139, %dma_start3A_140] : memref<16x128xf32, #tpu.memory_space<vmem_shared>> -> memref<16x128xf32, #tpu.memory_space<vmem_shared>>
      tpu.enqueue_indirect_dma source(%dma_start3A_141 : memref<16x128xf32, #tpu.memory_space<vmem_shared>>) target(%dma_start3A_135 : memref<128x128xf32, #tpu.memory_space<vmem>>) offsets(%dma_start3A_138 : memref<128xi32, #tpu.memory_space<vmem>>) semaphore(%arg18 : memref<!tpu.dma_semaphore, #tpu.memory_space<semaphore_mem>>)
      %dma_wait3A_142 = arith.constant 0 : i32
      %dma_wait3A_143 = arith.constant 0 : i32
      %dma_wait3A_144 = arith.constant 0 : i32
      %dma_wait3A_145 = tpu.memref_slice %arg12[%dma_wait3A_143, %dma_wait3A_144] : memref<256x128xf32, #tpu.memory_space<vmem>> -> memref<128x128xf32, #tpu.memory_space<vmem>>
      %dma_wait3A_146 = arith.constant 0 : i32
      %dma_wait3A_147 = tpu.memref_slice %arg14[%dma_wait3A_142, %dma_wait3A_146] : memref<2x128xi32, #tpu.memory_space<vmem>> -> memref<1x128xi32, #tpu.memory_space<vmem>>
      %dma_wait3A_148 = tpu.memref_squeeze %dma_wait3A_147 : memref<1x128xi32, #tpu.memory_space<vmem>> -> memref<128xi32, #tpu.memory_space<vmem>>
      %dma_wait3A_149 = arith.constant 0 : i32
      %dma_wait3A_150 = arith.constant 0 : i32
      %dma_wait3A_151 = tpu.memref_slice %arg11[%dma_wait3A_149, %dma_wait3A_150] : memref<16x128xf32, #tpu.memory_space<vmem_shared>> -> memref<16x128xf32, #tpu.memory_space<vmem_shared>>
      tpu.wait_indirect_dma semaphore(%arg18 : memref<!tpu.dma_semaphore, #tpu.memory_space<semaphore_mem>>) src(%dma_wait3A_151 : memref<16x128xf32, #tpu.memory_space<vmem_shared>>) dst(%dma_wait3A_145 : memref<128x128xf32, #tpu.memory_space<vmem>>)
      %dma_wait3A_152 = arith.constant 1 : i32
      %dma_wait3A_153 = arith.constant 128 : i32
      %dma_wait3A_154 = arith.constant 0 : i32
      %dma_wait3A_155 = tpu.memref_slice %arg12[%dma_wait3A_153, %dma_wait3A_154] : memref<256x128xf32, #tpu.memory_space<vmem>> -> memref<128x128xf32, #tpu.memory_space<vmem>>
      %dma_wait3A_156 = arith.constant 0 : i32
      %dma_wait3A_157 = tpu.memref_slice %arg14[%dma_wait3A_152, %dma_wait3A_156] : memref<2x128xi32, #tpu.memory_space<vmem>> -> memref<1x128xi32, #tpu.memory_space<vmem>>
      %dma_wait3A_158 = tpu.memref_squeeze %dma_wait3A_157 : memref<1x128xi32, #tpu.memory_space<vmem>> -> memref<128xi32, #tpu.memory_space<vmem>>
      %dma_wait3A_159 = arith.constant 0 : i32
      %dma_wait3A_160 = arith.constant 0 : i32
      %dma_wait3A_161 = tpu.memref_slice %arg11[%dma_wait3A_159, %dma_wait3A_160] : memref<16x128xf32, #tpu.memory_space<vmem_shared>> -> memref<16x128xf32, #tpu.memory_space<vmem_shared>>
      tpu.wait_indirect_dma semaphore(%arg18 : memref<!tpu.dma_semaphore, #tpu.memory_space<semaphore_mem>>) src(%dma_wait3A_161 : memref<16x128xf32, #tpu.memory_space<vmem_shared>>) dst(%dma_wait3A_155 : memref<128x128xf32, #tpu.memory_space<vmem>>)
      %dma_start3A_162 = arith.constant 0 : i32
      %dma_start3A_163 = tpu.memref_slice %arg9[%multiple_of3A, %dma_start3A_162] : memref<50000x128xf32, #tpu.memory_space<hbm>> -> memref<256x128xf32, #tpu.memory_space<hbm>>
      %dma_start3A_164 = arith.constant 0 : i32
      %dma_start3A_165 = tpu.memref_slice %arg9[%multiple_of3A, %dma_start3A_164] : memref<50000x128xf32, #tpu.memory_space<hbm>> -> memref<256x128xf32, #tpu.memory_space<hbm>>
      tpu.enqueue_dma source(%arg12 : memref<256x128xf32, #tpu.memory_space<vmem>>) target(%dma_start3A_165 : memref<256x128xf32, #tpu.memory_space<hbm>>) target_semaphore(%arg20 : memref<!tpu.dma_semaphore, #tpu.memory_space<semaphore_mem>>)
      %add3A_166 = arith.constant 64 : i32
      %add3A_167 = arith.addi %add3A_108, %add3A_166 : i32
      %lt3A_168 = arith.constant 195 : i32
      %lt3A_169 = arith.cmpi slt, %add3A_167, %lt3A_168 : i32
      %convert_element_type3A_170 = arith.extui %lt3A_169 : i1 to i32
      %cond3A_171 = arith.constant 0 : i32
      %cond3A_172 = arith.cmpi ne, %convert_element_type3A_170, %cond3A_171 : i32
      scf.if %cond3A_172 {
        %add3A_180 = arith.constant 64 : i32
        %add3A_181 = arith.addi %add3A_108, %add3A_180 : i32
        %dma_start3A_182 = arith.constant 0 : i32
        %dma_start3A_183 = arith.constant 0 : i32
        %dma_start3A_184 = tpu.memref_slice %arg5[%add3A_181, %dma_start3A_182, %dma_start3A_183] : memref<196x2x128xi32, #tpu.memory_space<hbm>> -> memref<1x2x128xi32, #tpu.memory_space<hbm>>
        %dma_start3A_185 = tpu.memref_squeeze %dma_start3A_184 : memref<1x2x128xi32, #tpu.memory_space<hbm>> -> memref<2x128xi32, #tpu.memory_space<hbm>>
        %dma_start3A_186 = arith.constant 0 : i32
        %dma_start3A_187 = arith.constant 0 : i32
        %dma_start3A_188 = tpu.memref_slice %arg5[%add3A_181, %dma_start3A_186, %dma_start3A_187] : memref<196x2x128xi32, #tpu.memory_space<hbm>> -> memref<1x2x128xi32, #tpu.memory_space<hbm>>
        %dma_start3A_189 = tpu.memref_squeeze %dma_start3A_188 : memref<1x2x128xi32, #tpu.memory_space<hbm>> -> memref<2x128xi32, #tpu.memory_space<hbm>>
        tpu.enqueue_dma source(%dma_start3A_189 : memref<2x128xi32, #tpu.memory_space<hbm>>) target(%arg14 : memref<2x128xi32, #tpu.memory_space<vmem>>) target_semaphore(%arg16 : memref<!tpu.dma_semaphore, #tpu.memory_space<semaphore_mem>>)
      } else {
      }
      %add3A_173 = arith.constant 32 : i32
      %add3A_174 = arith.addi %add3A_108, %add3A_173 : i32
      %lt3A_175 = arith.constant 195 : i32
      %lt3A_176 = arith.cmpi slt, %add3A_174, %lt3A_175 : i32
      %convert_element_type3A_177 = arith.extui %lt3A_176 : i1 to i32
      %cond3A_178 = arith.constant 0 : i32
      %cond3A_179 = arith.cmpi ne, %convert_element_type3A_177, %cond3A_178 : i32
      scf.if %cond3A_179 {
        %add3A_180 = arith.constant 32 : i32
        %add3A_181 = arith.addi %add3A_108, %add3A_180 : i32
        %mul3A_182 = arith.constant 256 : i32
        %mul3A_183 = arith.muli %add3A_181, %mul3A_182 : i32
        %multiple_of3A_184 = tpu.assume_multiple %mul3A_183, 256 : i32
        %dma_wait3A_185 = arith.constant 0 : i32
        %dma_wait3A_186 = arith.constant 0 : i32
        %dma_wait3A_187 = tpu.memref_slice %arg5[%add3A_181, %dma_wait3A_185, %dma_wait3A_186] : memref<196x2x128xi32, #tpu.memory_space<hbm>> -> memref<1x2x128xi32, #tpu.memory_space<hbm>>
        %dma_wait3A_188 = tpu.memref_squeeze %dma_wait3A_187 : memref<1x2x128xi32, #tpu.memory_space<hbm>> -> memref<2x128xi32, #tpu.memory_space<hbm>>
        %dma_wait3A_189 = arith.constant 0 : i32
        %dma_wait3A_190 = arith.constant 0 : i32
        %dma_wait3A_191 = tpu.memref_slice %arg5[%add3A_181, %dma_wait3A_189, %dma_wait3A_190] : memref<196x2x128xi32, #tpu.memory_space<hbm>> -> memref<1x2x128xi32, #tpu.memory_space<hbm>>
        %dma_wait3A_192 = tpu.memref_squeeze %dma_wait3A_191 : memref<1x2x128xi32, #tpu.memory_space<hbm>> -> memref<2x128xi32, #tpu.memory_space<hbm>>
        tpu.wait_dma2 semaphore(%arg17 : memref<!tpu.dma_semaphore, #tpu.memory_space<semaphore_mem>>) src(%dma_wait3A_192 : memref<2x128xi32, #tpu.memory_space<hbm>>) dst(%arg15 : memref<2x128xi32, #tpu.memory_space<vmem>>)
        %add3A_193 = arith.constant 64 : i32
        %add3A_194 = arith.addi %add3A, %add3A_193 : i32
        %ge3A_195 = arith.cmpi sge, %add3A_181, %add3A_194 : i32
        %convert_element_type3A_196 = arith.extui %ge3A_195 : i1 to i32
        %cond3A_197 = arith.constant 0 : i32
        %cond3A_198 = arith.cmpi ne, %convert_element_type3A_196, %cond3A_197 : i32
        scf.if %cond3A_198 {
          %dma_wait3A_250 = arith.constant 0 : i32
          %dma_wait3A_251 = tpu.memref_slice %arg9[%multiple_of3A_184, %dma_wait3A_250] : memref<50000x128xf32, #tpu.memory_space<hbm>> -> memref<256x128xf32, #tpu.memory_space<hbm>>
          %dma_wait3A_252 = arith.constant 0 : i32
          %dma_wait3A_253 = tpu.memref_slice %arg9[%multiple_of3A_184, %dma_wait3A_252] : memref<50000x128xf32, #tpu.memory_space<hbm>> -> memref<256x128xf32, #tpu.memory_space<hbm>>
          tpu.wait_dma2 semaphore(%arg21 : memref<!tpu.dma_semaphore, #tpu.memory_space<semaphore_mem>>) src(%arg13 : memref<256x128xf32, #tpu.memory_space<vmem>>) dst(%dma_wait3A_253 : memref<256x128xf32, #tpu.memory_space<hbm>>)
        } else {
        }
        %dma_start3A_199 = arith.constant 0 : i32
        %dma_start3A_200 = arith.constant 0 : i32
        %dma_start3A_201 = arith.constant 0 : i32
        %dma_start3A_202 = tpu.memref_slice %arg13[%dma_start3A_200, %dma_start3A_201] : memref<256x128xf32, #tpu.memory_space<vmem>> -> memref<128x128xf32, #tpu.memory_space<vmem>>
        %dma_start3A_203 = arith.constant 0 : i32
        %dma_start3A_204 = tpu.memref_slice %arg15[%dma_start3A_199, %dma_start3A_203] : memref<2x128xi32, #tpu.memory_space<vmem>> -> memref<1x128xi32, #tpu.memory_space<vmem>>
        %dma_start3A_205 = tpu.memref_squeeze %dma_start3A_204 : memref<1x128xi32, #tpu.memory_space<vmem>> -> memref<128xi32, #tpu.memory_space<vmem>>
        %dma_start3A_206 = arith.constant 0 : i32
        %dma_start3A_207 = arith.constant 0 : i32
        %dma_start3A_208 = tpu.memref_slice %arg11[%dma_start3A_206, %dma_start3A_207] : memref<16x128xf32, #tpu.memory_space<vmem_shared>> -> memref<16x128xf32, #tpu.memory_space<vmem_shared>>
        tpu.enqueue_indirect_dma source(%dma_start3A_208 : memref<16x128xf32, #tpu.memory_space<vmem_shared>>) target(%dma_start3A_202 : memref<128x128xf32, #tpu.memory_space<vmem>>) offsets(%dma_start3A_205 : memref<128xi32, #tpu.memory_space<vmem>>) semaphore(%arg19 : memref<!tpu.dma_semaphore, #tpu.memory_space<semaphore_mem>>)
        %dma_start3A_209 = arith.constant 1 : i32
        %dma_start3A_210 = arith.constant 128 : i32
        %dma_start3A_211 = arith.constant 0 : i32
        %dma_start3A_212 = tpu.memref_slice %arg13[%dma_start3A_210, %dma_start3A_211] : memref<256x128xf32, #tpu.memory_space<vmem>> -> memref<128x128xf32, #tpu.memory_space<vmem>>
        %dma_start3A_213 = arith.constant 0 : i32
        %dma_start3A_214 = tpu.memref_slice %arg15[%dma_start3A_209, %dma_start3A_213] : memref<2x128xi32, #tpu.memory_space<vmem>> -> memref<1x128xi32, #tpu.memory_space<vmem>>
        %dma_start3A_215 = tpu.memref_squeeze %dma_start3A_214 : memref<1x128xi32, #tpu.memory_space<vmem>> -> memref<128xi32, #tpu.memory_space<vmem>>
        %dma_start3A_216 = arith.constant 0 : i32
        %dma_start3A_217 = arith.constant 0 : i32
        %dma_start3A_218 = tpu.memref_slice %arg11[%dma_start3A_216, %dma_start3A_217] : memref<16x128xf32, #tpu.memory_space<vmem_shared>> -> memref<16x128xf32, #tpu.memory_space<vmem_shared>>
        tpu.enqueue_indirect_dma source(%dma_start3A_218 : memref<16x128xf32, #tpu.memory_space<vmem_shared>>) target(%dma_start3A_212 : memref<128x128xf32, #tpu.memory_space<vmem>>) offsets(%dma_start3A_215 : memref<128xi32, #tpu.memory_space<vmem>>) semaphore(%arg19 : memref<!tpu.dma_semaphore, #tpu.memory_space<semaphore_mem>>)
        %dma_wait3A_219 = arith.constant 0 : i32
        %dma_wait3A_220 = arith.constant 0 : i32
        %dma_wait3A_221 = arith.constant 0 : i32
        %dma_wait3A_222 = tpu.memref_slice %arg13[%dma_wait3A_220, %dma_wait3A_221] : memref<256x128xf32, #tpu.memory_space<vmem>> -> memref<128x128xf32, #tpu.memory_space<vmem>>
        %dma_wait3A_223 = arith.constant 0 : i32
        %dma_wait3A_224 = tpu.memref_slice %arg15[%dma_wait3A_219, %dma_wait3A_223] : memref<2x128xi32, #tpu.memory_space<vmem>> -> memref<1x128xi32, #tpu.memory_space<vmem>>
        %dma_wait3A_225 = tpu.memref_squeeze %dma_wait3A_224 : memref<1x128xi32, #tpu.memory_space<vmem>> -> memref<128xi32, #tpu.memory_space<vmem>>
        %dma_wait3A_226 = arith.constant 0 : i32
        %dma_wait3A_227 = arith.constant 0 : i32
        %dma_wait3A_228 = tpu.memref_slice %arg11[%dma_wait3A_226, %dma_wait3A_227] : memref<16x128xf32, #tpu.memory_space<vmem_shared>> -> memref<16x128xf32, #tpu.memory_space<vmem_shared>>
        tpu.wait_indirect_dma semaphore(%arg19 : memref<!tpu.dma_semaphore, #tpu.memory_space<semaphore_mem>>) src(%dma_wait3A_228 : memref<16x128xf32, #tpu.memory_space<vmem_shared>>) dst(%dma_wait3A_222 : memref<128x128xf32, #tpu.memory_space<vmem>>)
        %dma_wait3A_229 = arith.constant 1 : i32
        %dma_wait3A_230 = arith.constant 128 : i32
        %dma_wait3A_231 = arith.constant 0 : i32
        %dma_wait3A_232 = tpu.memref_slice %arg13[%dma_wait3A_230, %dma_wait3A_231] : memref<256x128xf32, #tpu.memory_space<vmem>> -> memref<128x128xf32, #tpu.memory_space<vmem>>
        %dma_wait3A_233 = arith.constant 0 : i32
        %dma_wait3A_234 = tpu.memref_slice %arg15[%dma_wait3A_229, %dma_wait3A_233] : memref<2x128xi32, #tpu.memory_space<vmem>> -> memref<1x128xi32, #tpu.memory_space<vmem>>
        %dma_wait3A_235 = tpu.memref_squeeze %dma_wait3A_234 : memref<1x128xi32, #tpu.memory_space<vmem>> -> memref<128xi32, #tpu.memory_space<vmem>>
        %dma_wait3A_236 = arith.constant 0 : i32
        %dma_wait3A_237 = arith.constant 0 : i32
        %dma_wait3A_238 = tpu.memref_slice %arg11[%dma_wait3A_236, %dma_wait3A_237] : memref<16x128xf32, #tpu.memory_space<vmem_shared>> -> memref<16x128xf32, #tpu.memory_space<vmem_shared>>
        tpu.wait_indirect_dma semaphore(%arg19 : memref<!tpu.dma_semaphore, #tpu.memory_space<semaphore_mem>>) src(%dma_wait3A_238 : memref<16x128xf32, #tpu.memory_space<vmem_shared>>) dst(%dma_wait3A_232 : memref<128x128xf32, #tpu.memory_space<vmem>>)
        %dma_start3A_239 = arith.constant 0 : i32
        %dma_start3A_240 = tpu.memref_slice %arg9[%multiple_of3A_184, %dma_start3A_239] : memref<50000x128xf32, #tpu.memory_space<hbm>> -> memref<256x128xf32, #tpu.memory_space<hbm>>
        %dma_start3A_241 = arith.constant 0 : i32
        %dma_start3A_242 = tpu.memref_slice %arg9[%multiple_of3A_184, %dma_start3A_241] : memref<50000x128xf32, #tpu.memory_space<hbm>> -> memref<256x128xf32, #tpu.memory_space<hbm>>
        tpu.enqueue_dma source(%arg13 : memref<256x128xf32, #tpu.memory_space<vmem>>) target(%dma_start3A_242 : memref<256x128xf32, #tpu.memory_space<hbm>>) target_semaphore(%arg21 : memref<!tpu.dma_semaphore, #tpu.memory_space<semaphore_mem>>)
        %add3A_243 = arith.constant 64 : i32
        %add3A_244 = arith.addi %add3A_181, %add3A_243 : i32
        %lt3A_245 = arith.constant 195 : i32
        %lt3A_246 = arith.cmpi slt, %add3A_244, %lt3A_245 : i32
        %convert_element_type3A_247 = arith.extui %lt3A_246 : i1 to i32
        %cond3A_248 = arith.constant 0 : i32
        %cond3A_249 = arith.cmpi ne, %convert_element_type3A_247, %cond3A_248 : i32
        scf.if %cond3A_249 {
          %add3A_250 = arith.constant 64 : i32
          %add3A_251 = arith.addi %add3A_181, %add3A_250 : i32
          %dma_start3A_252 = arith.constant 0 : i32
          %dma_start3A_253 = arith.constant 0 : i32
          %dma_start3A_254 = tpu.memref_slice %arg5[%add3A_251, %dma_start3A_252, %dma_start3A_253] : memref<196x2x128xi32, #tpu.memory_space<hbm>> -> memref<1x2x128xi32, #tpu.memory_space<hbm>>
          %dma_start3A_255 = tpu.memref_squeeze %dma_start3A_254 : memref<1x2x128xi32, #tpu.memory_space<hbm>> -> memref<2x128xi32, #tpu.memory_space<hbm>>
          %dma_start3A_256 = arith.constant 0 : i32
          %dma_start3A_257 = arith.constant 0 : i32
          %dma_start3A_258 = tpu.memref_slice %arg5[%add3A_251, %dma_start3A_256, %dma_start3A_257] : memref<196x2x128xi32, #tpu.memory_space<hbm>> -> memref<1x2x128xi32, #tpu.memory_space<hbm>>
          %dma_start3A_259 = tpu.memref_squeeze %dma_start3A_258 : memref<1x2x128xi32, #tpu.memory_space<hbm>> -> memref<2x128xi32, #tpu.memory_space<hbm>>
          tpu.enqueue_dma source(%dma_start3A_259 : memref<2x128xi32, #tpu.memory_space<hbm>>) target(%arg15 : memref<2x128xi32, #tpu.memory_space<vmem>>) target_semaphore(%arg17 : memref<!tpu.dma_semaphore, #tpu.memory_space<semaphore_mem>>)
        } else {
        }
      } else {
      }
    }
    %while3A_70 = arith.constant 1 : i32
    scf.for %while3A_106 = %while3A_68 to %while3A_64 step %while3A_70  : i32 {
      %mul3A_107 = arith.muli %while3A_106, %while3A_61 : i32
      %add3A_108 = arith.addi %add3A, %mul3A_107 : i32
      %mul3A_109 = arith.constant 256 : i32
      %mul3A_110 = arith.muli %add3A_108, %mul3A_109 : i32
      %multiple_of3A = tpu.assume_multiple %mul3A_110, 256 : i32
      %dma_wait3A = arith.constant 0 : i32
      %dma_wait3A_111 = arith.constant 0 : i32
      %dma_wait3A_112 = tpu.memref_slice %arg5[%add3A_108, %dma_wait3A, %dma_wait3A_111] : memref<196x2x128xi32, #tpu.memory_space<hbm>> -> memref<1x2x128xi32, #tpu.memory_space<hbm>>
      %dma_wait3A_113 = tpu.memref_squeeze %dma_wait3A_112 : memref<1x2x128xi32, #tpu.memory_space<hbm>> -> memref<2x128xi32, #tpu.memory_space<hbm>>
      %dma_wait3A_114 = arith.constant 0 : i32
      %dma_wait3A_115 = arith.constant 0 : i32
      %dma_wait3A_116 = tpu.memref_slice %arg5[%add3A_108, %dma_wait3A_114, %dma_wait3A_115] : memref<196x2x128xi32, #tpu.memory_space<hbm>> -> memref<1x2x128xi32, #tpu.memory_space<hbm>>
      %dma_wait3A_117 = tpu.memref_squeeze %dma_wait3A_116 : memref<1x2x128xi32, #tpu.memory_space<hbm>> -> memref<2x128xi32, #tpu.memory_space<hbm>>
      tpu.wait_dma2 semaphore(%arg16 : memref<!tpu.dma_semaphore, #tpu.memory_space<semaphore_mem>>) src(%dma_wait3A_117 : memref<2x128xi32, #tpu.memory_space<hbm>>) dst(%arg14 : memref<2x128xi32, #tpu.memory_space<vmem>>)
      %add3A_118 = arith.constant 64 : i32
      %add3A_119 = arith.addi %add3A, %add3A_118 : i32
      %ge3A = arith.cmpi sge, %add3A_108, %add3A_119 : i32
      %convert_element_type3A_120 = arith.extui %ge3A : i1 to i32
      %cond3A_121 = arith.constant 0 : i32
      %cond3A_122 = arith.cmpi ne, %convert_element_type3A_120, %cond3A_121 : i32
      scf.if %cond3A_122 {
        %dma_wait3A_180 = arith.constant 0 : i32
        %dma_wait3A_181 = tpu.memref_slice %arg9[%multiple_of3A, %dma_wait3A_180] : memref<50000x128xf32, #tpu.memory_space<hbm>> -> memref<256x128xf32, #tpu.memory_space<hbm>>
        %dma_wait3A_182 = arith.constant 0 : i32
        %dma_wait3A_183 = tpu.memref_slice %arg9[%multiple_of3A, %dma_wait3A_182] : memref<50000x128xf32, #tpu.memory_space<hbm>> -> memref<256x128xf32, #tpu.memory_space<hbm>>
        tpu.wait_dma2 semaphore(%arg20 : memref<!tpu.dma_semaphore, #tpu.memory_space<semaphore_mem>>) src(%arg12 : memref<256x128xf32, #tpu.memory_space<vmem>>) dst(%dma_wait3A_183 : memref<256x128xf32, #tpu.memory_space<hbm>>)
      } else {
      }
      %dma_start3A = arith.constant 0 : i32
      %dma_start3A_123 = arith.constant 0 : i32
      %dma_start3A_124 = arith.constant 0 : i32
      %dma_start3A_125 = tpu.memref_slice %arg12[%dma_start3A_123, %dma_start3A_124] : memref<256x128xf32, #tpu.memory_space<vmem>> -> memref<128x128xf32, #tpu.memory_space<vmem>>
      %dma_start3A_126 = arith.constant 0 : i32
      %dma_start3A_127 = tpu.memref_slice %arg14[%dma_start3A, %dma_start3A_126] : memref<2x128xi32, #tpu.memory_space<vmem>> -> memref<1x128xi32, #tpu.memory_space<vmem>>
      %dma_start3A_128 = tpu.memref_squeeze %dma_start3A_127 : memref<1x128xi32, #tpu.memory_space<vmem>> -> memref<128xi32, #tpu.memory_space<vmem>>
      %dma_start3A_129 = arith.constant 0 : i32
      %dma_start3A_130 = arith.constant 0 : i32
      %dma_start3A_131 = tpu.memref_slice %arg11[%dma_start3A_129, %dma_start3A_130] : memref<16x128xf32, #tpu.memory_space<vmem_shared>> -> memref<16x128xf32, #tpu.memory_space<vmem_shared>>
      tpu.enqueue_indirect_dma source(%dma_start3A_131 : memref<16x128xf32, #tpu.memory_space<vmem_shared>>) target(%dma_start3A_125 : memref<128x128xf32, #tpu.memory_space<vmem>>) offsets(%dma_start3A_128 : memref<128xi32, #tpu.memory_space<vmem>>) semaphore(%arg18 : memref<!tpu.dma_semaphore, #tpu.memory_space<semaphore_mem>>)
      %dma_start3A_132 = arith.constant 1 : i32
      %dma_start3A_133 = arith.constant 128 : i32
      %dma_start3A_134 = arith.constant 0 : i32
      %dma_start3A_135 = tpu.memref_slice %arg12[%dma_start3A_133, %dma_start3A_134] : memref<256x128xf32, #tpu.memory_space<vmem>> -> memref<128x128xf32, #tpu.memory_space<vmem>>
      %dma_start3A_136 = arith.constant 0 : i32
      %dma_start3A_137 = tpu.memref_slice %arg14[%dma_start3A_132, %dma_start3A_136] : memref<2x128xi32, #tpu.memory_space<vmem>> -> memref<1x128xi32, #tpu.memory_space<vmem>>
      %dma_start3A_138 = tpu.memref_squeeze %dma_start3A_137 : memref<1x128xi32, #tpu.memory_space<vmem>> -> memref<128xi32, #tpu.memory_space<vmem>>
      %dma_start3A_139 = arith.constant 0 : i32
      %dma_start3A_140 = arith.constant 0 : i32
      %dma_start3A_141 = tpu.memref_slice %arg11[%dma_start3A_139, %dma_start3A_140] : memref<16x128xf32, #tpu.memory_space<vmem_shared>> -> memref<16x128xf32, #tpu.memory_space<vmem_shared>>
      tpu.enqueue_indirect_dma source(%dma_start3A_141 : memref<16x128xf32, #tpu.memory_space<vmem_shared>>) target(%dma_start3A_135 : memref<128x128xf32, #tpu.memory_space<vmem>>) offsets(%dma_start3A_138 : memref<128xi32, #tpu.memory_space<vmem>>) semaphore(%arg18 : memref<!tpu.dma_semaphore, #tpu.memory_space<semaphore_mem>>)
      %dma_wait3A_142 = arith.constant 0 : i32
      %dma_wait3A_143 = arith.constant 0 : i32
      %dma_wait3A_144 = arith.constant 0 : i32
      %dma_wait3A_145 = tpu.memref_slice %arg12[%dma_wait3A_143, %dma_wait3A_144] : memref<256x128xf32, #tpu.memory_space<vmem>> -> memref<128x128xf32, #tpu.memory_space<vmem>>
      %dma_wait3A_146 = arith.constant 0 : i32
      %dma_wait3A_147 = tpu.memref_slice %arg14[%dma_wait3A_142, %dma_wait3A_146] : memref<2x128xi32, #tpu.memory_space<vmem>> -> memref<1x128xi32, #tpu.memory_space<vmem>>
      %dma_wait3A_148 = tpu.memref_squeeze %dma_wait3A_147 : memref<1x128xi32, #tpu.memory_space<vmem>> -> memref<128xi32, #tpu.memory_space<vmem>>
      %dma_wait3A_149 = arith.constant 0 : i32
      %dma_wait3A_150 = arith.constant 0 : i32
      %dma_wait3A_151 = tpu.memref_slice %arg11[%dma_wait3A_149, %dma_wait3A_150] : memref<16x128xf32, #tpu.memory_space<vmem_shared>> -> memref<16x128xf32, #tpu.memory_space<vmem_shared>>
      tpu.wait_indirect_dma semaphore(%arg18 : memref<!tpu.dma_semaphore, #tpu.memory_space<semaphore_mem>>) src(%dma_wait3A_151 : memref<16x128xf32, #tpu.memory_space<vmem_shared>>) dst(%dma_wait3A_145 : memref<128x128xf32, #tpu.memory_space<vmem>>)
      %dma_wait3A_152 = arith.constant 1 : i32
      %dma_wait3A_153 = arith.constant 128 : i32
      %dma_wait3A_154 = arith.constant 0 : i32
      %dma_wait3A_155 = tpu.memref_slice %arg12[%dma_wait3A_153, %dma_wait3A_154] : memref<256x128xf32, #tpu.memory_space<vmem>> -> memref<128x128xf32, #tpu.memory_space<vmem>>
      %dma_wait3A_156 = arith.constant 0 : i32
      %dma_wait3A_157 = tpu.memref_slice %arg14[%dma_wait3A_152, %dma_wait3A_156] : memref<2x128xi32, #tpu.memory_space<vmem>> -> memref<1x128xi32, #tpu.memory_space<vmem>>
      %dma_wait3A_158 = tpu.memref_squeeze %dma_wait3A_157 : memref<1x128xi32, #tpu.memory_space<vmem>> -> memref<128xi32, #tpu.memory_space<vmem>>
      %dma_wait3A_159 = arith.constant 0 : i32
      %dma_wait3A_160 = arith.constant 0 : i32
      %dma_wait3A_161 = tpu.memref_slice %arg11[%dma_wait3A_159, %dma_wait3A_160] : memref<16x128xf32, #tpu.memory_space<vmem_shared>> -> memref<16x128xf32, #tpu.memory_space<vmem_shared>>
      tpu.wait_indirect_dma semaphore(%arg18 : memref<!tpu.dma_semaphore, #tpu.memory_space<semaphore_mem>>) src(%dma_wait3A_161 : memref<16x128xf32, #tpu.memory_space<vmem_shared>>) dst(%dma_wait3A_155 : memref<128x128xf32, #tpu.memory_space<vmem>>)
      %dma_start3A_162 = arith.constant 0 : i32
      %dma_start3A_163 = tpu.memref_slice %arg9[%multiple_of3A, %dma_start3A_162] : memref<50000x128xf32, #tpu.memory_space<hbm>> -> memref<256x128xf32, #tpu.memory_space<hbm>>
      %dma_start3A_164 = arith.constant 0 : i32
      %dma_start3A_165 = tpu.memref_slice %arg9[%multiple_of3A, %dma_start3A_164] : memref<50000x128xf32, #tpu.memory_space<hbm>> -> memref<256x128xf32, #tpu.memory_space<hbm>>
      tpu.enqueue_dma source(%arg12 : memref<256x128xf32, #tpu.memory_space<vmem>>) target(%dma_start3A_165 : memref<256x128xf32, #tpu.memory_space<hbm>>) target_semaphore(%arg20 : memref<!tpu.dma_semaphore, #tpu.memory_space<semaphore_mem>>)
      %add3A_166 = arith.constant 64 : i32
      %add3A_167 = arith.addi %add3A_108, %add3A_166 : i32
      %lt3A_168 = arith.constant 195 : i32
      %lt3A_169 = arith.cmpi slt, %add3A_167, %lt3A_168 : i32
      %convert_element_type3A_170 = arith.extui %lt3A_169 : i1 to i32
      %cond3A_171 = arith.constant 0 : i32
      %cond3A_172 = arith.cmpi ne, %convert_element_type3A_170, %cond3A_171 : i32
      scf.if %cond3A_172 {
        %add3A_180 = arith.constant 64 : i32
        %add3A_181 = arith.addi %add3A_108, %add3A_180 : i32
        %dma_start3A_182 = arith.constant 0 : i32
        %dma_start3A_183 = arith.constant 0 : i32
        %dma_start3A_184 = tpu.memref_slice %arg5[%add3A_181, %dma_start3A_182, %dma_start3A_183] : memref<196x2x128xi32, #tpu.memory_space<hbm>> -> memref<1x2x128xi32, #tpu.memory_space<hbm>>
        %dma_start3A_185 = tpu.memref_squeeze %dma_start3A_184 : memref<1x2x128xi32, #tpu.memory_space<hbm>> -> memref<2x128xi32, #tpu.memory_space<hbm>>
        %dma_start3A_186 = arith.constant 0 : i32
        %dma_start3A_187 = arith.constant 0 : i32
        %dma_start3A_188 = tpu.memref_slice %arg5[%add3A_181, %dma_start3A_186, %dma_start3A_187] : memref<196x2x128xi32, #tpu.memory_space<hbm>> -> memref<1x2x128xi32, #tpu.memory_space<hbm>>
        %dma_start3A_189 = tpu.memref_squeeze %dma_start3A_188 : memref<1x2x128xi32, #tpu.memory_space<hbm>> -> memref<2x128xi32, #tpu.memory_space<hbm>>
        tpu.enqueue_dma source(%dma_start3A_189 : memref<2x128xi32, #tpu.memory_space<hbm>>) target(%arg14 : memref<2x128xi32, #tpu.memory_space<vmem>>) target_semaphore(%arg16 : memref<!tpu.dma_semaphore, #tpu.memory_space<semaphore_mem>>)
      } else {
      }
      %add3A_173 = arith.constant 32 : i32
      %add3A_174 = arith.addi %add3A_108, %add3A_173 : i32
      %lt3A_175 = arith.constant 195 : i32
      %lt3A_176 = arith.cmpi slt, %add3A_174, %lt3A_175 : i32
      %convert_element_type3A_177 = arith.extui %lt3A_176 : i1 to i32
      %cond3A_178 = arith.constant 0 : i32
      %cond3A_179 = arith.cmpi ne, %convert_element_type3A_177, %cond3A_178 : i32
      scf.if %cond3A_179 {
        %add3A_180 = arith.constant 32 : i32
        %add3A_181 = arith.addi %add3A_108, %add3A_180 : i32
        %mul3A_182 = arith.constant 256 : i32
        %mul3A_183 = arith.muli %add3A_181, %mul3A_182 : i32
        %multiple_of3A_184 = tpu.assume_multiple %mul3A_183, 256 : i32
        %dma_wait3A_185 = arith.constant 0 : i32
        %dma_wait3A_186 = arith.constant 0 : i32
        %dma_wait3A_187 = tpu.memref_slice %arg5[%add3A_181, %dma_wait3A_185, %dma_wait3A_186] : memref<196x2x128xi32, #tpu.memory_space<hbm>> -> memref<1x2x128xi32, #tpu.memory_space<hbm>>
        %dma_wait3A_188 = tpu.memref_squeeze %dma_wait3A_187 : memref<1x2x128xi32, #tpu.memory_space<hbm>> -> memref<2x128xi32, #tpu.memory_space<hbm>>
        %dma_wait3A_189 = arith.constant 0 : i32
        %dma_wait3A_190 = arith.constant 0 : i32
        %dma_wait3A_191 = tpu.memref_slice %arg5[%add3A_181, %dma_wait3A_189, %dma_wait3A_190] : memref<196x2x128xi32, #tpu.memory_space<hbm>> -> memref<1x2x128xi32, #tpu.memory_space<hbm>>
        %dma_wait3A_192 = tpu.memref_squeeze %dma_wait3A_191 : memref<1x2x128xi32, #tpu.memory_space<hbm>> -> memref<2x128xi32, #tpu.memory_space<hbm>>
        tpu.wait_dma2 semaphore(%arg17 : memref<!tpu.dma_semaphore, #tpu.memory_space<semaphore_mem>>) src(%dma_wait3A_192 : memref<2x128xi32, #tpu.memory_space<hbm>>) dst(%arg15 : memref<2x128xi32, #tpu.memory_space<vmem>>)
        %add3A_193 = arith.constant 64 : i32
        %add3A_194 = arith.addi %add3A, %add3A_193 : i32
        %ge3A_195 = arith.cmpi sge, %add3A_181, %add3A_194 : i32
        %convert_element_type3A_196 = arith.extui %ge3A_195 : i1 to i32
        %cond3A_197 = arith.constant 0 : i32
        %cond3A_198 = arith.cmpi ne, %convert_element_type3A_196, %cond3A_197 : i32
        scf.if %cond3A_198 {
          %dma_wait3A_250 = arith.constant 0 : i32
          %dma_wait3A_251 = tpu.memref_slice %arg9[%multiple_of3A_184, %dma_wait3A_250] : memref<50000x128xf32, #tpu.memory_space<hbm>> -> memref<256x128xf32, #tpu.memory_space<hbm>>
          %dma_wait3A_252 = arith.constant 0 : i32
          %dma_wait3A_253 = tpu.memref_slice %arg9[%multiple_of3A_184, %dma_wait3A_252] : memref<50000x128xf32, #tpu.memory_space<hbm>> -> memref<256x128xf32, #tpu.memory_space<hbm>>
          tpu.wait_dma2 semaphore(%arg21 : memref<!tpu.dma_semaphore, #tpu.memory_space<semaphore_mem>>) src(%arg13 : memref<256x128xf32, #tpu.memory_space<vmem>>) dst(%dma_wait3A_253 : memref<256x128xf32, #tpu.memory_space<hbm>>)
        } else {
        }
        %dma_start3A_199 = arith.constant 0 : i32
        %dma_start3A_200 = arith.constant 0 : i32
        %dma_start3A_201 = arith.constant 0 : i32
        %dma_start3A_202 = tpu.memref_slice %arg13[%dma_start3A_200, %dma_start3A_201] : memref<256x128xf32, #tpu.memory_space<vmem>> -> memref<128x128xf32, #tpu.memory_space<vmem>>
        %dma_start3A_203 = arith.constant 0 : i32
        %dma_start3A_204 = tpu.memref_slice %arg15[%dma_start3A_199, %dma_start3A_203] : memref<2x128xi32, #tpu.memory_space<vmem>> -> memref<1x128xi32, #tpu.memory_space<vmem>>
        %dma_start3A_205 = tpu.memref_squeeze %dma_start3A_204 : memref<1x128xi32, #tpu.memory_space<vmem>> -> memref<128xi32, #tpu.memory_space<vmem>>
        %dma_start3A_206 = arith.constant 0 : i32
        %dma_start3A_207 = arith.constant 0 : i32
        %dma_start3A_208 = tpu.memref_slice %arg11[%dma_start3A_206, %dma_start3A_207] : memref<16x128xf32, #tpu.memory_space<vmem_shared>> -> memref<16x128xf32, #tpu.memory_space<vmem_shared>>
        tpu.enqueue_indirect_dma source(%dma_start3A_208 : memref<16x128xf32, #tpu.memory_space<vmem_shared>>) target(%dma_start3A_202 : memref<128x128xf32, #tpu.memory_space<vmem>>) offsets(%dma_start3A_205 : memref<128xi32, #tpu.memory_space<vmem>>) semaphore(%arg19 : memref<!tpu.dma_semaphore, #tpu.memory_space<semaphore_mem>>)
        %dma_start3A_209 = arith.constant 1 : i32
        %dma_start3A_210 = arith.constant 128 : i32
        %dma_start3A_211 = arith.constant 0 : i32
        %dma_start3A_212 = tpu.memref_slice %arg13[%dma_start3A_210, %dma_start3A_211] : memref<256x128xf32, #tpu.memory_space<vmem>> -> memref<128x128xf32, #tpu.memory_space<vmem>>
        %dma_start3A_213 = arith.constant 0 : i32
        %dma_start3A_214 = tpu.memref_slice %arg15[%dma_start3A_209, %dma_start3A_213] : memref<2x128xi32, #tpu.memory_space<vmem>> -> memref<1x128xi32, #tpu.memory_space<vmem>>
        %dma_start3A_215 = tpu.memref_squeeze %dma_start3A_214 : memref<1x128xi32, #tpu.memory_space<vmem>> -> memref<128xi32, #tpu.memory_space<vmem>>
        %dma_start3A_216 = arith.constant 0 : i32
        %dma_start3A_217 = arith.constant 0 : i32
        %dma_start3A_218 = tpu.memref_slice %arg11[%dma_start3A_216, %dma_start3A_217] : memref<16x128xf32, #tpu.memory_space<vmem_shared>> -> memref<16x128xf32, #tpu.memory_space<vmem_shared>>
        tpu.enqueue_indirect_dma source(%dma_start3A_218 : memref<16x128xf32, #tpu.memory_space<vmem_shared>>) target(%dma_start3A_212 : memref<128x128xf32, #tpu.memory_space<vmem>>) offsets(%dma_start3A_215 : memref<128xi32, #tpu.memory_space<vmem>>) semaphore(%arg19 : memref<!tpu.dma_semaphore, #tpu.memory_space<semaphore_mem>>)
        %dma_wait3A_219 = arith.constant 0 : i32
        %dma_wait3A_220 = arith.constant 0 : i32
        %dma_wait3A_221 = arith.constant 0 : i32
        %dma_wait3A_222 = tpu.memref_slice %arg13[%dma_wait3A_220, %dma_wait3A_221] : memref<256x128xf32, #tpu.memory_space<vmem>> -> memref<128x128xf32, #tpu.memory_space<vmem>>
        %dma_wait3A_223 = arith.constant 0 : i32
        %dma_wait3A_224 = tpu.memref_slice %arg15[%dma_wait3A_219, %dma_wait3A_223] : memref<2x128xi32, #tpu.memory_space<vmem>> -> memref<1x128xi32, #tpu.memory_space<vmem>>
        %dma_wait3A_225 = tpu.memref_squeeze %dma_wait3A_224 : memref<1x128xi32, #tpu.memory_space<vmem>> -> memref<128xi32, #tpu.memory_space<vmem>>
        %dma_wait3A_226 = arith.constant 0 : i32
        %dma_wait3A_227 = arith.constant 0 : i32
        %dma_wait3A_228 = tpu.memref_slice %arg11[%dma_wait3A_226, %dma_wait3A_227] : memref<16x128xf32, #tpu.memory_space<vmem_shared>> -> memref<16x128xf32, #tpu.memory_space<vmem_shared>>
        tpu.wait_indirect_dma semaphore(%arg19 : memref<!tpu.dma_semaphore, #tpu.memory_space<semaphore_mem>>) src(%dma_wait3A_228 : memref<16x128xf32, #tpu.memory_space<vmem_shared>>) dst(%dma_wait3A_222 : memref<128x128xf32, #tpu.memory_space<vmem>>)
        %dma_wait3A_229 = arith.constant 1 : i32
        %dma_wait3A_230 = arith.constant 128 : i32
        %dma_wait3A_231 = arith.constant 0 : i32
        %dma_wait3A_232 = tpu.memref_slice %arg13[%dma_wait3A_230, %dma_wait3A_231] : memref<256x128xf32, #tpu.memory_space<vmem>> -> memref<128x128xf32, #tpu.memory_space<vmem>>
        %dma_wait3A_233 = arith.constant 0 : i32
        %dma_wait3A_234 = tpu.memref_slice %arg15[%dma_wait3A_229, %dma_wait3A_233] : memref<2x128xi32, #tpu.memory_space<vmem>> -> memref<1x128xi32, #tpu.memory_space<vmem>>
        %dma_wait3A_235 = tpu.memref_squeeze %dma_wait3A_234 : memref<1x128xi32, #tpu.memory_space<vmem>> -> memref<128xi32, #tpu.memory_space<vmem>>
        %dma_wait3A_236 = arith.constant 0 : i32
        %dma_wait3A_237 = arith.constant 0 : i32
        %dma_wait3A_238 = tpu.memref_slice %arg11[%dma_wait3A_236, %dma_wait3A_237] : memref<16x128xf32, #tpu.memory_space<vmem_shared>> -> memref<16x128xf32, #tpu.memory_space<vmem_shared>>
        tpu.wait_indirect_dma semaphore(%arg19 : memref<!tpu.dma_semaphore, #tpu.memory_space<semaphore_mem>>) src(%dma_wait3A_238 : memref<16x128xf32, #tpu.memory_space<vmem_shared>>) dst(%dma_wait3A_232 : memref<128x128xf32, #tpu.memory_space<vmem>>)
        %dma_start3A_239 = arith.constant 0 : i32
        %dma_start3A_240 = tpu.memref_slice %arg9[%multiple_of3A_184, %dma_start3A_239] : memref<50000x128xf32, #tpu.memory_space<hbm>> -> memref<256x128xf32, #tpu.memory_space<hbm>>
        %dma_start3A_241 = arith.constant 0 : i32
        %dma_start3A_242 = tpu.memref_slice %arg9[%multiple_of3A_184, %dma_start3A_241] : memref<50000x128xf32, #tpu.memory_space<hbm>> -> memref<256x128xf32, #tpu.memory_space<hbm>>
        tpu.enqueue_dma source(%arg13 : memref<256x128xf32, #tpu.memory_space<vmem>>) target(%dma_start3A_242 : memref<256x128xf32, #tpu.memory_space<hbm>>) target_semaphore(%arg21 : memref<!tpu.dma_semaphore, #tpu.memory_space<semaphore_mem>>)
        %add3A_243 = arith.constant 64 : i32
        %add3A_244 = arith.addi %add3A_181, %add3A_243 : i32
        %lt3A_245 = arith.constant 195 : i32
        %lt3A_246 = arith.cmpi slt, %add3A_244, %lt3A_245 : i32
        %convert_element_type3A_247 = arith.extui %lt3A_246 : i1 to i32
        %cond3A_248 = arith.constant 0 : i32
        %cond3A_249 = arith.cmpi ne, %convert_element_type3A_247, %cond3A_248 : i32
        scf.if %cond3A_249 {
          %add3A_250 = arith.constant 64 : i32
          %add3A_251 = arith.addi %add3A_181, %add3A_250 : i32
          %dma_start3A_252 = arith.constant 0 : i32
          %dma_start3A_253 = arith.constant 0 : i32
          %dma_start3A_254 = tpu.memref_slice %arg5[%add3A_251, %dma_start3A_252, %dma_start3A_253] : memref<196x2x128xi32, #tpu.memory_space<hbm>> -> memref<1x2x128xi32, #tpu.memory_space<hbm>>
          %dma_start3A_255 = tpu.memref_squeeze %dma_start3A_254 : memref<1x2x128xi32, #tpu.memory_space<hbm>> -> memref<2x128xi32, #tpu.memory_space<hbm>>
          %dma_start3A_256 = arith.constant 0 : i32
          %dma_start3A_257 = arith.constant 0 : i32
          %dma_start3A_258 = tpu.memref_slice %arg5[%add3A_251, %dma_start3A_256, %dma_start3A_257] : memref<196x2x128xi32, #tpu.memory_space<hbm>> -> memref<1x2x128xi32, #tpu.memory_space<hbm>>
          %dma_start3A_259 = tpu.memref_squeeze %dma_start3A_258 : memref<1x2x128xi32, #tpu.memory_space<hbm>> -> memref<2x128xi32, #tpu.memory_space<hbm>>
          tpu.enqueue_dma source(%dma_start3A_259 : memref<2x128xi32, #tpu.memory_space<hbm>>) target(%arg15 : memref<2x128xi32, #tpu.memory_space<vmem>>) target_semaphore(%arg17 : memref<!tpu.dma_semaphore, #tpu.memory_space<semaphore_mem>>)
        } else {
        }
      } else {
      }
    }
    %lt3A_71 = arith.constant 195 : i32
    %lt3A_72 = arith.cmpi slt, %add3A, %lt3A_71 : i32
    %convert_element_type3A_73 = arith.extui %lt3A_72 : i1 to i32
    %cond3A_74 = arith.constant 0 : i32
    %cond3A_75 = arith.cmpi ne, %convert_element_type3A_73, %cond3A_74 : i32
    scf.if %cond3A_75 {
      %dma_wait3A = arith.constant 0 : i32
      %dma_wait3A_106 = arith.constant 0 : i32
      %dma_wait3A_107 = tpu.memref_slice %arg9[%dma_wait3A, %dma_wait3A_106] : memref<50000x128xf32, #tpu.memory_space<hbm>> -> memref<256x128xf32, #tpu.memory_space<hbm>>
      %dma_wait3A_108 = arith.constant 0 : i32
      %dma_wait3A_109 = arith.constant 0 : i32
      %dma_wait3A_110 = tpu.memref_slice %arg9[%dma_wait3A_108, %dma_wait3A_109] : memref<50000x128xf32, #tpu.memory_space<hbm>> -> memref<256x128xf32, #tpu.memory_space<hbm>>
      tpu.wait_dma2 semaphore(%arg20 : memref<!tpu.dma_semaphore, #tpu.memory_space<semaphore_mem>>) src(%arg12 : memref<256x128xf32, #tpu.memory_space<vmem>>) dst(%dma_wait3A_110 : memref<256x128xf32, #tpu.memory_space<hbm>>)
    } else {
    }
    %add3A_76 = arith.constant 32 : i32
    %add3A_77 = arith.addi %add3A, %add3A_76 : i32
    %lt3A_78 = arith.constant 195 : i32
    %lt3A_79 = arith.cmpi slt, %add3A_77, %lt3A_78 : i32
    %convert_element_type3A_80 = arith.extui %lt3A_79 : i1 to i32
    %cond3A_81 = arith.constant 0 : i32
    %cond3A_82 = arith.cmpi ne, %convert_element_type3A_80, %cond3A_81 : i32
    scf.if %cond3A_82 {
      %dma_wait3A = arith.constant 0 : i32
      %dma_wait3A_106 = arith.constant 0 : i32
      %dma_wait3A_107 = tpu.memref_slice %arg9[%dma_wait3A, %dma_wait3A_106] : memref<50000x128xf32, #tpu.memory_space<hbm>> -> memref<256x128xf32, #tpu.memory_space<hbm>>
      %dma_wait3A_108 = arith.constant 0 : i32
      %dma_wait3A_109 = arith.constant 0 : i32
      %dma_wait3A_110 = tpu.memref_slice %arg9[%dma_wait3A_108, %dma_wait3A_109] : memref<50000x128xf32, #tpu.memory_space<hbm>> -> memref<256x128xf32, #tpu.memory_space<hbm>>
      tpu.wait_dma2 semaphore(%arg21 : memref<!tpu.dma_semaphore, #tpu.memory_space<semaphore_mem>>) src(%arg13 : memref<256x128xf32, #tpu.memory_space<vmem>>) dst(%dma_wait3A_110 : memref<256x128xf32, #tpu.memory_space<hbm>>)
    } else {
    }
    %eq3A_83 = arith.constant 0 : i32
    %eq3A_84 = arith.cmpi eq, %arg0, %eq3A_83 : i32
    %eq3A_85 = arith.constant 2 : i32
    %eq3A_86 = arith.cmpi eq, %arg1, %eq3A_85 : i32
    %and3A = arith.andi %eq3A_84, %eq3A_86 : i1
    %convert_element_type3A_87 = arith.extui %and3A : i1 to i32
    %cond3A_88 = arith.constant 0 : i32
    %cond3A_89 = arith.cmpi ne, %convert_element_type3A_87, %cond3A_88 : i32
    scf.if %cond3A_89 {
      %run_scoped3A = arith.constant 390 : i32
      "tpu.region"() ({
        %run_scoped3A_107 = tpu.sem_alloc : memref<!tpu.dma_semaphore, #tpu.memory_space<semaphore_mem>>
        %dma_start3A = arith.constant 0 : i32
        %dma_start3A_108 = arith.constant 0 : i32
        %dma_start3A_109 = tpu.memref_slice %arg4[%run_scoped3A, %dma_start3A, %dma_start3A_108] : memref<391x2x128xi32, #tpu.memory_space<hbm>> -> memref<1x2x128xi32, #tpu.memory_space<hbm>>
        %dma_start3A_110 = tpu.memref_squeeze %dma_start3A_109 : memref<1x2x128xi32, #tpu.memory_space<hbm>> -> memref<2x128xi32, #tpu.memory_space<hbm>>
        %dma_start3A_111 = arith.constant 0 : i32
        %dma_start3A_112 = arith.constant 0 : i32
        %dma_start3A_113 = tpu.memref_slice %arg4[%run_scoped3A, %dma_start3A_111, %dma_start3A_112] : memref<391x2x128xi32, #tpu.memory_space<hbm>> -> memref<1x2x128xi32, #tpu.memory_space<hbm>>
        %dma_start3A_114 = tpu.memref_squeeze %dma_start3A_113 : memref<1x2x128xi32, #tpu.memory_space<hbm>> -> memref<2x128xi32, #tpu.memory_space<hbm>>
        tpu.enqueue_dma source(%dma_start3A_114 : memref<2x128xi32, #tpu.memory_space<hbm>>) target(%arg22 : memref<2x128xi32, #tpu.memory_space<vmem>>) target_semaphore(%run_scoped3A_107 : memref<!tpu.dma_semaphore, #tpu.memory_space<semaphore_mem>>)
        %dma_wait3A = arith.constant 0 : i32
        %dma_wait3A_115 = arith.constant 0 : i32
        %dma_wait3A_116 = tpu.memref_slice %arg4[%run_scoped3A, %dma_wait3A, %dma_wait3A_115] : memref<391x2x128xi32, #tpu.memory_space<hbm>> -> memref<1x2x128xi32, #tpu.memory_space<hbm>>
        %dma_wait3A_117 = tpu.memref_squeeze %dma_wait3A_116 : memref<1x2x128xi32, #tpu.memory_space<hbm>> -> memref<2x128xi32, #tpu.memory_space<hbm>>
        %dma_wait3A_118 = arith.constant 0 : i32
        %dma_wait3A_119 = arith.constant 0 : i32
        %dma_wait3A_120 = tpu.memref_slice %arg4[%run_scoped3A, %dma_wait3A_118, %dma_wait3A_119] : memref<391x2x128xi32, #tpu.memory_space<hbm>> -> memref<1x2x128xi32, #tpu.memory_space<hbm>>
        %dma_wait3A_121 = tpu.memref_squeeze %dma_wait3A_120 : memref<1x2x128xi32, #tpu.memory_space<hbm>> -> memref<2x128xi32, #tpu.memory_space<hbm>>
        tpu.wait_dma2 semaphore(%run_scoped3A_107 : memref<!tpu.dma_semaphore, #tpu.memory_space<semaphore_mem>>) src(%dma_wait3A_121 : memref<2x128xi32, #tpu.memory_space<hbm>>) dst(%arg22 : memref<2x128xi32, #tpu.memory_space<vmem>>)
        tpu.yield
      }) : () -> ()
      %run_scoped3A_106 = arith.constant 0 : i32
      "tpu.region"() ({
        %run_scoped3A_107 = tpu.sem_alloc : memref<!tpu.dma_semaphore, #tpu.memory_space<semaphore_mem>>
        %dma_start3A = arith.constant 0 : i32
        %dma_start3A_108 = tpu.memref_slice %arg22[%run_scoped3A_106, %dma_start3A] : memref<2x128xi32, #tpu.memory_space<vmem>> -> memref<1x128xi32, #tpu.memory_space<vmem>>
        %dma_start3A_109 = tpu.memref_squeeze %dma_start3A_108 : memref<1x128xi32, #tpu.memory_space<vmem>> -> memref<128xi32, #tpu.memory_space<vmem>>
        %dma_start3A_110 = arith.constant 0 : i32
        %dma_start3A_111 = arith.constant 0 : i32
        %dma_start3A_112 = tpu.memref_slice %arg10[%dma_start3A_110, %dma_start3A_111] : memref<16x128xf32, #tpu.memory_space<vmem_shared>> -> memref<16x128xf32, #tpu.memory_space<vmem_shared>>
        tpu.enqueue_indirect_dma source(%dma_start3A_112 : memref<16x128xf32, #tpu.memory_space<vmem_shared>>) target(%arg23 : memref<128x128xf32, #tpu.memory_space<vmem>>) offsets(%dma_start3A_109 : memref<128xi32, #tpu.memory_space<vmem>>) semaphore(%run_scoped3A_107 : memref<!tpu.dma_semaphore, #tpu.memory_space<semaphore_mem>>)
        %dma_wait3A = arith.constant 0 : i32
        %dma_wait3A_113 = tpu.memref_slice %arg22[%run_scoped3A_106, %dma_wait3A] : memref<2x128xi32, #tpu.memory_space<vmem>> -> memref<1x128xi32, #tpu.memory_space<vmem>>
        %dma_wait3A_114 = tpu.memref_squeeze %dma_wait3A_113 : memref<1x128xi32, #tpu.memory_space<vmem>> -> memref<128xi32, #tpu.memory_space<vmem>>
        %dma_wait3A_115 = arith.constant 0 : i32
        %dma_wait3A_116 = arith.constant 0 : i32
        %dma_wait3A_117 = tpu.memref_slice %arg10[%dma_wait3A_115, %dma_wait3A_116] : memref<16x128xf32, #tpu.memory_space<vmem_shared>> -> memref<16x128xf32, #tpu.memory_space<vmem_shared>>
        tpu.wait_indirect_dma semaphore(%run_scoped3A_107 : memref<!tpu.dma_semaphore, #tpu.memory_space<semaphore_mem>>) src(%dma_wait3A_117 : memref<16x128xf32, #tpu.memory_space<vmem_shared>>) dst(%arg23 : memref<128x128xf32, #tpu.memory_space<vmem>>)
        tpu.yield
      }) : () -> ()
      "tpu.region"() ({
        %run_scoped3A_107 = tpu.sem_alloc : memref<!tpu.dma_semaphore, #tpu.memory_space<semaphore_mem>>
        %dma_start3A = arith.constant 99840 : i32
        %dma_start3A_108 = arith.constant 0 : i32
        %dma_start3A_109 = tpu.memref_slice %arg8[%dma_start3A, %dma_start3A_108] : memref<100000x128xf32, #tpu.memory_space<hbm>> -> memref<128x128xf32, #tpu.memory_space<hbm>>
        %dma_start3A_110 = arith.constant 99840 : i32
        %dma_start3A_111 = arith.constant 0 : i32
        %dma_start3A_112 = tpu.memref_slice %arg8[%dma_start3A_110, %dma_start3A_111] : memref<100000x128xf32, #tpu.memory_space<hbm>> -> memref<128x128xf32, #tpu.memory_space<hbm>>
        tpu.enqueue_dma source(%arg23 : memref<128x128xf32, #tpu.memory_space<vmem>>) target(%dma_start3A_112 : memref<128x128xf32, #tpu.memory_space<hbm>>) target_semaphore(%run_scoped3A_107 : memref<!tpu.dma_semaphore, #tpu.memory_space<semaphore_mem>>)
        %dma_wait3A = arith.constant 99840 : i32
        %dma_wait3A_113 = arith.constant 0 : i32
        %dma_wait3A_114 = tpu.memref_slice %arg8[%dma_wait3A, %dma_wait3A_113] : memref<100000x128xf32, #tpu.memory_space<hbm>> -> memref<128x128xf32, #tpu.memory_space<hbm>>
        %dma_wait3A_115 = arith.constant 99840 : i32
        %dma_wait3A_116 = arith.constant 0 : i32
        %dma_wait3A_117 = tpu.memref_slice %arg8[%dma_wait3A_115, %dma_wait3A_116] : memref<100000x128xf32, #tpu.memory_space<hbm>> -> memref<128x128xf32, #tpu.memory_space<hbm>>
        tpu.wait_dma2 semaphore(%run_scoped3A_107 : memref<!tpu.dma_semaphore, #tpu.memory_space<semaphore_mem>>) src(%arg23 : memref<128x128xf32, #tpu.memory_space<vmem>>) dst(%dma_wait3A_117 : memref<128x128xf32, #tpu.memory_space<hbm>>)
        tpu.yield
      }) : () -> ()
    } else {
    }
    %eq3A_90 = arith.constant 0 : i32
    %eq3A_91 = arith.cmpi eq, %arg0, %eq3A_90 : i32
    %eq3A_92 = arith.constant 1 : i32
    %eq3A_93 = arith.cmpi eq, %arg1, %eq3A_92 : i32
    %and3A_94 = arith.andi %eq3A_91, %eq3A_93 : i1
    %convert_element_type3A_95 = arith.extui %and3A_94 : i1 to i32
    %cond3A_96 = arith.constant 0 : i32
    %cond3A_97 = arith.cmpi ne, %convert_element_type3A_95, %cond3A_96 : i32
    scf.if %cond3A_97 {
      %run_scoped3A = arith.constant 0 : i32
      "tpu.region"() ({
        %run_scoped3A_106 = tpu.sem_alloc : memref<!tpu.dma_semaphore, #tpu.memory_space<semaphore_mem>>
        %dma_start3A = arith.constant 99968 : i32
        %dma_start3A_107 = tpu.memref_slice %arg6[%run_scoped3A, %dma_start3A] : memref<1x100000xi32, #tpu.memory_space<hbm>> -> memref<1x32xi32, #tpu.memory_space<hbm>>
        %dma_start3A_108 = tpu.memref_squeeze %dma_start3A_107 : memref<1x32xi32, #tpu.memory_space<hbm>> -> memref<32xi32, #tpu.memory_space<hbm>>
        %dma_start3A_109 = arith.constant 99968 : i32
        %dma_start3A_110 = tpu.memref_slice %arg6[%run_scoped3A, %dma_start3A_109] : memref<1x100000xi32, #tpu.memory_space<hbm>> -> memref<1x32xi32, #tpu.memory_space<hbm>>
        %dma_start3A_111 = tpu.memref_squeeze %dma_start3A_110 : memref<1x32xi32, #tpu.memory_space<hbm>> -> memref<32xi32, #tpu.memory_space<hbm>>
        tpu.enqueue_dma source(%dma_start3A_111 : memref<32xi32, #tpu.memory_space<hbm>>) target(%arg24 : memref<32xi32, #tpu.memory_space<vmem>>) target_semaphore(%run_scoped3A_106 : memref<!tpu.dma_semaphore, #tpu.memory_space<semaphore_mem>>)
        %dma_wait3A = arith.constant 99968 : i32
        %dma_wait3A_112 = tpu.memref_slice %arg6[%run_scoped3A, %dma_wait3A] : memref<1x100000xi32, #tpu.memory_space<hbm>> -> memref<1x32xi32, #tpu.memory_space<hbm>>
        %dma_wait3A_113 = tpu.memref_squeeze %dma_wait3A_112 : memref<1x32xi32, #tpu.memory_space<hbm>> -> memref<32xi32, #tpu.memory_space<hbm>>
        %dma_wait3A_114 = arith.constant 99968 : i32
        %dma_wait3A_115 = tpu.memref_slice %arg6[%run_scoped3A, %dma_wait3A_114] : memref<1x100000xi32, #tpu.memory_space<hbm>> -> memref<1x32xi32, #tpu.memory_space<hbm>>
        %dma_wait3A_116 = tpu.memref_squeeze %dma_wait3A_115 : memref<1x32xi32, #tpu.memory_space<hbm>> -> memref<32xi32, #tpu.memory_space<hbm>>
        tpu.wait_dma2 semaphore(%run_scoped3A_106 : memref<!tpu.dma_semaphore, #tpu.memory_space<semaphore_mem>>) src(%dma_wait3A_116 : memref<32xi32, #tpu.memory_space<hbm>>) dst(%arg24 : memref<32xi32, #tpu.memory_space<vmem>>)
        tpu.yield
      }) : () -> ()
      "tpu.region"() ({
        %run_scoped3A_106 = tpu.sem_alloc : memref<!tpu.dma_semaphore, #tpu.memory_space<semaphore_mem>>
        %dma_start3A = arith.constant 0 : i32
        %dma_start3A_107 = arith.constant 0 : i32
        %dma_start3A_108 = tpu.memref_slice %arg10[%dma_start3A, %dma_start3A_107] : memref<16x128xf32, #tpu.memory_space<vmem_shared>> -> memref<16x128xf32, #tpu.memory_space<vmem_shared>>
        tpu.enqueue_indirect_dma source(%dma_start3A_108 : memref<16x128xf32, #tpu.memory_space<vmem_shared>>) target(%arg25 : memref<32x128xf32, #tpu.memory_space<vmem>>) offsets(%arg24 : memref<32xi32, #tpu.memory_space<vmem>>) semaphore(%run_scoped3A_106 : memref<!tpu.dma_semaphore, #tpu.memory_space<semaphore_mem>>)
        %dma_wait3A = arith.constant 0 : i32
        %dma_wait3A_109 = arith.constant 0 : i32
        %dma_wait3A_110 = tpu.memref_slice %arg10[%dma_wait3A, %dma_wait3A_109] : memref<16x128xf32, #tpu.memory_space<vmem_shared>> -> memref<16x128xf32, #tpu.memory_space<vmem_shared>>
        tpu.wait_indirect_dma semaphore(%run_scoped3A_106 : memref<!tpu.dma_semaphore, #tpu.memory_space<semaphore_mem>>) src(%dma_wait3A_110 : memref<16x128xf32, #tpu.memory_space<vmem_shared>>) dst(%arg25 : memref<32x128xf32, #tpu.memory_space<vmem>>)
        tpu.yield
      }) : () -> ()
      "tpu.region"() ({
        %run_scoped3A_106 = tpu.sem_alloc : memref<!tpu.dma_semaphore, #tpu.memory_space<semaphore_mem>>
        %dma_start3A = arith.constant 99968 : i32
        %dma_start3A_107 = arith.constant 0 : i32
        %dma_start3A_108 = tpu.memref_slice %arg8[%dma_start3A, %dma_start3A_107] : memref<100000x128xf32, #tpu.memory_space<hbm>> -> memref<32x128xf32, #tpu.memory_space<hbm>>
        %dma_start3A_109 = arith.constant 99968 : i32
        %dma_start3A_110 = arith.constant 0 : i32
        %dma_start3A_111 = tpu.memref_slice %arg8[%dma_start3A_109, %dma_start3A_110] : memref<100000x128xf32, #tpu.memory_space<hbm>> -> memref<32x128xf32, #tpu.memory_space<hbm>>
        tpu.enqueue_dma source(%arg25 : memref<32x128xf32, #tpu.memory_space<vmem>>) target(%dma_start3A_111 : memref<32x128xf32, #tpu.memory_space<hbm>>) target_semaphore(%run_scoped3A_106 : memref<!tpu.dma_semaphore, #tpu.memory_space<semaphore_mem>>)
        %dma_wait3A = arith.constant 99968 : i32
        %dma_wait3A_112 = arith.constant 0 : i32
        %dma_wait3A_113 = tpu.memref_slice %arg8[%dma_wait3A, %dma_wait3A_112] : memref<100000x128xf32, #tpu.memory_space<hbm>> -> memref<32x128xf32, #tpu.memory_space<hbm>>
        %dma_wait3A_114 = arith.constant 99968 : i32
        %dma_wait3A_115 = arith.constant 0 : i32
        %dma_wait3A_116 = tpu.memref_slice %arg8[%dma_wait3A_114, %dma_wait3A_115] : memref<100000x128xf32, #tpu.memory_space<hbm>> -> memref<32x128xf32, #tpu.memory_space<hbm>>
        tpu.wait_dma2 semaphore(%run_scoped3A_106 : memref<!tpu.dma_semaphore, #tpu.memory_space<semaphore_mem>>) src(%arg25 : memref<32x128xf32, #tpu.memory_space<vmem>>) dst(%dma_wait3A_116 : memref<32x128xf32, #tpu.memory_space<hbm>>)
        tpu.yield
      }) : () -> ()
    } else {
    }
    %eq3A_98 = arith.constant 1 : i32
    %eq3A_99 = arith.cmpi eq, %arg0, %eq3A_98 : i32
    %eq3A_100 = arith.constant 1 : i32
    %eq3A_101 = arith.cmpi eq, %arg1, %eq3A_100 : i32
    %and3A_102 = arith.andi %eq3A_99, %eq3A_101 : i1
    %convert_element_type3A_103 = arith.extui %and3A_102 : i1 to i32
    %cond3A_104 = arith.constant 0 : i32
    %cond3A_105 = arith.cmpi ne, %convert_element_type3A_103, %cond3A_104 : i32
    scf.if %cond3A_105 {
      %run_scoped3A = arith.constant 0 : i32
      "tpu.region"() ({
        %run_scoped3A_106 = tpu.sem_alloc : memref<!tpu.dma_semaphore, #tpu.memory_space<semaphore_mem>>
        %dma_start3A = arith.constant 49920 : i32
        %dma_start3A_107 = tpu.memref_slice %arg7[%run_scoped3A, %dma_start3A] : memref<1x50000xi32, #tpu.memory_space<hbm>> -> memref<1x80xi32, #tpu.memory_space<hbm>>
        %dma_start3A_108 = tpu.memref_squeeze %dma_start3A_107 : memref<1x80xi32, #tpu.memory_space<hbm>> -> memref<80xi32, #tpu.memory_space<hbm>>
        %dma_start3A_109 = arith.constant 49920 : i32
        %dma_start3A_110 = tpu.memref_slice %arg7[%run_scoped3A, %dma_start3A_109] : memref<1x50000xi32, #tpu.memory_space<hbm>> -> memref<1x80xi32, #tpu.memory_space<hbm>>
        %dma_start3A_111 = tpu.memref_squeeze %dma_start3A_110 : memref<1x80xi32, #tpu.memory_space<hbm>> -> memref<80xi32, #tpu.memory_space<hbm>>
        tpu.enqueue_dma source(%dma_start3A_111 : memref<80xi32, #tpu.memory_space<hbm>>) target(%arg26 : memref<80xi32, #tpu.memory_space<vmem>>) target_semaphore(%run_scoped3A_106 : memref<!tpu.dma_semaphore, #tpu.memory_space<semaphore_mem>>)
        %dma_wait3A = arith.constant 49920 : i32
        %dma_wait3A_112 = tpu.memref_slice %arg7[%run_scoped3A, %dma_wait3A] : memref<1x50000xi32, #tpu.memory_space<hbm>> -> memref<1x80xi32, #tpu.memory_space<hbm>>
        %dma_wait3A_113 = tpu.memref_squeeze %dma_wait3A_112 : memref<1x80xi32, #tpu.memory_space<hbm>> -> memref<80xi32, #tpu.memory_space<hbm>>
        %dma_wait3A_114 = arith.constant 49920 : i32
        %dma_wait3A_115 = tpu.memref_slice %arg7[%run_scoped3A, %dma_wait3A_114] : memref<1x50000xi32, #tpu.memory_space<hbm>> -> memref<1x80xi32, #tpu.memory_space<hbm>>
        %dma_wait3A_116 = tpu.memref_squeeze %dma_wait3A_115 : memref<1x80xi32, #tpu.memory_space<hbm>> -> memref<80xi32, #tpu.memory_space<hbm>>
        tpu.wait_dma2 semaphore(%run_scoped3A_106 : memref<!tpu.dma_semaphore, #tpu.memory_space<semaphore_mem>>) src(%dma_wait3A_116 : memref<80xi32, #tpu.memory_space<hbm>>) dst(%arg26 : memref<80xi32, #tpu.memory_space<vmem>>)
        tpu.yield
      }) : () -> ()
      "tpu.region"() ({
        %run_scoped3A_106 = tpu.sem_alloc : memref<!tpu.dma_semaphore, #tpu.memory_space<semaphore_mem>>
        %dma_start3A = arith.constant 0 : i32
        %dma_start3A_107 = arith.constant 0 : i32
        %dma_start3A_108 = tpu.memref_slice %arg11[%dma_start3A, %dma_start3A_107] : memref<16x128xf32, #tpu.memory_space<vmem_shared>> -> memref<16x128xf32, #tpu.memory_space<vmem_shared>>
        tpu.enqueue_indirect_dma source(%dma_start3A_108 : memref<16x128xf32, #tpu.memory_space<vmem_shared>>) target(%arg27 : memref<80x128xf32, #tpu.memory_space<vmem>>) offsets(%arg26 : memref<80xi32, #tpu.memory_space<vmem>>) semaphore(%run_scoped3A_106 : memref<!tpu.dma_semaphore, #tpu.memory_space<semaphore_mem>>)
        %dma_wait3A = arith.constant 0 : i32
        %dma_wait3A_109 = arith.constant 0 : i32
        %dma_wait3A_110 = tpu.memref_slice %arg11[%dma_wait3A, %dma_wait3A_109] : memref<16x128xf32, #tpu.memory_space<vmem_shared>> -> memref<16x128xf32, #tpu.memory_space<vmem_shared>>
        tpu.wait_indirect_dma semaphore(%run_scoped3A_106 : memref<!tpu.dma_semaphore, #tpu.memory_space<semaphore_mem>>) src(%dma_wait3A_110 : memref<16x128xf32, #tpu.memory_space<vmem_shared>>) dst(%arg27 : memref<80x128xf32, #tpu.memory_space<vmem>>)
        tpu.yield
      }) : () -> ()
      "tpu.region"() ({
        %run_scoped3A_106 = tpu.sem_alloc : memref<!tpu.dma_semaphore, #tpu.memory_space<semaphore_mem>>
        %dma_start3A = arith.constant 49920 : i32
        %dma_start3A_107 = arith.constant 0 : i32
        %dma_start3A_108 = tpu.memref_slice %arg9[%dma_start3A, %dma_start3A_107] : memref<50000x128xf32, #tpu.memory_space<hbm>> -> memref<80x128xf32, #tpu.memory_space<hbm>>
        %dma_start3A_109 = arith.constant 49920 : i32
        %dma_start3A_110 = arith.constant 0 : i32
        %dma_start3A_111 = tpu.memref_slice %arg9[%dma_start3A_109, %dma_start3A_110] : memref<50000x128xf32, #tpu.memory_space<hbm>> -> memref<80x128xf32, #tpu.memory_space<hbm>>
        tpu.enqueue_dma source(%arg27 : memref<80x128xf32, #tpu.memory_space<vmem>>) target(%dma_start3A_111 : memref<80x128xf32, #tpu.memory_space<hbm>>) target_semaphore(%run_scoped3A_106 : memref<!tpu.dma_semaphore, #tpu.memory_space<semaphore_mem>>)
        %dma_wait3A = arith.constant 49920 : i32
        %dma_wait3A_112 = arith.constant 0 : i32
        %dma_wait3A_113 = tpu.memref_slice %arg9[%dma_wait3A, %dma_wait3A_112] : memref<50000x128xf32, #tpu.memory_space<hbm>> -> memref<80x128xf32, #tpu.memory_space<hbm>>
        %dma_wait3A_114 = arith.constant 49920 : i32
        %dma_wait3A_115 = arith.constant 0 : i32
        %dma_wait3A_116 = tpu.memref_slice %arg9[%dma_wait3A_114, %dma_wait3A_115] : memref<50000x128xf32, #tpu.memory_space<hbm>> -> memref<80x128xf32, #tpu.memory_space<hbm>>
        tpu.wait_dma2 semaphore(%run_scoped3A_106 : memref<!tpu.dma_semaphore, #tpu.memory_space<semaphore_mem>>) src(%arg27 : memref<80x128xf32, #tpu.memory_space<vmem>>) dst(%dma_wait3A_116 : memref<80x128xf32, #tpu.memory_space<hbm>>)
        tpu.yield
      }) : () -> ()
    } else {
    }
    return
  }
}

#map = affine_map<(d0, d1) -> (0, 0)>
#map1 = affine_map<(d0, d1) -> (0, 0, 0)>
module attributes {stable_mosaic.version = 14 : i64} {
  func.func @kern(%arg0: i32, %arg1: i32, %arg2: memref<100000x128xf32, #tpu.memory_space<hbm>>, %arg3: memref<50000x128xf32, #tpu.memory_space<hbm>>, %arg4: memref<391x2x128xi32, #tpu.memory_space<hbm>>, %arg5: memref<196x2x128xi32, #tpu.memory_space<hbm>>, %arg6: memref<1x100000xi32, #tpu.memory_space<hbm>>, %arg7: memref<1x50000xi32, #tpu.memory_space<hbm>>, %arg8: memref<2x16x128xf32, #tpu.memory_space<hbm>>, %arg9: memref<2x16x16xf32, #tpu.memory_space<hbm>>, %arg10: memref<2x16x128xf32, #tpu.memory_space<hbm>>, %arg11: memref<2x16x16xf32, #tpu.memory_space<hbm>>, %arg12: memref<16x128xf32, #tpu.memory_space<vmem_shared>>, %arg13: memref<16x128xf32, #tpu.memory_space<vmem_shared>>, %arg14: memref<256x128xf32, #tpu.memory_space<vmem>>, %arg15: memref<256x128xf32, #tpu.memory_space<vmem>>, %arg16: memref<2x128xi32, #tpu.memory_space<vmem>>, %arg17: memref<2x128xi32, #tpu.memory_space<vmem>>, %arg18: memref<16xf32, #tpu.memory_space<vmem>>, %arg19: memref<16xf32, #tpu.memory_space<vmem>>, %arg20: memref<16x128xf32, #tpu.memory_space<vmem>>, %arg21: memref<!tpu.dma_semaphore, #tpu.memory_space<semaphore_mem>>, %arg22: memref<!tpu.dma_semaphore, #tpu.memory_space<semaphore_mem>>, %arg23: memref<!tpu.dma_semaphore, #tpu.memory_space<semaphore_mem>>, %arg24: memref<!tpu.dma_semaphore, #tpu.memory_space<semaphore_mem>>, %arg25: memref<!tpu.dma_semaphore, #tpu.memory_space<semaphore_mem>>, %arg26: memref<!tpu.dma_semaphore, #tpu.memory_space<semaphore_mem>>, %arg27: memref<2x128xi32, #tpu.memory_space<vmem>>, %arg28: memref<128x128xf32, #tpu.memory_space<vmem>>, %arg29: memref<32xi32, #tpu.memory_space<vmem>>, %arg30: memref<32x128xf32, #tpu.memory_space<vmem>>, %arg31: memref<80xi32, #tpu.memory_space<vmem>>, %arg32: memref<80x128xf32, #tpu.memory_space<vmem>>) attributes {dimension_semantics = [#tpu.dimension_semantics<core_parallel>, #tpu.dimension_semantics<subcore_parallel>], iteration_bounds = array<i64: 2, 16>, scalar_prefetch = 0 : i64, scratch_operands = 21 : i64, tpu.core_type = #tpu.core_type<sc_vector_subcore>, window_params = [{transform_indices = #map}, {transform_indices = #map}, {transform_indices = #map1}, {transform_indices = #map1}, {transform_indices = #map}, {transform_indices = #map}, {transform_indices = #map1}, {transform_indices = #map1}, {transform_indices = #map1}, {transform_indices = #map1}]} {
    %mul3A = arith.constant 2 : i32
    %mul3A_0 = arith.muli %arg1, %mul3A : i32
    %add3A = arith.addi %mul3A_0, %arg0 : i32
    %broadcast_in_dim3A = arith.constant 1.000000e+00 : f32
    %broadcast_in_dim3A_1 = vector.broadcast %broadcast_in_dim3A : f32 to vector<16xf32>
    %broadcast_in_dim3A_2 = arith.constant 0.000000e+00 : f32
    %broadcast_in_dim3A_3 = vector.broadcast %broadcast_in_dim3A_2 : f32 to vector<16xf32>
    %swap3A = arith.constant 0 : index
    %swap3A_4 = tpu.vector_load %arg18[%swap3A] {strides = array<i32>} : memref<16xf32, #tpu.memory_space<vmem>>, vector<16xf32>,
    tpu.vector_store %arg18[%swap3A], %broadcast_in_dim3A_3 {strides = array<i32>} : memref<16xf32, #tpu.memory_space<vmem>>, vector<16xf32>,
    %broadcast_in_dim3A_5 = arith.constant 0.000000e+00 : f32
    %broadcast_in_dim3A_6 = vector.broadcast %broadcast_in_dim3A_5 : f32 to vector<16xf32>
    %swap3A_7 = arith.constant 0 : index
    %swap3A_8 = tpu.vector_load %arg19[%swap3A_7] {strides = array<i32>} : memref<16xf32, #tpu.memory_space<vmem>>, vector<16xf32>,
    tpu.vector_store %arg19[%swap3A_7], %broadcast_in_dim3A_6 {strides = array<i32>} : memref<16xf32, #tpu.memory_space<vmem>>, vector<16xf32>,
    %eq3A = arith.constant 0 : i32
    %eq3A_9 = arith.cmpi eq, %arg1, %eq3A : i32
    %convert_element_type3A = arith.extui %eq3A_9 : i1 to i32
    %cond3A = arith.constant 0 : i32
    %cond3A_10 = arith.cmpi ne, %convert_element_type3A, %cond3A : i32
    scf.if %cond3A_10 {
      %broadcast_in_dim3A_96 = arith.constant 0.000000e+00 : f32
      %broadcast_in_dim3A_97 = vector.broadcast %broadcast_in_dim3A_96 : f32 to vector<16xf32>
      %scan3A = arith.constant 0 : i32
      %scan3A_98 = arith.constant 16 : i32
      %scan3A_99 = arith.addi %scan3A, %scan3A_98 : i32
      %scan3A_100 = arith.constant 1 : i32
      scf.for %scan3A_102 = %scan3A to %scan3A_99 step %scan3A_100  : i32 {
        %mul3A_103 = arith.constant 1 : i32
        %mul3A_104 = arith.muli %scan3A_102, %mul3A_103 : i32
        %add3A_105 = arith.constant 0 : i32
        %add3A_106 = arith.addi %add3A_105, %mul3A_104 : i32
        %swap3A_107 = arith.index_cast %add3A_106 : i32 to index
        %swap3A_108 = arith.constant 0 : index
        %swap3A_109 = tpu.vector_load %arg20[%swap3A_107, %swap3A_108] {strides = array<i32>} : memref<16x128xf32, #tpu.memory_space<vmem>>, vector<16xf32>,
        tpu.vector_store %arg20[%swap3A_107, %swap3A_108], %broadcast_in_dim3A_97 {strides = array<i32>} : memref<16x128xf32, #tpu.memory_space<vmem>>, vector<16xf32>,
        %swap3A_110 = arith.index_cast %add3A_106 : i32 to index
        %swap3A_111 = arith.constant 16 : index
        %swap3A_112 = tpu.vector_load %arg20[%swap3A_110, %swap3A_111] {strides = array<i32>} : memref<16x128xf32, #tpu.memory_space<vmem>>, vector<16xf32>,
        tpu.vector_store %arg20[%swap3A_110, %swap3A_111], %broadcast_in_dim3A_97 {strides = array<i32>} : memref<16x128xf32, #tpu.memory_space<vmem>>, vector<16xf32>,
        %swap3A_113 = arith.index_cast %add3A_106 : i32 to index
        %swap3A_114 = arith.constant 32 : index
        %swap3A_115 = tpu.vector_load %arg20[%swap3A_113, %swap3A_114] {strides = array<i32>} : memref<16x128xf32, #tpu.memory_space<vmem>>, vector<16xf32>,
        tpu.vector_store %arg20[%swap3A_113, %swap3A_114], %broadcast_in_dim3A_97 {strides = array<i32>} : memref<16x128xf32, #tpu.memory_space<vmem>>, vector<16xf32>,
        %swap3A_116 = arith.index_cast %add3A_106 : i32 to index
        %swap3A_117 = arith.constant 48 : index
        %swap3A_118 = tpu.vector_load %arg20[%swap3A_116, %swap3A_117] {strides = array<i32>} : memref<16x128xf32, #tpu.memory_space<vmem>>, vector<16xf32>,
        tpu.vector_store %arg20[%swap3A_116, %swap3A_117], %broadcast_in_dim3A_97 {strides = array<i32>} : memref<16x128xf32, #tpu.memory_space<vmem>>, vector<16xf32>,
        %swap3A_119 = arith.index_cast %add3A_106 : i32 to index
        %swap3A_120 = arith.constant 64 : index
        %swap3A_121 = tpu.vector_load %arg20[%swap3A_119, %swap3A_120] {strides = array<i32>} : memref<16x128xf32, #tpu.memory_space<vmem>>, vector<16xf32>,
        tpu.vector_store %arg20[%swap3A_119, %swap3A_120], %broadcast_in_dim3A_97 {strides = array<i32>} : memref<16x128xf32, #tpu.memory_space<vmem>>, vector<16xf32>,
        %swap3A_122 = arith.index_cast %add3A_106 : i32 to index
        %swap3A_123 = arith.constant 80 : index
        %swap3A_124 = tpu.vector_load %arg20[%swap3A_122, %swap3A_123] {strides = array<i32>} : memref<16x128xf32, #tpu.memory_space<vmem>>, vector<16xf32>,
        tpu.vector_store %arg20[%swap3A_122, %swap3A_123], %broadcast_in_dim3A_97 {strides = array<i32>} : memref<16x128xf32, #tpu.memory_space<vmem>>, vector<16xf32>,
        %swap3A_125 = arith.index_cast %add3A_106 : i32 to index
        %swap3A_126 = arith.constant 96 : index
        %swap3A_127 = tpu.vector_load %arg20[%swap3A_125, %swap3A_126] {strides = array<i32>} : memref<16x128xf32, #tpu.memory_space<vmem>>, vector<16xf32>,
        tpu.vector_store %arg20[%swap3A_125, %swap3A_126], %broadcast_in_dim3A_97 {strides = array<i32>} : memref<16x128xf32, #tpu.memory_space<vmem>>, vector<16xf32>,
        %swap3A_128 = arith.index_cast %add3A_106 : i32 to index
        %swap3A_129 = arith.constant 112 : index
        %swap3A_130 = tpu.vector_load %arg20[%swap3A_128, %swap3A_129] {strides = array<i32>} : memref<16x128xf32, #tpu.memory_space<vmem>>, vector<16xf32>,
        tpu.vector_store %arg20[%swap3A_128, %swap3A_129], %broadcast_in_dim3A_97 {strides = array<i32>} : memref<16x128xf32, #tpu.memory_space<vmem>>, vector<16xf32>,
      }
      %scan3A_101 = arith.constant 16 : i32
      "tpu.region"() ({
        %run_scoped3A = tpu.sem_alloc : memref<!tpu.dma_semaphore, #tpu.memory_space<semaphore_mem>>
        tpu.enqueue_dma source(%arg20 : memref<16x128xf32, #tpu.memory_space<vmem>>) target(%arg12 : memref<16x128xf32, #tpu.memory_space<vmem_shared>>) target_semaphore(%run_scoped3A : memref<!tpu.dma_semaphore, #tpu.memory_space<semaphore_mem>>)
        tpu.wait_dma2 semaphore(%run_scoped3A : memref<!tpu.dma_semaphore, #tpu.memory_space<semaphore_mem>>) src(%arg20 : memref<16x128xf32, #tpu.memory_space<vmem>>) dst(%arg12 : memref<16x128xf32, #tpu.memory_space<vmem_shared>>)
        tpu.yield
      }) : () -> ()
      "tpu.region"() ({
        %run_scoped3A = tpu.sem_alloc : memref<!tpu.dma_semaphore, #tpu.memory_space<semaphore_mem>>
        tpu.enqueue_dma source(%arg20 : memref<16x128xf32, #tpu.memory_space<vmem>>) target(%arg13 : memref<16x128xf32, #tpu.memory_space<vmem_shared>>) target_semaphore(%run_scoped3A : memref<!tpu.dma_semaphore, #tpu.memory_space<semaphore_mem>>)
        tpu.wait_dma2 semaphore(%run_scoped3A : memref<!tpu.dma_semaphore, #tpu.memory_space<semaphore_mem>>) src(%arg20 : memref<16x128xf32, #tpu.memory_space<vmem>>) dst(%arg13 : memref<16x128xf32, #tpu.memory_space<vmem_shared>>)
        tpu.yield
      }) : () -> ()
    } else {
    }
    %barrier3A = arith.constant 0 : index
    tpu.barrier barrier_id(%barrier3A)
    %lt3A = arith.constant 390 : i32
    %lt3A_11 = arith.cmpi slt, %add3A, %lt3A : i32
    %convert_element_type3A_12 = arith.extui %lt3A_11 : i1 to i32
    %cond3A_13 = arith.constant 0 : i32
    %cond3A_14 = arith.cmpi ne, %convert_element_type3A_12, %cond3A_13 : i32
    scf.if %cond3A_14 {
      %mul3A_96 = arith.constant 256 : i32
      %mul3A_97 = arith.muli %add3A, %mul3A_96 : i32
      %multiple_of3A = tpu.assume_multiple %mul3A_97, 256 : i32
      %dma_start3A = arith.constant 0 : i32
      %dma_start3A_98 = arith.constant 0 : i32
      %dma_start3A_99 = tpu.memref_slice %arg4[%add3A, %dma_start3A, %dma_start3A_98] : memref<391x2x128xi32, #tpu.memory_space<hbm>> -> memref<1x2x128xi32, #tpu.memory_space<hbm>>
      %dma_start3A_100 = tpu.memref_squeeze %dma_start3A_99 : memref<1x2x128xi32, #tpu.memory_space<hbm>> -> memref<2x128xi32, #tpu.memory_space<hbm>>
      %dma_start3A_101 = arith.constant 0 : i32
      %dma_start3A_102 = arith.constant 0 : i32
      %dma_start3A_103 = tpu.memref_slice %arg4[%add3A, %dma_start3A_101, %dma_start3A_102] : memref<391x2x128xi32, #tpu.memory_space<hbm>> -> memref<1x2x128xi32, #tpu.memory_space<hbm>>
      %dma_start3A_104 = tpu.memref_squeeze %dma_start3A_103 : memref<1x2x128xi32, #tpu.memory_space<hbm>> -> memref<2x128xi32, #tpu.memory_space<hbm>>
      tpu.enqueue_dma source(%dma_start3A_104 : memref<2x128xi32, #tpu.memory_space<hbm>>) target(%arg16 : memref<2x128xi32, #tpu.memory_space<vmem>>) target_semaphore(%arg21 : memref<!tpu.dma_semaphore, #tpu.memory_space<semaphore_mem>>)
      %dma_start3A_105 = arith.constant 0 : i32
      %dma_start3A_106 = tpu.memref_slice %arg2[%multiple_of3A, %dma_start3A_105] : memref<100000x128xf32, #tpu.memory_space<hbm>> -> memref<256x128xf32, #tpu.memory_space<hbm>>
      %dma_start3A_107 = arith.constant 0 : i32
      %dma_start3A_108 = tpu.memref_slice %arg2[%multiple_of3A, %dma_start3A_107] : memref<100000x128xf32, #tpu.memory_space<hbm>> -> memref<256x128xf32, #tpu.memory_space<hbm>>
      tpu.enqueue_dma source(%dma_start3A_108 : memref<256x128xf32, #tpu.memory_space<hbm>>) target(%arg14 : memref<256x128xf32, #tpu.memory_space<vmem>>) target_semaphore(%arg22 : memref<!tpu.dma_semaphore, #tpu.memory_space<semaphore_mem>>)
    } else {
    }
    %add3A_15 = arith.constant 32 : i32
    %add3A_16 = arith.addi %add3A, %add3A_15 : i32
    %lt3A_17 = arith.constant 390 : i32
    %lt3A_18 = arith.cmpi slt, %add3A_16, %lt3A_17 : i32
    %convert_element_type3A_19 = arith.extui %lt3A_18 : i1 to i32
    %cond3A_20 = arith.constant 0 : i32
    %cond3A_21 = arith.cmpi ne, %convert_element_type3A_19, %cond3A_20 : i32
    scf.if %cond3A_21 {
      %add3A_96 = arith.constant 32 : i32
      %add3A_97 = arith.addi %add3A, %add3A_96 : i32
      %mul3A_98 = arith.constant 256 : i32
      %mul3A_99 = arith.muli %add3A_97, %mul3A_98 : i32
      %multiple_of3A = tpu.assume_multiple %mul3A_99, 256 : i32
      %dma_start3A = arith.constant 0 : i32
      %dma_start3A_100 = arith.constant 0 : i32
      %dma_start3A_101 = tpu.memref_slice %arg4[%add3A_97, %dma_start3A, %dma_start3A_100] : memref<391x2x128xi32, #tpu.memory_space<hbm>> -> memref<1x2x128xi32, #tpu.memory_space<hbm>>
      %dma_start3A_102 = tpu.memref_squeeze %dma_start3A_101 : memref<1x2x128xi32, #tpu.memory_space<hbm>> -> memref<2x128xi32, #tpu.memory_space<hbm>>
      %dma_start3A_103 = arith.constant 0 : i32
      %dma_start3A_104 = arith.constant 0 : i32
      %dma_start3A_105 = tpu.memref_slice %arg4[%add3A_97, %dma_start3A_103, %dma_start3A_104] : memref<391x2x128xi32, #tpu.memory_space<hbm>> -> memref<1x2x128xi32, #tpu.memory_space<hbm>>
      %dma_start3A_106 = tpu.memref_squeeze %dma_start3A_105 : memref<1x2x128xi32, #tpu.memory_space<hbm>> -> memref<2x128xi32, #tpu.memory_space<hbm>>
      tpu.enqueue_dma source(%dma_start3A_106 : memref<2x128xi32, #tpu.memory_space<hbm>>) target(%arg17 : memref<2x128xi32, #tpu.memory_space<vmem>>) target_semaphore(%arg23 : memref<!tpu.dma_semaphore, #tpu.memory_space<semaphore_mem>>)
      %dma_start3A_107 = arith.constant 0 : i32
      %dma_start3A_108 = tpu.memref_slice %arg2[%multiple_of3A, %dma_start3A_107] : memref<100000x128xf32, #tpu.memory_space<hbm>> -> memref<256x128xf32, #tpu.memory_space<hbm>>
      %dma_start3A_109 = arith.constant 0 : i32
      %dma_start3A_110 = tpu.memref_slice %arg2[%multiple_of3A, %dma_start3A_109] : memref<100000x128xf32, #tpu.memory_space<hbm>> -> memref<256x128xf32, #tpu.memory_space<hbm>>
      tpu.enqueue_dma source(%dma_start3A_110 : memref<256x128xf32, #tpu.memory_space<hbm>>) target(%arg15 : memref<256x128xf32, #tpu.memory_space<vmem>>) target_semaphore(%arg24 : memref<!tpu.dma_semaphore, #tpu.memory_space<semaphore_mem>>)
    } else {
    }
    %sub3A = arith.constant 390 : i32
    %sub3A_22 = arith.subi %sub3A, %add3A : i32
    %sub3A_23 = arith.constant 64 : i32
    %sub3A_24 = arith.constant 1 : i32
    %sub3A_25 = arith.subi %sub3A_23, %sub3A_24 : i32
    %add3A_26 = arith.addi %sub3A_22, %sub3A_25 : i32
    %div3A = arith.constant 64 : i32
    %div3A_27 = arith.divsi %add3A_26, %div3A : i32
    %while3A = arith.constant 64 : i32
    %while3A_28 = arith.constant 0 : i32
    %while3A_29 = arith.subi %div3A_27, %while3A_28 : i32
    %while3A_30 = arith.addi %while3A_28, %while3A_29 : i32
    %while3A_31 = arith.constant 1 : i32
    %while3A_32 = arith.divsi %while3A_29, %while3A_31 : i32
    %while3A_33 = arith.muli %while3A_32, %while3A_31 : i32
    %while3A_34 = arith.addi %while3A_28, %while3A_33 : i32
    %while3A_35 = arith.constant 1 : i32
    scf.for %while3A_96 = %while3A_28 to %while3A_34 step %while3A_35  : i32 {
      %mul3A_97 = arith.muli %while3A_96, %while3A : i32
      %add3A_98 = arith.addi %add3A, %mul3A_97 : i32
      %mul3A_99 = arith.constant 256 : i32
      %mul3A_100 = arith.muli %add3A_98, %mul3A_99 : i32
      %multiple_of3A = tpu.assume_multiple %mul3A_100, 256 : i32
      %dma_wait3A = arith.constant 0 : i32
      %dma_wait3A_101 = arith.constant 0 : i32
      %dma_wait3A_102 = tpu.memref_slice %arg4[%add3A_98, %dma_wait3A, %dma_wait3A_101] : memref<391x2x128xi32, #tpu.memory_space<hbm>> -> memref<1x2x128xi32, #tpu.memory_space<hbm>>
      %dma_wait3A_103 = tpu.memref_squeeze %dma_wait3A_102 : memref<1x2x128xi32, #tpu.memory_space<hbm>> -> memref<2x128xi32, #tpu.memory_space<hbm>>
      %dma_wait3A_104 = arith.constant 0 : i32
      %dma_wait3A_105 = arith.constant 0 : i32
      %dma_wait3A_106 = tpu.memref_slice %arg4[%add3A_98, %dma_wait3A_104, %dma_wait3A_105] : memref<391x2x128xi32, #tpu.memory_space<hbm>> -> memref<1x2x128xi32, #tpu.memory_space<hbm>>
      %dma_wait3A_107 = tpu.memref_squeeze %dma_wait3A_106 : memref<1x2x128xi32, #tpu.memory_space<hbm>> -> memref<2x128xi32, #tpu.memory_space<hbm>>
      tpu.wait_dma2 semaphore(%arg21 : memref<!tpu.dma_semaphore, #tpu.memory_space<semaphore_mem>>) src(%dma_wait3A_107 : memref<2x128xi32, #tpu.memory_space<hbm>>) dst(%arg16 : memref<2x128xi32, #tpu.memory_space<vmem>>)
      %dma_wait3A_108 = arith.constant 0 : i32
      %dma_wait3A_109 = tpu.memref_slice %arg2[%multiple_of3A, %dma_wait3A_108] : memref<100000x128xf32, #tpu.memory_space<hbm>> -> memref<256x128xf32, #tpu.memory_space<hbm>>
      %dma_wait3A_110 = arith.constant 0 : i32
      %dma_wait3A_111 = tpu.memref_slice %arg2[%multiple_of3A, %dma_wait3A_110] : memref<100000x128xf32, #tpu.memory_space<hbm>> -> memref<256x128xf32, #tpu.memory_space<hbm>>
      tpu.wait_dma2 semaphore(%arg22 : memref<!tpu.dma_semaphore, #tpu.memory_space<semaphore_mem>>) src(%dma_wait3A_111 : memref<256x128xf32, #tpu.memory_space<hbm>>) dst(%arg14 : memref<256x128xf32, #tpu.memory_space<vmem>>)
      %dma_start3A = arith.constant 0 : i32
      %dma_start3A_112 = arith.constant 0 : i32
      %dma_start3A_113 = arith.constant 0 : i32
      %dma_start3A_114 = tpu.memref_slice %arg14[%dma_start3A_112, %dma_start3A_113] : memref<256x128xf32, #tpu.memory_space<vmem>> -> memref<128x128xf32, #tpu.memory_space<vmem>>
      %dma_start3A_115 = arith.constant 0 : i32
      %dma_start3A_116 = tpu.memref_slice %arg16[%dma_start3A, %dma_start3A_115] : memref<2x128xi32, #tpu.memory_space<vmem>> -> memref<1x128xi32, #tpu.memory_space<vmem>>
      %dma_start3A_117 = tpu.memref_squeeze %dma_start3A_116 : memref<1x128xi32, #tpu.memory_space<vmem>> -> memref<128xi32, #tpu.memory_space<vmem>>
      %dma_start3A_118 = arith.constant 0 : i32
      %dma_start3A_119 = arith.constant 0 : i32
      %dma_start3A_120 = tpu.memref_slice %arg12[%dma_start3A_118, %dma_start3A_119] : memref<16x128xf32, #tpu.memory_space<vmem_shared>> -> memref<16x128xf32, #tpu.memory_space<vmem_shared>>
      tpu.enqueue_indirect_dma source(%dma_start3A_114 : memref<128x128xf32, #tpu.memory_space<vmem>>) target(%dma_start3A_120 : memref<16x128xf32, #tpu.memory_space<vmem_shared>>) offsets(%dma_start3A_117 : memref<128xi32, #tpu.memory_space<vmem>>) semaphore(%arg25 : memref<!tpu.dma_semaphore, #tpu.memory_space<semaphore_mem>>) {add = true}
      %dma_start3A_121 = arith.constant 1 : i32
      %dma_start3A_122 = arith.constant 128 : i32
      %dma_start3A_123 = arith.constant 0 : i32
      %dma_start3A_124 = tpu.memref_slice %arg14[%dma_start3A_122, %dma_start3A_123] : memref<256x128xf32, #tpu.memory_space<vmem>> -> memref<128x128xf32, #tpu.memory_space<vmem>>
      %dma_start3A_125 = arith.constant 0 : i32
      %dma_start3A_126 = tpu.memref_slice %arg16[%dma_start3A_121, %dma_start3A_125] : memref<2x128xi32, #tpu.memory_space<vmem>> -> memref<1x128xi32, #tpu.memory_space<vmem>>
      %dma_start3A_127 = tpu.memref_squeeze %dma_start3A_126 : memref<1x128xi32, #tpu.memory_space<vmem>> -> memref<128xi32, #tpu.memory_space<vmem>>
      %dma_start3A_128 = arith.constant 0 : i32
      %dma_start3A_129 = arith.constant 0 : i32
      %dma_start3A_130 = tpu.memref_slice %arg12[%dma_start3A_128, %dma_start3A_129] : memref<16x128xf32, #tpu.memory_space<vmem_shared>> -> memref<16x128xf32, #tpu.memory_space<vmem_shared>>
      tpu.enqueue_indirect_dma source(%dma_start3A_124 : memref<128x128xf32, #tpu.memory_space<vmem>>) target(%dma_start3A_130 : memref<16x128xf32, #tpu.memory_space<vmem_shared>>) offsets(%dma_start3A_127 : memref<128xi32, #tpu.memory_space<vmem>>) semaphore(%arg25 : memref<!tpu.dma_semaphore, #tpu.memory_space<semaphore_mem>>) {add = true}
      %get3A = arith.constant 0 : i32
      %get3A_131 = arith.index_cast %get3A : i32 to index
      %get3A_132 = arith.constant 0 : index
      %get3A_133 = tpu.vector_load %arg16[%get3A_131, %get3A_132] {strides = array<i32>} : memref<2x128xi32, #tpu.memory_space<vmem>>, vector<16xi32>,
      tpu.vector_store_idx %arg18[%get3A_133], %broadcast_in_dim3A_1 {add = true} : memref<16xf32, #tpu.memory_space<vmem>>[vector<16xi32>], vector<16xf32>,
      %get3A_134 = arith.constant 0 : i32
      %get3A_135 = arith.index_cast %get3A_134 : i32 to index
      %get3A_136 = arith.constant 16 : index
      %get3A_137 = tpu.vector_load %arg16[%get3A_135, %get3A_136] {strides = array<i32>} : memref<2x128xi32, #tpu.memory_space<vmem>>, vector<16xi32>,
      tpu.vector_store_idx %arg18[%get3A_137], %broadcast_in_dim3A_1 {add = true} : memref<16xf32, #tpu.memory_space<vmem>>[vector<16xi32>], vector<16xf32>,
      %get3A_138 = arith.constant 0 : i32
      %get3A_139 = arith.index_cast %get3A_138 : i32 to index
      %get3A_140 = arith.constant 32 : index
      %get3A_141 = tpu.vector_load %arg16[%get3A_139, %get3A_140] {strides = array<i32>} : memref<2x128xi32, #tpu.memory_space<vmem>>, vector<16xi32>,
      tpu.vector_store_idx %arg18[%get3A_141], %broadcast_in_dim3A_1 {add = true} : memref<16xf32, #tpu.memory_space<vmem>>[vector<16xi32>], vector<16xf32>,
      %get3A_142 = arith.constant 0 : i32
      %get3A_143 = arith.index_cast %get3A_142 : i32 to index
      %get3A_144 = arith.constant 48 : index
      %get3A_145 = tpu.vector_load %arg16[%get3A_143, %get3A_144] {strides = array<i32>} : memref<2x128xi32, #tpu.memory_space<vmem>>, vector<16xi32>,
      tpu.vector_store_idx %arg18[%get3A_145], %broadcast_in_dim3A_1 {add = true} : memref<16xf32, #tpu.memory_space<vmem>>[vector<16xi32>], vector<16xf32>,
      %get3A_146 = arith.constant 0 : i32
      %get3A_147 = arith.index_cast %get3A_146 : i32 to index
      %get3A_148 = arith.constant 64 : index
      %get3A_149 = tpu.vector_load %arg16[%get3A_147, %get3A_148] {strides = array<i32>} : memref<2x128xi32, #tpu.memory_space<vmem>>, vector<16xi32>,
      tpu.vector_store_idx %arg18[%get3A_149], %broadcast_in_dim3A_1 {add = true} : memref<16xf32, #tpu.memory_space<vmem>>[vector<16xi32>], vector<16xf32>,
      %get3A_150 = arith.constant 0 : i32
      %get3A_151 = arith.index_cast %get3A_150 : i32 to index
      %get3A_152 = arith.constant 80 : index
      %get3A_153 = tpu.vector_load %arg16[%get3A_151, %get3A_152] {strides = array<i32>} : memref<2x128xi32, #tpu.memory_space<vmem>>, vector<16xi32>,
      tpu.vector_store_idx %arg18[%get3A_153], %broadcast_in_dim3A_1 {add = true} : memref<16xf32, #tpu.memory_space<vmem>>[vector<16xi32>], vector<16xf32>,
      %get3A_154 = arith.constant 0 : i32
      %get3A_155 = arith.index_cast %get3A_154 : i32 to index
      %get3A_156 = arith.constant 96 : index
      %get3A_157 = tpu.vector_load %arg16[%get3A_155, %get3A_156] {strides = array<i32>} : memref<2x128xi32, #tpu.memory_space<vmem>>, vector<16xi32>,
      tpu.vector_store_idx %arg18[%get3A_157], %broadcast_in_dim3A_1 {add = true} : memref<16xf32, #tpu.memory_space<vmem>>[vector<16xi32>], vector<16xf32>,
      %get3A_158 = arith.constant 0 : i32
      %get3A_159 = arith.index_cast %get3A_158 : i32 to index
      %get3A_160 = arith.constant 112 : index
      %get3A_161 = tpu.vector_load %arg16[%get3A_159, %get3A_160] {strides = array<i32>} : memref<2x128xi32, #tpu.memory_space<vmem>>, vector<16xi32>,
      tpu.vector_store_idx %arg18[%get3A_161], %broadcast_in_dim3A_1 {add = true} : memref<16xf32, #tpu.memory_space<vmem>>[vector<16xi32>], vector<16xf32>,
      %get3A_162 = arith.constant 1 : i32
      %get3A_163 = arith.index_cast %get3A_162 : i32 to index
      %get3A_164 = arith.constant 0 : index
      %get3A_165 = tpu.vector_load %arg16[%get3A_163, %get3A_164] {strides = array<i32>} : memref<2x128xi32, #tpu.memory_space<vmem>>, vector<16xi32>,
      tpu.vector_store_idx %arg18[%get3A_165], %broadcast_in_dim3A_1 {add = true} : memref<16xf32, #tpu.memory_space<vmem>>[vector<16xi32>], vector<16xf32>,
      %get3A_166 = arith.constant 1 : i32
      %get3A_167 = arith.index_cast %get3A_166 : i32 to index
      %get3A_168 = arith.constant 16 : index
      %get3A_169 = tpu.vector_load %arg16[%get3A_167, %get3A_168] {strides = array<i32>} : memref<2x128xi32, #tpu.memory_space<vmem>>, vector<16xi32>,
      tpu.vector_store_idx %arg18[%get3A_169], %broadcast_in_dim3A_1 {add = true} : memref<16xf32, #tpu.memory_space<vmem>>[vector<16xi32>], vector<16xf32>,
      %get3A_170 = arith.constant 1 : i32
      %get3A_171 = arith.index_cast %get3A_170 : i32 to index
      %get3A_172 = arith.constant 32 : index
      %get3A_173 = tpu.vector_load %arg16[%get3A_171, %get3A_172] {strides = array<i32>} : memref<2x128xi32, #tpu.memory_space<vmem>>, vector<16xi32>,
      tpu.vector_store_idx %arg18[%get3A_173], %broadcast_in_dim3A_1 {add = true} : memref<16xf32, #tpu.memory_space<vmem>>[vector<16xi32>], vector<16xf32>,
      %get3A_174 = arith.constant 1 : i32
      %get3A_175 = arith.index_cast %get3A_174 : i32 to index
      %get3A_176 = arith.constant 48 : index
      %get3A_177 = tpu.vector_load %arg16[%get3A_175, %get3A_176] {strides = array<i32>} : memref<2x128xi32, #tpu.memory_space<vmem>>, vector<16xi32>,
      tpu.vector_store_idx %arg18[%get3A_177], %broadcast_in_dim3A_1 {add = true} : memref<16xf32, #tpu.memory_space<vmem>>[vector<16xi32>], vector<16xf32>,
      %get3A_178 = arith.constant 1 : i32
      %get3A_179 = arith.index_cast %get3A_178 : i32 to index
      %get3A_180 = arith.constant 64 : index
      %get3A_181 = tpu.vector_load %arg16[%get3A_179, %get3A_180] {strides = array<i32>} : memref<2x128xi32, #tpu.memory_space<vmem>>, vector<16xi32>,
      tpu.vector_store_idx %arg18[%get3A_181], %broadcast_in_dim3A_1 {add = true} : memref<16xf32, #tpu.memory_space<vmem>>[vector<16xi32>], vector<16xf32>,
      %get3A_182 = arith.constant 1 : i32
      %get3A_183 = arith.index_cast %get3A_182 : i32 to index
      %get3A_184 = arith.constant 80 : index
      %get3A_185 = tpu.vector_load %arg16[%get3A_183, %get3A_184] {strides = array<i32>} : memref<2x128xi32, #tpu.memory_space<vmem>>, vector<16xi32>,
      tpu.vector_store_idx %arg18[%get3A_185], %broadcast_in_dim3A_1 {add = true} : memref<16xf32, #tpu.memory_space<vmem>>[vector<16xi32>], vector<16xf32>,
      %get3A_186 = arith.constant 1 : i32
      %get3A_187 = arith.index_cast %get3A_186 : i32 to index
      %get3A_188 = arith.constant 96 : index
      %get3A_189 = tpu.vector_load %arg16[%get3A_187, %get3A_188] {strides = array<i32>} : memref<2x128xi32, #tpu.memory_space<vmem>>, vector<16xi32>,
      tpu.vector_store_idx %arg18[%get3A_189], %broadcast_in_dim3A_1 {add = true} : memref<16xf32, #tpu.memory_space<vmem>>[vector<16xi32>], vector<16xf32>,
      %get3A_190 = arith.constant 1 : i32
      %get3A_191 = arith.index_cast %get3A_190 : i32 to index
      %get3A_192 = arith.constant 112 : index
      %get3A_193 = tpu.vector_load %arg16[%get3A_191, %get3A_192] {strides = array<i32>} : memref<2x128xi32, #tpu.memory_space<vmem>>, vector<16xi32>,
      tpu.vector_store_idx %arg18[%get3A_193], %broadcast_in_dim3A_1 {add = true} : memref<16xf32, #tpu.memory_space<vmem>>[vector<16xi32>], vector<16xf32>,
      %dma_wait3A_194 = arith.constant 0 : i32
      %dma_wait3A_195 = arith.constant 0 : i32
      %dma_wait3A_196 = arith.constant 0 : i32
      %dma_wait3A_197 = tpu.memref_slice %arg14[%dma_wait3A_195, %dma_wait3A_196] : memref<256x128xf32, #tpu.memory_space<vmem>> -> memref<128x128xf32, #tpu.memory_space<vmem>>
      %dma_wait3A_198 = arith.constant 0 : i32
      %dma_wait3A_199 = tpu.memref_slice %arg16[%dma_wait3A_194, %dma_wait3A_198] : memref<2x128xi32, #tpu.memory_space<vmem>> -> memref<1x128xi32, #tpu.memory_space<vmem>>
      %dma_wait3A_200 = tpu.memref_squeeze %dma_wait3A_199 : memref<1x128xi32, #tpu.memory_space<vmem>> -> memref<128xi32, #tpu.memory_space<vmem>>
      %dma_wait3A_201 = arith.constant 0 : i32
      %dma_wait3A_202 = arith.constant 0 : i32
      %dma_wait3A_203 = tpu.memref_slice %arg12[%dma_wait3A_201, %dma_wait3A_202] : memref<16x128xf32, #tpu.memory_space<vmem_shared>> -> memref<16x128xf32, #tpu.memory_space<vmem_shared>>
      tpu.wait_indirect_dma semaphore(%arg25 : memref<!tpu.dma_semaphore, #tpu.memory_space<semaphore_mem>>) src(%dma_wait3A_197 : memref<128x128xf32, #tpu.memory_space<vmem>>) dst(%dma_wait3A_203 : memref<16x128xf32, #tpu.memory_space<vmem_shared>>)
      %dma_wait3A_204 = arith.constant 1 : i32
      %dma_wait3A_205 = arith.constant 128 : i32
      %dma_wait3A_206 = arith.constant 0 : i32
      %dma_wait3A_207 = tpu.memref_slice %arg14[%dma_wait3A_205, %dma_wait3A_206] : memref<256x128xf32, #tpu.memory_space<vmem>> -> memref<128x128xf32, #tpu.memory_space<vmem>>
      %dma_wait3A_208 = arith.constant 0 : i32
      %dma_wait3A_209 = tpu.memref_slice %arg16[%dma_wait3A_204, %dma_wait3A_208] : memref<2x128xi32, #tpu.memory_space<vmem>> -> memref<1x128xi32, #tpu.memory_space<vmem>>
      %dma_wait3A_210 = tpu.memref_squeeze %dma_wait3A_209 : memref<1x128xi32, #tpu.memory_space<vmem>> -> memref<128xi32, #tpu.memory_space<vmem>>
      %dma_wait3A_211 = arith.constant 0 : i32
      %dma_wait3A_212 = arith.constant 0 : i32
      %dma_wait3A_213 = tpu.memref_slice %arg12[%dma_wait3A_211, %dma_wait3A_212] : memref<16x128xf32, #tpu.memory_space<vmem_shared>> -> memref<16x128xf32, #tpu.memory_space<vmem_shared>>
      tpu.wait_indirect_dma semaphore(%arg25 : memref<!tpu.dma_semaphore, #tpu.memory_space<semaphore_mem>>) src(%dma_wait3A_207 : memref<128x128xf32, #tpu.memory_space<vmem>>) dst(%dma_wait3A_213 : memref<16x128xf32, #tpu.memory_space<vmem_shared>>)
      %add3A_214 = arith.constant 64 : i32
      %add3A_215 = arith.addi %add3A_98, %add3A_214 : i32
      %lt3A_216 = arith.constant 390 : i32
      %lt3A_217 = arith.cmpi slt, %add3A_215, %lt3A_216 : i32
      %convert_element_type3A_218 = arith.extui %lt3A_217 : i1 to i32
      %cond3A_219 = arith.constant 0 : i32
      %cond3A_220 = arith.cmpi ne, %convert_element_type3A_218, %cond3A_219 : i32
      scf.if %cond3A_220 {
        %add3A_228 = arith.constant 64 : i32
        %add3A_229 = arith.addi %add3A_98, %add3A_228 : i32
        %mul3A_230 = arith.constant 256 : i32
        %mul3A_231 = arith.muli %add3A_229, %mul3A_230 : i32
        %multiple_of3A_232 = tpu.assume_multiple %mul3A_231, 256 : i32
        %dma_start3A_233 = arith.constant 0 : i32
        %dma_start3A_234 = arith.constant 0 : i32
        %dma_start3A_235 = tpu.memref_slice %arg4[%add3A_229, %dma_start3A_233, %dma_start3A_234] : memref<391x2x128xi32, #tpu.memory_space<hbm>> -> memref<1x2x128xi32, #tpu.memory_space<hbm>>
        %dma_start3A_236 = tpu.memref_squeeze %dma_start3A_235 : memref<1x2x128xi32, #tpu.memory_space<hbm>> -> memref<2x128xi32, #tpu.memory_space<hbm>>
        %dma_start3A_237 = arith.constant 0 : i32
        %dma_start3A_238 = arith.constant 0 : i32
        %dma_start3A_239 = tpu.memref_slice %arg4[%add3A_229, %dma_start3A_237, %dma_start3A_238] : memref<391x2x128xi32, #tpu.memory_space<hbm>> -> memref<1x2x128xi32, #tpu.memory_space<hbm>>
        %dma_start3A_240 = tpu.memref_squeeze %dma_start3A_239 : memref<1x2x128xi32, #tpu.memory_space<hbm>> -> memref<2x128xi32, #tpu.memory_space<hbm>>
        tpu.enqueue_dma source(%dma_start3A_240 : memref<2x128xi32, #tpu.memory_space<hbm>>) target(%arg16 : memref<2x128xi32, #tpu.memory_space<vmem>>) target_semaphore(%arg21 : memref<!tpu.dma_semaphore, #tpu.memory_space<semaphore_mem>>)
        %dma_start3A_241 = arith.constant 0 : i32
        %dma_start3A_242 = tpu.memref_slice %arg2[%multiple_of3A_232, %dma_start3A_241] : memref<100000x128xf32, #tpu.memory_space<hbm>> -> memref<256x128xf32, #tpu.memory_space<hbm>>
        %dma_start3A_243 = arith.constant 0 : i32
        %dma_start3A_244 = tpu.memref_slice %arg2[%multiple_of3A_232, %dma_start3A_243] : memref<100000x128xf32, #tpu.memory_space<hbm>> -> memref<256x128xf32, #tpu.memory_space<hbm>>
        tpu.enqueue_dma source(%dma_start3A_244 : memref<256x128xf32, #tpu.memory_space<hbm>>) target(%arg14 : memref<256x128xf32, #tpu.memory_space<vmem>>) target_semaphore(%arg22 : memref<!tpu.dma_semaphore, #tpu.memory_space<semaphore_mem>>)
      } else {
      }
      %add3A_221 = arith.constant 32 : i32
      %add3A_222 = arith.addi %add3A_98, %add3A_221 : i32
      %lt3A_223 = arith.constant 390 : i32
      %lt3A_224 = arith.cmpi slt, %add3A_222, %lt3A_223 : i32
      %convert_element_type3A_225 = arith.extui %lt3A_224 : i1 to i32
      %cond3A_226 = arith.constant 0 : i32
      %cond3A_227 = arith.cmpi ne, %convert_element_type3A_225, %cond3A_226 : i32
      scf.if %cond3A_227 {
        %add3A_228 = arith.constant 32 : i32
        %add3A_229 = arith.addi %add3A_98, %add3A_228 : i32
        %mul3A_230 = arith.constant 256 : i32
        %mul3A_231 = arith.muli %add3A_229, %mul3A_230 : i32
        %multiple_of3A_232 = tpu.assume_multiple %mul3A_231, 256 : i32
        %dma_wait3A_233 = arith.constant 0 : i32
        %dma_wait3A_234 = arith.constant 0 : i32
        %dma_wait3A_235 = tpu.memref_slice %arg4[%add3A_229, %dma_wait3A_233, %dma_wait3A_234] : memref<391x2x128xi32, #tpu.memory_space<hbm>> -> memref<1x2x128xi32, #tpu.memory_space<hbm>>
        %dma_wait3A_236 = tpu.memref_squeeze %dma_wait3A_235 : memref<1x2x128xi32, #tpu.memory_space<hbm>> -> memref<2x128xi32, #tpu.memory_space<hbm>>
        %dma_wait3A_237 = arith.constant 0 : i32
        %dma_wait3A_238 = arith.constant 0 : i32
        %dma_wait3A_239 = tpu.memref_slice %arg4[%add3A_229, %dma_wait3A_237, %dma_wait3A_238] : memref<391x2x128xi32, #tpu.memory_space<hbm>> -> memref<1x2x128xi32, #tpu.memory_space<hbm>>
        %dma_wait3A_240 = tpu.memref_squeeze %dma_wait3A_239 : memref<1x2x128xi32, #tpu.memory_space<hbm>> -> memref<2x128xi32, #tpu.memory_space<hbm>>
        tpu.wait_dma2 semaphore(%arg23 : memref<!tpu.dma_semaphore, #tpu.memory_space<semaphore_mem>>) src(%dma_wait3A_240 : memref<2x128xi32, #tpu.memory_space<hbm>>) dst(%arg17 : memref<2x128xi32, #tpu.memory_space<vmem>>)
        %dma_wait3A_241 = arith.constant 0 : i32
        %dma_wait3A_242 = tpu.memref_slice %arg2[%multiple_of3A_232, %dma_wait3A_241] : memref<100000x128xf32, #tpu.memory_space<hbm>> -> memref<256x128xf32, #tpu.memory_space<hbm>>
        %dma_wait3A_243 = arith.constant 0 : i32
        %dma_wait3A_244 = tpu.memref_slice %arg2[%multiple_of3A_232, %dma_wait3A_243] : memref<100000x128xf32, #tpu.memory_space<hbm>> -> memref<256x128xf32, #tpu.memory_space<hbm>>
        tpu.wait_dma2 semaphore(%arg24 : memref<!tpu.dma_semaphore, #tpu.memory_space<semaphore_mem>>) src(%dma_wait3A_244 : memref<256x128xf32, #tpu.memory_space<hbm>>) dst(%arg15 : memref<256x128xf32, #tpu.memory_space<vmem>>)
        %dma_start3A_245 = arith.constant 0 : i32
        %dma_start3A_246 = arith.constant 0 : i32
        %dma_start3A_247 = arith.constant 0 : i32
        %dma_start3A_248 = tpu.memref_slice %arg15[%dma_start3A_246, %dma_start3A_247] : memref<256x128xf32, #tpu.memory_space<vmem>> -> memref<128x128xf32, #tpu.memory_space<vmem>>
        %dma_start3A_249 = arith.constant 0 : i32
        %dma_start3A_250 = tpu.memref_slice %arg17[%dma_start3A_245, %dma_start3A_249] : memref<2x128xi32, #tpu.memory_space<vmem>> -> memref<1x128xi32, #tpu.memory_space<vmem>>
        %dma_start3A_251 = tpu.memref_squeeze %dma_start3A_250 : memref<1x128xi32, #tpu.memory_space<vmem>> -> memref<128xi32, #tpu.memory_space<vmem>>
        %dma_start3A_252 = arith.constant 0 : i32
        %dma_start3A_253 = arith.constant 0 : i32
        %dma_start3A_254 = tpu.memref_slice %arg12[%dma_start3A_252, %dma_start3A_253] : memref<16x128xf32, #tpu.memory_space<vmem_shared>> -> memref<16x128xf32, #tpu.memory_space<vmem_shared>>
        tpu.enqueue_indirect_dma source(%dma_start3A_248 : memref<128x128xf32, #tpu.memory_space<vmem>>) target(%dma_start3A_254 : memref<16x128xf32, #tpu.memory_space<vmem_shared>>) offsets(%dma_start3A_251 : memref<128xi32, #tpu.memory_space<vmem>>) semaphore(%arg26 : memref<!tpu.dma_semaphore, #tpu.memory_space<semaphore_mem>>) {add = true}
        %dma_start3A_255 = arith.constant 1 : i32
        %dma_start3A_256 = arith.constant 128 : i32
        %dma_start3A_257 = arith.constant 0 : i32
        %dma_start3A_258 = tpu.memref_slice %arg15[%dma_start3A_256, %dma_start3A_257] : memref<256x128xf32, #tpu.memory_space<vmem>> -> memref<128x128xf32, #tpu.memory_space<vmem>>
        %dma_start3A_259 = arith.constant 0 : i32
        %dma_start3A_260 = tpu.memref_slice %arg17[%dma_start3A_255, %dma_start3A_259] : memref<2x128xi32, #tpu.memory_space<vmem>> -> memref<1x128xi32, #tpu.memory_space<vmem>>
        %dma_start3A_261 = tpu.memref_squeeze %dma_start3A_260 : memref<1x128xi32, #tpu.memory_space<vmem>> -> memref<128xi32, #tpu.memory_space<vmem>>
        %dma_start3A_262 = arith.constant 0 : i32
        %dma_start3A_263 = arith.constant 0 : i32
        %dma_start3A_264 = tpu.memref_slice %arg12[%dma_start3A_262, %dma_start3A_263] : memref<16x128xf32, #tpu.memory_space<vmem_shared>> -> memref<16x128xf32, #tpu.memory_space<vmem_shared>>
        tpu.enqueue_indirect_dma source(%dma_start3A_258 : memref<128x128xf32, #tpu.memory_space<vmem>>) target(%dma_start3A_264 : memref<16x128xf32, #tpu.memory_space<vmem_shared>>) offsets(%dma_start3A_261 : memref<128xi32, #tpu.memory_space<vmem>>) semaphore(%arg26 : memref<!tpu.dma_semaphore, #tpu.memory_space<semaphore_mem>>) {add = true}
        %get3A_265 = arith.constant 0 : i32
        %get3A_266 = arith.index_cast %get3A_265 : i32 to index
        %get3A_267 = arith.constant 0 : index
        %get3A_268 = tpu.vector_load %arg17[%get3A_266, %get3A_267] {strides = array<i32>} : memref<2x128xi32, #tpu.memory_space<vmem>>, vector<16xi32>,
        tpu.vector_store_idx %arg18[%get3A_268], %broadcast_in_dim3A_1 {add = true} : memref<16xf32, #tpu.memory_space<vmem>>[vector<16xi32>], vector<16xf32>,
        %get3A_269 = arith.constant 0 : i32
        %get3A_270 = arith.index_cast %get3A_269 : i32 to index
        %get3A_271 = arith.constant 16 : index
        %get3A_272 = tpu.vector_load %arg17[%get3A_270, %get3A_271] {strides = array<i32>} : memref<2x128xi32, #tpu.memory_space<vmem>>, vector<16xi32>,
        tpu.vector_store_idx %arg18[%get3A_272], %broadcast_in_dim3A_1 {add = true} : memref<16xf32, #tpu.memory_space<vmem>>[vector<16xi32>], vector<16xf32>,
        %get3A_273 = arith.constant 0 : i32
        %get3A_274 = arith.index_cast %get3A_273 : i32 to index
        %get3A_275 = arith.constant 32 : index
        %get3A_276 = tpu.vector_load %arg17[%get3A_274, %get3A_275] {strides = array<i32>} : memref<2x128xi32, #tpu.memory_space<vmem>>, vector<16xi32>,
        tpu.vector_store_idx %arg18[%get3A_276], %broadcast_in_dim3A_1 {add = true} : memref<16xf32, #tpu.memory_space<vmem>>[vector<16xi32>], vector<16xf32>,
        %get3A_277 = arith.constant 0 : i32
        %get3A_278 = arith.index_cast %get3A_277 : i32 to index
        %get3A_279 = arith.constant 48 : index
        %get3A_280 = tpu.vector_load %arg17[%get3A_278, %get3A_279] {strides = array<i32>} : memref<2x128xi32, #tpu.memory_space<vmem>>, vector<16xi32>,
        tpu.vector_store_idx %arg18[%get3A_280], %broadcast_in_dim3A_1 {add = true} : memref<16xf32, #tpu.memory_space<vmem>>[vector<16xi32>], vector<16xf32>,
        %get3A_281 = arith.constant 0 : i32
        %get3A_282 = arith.index_cast %get3A_281 : i32 to index
        %get3A_283 = arith.constant 64 : index
        %get3A_284 = tpu.vector_load %arg17[%get3A_282, %get3A_283] {strides = array<i32>} : memref<2x128xi32, #tpu.memory_space<vmem>>, vector<16xi32>,
        tpu.vector_store_idx %arg18[%get3A_284], %broadcast_in_dim3A_1 {add = true} : memref<16xf32, #tpu.memory_space<vmem>>[vector<16xi32>], vector<16xf32>,
        %get3A_285 = arith.constant 0 : i32
        %get3A_286 = arith.index_cast %get3A_285 : i32 to index
        %get3A_287 = arith.constant 80 : index
        %get3A_288 = tpu.vector_load %arg17[%get3A_286, %get3A_287] {strides = array<i32>} : memref<2x128xi32, #tpu.memory_space<vmem>>, vector<16xi32>,
        tpu.vector_store_idx %arg18[%get3A_288], %broadcast_in_dim3A_1 {add = true} : memref<16xf32, #tpu.memory_space<vmem>>[vector<16xi32>], vector<16xf32>,
        %get3A_289 = arith.constant 0 : i32
        %get3A_290 = arith.index_cast %get3A_289 : i32 to index
        %get3A_291 = arith.constant 96 : index
        %get3A_292 = tpu.vector_load %arg17[%get3A_290, %get3A_291] {strides = array<i32>} : memref<2x128xi32, #tpu.memory_space<vmem>>, vector<16xi32>,
        tpu.vector_store_idx %arg18[%get3A_292], %broadcast_in_dim3A_1 {add = true} : memref<16xf32, #tpu.memory_space<vmem>>[vector<16xi32>], vector<16xf32>,
        %get3A_293 = arith.constant 0 : i32
        %get3A_294 = arith.index_cast %get3A_293 : i32 to index
        %get3A_295 = arith.constant 112 : index
        %get3A_296 = tpu.vector_load %arg17[%get3A_294, %get3A_295] {strides = array<i32>} : memref<2x128xi32, #tpu.memory_space<vmem>>, vector<16xi32>,
        tpu.vector_store_idx %arg18[%get3A_296], %broadcast_in_dim3A_1 {add = true} : memref<16xf32, #tpu.memory_space<vmem>>[vector<16xi32>], vector<16xf32>,
        %get3A_297 = arith.constant 1 : i32
        %get3A_298 = arith.index_cast %get3A_297 : i32 to index
        %get3A_299 = arith.constant 0 : index
        %get3A_300 = tpu.vector_load %arg17[%get3A_298, %get3A_299] {strides = array<i32>} : memref<2x128xi32, #tpu.memory_space<vmem>>, vector<16xi32>,
        tpu.vector_store_idx %arg18[%get3A_300], %broadcast_in_dim3A_1 {add = true} : memref<16xf32, #tpu.memory_space<vmem>>[vector<16xi32>], vector<16xf32>,
        %get3A_301 = arith.constant 1 : i32
        %get3A_302 = arith.index_cast %get3A_301 : i32 to index
        %get3A_303 = arith.constant 16 : index
        %get3A_304 = tpu.vector_load %arg17[%get3A_302, %get3A_303] {strides = array<i32>} : memref<2x128xi32, #tpu.memory_space<vmem>>, vector<16xi32>,
        tpu.vector_store_idx %arg18[%get3A_304], %broadcast_in_dim3A_1 {add = true} : memref<16xf32, #tpu.memory_space<vmem>>[vector<16xi32>], vector<16xf32>,
        %get3A_305 = arith.constant 1 : i32
        %get3A_306 = arith.index_cast %get3A_305 : i32 to index
        %get3A_307 = arith.constant 32 : index
        %get3A_308 = tpu.vector_load %arg17[%get3A_306, %get3A_307] {strides = array<i32>} : memref<2x128xi32, #tpu.memory_space<vmem>>, vector<16xi32>,
        tpu.vector_store_idx %arg18[%get3A_308], %broadcast_in_dim3A_1 {add = true} : memref<16xf32, #tpu.memory_space<vmem>>[vector<16xi32>], vector<16xf32>,
        %get3A_309 = arith.constant 1 : i32
        %get3A_310 = arith.index_cast %get3A_309 : i32 to index
        %get3A_311 = arith.constant 48 : index
        %get3A_312 = tpu.vector_load %arg17[%get3A_310, %get3A_311] {strides = array<i32>} : memref<2x128xi32, #tpu.memory_space<vmem>>, vector<16xi32>,
        tpu.vector_store_idx %arg18[%get3A_312], %broadcast_in_dim3A_1 {add = true} : memref<16xf32, #tpu.memory_space<vmem>>[vector<16xi32>], vector<16xf32>,
        %get3A_313 = arith.constant 1 : i32
        %get3A_314 = arith.index_cast %get3A_313 : i32 to index
        %get3A_315 = arith.constant 64 : index
        %get3A_316 = tpu.vector_load %arg17[%get3A_314, %get3A_315] {strides = array<i32>} : memref<2x128xi32, #tpu.memory_space<vmem>>, vector<16xi32>,
        tpu.vector_store_idx %arg18[%get3A_316], %broadcast_in_dim3A_1 {add = true} : memref<16xf32, #tpu.memory_space<vmem>>[vector<16xi32>], vector<16xf32>,
        %get3A_317 = arith.constant 1 : i32
        %get3A_318 = arith.index_cast %get3A_317 : i32 to index
        %get3A_319 = arith.constant 80 : index
        %get3A_320 = tpu.vector_load %arg17[%get3A_318, %get3A_319] {strides = array<i32>} : memref<2x128xi32, #tpu.memory_space<vmem>>, vector<16xi32>,
        tpu.vector_store_idx %arg18[%get3A_320], %broadcast_in_dim3A_1 {add = true} : memref<16xf32, #tpu.memory_space<vmem>>[vector<16xi32>], vector<16xf32>,
        %get3A_321 = arith.constant 1 : i32
        %get3A_322 = arith.index_cast %get3A_321 : i32 to index
        %get3A_323 = arith.constant 96 : index
        %get3A_324 = tpu.vector_load %arg17[%get3A_322, %get3A_323] {strides = array<i32>} : memref<2x128xi32, #tpu.memory_space<vmem>>, vector<16xi32>,
        tpu.vector_store_idx %arg18[%get3A_324], %broadcast_in_dim3A_1 {add = true} : memref<16xf32, #tpu.memory_space<vmem>>[vector<16xi32>], vector<16xf32>,
        %get3A_325 = arith.constant 1 : i32
        %get3A_326 = arith.index_cast %get3A_325 : i32 to index
        %get3A_327 = arith.constant 112 : index
        %get3A_328 = tpu.vector_load %arg17[%get3A_326, %get3A_327] {strides = array<i32>} : memref<2x128xi32, #tpu.memory_space<vmem>>, vector<16xi32>,
        tpu.vector_store_idx %arg18[%get3A_328], %broadcast_in_dim3A_1 {add = true} : memref<16xf32, #tpu.memory_space<vmem>>[vector<16xi32>], vector<16xf32>,
        %dma_wait3A_329 = arith.constant 0 : i32
        %dma_wait3A_330 = arith.constant 0 : i32
        %dma_wait3A_331 = arith.constant 0 : i32
        %dma_wait3A_332 = tpu.memref_slice %arg15[%dma_wait3A_330, %dma_wait3A_331] : memref<256x128xf32, #tpu.memory_space<vmem>> -> memref<128x128xf32, #tpu.memory_space<vmem>>
        %dma_wait3A_333 = arith.constant 0 : i32
        %dma_wait3A_334 = tpu.memref_slice %arg17[%dma_wait3A_329, %dma_wait3A_333] : memref<2x128xi32, #tpu.memory_space<vmem>> -> memref<1x128xi32, #tpu.memory_space<vmem>>
        %dma_wait3A_335 = tpu.memref_squeeze %dma_wait3A_334 : memref<1x128xi32, #tpu.memory_space<vmem>> -> memref<128xi32, #tpu.memory_space<vmem>>
        %dma_wait3A_336 = arith.constant 0 : i32
        %dma_wait3A_337 = arith.constant 0 : i32
        %dma_wait3A_338 = tpu.memref_slice %arg12[%dma_wait3A_336, %dma_wait3A_337] : memref<16x128xf32, #tpu.memory_space<vmem_shared>> -> memref<16x128xf32, #tpu.memory_space<vmem_shared>>
        tpu.wait_indirect_dma semaphore(%arg26 : memref<!tpu.dma_semaphore, #tpu.memory_space<semaphore_mem>>) src(%dma_wait3A_332 : memref<128x128xf32, #tpu.memory_space<vmem>>) dst(%dma_wait3A_338 : memref<16x128xf32, #tpu.memory_space<vmem_shared>>)
        %dma_wait3A_339 = arith.constant 1 : i32
        %dma_wait3A_340 = arith.constant 128 : i32
        %dma_wait3A_341 = arith.constant 0 : i32
        %dma_wait3A_342 = tpu.memref_slice %arg15[%dma_wait3A_340, %dma_wait3A_341] : memref<256x128xf32, #tpu.memory_space<vmem>> -> memref<128x128xf32, #tpu.memory_space<vmem>>
        %dma_wait3A_343 = arith.constant 0 : i32
        %dma_wait3A_344 = tpu.memref_slice %arg17[%dma_wait3A_339, %dma_wait3A_343] : memref<2x128xi32, #tpu.memory_space<vmem>> -> memref<1x128xi32, #tpu.memory_space<vmem>>
        %dma_wait3A_345 = tpu.memref_squeeze %dma_wait3A_344 : memref<1x128xi32, #tpu.memory_space<vmem>> -> memref<128xi32, #tpu.memory_space<vmem>>
        %dma_wait3A_346 = arith.constant 0 : i32
        %dma_wait3A_347 = arith.constant 0 : i32
        %dma_wait3A_348 = tpu.memref_slice %arg12[%dma_wait3A_346, %dma_wait3A_347] : memref<16x128xf32, #tpu.memory_space<vmem_shared>> -> memref<16x128xf32, #tpu.memory_space<vmem_shared>>
        tpu.wait_indirect_dma semaphore(%arg26 : memref<!tpu.dma_semaphore, #tpu.memory_space<semaphore_mem>>) src(%dma_wait3A_342 : memref<128x128xf32, #tpu.memory_space<vmem>>) dst(%dma_wait3A_348 : memref<16x128xf32, #tpu.memory_space<vmem_shared>>)
        %add3A_349 = arith.constant 64 : i32
        %add3A_350 = arith.addi %add3A_229, %add3A_349 : i32
        %lt3A_351 = arith.constant 390 : i32
        %lt3A_352 = arith.cmpi slt, %add3A_350, %lt3A_351 : i32
        %convert_element_type3A_353 = arith.extui %lt3A_352 : i1 to i32
        %cond3A_354 = arith.constant 0 : i32
        %cond3A_355 = arith.cmpi ne, %convert_element_type3A_353, %cond3A_354 : i32
        scf.if %cond3A_355 {
          %add3A_356 = arith.constant 64 : i32
          %add3A_357 = arith.addi %add3A_229, %add3A_356 : i32
          %mul3A_358 = arith.constant 256 : i32
          %mul3A_359 = arith.muli %add3A_357, %mul3A_358 : i32
          %multiple_of3A_360 = tpu.assume_multiple %mul3A_359, 256 : i32
          %dma_start3A_361 = arith.constant 0 : i32
          %dma_start3A_362 = arith.constant 0 : i32
          %dma_start3A_363 = tpu.memref_slice %arg4[%add3A_357, %dma_start3A_361, %dma_start3A_362] : memref<391x2x128xi32, #tpu.memory_space<hbm>> -> memref<1x2x128xi32, #tpu.memory_space<hbm>>
          %dma_start3A_364 = tpu.memref_squeeze %dma_start3A_363 : memref<1x2x128xi32, #tpu.memory_space<hbm>> -> memref<2x128xi32, #tpu.memory_space<hbm>>
          %dma_start3A_365 = arith.constant 0 : i32
          %dma_start3A_366 = arith.constant 0 : i32
          %dma_start3A_367 = tpu.memref_slice %arg4[%add3A_357, %dma_start3A_365, %dma_start3A_366] : memref<391x2x128xi32, #tpu.memory_space<hbm>> -> memref<1x2x128xi32, #tpu.memory_space<hbm>>
          %dma_start3A_368 = tpu.memref_squeeze %dma_start3A_367 : memref<1x2x128xi32, #tpu.memory_space<hbm>> -> memref<2x128xi32, #tpu.memory_space<hbm>>
          tpu.enqueue_dma source(%dma_start3A_368 : memref<2x128xi32, #tpu.memory_space<hbm>>) target(%arg17 : memref<2x128xi32, #tpu.memory_space<vmem>>) target_semaphore(%arg23 : memref<!tpu.dma_semaphore, #tpu.memory_space<semaphore_mem>>)
          %dma_start3A_369 = arith.constant 0 : i32
          %dma_start3A_370 = tpu.memref_slice %arg2[%multiple_of3A_360, %dma_start3A_369] : memref<100000x128xf32, #tpu.memory_space<hbm>> -> memref<256x128xf32, #tpu.memory_space<hbm>>
          %dma_start3A_371 = arith.constant 0 : i32
          %dma_start3A_372 = tpu.memref_slice %arg2[%multiple_of3A_360, %dma_start3A_371] : memref<100000x128xf32, #tpu.memory_space<hbm>> -> memref<256x128xf32, #tpu.memory_space<hbm>>
          tpu.enqueue_dma source(%dma_start3A_372 : memref<256x128xf32, #tpu.memory_space<hbm>>) target(%arg15 : memref<256x128xf32, #tpu.memory_space<vmem>>) target_semaphore(%arg24 : memref<!tpu.dma_semaphore, #tpu.memory_space<semaphore_mem>>)
        } else {
        }
      } else {
      }
    }
    %while3A_36 = arith.constant 1 : i32
    scf.for %while3A_96 = %while3A_34 to %while3A_30 step %while3A_36  : i32 {
      %mul3A_97 = arith.muli %while3A_96, %while3A : i32
      %add3A_98 = arith.addi %add3A, %mul3A_97 : i32
      %mul3A_99 = arith.constant 256 : i32
      %mul3A_100 = arith.muli %add3A_98, %mul3A_99 : i32
      %multiple_of3A = tpu.assume_multiple %mul3A_100, 256 : i32
      %dma_wait3A = arith.constant 0 : i32
      %dma_wait3A_101 = arith.constant 0 : i32
      %dma_wait3A_102 = tpu.memref_slice %arg4[%add3A_98, %dma_wait3A, %dma_wait3A_101] : memref<391x2x128xi32, #tpu.memory_space<hbm>> -> memref<1x2x128xi32, #tpu.memory_space<hbm>>
      %dma_wait3A_103 = tpu.memref_squeeze %dma_wait3A_102 : memref<1x2x128xi32, #tpu.memory_space<hbm>> -> memref<2x128xi32, #tpu.memory_space<hbm>>
      %dma_wait3A_104 = arith.constant 0 : i32
      %dma_wait3A_105 = arith.constant 0 : i32
      %dma_wait3A_106 = tpu.memref_slice %arg4[%add3A_98, %dma_wait3A_104, %dma_wait3A_105] : memref<391x2x128xi32, #tpu.memory_space<hbm>> -> memref<1x2x128xi32, #tpu.memory_space<hbm>>
      %dma_wait3A_107 = tpu.memref_squeeze %dma_wait3A_106 : memref<1x2x128xi32, #tpu.memory_space<hbm>> -> memref<2x128xi32, #tpu.memory_space<hbm>>
      tpu.wait_dma2 semaphore(%arg21 : memref<!tpu.dma_semaphore, #tpu.memory_space<semaphore_mem>>) src(%dma_wait3A_107 : memref<2x128xi32, #tpu.memory_space<hbm>>) dst(%arg16 : memref<2x128xi32, #tpu.memory_space<vmem>>)
      %dma_wait3A_108 = arith.constant 0 : i32
      %dma_wait3A_109 = tpu.memref_slice %arg2[%multiple_of3A, %dma_wait3A_108] : memref<100000x128xf32, #tpu.memory_space<hbm>> -> memref<256x128xf32, #tpu.memory_space<hbm>>
      %dma_wait3A_110 = arith.constant 0 : i32
      %dma_wait3A_111 = tpu.memref_slice %arg2[%multiple_of3A, %dma_wait3A_110] : memref<100000x128xf32, #tpu.memory_space<hbm>> -> memref<256x128xf32, #tpu.memory_space<hbm>>
      tpu.wait_dma2 semaphore(%arg22 : memref<!tpu.dma_semaphore, #tpu.memory_space<semaphore_mem>>) src(%dma_wait3A_111 : memref<256x128xf32, #tpu.memory_space<hbm>>) dst(%arg14 : memref<256x128xf32, #tpu.memory_space<vmem>>)
      %dma_start3A = arith.constant 0 : i32
      %dma_start3A_112 = arith.constant 0 : i32
      %dma_start3A_113 = arith.constant 0 : i32
      %dma_start3A_114 = tpu.memref_slice %arg14[%dma_start3A_112, %dma_start3A_113] : memref<256x128xf32, #tpu.memory_space<vmem>> -> memref<128x128xf32, #tpu.memory_space<vmem>>
      %dma_start3A_115 = arith.constant 0 : i32
      %dma_start3A_116 = tpu.memref_slice %arg16[%dma_start3A, %dma_start3A_115] : memref<2x128xi32, #tpu.memory_space<vmem>> -> memref<1x128xi32, #tpu.memory_space<vmem>>
      %dma_start3A_117 = tpu.memref_squeeze %dma_start3A_116 : memref<1x128xi32, #tpu.memory_space<vmem>> -> memref<128xi32, #tpu.memory_space<vmem>>
      %dma_start3A_118 = arith.constant 0 : i32
      %dma_start3A_119 = arith.constant 0 : i32
      %dma_start3A_120 = tpu.memref_slice %arg12[%dma_start3A_118, %dma_start3A_119] : memref<16x128xf32, #tpu.memory_space<vmem_shared>> -> memref<16x128xf32, #tpu.memory_space<vmem_shared>>
      tpu.enqueue_indirect_dma source(%dma_start3A_114 : memref<128x128xf32, #tpu.memory_space<vmem>>) target(%dma_start3A_120 : memref<16x128xf32, #tpu.memory_space<vmem_shared>>) offsets(%dma_start3A_117 : memref<128xi32, #tpu.memory_space<vmem>>) semaphore(%arg25 : memref<!tpu.dma_semaphore, #tpu.memory_space<semaphore_mem>>) {add = true}
      %dma_start3A_121 = arith.constant 1 : i32
      %dma_start3A_122 = arith.constant 128 : i32
      %dma_start3A_123 = arith.constant 0 : i32
      %dma_start3A_124 = tpu.memref_slice %arg14[%dma_start3A_122, %dma_start3A_123] : memref<256x128xf32, #tpu.memory_space<vmem>> -> memref<128x128xf32, #tpu.memory_space<vmem>>
      %dma_start3A_125 = arith.constant 0 : i32
      %dma_start3A_126 = tpu.memref_slice %arg16[%dma_start3A_121, %dma_start3A_125] : memref<2x128xi32, #tpu.memory_space<vmem>> -> memref<1x128xi32, #tpu.memory_space<vmem>>
      %dma_start3A_127 = tpu.memref_squeeze %dma_start3A_126 : memref<1x128xi32, #tpu.memory_space<vmem>> -> memref<128xi32, #tpu.memory_space<vmem>>
      %dma_start3A_128 = arith.constant 0 : i32
      %dma_start3A_129 = arith.constant 0 : i32
      %dma_start3A_130 = tpu.memref_slice %arg12[%dma_start3A_128, %dma_start3A_129] : memref<16x128xf32, #tpu.memory_space<vmem_shared>> -> memref<16x128xf32, #tpu.memory_space<vmem_shared>>
      tpu.enqueue_indirect_dma source(%dma_start3A_124 : memref<128x128xf32, #tpu.memory_space<vmem>>) target(%dma_start3A_130 : memref<16x128xf32, #tpu.memory_space<vmem_shared>>) offsets(%dma_start3A_127 : memref<128xi32, #tpu.memory_space<vmem>>) semaphore(%arg25 : memref<!tpu.dma_semaphore, #tpu.memory_space<semaphore_mem>>) {add = true}
      %get3A = arith.constant 0 : i32
      %get3A_131 = arith.index_cast %get3A : i32 to index
      %get3A_132 = arith.constant 0 : index
      %get3A_133 = tpu.vector_load %arg16[%get3A_131, %get3A_132] {strides = array<i32>} : memref<2x128xi32, #tpu.memory_space<vmem>>, vector<16xi32>,
      tpu.vector_store_idx %arg18[%get3A_133], %broadcast_in_dim3A_1 {add = true} : memref<16xf32, #tpu.memory_space<vmem>>[vector<16xi32>], vector<16xf32>,
      %get3A_134 = arith.constant 0 : i32
      %get3A_135 = arith.index_cast %get3A_134 : i32 to index
      %get3A_136 = arith.constant 16 : index
      %get3A_137 = tpu.vector_load %arg16[%get3A_135, %get3A_136] {strides = array<i32>} : memref<2x128xi32, #tpu.memory_space<vmem>>, vector<16xi32>,
      tpu.vector_store_idx %arg18[%get3A_137], %broadcast_in_dim3A_1 {add = true} : memref<16xf32, #tpu.memory_space<vmem>>[vector<16xi32>], vector<16xf32>,
      %get3A_138 = arith.constant 0 : i32
      %get3A_139 = arith.index_cast %get3A_138 : i32 to index
      %get3A_140 = arith.constant 32 : index
      %get3A_141 = tpu.vector_load %arg16[%get3A_139, %get3A_140] {strides = array<i32>} : memref<2x128xi32, #tpu.memory_space<vmem>>, vector<16xi32>,
      tpu.vector_store_idx %arg18[%get3A_141], %broadcast_in_dim3A_1 {add = true} : memref<16xf32, #tpu.memory_space<vmem>>[vector<16xi32>], vector<16xf32>,
      %get3A_142 = arith.constant 0 : i32
      %get3A_143 = arith.index_cast %get3A_142 : i32 to index
      %get3A_144 = arith.constant 48 : index
      %get3A_145 = tpu.vector_load %arg16[%get3A_143, %get3A_144] {strides = array<i32>} : memref<2x128xi32, #tpu.memory_space<vmem>>, vector<16xi32>,
      tpu.vector_store_idx %arg18[%get3A_145], %broadcast_in_dim3A_1 {add = true} : memref<16xf32, #tpu.memory_space<vmem>>[vector<16xi32>], vector<16xf32>,
      %get3A_146 = arith.constant 0 : i32
      %get3A_147 = arith.index_cast %get3A_146 : i32 to index
      %get3A_148 = arith.constant 64 : index
      %get3A_149 = tpu.vector_load %arg16[%get3A_147, %get3A_148] {strides = array<i32>} : memref<2x128xi32, #tpu.memory_space<vmem>>, vector<16xi32>,
      tpu.vector_store_idx %arg18[%get3A_149], %broadcast_in_dim3A_1 {add = true} : memref<16xf32, #tpu.memory_space<vmem>>[vector<16xi32>], vector<16xf32>,
      %get3A_150 = arith.constant 0 : i32
      %get3A_151 = arith.index_cast %get3A_150 : i32 to index
      %get3A_152 = arith.constant 80 : index
      %get3A_153 = tpu.vector_load %arg16[%get3A_151, %get3A_152] {strides = array<i32>} : memref<2x128xi32, #tpu.memory_space<vmem>>, vector<16xi32>,
      tpu.vector_store_idx %arg18[%get3A_153], %broadcast_in_dim3A_1 {add = true} : memref<16xf32, #tpu.memory_space<vmem>>[vector<16xi32>], vector<16xf32>,
      %get3A_154 = arith.constant 0 : i32
      %get3A_155 = arith.index_cast %get3A_154 : i32 to index
      %get3A_156 = arith.constant 96 : index
      %get3A_157 = tpu.vector_load %arg16[%get3A_155, %get3A_156] {strides = array<i32>} : memref<2x128xi32, #tpu.memory_space<vmem>>, vector<16xi32>,
      tpu.vector_store_idx %arg18[%get3A_157], %broadcast_in_dim3A_1 {add = true} : memref<16xf32, #tpu.memory_space<vmem>>[vector<16xi32>], vector<16xf32>,
      %get3A_158 = arith.constant 0 : i32
      %get3A_159 = arith.index_cast %get3A_158 : i32 to index
      %get3A_160 = arith.constant 112 : index
      %get3A_161 = tpu.vector_load %arg16[%get3A_159, %get3A_160] {strides = array<i32>} : memref<2x128xi32, #tpu.memory_space<vmem>>, vector<16xi32>,
      tpu.vector_store_idx %arg18[%get3A_161], %broadcast_in_dim3A_1 {add = true} : memref<16xf32, #tpu.memory_space<vmem>>[vector<16xi32>], vector<16xf32>,
      %get3A_162 = arith.constant 1 : i32
      %get3A_163 = arith.index_cast %get3A_162 : i32 to index
      %get3A_164 = arith.constant 0 : index
      %get3A_165 = tpu.vector_load %arg16[%get3A_163, %get3A_164] {strides = array<i32>} : memref<2x128xi32, #tpu.memory_space<vmem>>, vector<16xi32>,
      tpu.vector_store_idx %arg18[%get3A_165], %broadcast_in_dim3A_1 {add = true} : memref<16xf32, #tpu.memory_space<vmem>>[vector<16xi32>], vector<16xf32>,
      %get3A_166 = arith.constant 1 : i32
      %get3A_167 = arith.index_cast %get3A_166 : i32 to index
      %get3A_168 = arith.constant 16 : index
      %get3A_169 = tpu.vector_load %arg16[%get3A_167, %get3A_168] {strides = array<i32>} : memref<2x128xi32, #tpu.memory_space<vmem>>, vector<16xi32>,
      tpu.vector_store_idx %arg18[%get3A_169], %broadcast_in_dim3A_1 {add = true} : memref<16xf32, #tpu.memory_space<vmem>>[vector<16xi32>], vector<16xf32>,
      %get3A_170 = arith.constant 1 : i32
      %get3A_171 = arith.index_cast %get3A_170 : i32 to index
      %get3A_172 = arith.constant 32 : index
      %get3A_173 = tpu.vector_load %arg16[%get3A_171, %get3A_172] {strides = array<i32>} : memref<2x128xi32, #tpu.memory_space<vmem>>, vector<16xi32>,
      tpu.vector_store_idx %arg18[%get3A_173], %broadcast_in_dim3A_1 {add = true} : memref<16xf32, #tpu.memory_space<vmem>>[vector<16xi32>], vector<16xf32>,
      %get3A_174 = arith.constant 1 : i32
      %get3A_175 = arith.index_cast %get3A_174 : i32 to index
      %get3A_176 = arith.constant 48 : index
      %get3A_177 = tpu.vector_load %arg16[%get3A_175, %get3A_176] {strides = array<i32>} : memref<2x128xi32, #tpu.memory_space<vmem>>, vector<16xi32>,
      tpu.vector_store_idx %arg18[%get3A_177], %broadcast_in_dim3A_1 {add = true} : memref<16xf32, #tpu.memory_space<vmem>>[vector<16xi32>], vector<16xf32>,
      %get3A_178 = arith.constant 1 : i32
      %get3A_179 = arith.index_cast %get3A_178 : i32 to index
      %get3A_180 = arith.constant 64 : index
      %get3A_181 = tpu.vector_load %arg16[%get3A_179, %get3A_180] {strides = array<i32>} : memref<2x128xi32, #tpu.memory_space<vmem>>, vector<16xi32>,
      tpu.vector_store_idx %arg18[%get3A_181], %broadcast_in_dim3A_1 {add = true} : memref<16xf32, #tpu.memory_space<vmem>>[vector<16xi32>], vector<16xf32>,
      %get3A_182 = arith.constant 1 : i32
      %get3A_183 = arith.index_cast %get3A_182 : i32 to index
      %get3A_184 = arith.constant 80 : index
      %get3A_185 = tpu.vector_load %arg16[%get3A_183, %get3A_184] {strides = array<i32>} : memref<2x128xi32, #tpu.memory_space<vmem>>, vector<16xi32>,
      tpu.vector_store_idx %arg18[%get3A_185], %broadcast_in_dim3A_1 {add = true} : memref<16xf32, #tpu.memory_space<vmem>>[vector<16xi32>], vector<16xf32>,
      %get3A_186 = arith.constant 1 : i32
      %get3A_187 = arith.index_cast %get3A_186 : i32 to index
      %get3A_188 = arith.constant 96 : index
      %get3A_189 = tpu.vector_load %arg16[%get3A_187, %get3A_188] {strides = array<i32>} : memref<2x128xi32, #tpu.memory_space<vmem>>, vector<16xi32>,
      tpu.vector_store_idx %arg18[%get3A_189], %broadcast_in_dim3A_1 {add = true} : memref<16xf32, #tpu.memory_space<vmem>>[vector<16xi32>], vector<16xf32>,
      %get3A_190 = arith.constant 1 : i32
      %get3A_191 = arith.index_cast %get3A_190 : i32 to index
      %get3A_192 = arith.constant 112 : index
      %get3A_193 = tpu.vector_load %arg16[%get3A_191, %get3A_192] {strides = array<i32>} : memref<2x128xi32, #tpu.memory_space<vmem>>, vector<16xi32>,
      tpu.vector_store_idx %arg18[%get3A_193], %broadcast_in_dim3A_1 {add = true} : memref<16xf32, #tpu.memory_space<vmem>>[vector<16xi32>], vector<16xf32>,
      %dma_wait3A_194 = arith.constant 0 : i32
      %dma_wait3A_195 = arith.constant 0 : i32
      %dma_wait3A_196 = arith.constant 0 : i32
      %dma_wait3A_197 = tpu.memref_slice %arg14[%dma_wait3A_195, %dma_wait3A_196] : memref<256x128xf32, #tpu.memory_space<vmem>> -> memref<128x128xf32, #tpu.memory_space<vmem>>
      %dma_wait3A_198 = arith.constant 0 : i32
      %dma_wait3A_199 = tpu.memref_slice %arg16[%dma_wait3A_194, %dma_wait3A_198] : memref<2x128xi32, #tpu.memory_space<vmem>> -> memref<1x128xi32, #tpu.memory_space<vmem>>
      %dma_wait3A_200 = tpu.memref_squeeze %dma_wait3A_199 : memref<1x128xi32, #tpu.memory_space<vmem>> -> memref<128xi32, #tpu.memory_space<vmem>>
      %dma_wait3A_201 = arith.constant 0 : i32
      %dma_wait3A_202 = arith.constant 0 : i32
      %dma_wait3A_203 = tpu.memref_slice %arg12[%dma_wait3A_201, %dma_wait3A_202] : memref<16x128xf32, #tpu.memory_space<vmem_shared>> -> memref<16x128xf32, #tpu.memory_space<vmem_shared>>
      tpu.wait_indirect_dma semaphore(%arg25 : memref<!tpu.dma_semaphore, #tpu.memory_space<semaphore_mem>>) src(%dma_wait3A_197 : memref<128x128xf32, #tpu.memory_space<vmem>>) dst(%dma_wait3A_203 : memref<16x128xf32, #tpu.memory_space<vmem_shared>>)
      %dma_wait3A_204 = arith.constant 1 : i32
      %dma_wait3A_205 = arith.constant 128 : i32
      %dma_wait3A_206 = arith.constant 0 : i32
      %dma_wait3A_207 = tpu.memref_slice %arg14[%dma_wait3A_205, %dma_wait3A_206] : memref<256x128xf32, #tpu.memory_space<vmem>> -> memref<128x128xf32, #tpu.memory_space<vmem>>
      %dma_wait3A_208 = arith.constant 0 : i32
      %dma_wait3A_209 = tpu.memref_slice %arg16[%dma_wait3A_204, %dma_wait3A_208] : memref<2x128xi32, #tpu.memory_space<vmem>> -> memref<1x128xi32, #tpu.memory_space<vmem>>
      %dma_wait3A_210 = tpu.memref_squeeze %dma_wait3A_209 : memref<1x128xi32, #tpu.memory_space<vmem>> -> memref<128xi32, #tpu.memory_space<vmem>>
      %dma_wait3A_211 = arith.constant 0 : i32
      %dma_wait3A_212 = arith.constant 0 : i32
      %dma_wait3A_213 = tpu.memref_slice %arg12[%dma_wait3A_211, %dma_wait3A_212] : memref<16x128xf32, #tpu.memory_space<vmem_shared>> -> memref<16x128xf32, #tpu.memory_space<vmem_shared>>
      tpu.wait_indirect_dma semaphore(%arg25 : memref<!tpu.dma_semaphore, #tpu.memory_space<semaphore_mem>>) src(%dma_wait3A_207 : memref<128x128xf32, #tpu.memory_space<vmem>>) dst(%dma_wait3A_213 : memref<16x128xf32, #tpu.memory_space<vmem_shared>>)
      %add3A_214 = arith.constant 64 : i32
      %add3A_215 = arith.addi %add3A_98, %add3A_214 : i32
      %lt3A_216 = arith.constant 390 : i32
      %lt3A_217 = arith.cmpi slt, %add3A_215, %lt3A_216 : i32
      %convert_element_type3A_218 = arith.extui %lt3A_217 : i1 to i32
      %cond3A_219 = arith.constant 0 : i32
      %cond3A_220 = arith.cmpi ne, %convert_element_type3A_218, %cond3A_219 : i32
      scf.if %cond3A_220 {
        %add3A_228 = arith.constant 64 : i32
        %add3A_229 = arith.addi %add3A_98, %add3A_228 : i32
        %mul3A_230 = arith.constant 256 : i32
        %mul3A_231 = arith.muli %add3A_229, %mul3A_230 : i32
        %multiple_of3A_232 = tpu.assume_multiple %mul3A_231, 256 : i32
        %dma_start3A_233 = arith.constant 0 : i32
        %dma_start3A_234 = arith.constant 0 : i32
        %dma_start3A_235 = tpu.memref_slice %arg4[%add3A_229, %dma_start3A_233, %dma_start3A_234] : memref<391x2x128xi32, #tpu.memory_space<hbm>> -> memref<1x2x128xi32, #tpu.memory_space<hbm>>
        %dma_start3A_236 = tpu.memref_squeeze %dma_start3A_235 : memref<1x2x128xi32, #tpu.memory_space<hbm>> -> memref<2x128xi32, #tpu.memory_space<hbm>>
        %dma_start3A_237 = arith.constant 0 : i32
        %dma_start3A_238 = arith.constant 0 : i32
        %dma_start3A_239 = tpu.memref_slice %arg4[%add3A_229, %dma_start3A_237, %dma_start3A_238] : memref<391x2x128xi32, #tpu.memory_space<hbm>> -> memref<1x2x128xi32, #tpu.memory_space<hbm>>
        %dma_start3A_240 = tpu.memref_squeeze %dma_start3A_239 : memref<1x2x128xi32, #tpu.memory_space<hbm>> -> memref<2x128xi32, #tpu.memory_space<hbm>>
        tpu.enqueue_dma source(%dma_start3A_240 : memref<2x128xi32, #tpu.memory_space<hbm>>) target(%arg16 : memref<2x128xi32, #tpu.memory_space<vmem>>) target_semaphore(%arg21 : memref<!tpu.dma_semaphore, #tpu.memory_space<semaphore_mem>>)
        %dma_start3A_241 = arith.constant 0 : i32
        %dma_start3A_242 = tpu.memref_slice %arg2[%multiple_of3A_232, %dma_start3A_241] : memref<100000x128xf32, #tpu.memory_space<hbm>> -> memref<256x128xf32, #tpu.memory_space<hbm>>
        %dma_start3A_243 = arith.constant 0 : i32
        %dma_start3A_244 = tpu.memref_slice %arg2[%multiple_of3A_232, %dma_start3A_243] : memref<100000x128xf32, #tpu.memory_space<hbm>> -> memref<256x128xf32, #tpu.memory_space<hbm>>
        tpu.enqueue_dma source(%dma_start3A_244 : memref<256x128xf32, #tpu.memory_space<hbm>>) target(%arg14 : memref<256x128xf32, #tpu.memory_space<vmem>>) target_semaphore(%arg22 : memref<!tpu.dma_semaphore, #tpu.memory_space<semaphore_mem>>)
      } else {
      }
      %add3A_221 = arith.constant 32 : i32
      %add3A_222 = arith.addi %add3A_98, %add3A_221 : i32
      %lt3A_223 = arith.constant 390 : i32
      %lt3A_224 = arith.cmpi slt, %add3A_222, %lt3A_223 : i32
      %convert_element_type3A_225 = arith.extui %lt3A_224 : i1 to i32
      %cond3A_226 = arith.constant 0 : i32
      %cond3A_227 = arith.cmpi ne, %convert_element_type3A_225, %cond3A_226 : i32
      scf.if %cond3A_227 {
        %add3A_228 = arith.constant 32 : i32
        %add3A_229 = arith.addi %add3A_98, %add3A_228 : i32
        %mul3A_230 = arith.constant 256 : i32
        %mul3A_231 = arith.muli %add3A_229, %mul3A_230 : i32
        %multiple_of3A_232 = tpu.assume_multiple %mul3A_231, 256 : i32
        %dma_wait3A_233 = arith.constant 0 : i32
        %dma_wait3A_234 = arith.constant 0 : i32
        %dma_wait3A_235 = tpu.memref_slice %arg4[%add3A_229, %dma_wait3A_233, %dma_wait3A_234] : memref<391x2x128xi32, #tpu.memory_space<hbm>> -> memref<1x2x128xi32, #tpu.memory_space<hbm>>
        %dma_wait3A_236 = tpu.memref_squeeze %dma_wait3A_235 : memref<1x2x128xi32, #tpu.memory_space<hbm>> -> memref<2x128xi32, #tpu.memory_space<hbm>>
        %dma_wait3A_237 = arith.constant 0 : i32
        %dma_wait3A_238 = arith.constant 0 : i32
        %dma_wait3A_239 = tpu.memref_slice %arg4[%add3A_229, %dma_wait3A_237, %dma_wait3A_238] : memref<391x2x128xi32, #tpu.memory_space<hbm>> -> memref<1x2x128xi32, #tpu.memory_space<hbm>>
        %dma_wait3A_240 = tpu.memref_squeeze %dma_wait3A_239 : memref<1x2x128xi32, #tpu.memory_space<hbm>> -> memref<2x128xi32, #tpu.memory_space<hbm>>
        tpu.wait_dma2 semaphore(%arg23 : memref<!tpu.dma_semaphore, #tpu.memory_space<semaphore_mem>>) src(%dma_wait3A_240 : memref<2x128xi32, #tpu.memory_space<hbm>>) dst(%arg17 : memref<2x128xi32, #tpu.memory_space<vmem>>)
        %dma_wait3A_241 = arith.constant 0 : i32
        %dma_wait3A_242 = tpu.memref_slice %arg2[%multiple_of3A_232, %dma_wait3A_241] : memref<100000x128xf32, #tpu.memory_space<hbm>> -> memref<256x128xf32, #tpu.memory_space<hbm>>
        %dma_wait3A_243 = arith.constant 0 : i32
        %dma_wait3A_244 = tpu.memref_slice %arg2[%multiple_of3A_232, %dma_wait3A_243] : memref<100000x128xf32, #tpu.memory_space<hbm>> -> memref<256x128xf32, #tpu.memory_space<hbm>>
        tpu.wait_dma2 semaphore(%arg24 : memref<!tpu.dma_semaphore, #tpu.memory_space<semaphore_mem>>) src(%dma_wait3A_244 : memref<256x128xf32, #tpu.memory_space<hbm>>) dst(%arg15 : memref<256x128xf32, #tpu.memory_space<vmem>>)
        %dma_start3A_245 = arith.constant 0 : i32
        %dma_start3A_246 = arith.constant 0 : i32
        %dma_start3A_247 = arith.constant 0 : i32
        %dma_start3A_248 = tpu.memref_slice %arg15[%dma_start3A_246, %dma_start3A_247] : memref<256x128xf32, #tpu.memory_space<vmem>> -> memref<128x128xf32, #tpu.memory_space<vmem>>
        %dma_start3A_249 = arith.constant 0 : i32
        %dma_start3A_250 = tpu.memref_slice %arg17[%dma_start3A_245, %dma_start3A_249] : memref<2x128xi32, #tpu.memory_space<vmem>> -> memref<1x128xi32, #tpu.memory_space<vmem>>
        %dma_start3A_251 = tpu.memref_squeeze %dma_start3A_250 : memref<1x128xi32, #tpu.memory_space<vmem>> -> memref<128xi32, #tpu.memory_space<vmem>>
        %dma_start3A_252 = arith.constant 0 : i32
        %dma_start3A_253 = arith.constant 0 : i32
        %dma_start3A_254 = tpu.memref_slice %arg12[%dma_start3A_252, %dma_start3A_253] : memref<16x128xf32, #tpu.memory_space<vmem_shared>> -> memref<16x128xf32, #tpu.memory_space<vmem_shared>>
        tpu.enqueue_indirect_dma source(%dma_start3A_248 : memref<128x128xf32, #tpu.memory_space<vmem>>) target(%dma_start3A_254 : memref<16x128xf32, #tpu.memory_space<vmem_shared>>) offsets(%dma_start3A_251 : memref<128xi32, #tpu.memory_space<vmem>>) semaphore(%arg26 : memref<!tpu.dma_semaphore, #tpu.memory_space<semaphore_mem>>) {add = true}
        %dma_start3A_255 = arith.constant 1 : i32
        %dma_start3A_256 = arith.constant 128 : i32
        %dma_start3A_257 = arith.constant 0 : i32
        %dma_start3A_258 = tpu.memref_slice %arg15[%dma_start3A_256, %dma_start3A_257] : memref<256x128xf32, #tpu.memory_space<vmem>> -> memref<128x128xf32, #tpu.memory_space<vmem>>
        %dma_start3A_259 = arith.constant 0 : i32
        %dma_start3A_260 = tpu.memref_slice %arg17[%dma_start3A_255, %dma_start3A_259] : memref<2x128xi32, #tpu.memory_space<vmem>> -> memref<1x128xi32, #tpu.memory_space<vmem>>
        %dma_start3A_261 = tpu.memref_squeeze %dma_start3A_260 : memref<1x128xi32, #tpu.memory_space<vmem>> -> memref<128xi32, #tpu.memory_space<vmem>>
        %dma_start3A_262 = arith.constant 0 : i32
        %dma_start3A_263 = arith.constant 0 : i32
        %dma_start3A_264 = tpu.memref_slice %arg12[%dma_start3A_262, %dma_start3A_263] : memref<16x128xf32, #tpu.memory_space<vmem_shared>> -> memref<16x128xf32, #tpu.memory_space<vmem_shared>>
        tpu.enqueue_indirect_dma source(%dma_start3A_258 : memref<128x128xf32, #tpu.memory_space<vmem>>) target(%dma_start3A_264 : memref<16x128xf32, #tpu.memory_space<vmem_shared>>) offsets(%dma_start3A_261 : memref<128xi32, #tpu.memory_space<vmem>>) semaphore(%arg26 : memref<!tpu.dma_semaphore, #tpu.memory_space<semaphore_mem>>) {add = true}
        %get3A_265 = arith.constant 0 : i32
        %get3A_266 = arith.index_cast %get3A_265 : i32 to index
        %get3A_267 = arith.constant 0 : index
        %get3A_268 = tpu.vector_load %arg17[%get3A_266, %get3A_267] {strides = array<i32>} : memref<2x128xi32, #tpu.memory_space<vmem>>, vector<16xi32>,
        tpu.vector_store_idx %arg18[%get3A_268], %broadcast_in_dim3A_1 {add = true} : memref<16xf32, #tpu.memory_space<vmem>>[vector<16xi32>], vector<16xf32>,
        %get3A_269 = arith.constant 0 : i32
        %get3A_270 = arith.index_cast %get3A_269 : i32 to index
        %get3A_271 = arith.constant 16 : index
        %get3A_272 = tpu.vector_load %arg17[%get3A_270, %get3A_271] {strides = array<i32>} : memref<2x128xi32, #tpu.memory_space<vmem>>, vector<16xi32>,
        tpu.vector_store_idx %arg18[%get3A_272], %broadcast_in_dim3A_1 {add = true} : memref<16xf32, #tpu.memory_space<vmem>>[vector<16xi32>], vector<16xf32>,
        %get3A_273 = arith.constant 0 : i32
        %get3A_274 = arith.index_cast %get3A_273 : i32 to index
        %get3A_275 = arith.constant 32 : index
        %get3A_276 = tpu.vector_load %arg17[%get3A_274, %get3A_275] {strides = array<i32>} : memref<2x128xi32, #tpu.memory_space<vmem>>, vector<16xi32>,
        tpu.vector_store_idx %arg18[%get3A_276], %broadcast_in_dim3A_1 {add = true} : memref<16xf32, #tpu.memory_space<vmem>>[vector<16xi32>], vector<16xf32>,
        %get3A_277 = arith.constant 0 : i32
        %get3A_278 = arith.index_cast %get3A_277 : i32 to index
        %get3A_279 = arith.constant 48 : index
        %get3A_280 = tpu.vector_load %arg17[%get3A_278, %get3A_279] {strides = array<i32>} : memref<2x128xi32, #tpu.memory_space<vmem>>, vector<16xi32>,
        tpu.vector_store_idx %arg18[%get3A_280], %broadcast_in_dim3A_1 {add = true} : memref<16xf32, #tpu.memory_space<vmem>>[vector<16xi32>], vector<16xf32>,
        %get3A_281 = arith.constant 0 : i32
        %get3A_282 = arith.index_cast %get3A_281 : i32 to index
        %get3A_283 = arith.constant 64 : index
        %get3A_284 = tpu.vector_load %arg17[%get3A_282, %get3A_283] {strides = array<i32>} : memref<2x128xi32, #tpu.memory_space<vmem>>, vector<16xi32>,
        tpu.vector_store_idx %arg18[%get3A_284], %broadcast_in_dim3A_1 {add = true} : memref<16xf32, #tpu.memory_space<vmem>>[vector<16xi32>], vector<16xf32>,
        %get3A_285 = arith.constant 0 : i32
        %get3A_286 = arith.index_cast %get3A_285 : i32 to index
        %get3A_287 = arith.constant 80 : index
        %get3A_288 = tpu.vector_load %arg17[%get3A_286, %get3A_287] {strides = array<i32>} : memref<2x128xi32, #tpu.memory_space<vmem>>, vector<16xi32>,
        tpu.vector_store_idx %arg18[%get3A_288], %broadcast_in_dim3A_1 {add = true} : memref<16xf32, #tpu.memory_space<vmem>>[vector<16xi32>], vector<16xf32>,
        %get3A_289 = arith.constant 0 : i32
        %get3A_290 = arith.index_cast %get3A_289 : i32 to index
        %get3A_291 = arith.constant 96 : index
        %get3A_292 = tpu.vector_load %arg17[%get3A_290, %get3A_291] {strides = array<i32>} : memref<2x128xi32, #tpu.memory_space<vmem>>, vector<16xi32>,
        tpu.vector_store_idx %arg18[%get3A_292], %broadcast_in_dim3A_1 {add = true} : memref<16xf32, #tpu.memory_space<vmem>>[vector<16xi32>], vector<16xf32>,
        %get3A_293 = arith.constant 0 : i32
        %get3A_294 = arith.index_cast %get3A_293 : i32 to index
        %get3A_295 = arith.constant 112 : index
        %get3A_296 = tpu.vector_load %arg17[%get3A_294, %get3A_295] {strides = array<i32>} : memref<2x128xi32, #tpu.memory_space<vmem>>, vector<16xi32>,
        tpu.vector_store_idx %arg18[%get3A_296], %broadcast_in_dim3A_1 {add = true} : memref<16xf32, #tpu.memory_space<vmem>>[vector<16xi32>], vector<16xf32>,
        %get3A_297 = arith.constant 1 : i32
        %get3A_298 = arith.index_cast %get3A_297 : i32 to index
        %get3A_299 = arith.constant 0 : index
        %get3A_300 = tpu.vector_load %arg17[%get3A_298, %get3A_299] {strides = array<i32>} : memref<2x128xi32, #tpu.memory_space<vmem>>, vector<16xi32>,
        tpu.vector_store_idx %arg18[%get3A_300], %broadcast_in_dim3A_1 {add = true} : memref<16xf32, #tpu.memory_space<vmem>>[vector<16xi32>], vector<16xf32>,
        %get3A_301 = arith.constant 1 : i32
        %get3A_302 = arith.index_cast %get3A_301 : i32 to index
        %get3A_303 = arith.constant 16 : index
        %get3A_304 = tpu.vector_load %arg17[%get3A_302, %get3A_303] {strides = array<i32>} : memref<2x128xi32, #tpu.memory_space<vmem>>, vector<16xi32>,
        tpu.vector_store_idx %arg18[%get3A_304], %broadcast_in_dim3A_1 {add = true} : memref<16xf32, #tpu.memory_space<vmem>>[vector<16xi32>], vector<16xf32>,
        %get3A_305 = arith.constant 1 : i32
        %get3A_306 = arith.index_cast %get3A_305 : i32 to index
        %get3A_307 = arith.constant 32 : index
        %get3A_308 = tpu.vector_load %arg17[%get3A_306, %get3A_307] {strides = array<i32>} : memref<2x128xi32, #tpu.memory_space<vmem>>, vector<16xi32>,
        tpu.vector_store_idx %arg18[%get3A_308], %broadcast_in_dim3A_1 {add = true} : memref<16xf32, #tpu.memory_space<vmem>>[vector<16xi32>], vector<16xf32>,
        %get3A_309 = arith.constant 1 : i32
        %get3A_310 = arith.index_cast %get3A_309 : i32 to index
        %get3A_311 = arith.constant 48 : index
        %get3A_312 = tpu.vector_load %arg17[%get3A_310, %get3A_311] {strides = array<i32>} : memref<2x128xi32, #tpu.memory_space<vmem>>, vector<16xi32>,
        tpu.vector_store_idx %arg18[%get3A_312], %broadcast_in_dim3A_1 {add = true} : memref<16xf32, #tpu.memory_space<vmem>>[vector<16xi32>], vector<16xf32>,
        %get3A_313 = arith.constant 1 : i32
        %get3A_314 = arith.index_cast %get3A_313 : i32 to index
        %get3A_315 = arith.constant 64 : index
        %get3A_316 = tpu.vector_load %arg17[%get3A_314, %get3A_315] {strides = array<i32>} : memref<2x128xi32, #tpu.memory_space<vmem>>, vector<16xi32>,
        tpu.vector_store_idx %arg18[%get3A_316], %broadcast_in_dim3A_1 {add = true} : memref<16xf32, #tpu.memory_space<vmem>>[vector<16xi32>], vector<16xf32>,
        %get3A_317 = arith.constant 1 : i32
        %get3A_318 = arith.index_cast %get3A_317 : i32 to index
        %get3A_319 = arith.constant 80 : index
        %get3A_320 = tpu.vector_load %arg17[%get3A_318, %get3A_319] {strides = array<i32>} : memref<2x128xi32, #tpu.memory_space<vmem>>, vector<16xi32>,
        tpu.vector_store_idx %arg18[%get3A_320], %broadcast_in_dim3A_1 {add = true} : memref<16xf32, #tpu.memory_space<vmem>>[vector<16xi32>], vector<16xf32>,
        %get3A_321 = arith.constant 1 : i32
        %get3A_322 = arith.index_cast %get3A_321 : i32 to index
        %get3A_323 = arith.constant 96 : index
        %get3A_324 = tpu.vector_load %arg17[%get3A_322, %get3A_323] {strides = array<i32>} : memref<2x128xi32, #tpu.memory_space<vmem>>, vector<16xi32>,
        tpu.vector_store_idx %arg18[%get3A_324], %broadcast_in_dim3A_1 {add = true} : memref<16xf32, #tpu.memory_space<vmem>>[vector<16xi32>], vector<16xf32>,
        %get3A_325 = arith.constant 1 : i32
        %get3A_326 = arith.index_cast %get3A_325 : i32 to index
        %get3A_327 = arith.constant 112 : index
        %get3A_328 = tpu.vector_load %arg17[%get3A_326, %get3A_327] {strides = array<i32>} : memref<2x128xi32, #tpu.memory_space<vmem>>, vector<16xi32>,
        tpu.vector_store_idx %arg18[%get3A_328], %broadcast_in_dim3A_1 {add = true} : memref<16xf32, #tpu.memory_space<vmem>>[vector<16xi32>], vector<16xf32>,
        %dma_wait3A_329 = arith.constant 0 : i32
        %dma_wait3A_330 = arith.constant 0 : i32
        %dma_wait3A_331 = arith.constant 0 : i32
        %dma_wait3A_332 = tpu.memref_slice %arg15[%dma_wait3A_330, %dma_wait3A_331] : memref<256x128xf32, #tpu.memory_space<vmem>> -> memref<128x128xf32, #tpu.memory_space<vmem>>
        %dma_wait3A_333 = arith.constant 0 : i32
        %dma_wait3A_334 = tpu.memref_slice %arg17[%dma_wait3A_329, %dma_wait3A_333] : memref<2x128xi32, #tpu.memory_space<vmem>> -> memref<1x128xi32, #tpu.memory_space<vmem>>
        %dma_wait3A_335 = tpu.memref_squeeze %dma_wait3A_334 : memref<1x128xi32, #tpu.memory_space<vmem>> -> memref<128xi32, #tpu.memory_space<vmem>>
        %dma_wait3A_336 = arith.constant 0 : i32
        %dma_wait3A_337 = arith.constant 0 : i32
        %dma_wait3A_338 = tpu.memref_slice %arg12[%dma_wait3A_336, %dma_wait3A_337] : memref<16x128xf32, #tpu.memory_space<vmem_shared>> -> memref<16x128xf32, #tpu.memory_space<vmem_shared>>
        tpu.wait_indirect_dma semaphore(%arg26 : memref<!tpu.dma_semaphore, #tpu.memory_space<semaphore_mem>>) src(%dma_wait3A_332 : memref<128x128xf32, #tpu.memory_space<vmem>>) dst(%dma_wait3A_338 : memref<16x128xf32, #tpu.memory_space<vmem_shared>>)
        %dma_wait3A_339 = arith.constant 1 : i32
        %dma_wait3A_340 = arith.constant 128 : i32
        %dma_wait3A_341 = arith.constant 0 : i32
        %dma_wait3A_342 = tpu.memref_slice %arg15[%dma_wait3A_340, %dma_wait3A_341] : memref<256x128xf32, #tpu.memory_space<vmem>> -> memref<128x128xf32, #tpu.memory_space<vmem>>
        %dma_wait3A_343 = arith.constant 0 : i32
        %dma_wait3A_344 = tpu.memref_slice %arg17[%dma_wait3A_339, %dma_wait3A_343] : memref<2x128xi32, #tpu.memory_space<vmem>> -> memref<1x128xi32, #tpu.memory_space<vmem>>
        %dma_wait3A_345 = tpu.memref_squeeze %dma_wait3A_344 : memref<1x128xi32, #tpu.memory_space<vmem>> -> memref<128xi32, #tpu.memory_space<vmem>>
        %dma_wait3A_346 = arith.constant 0 : i32
        %dma_wait3A_347 = arith.constant 0 : i32
        %dma_wait3A_348 = tpu.memref_slice %arg12[%dma_wait3A_346, %dma_wait3A_347] : memref<16x128xf32, #tpu.memory_space<vmem_shared>> -> memref<16x128xf32, #tpu.memory_space<vmem_shared>>
        tpu.wait_indirect_dma semaphore(%arg26 : memref<!tpu.dma_semaphore, #tpu.memory_space<semaphore_mem>>) src(%dma_wait3A_342 : memref<128x128xf32, #tpu.memory_space<vmem>>) dst(%dma_wait3A_348 : memref<16x128xf32, #tpu.memory_space<vmem_shared>>)
        %add3A_349 = arith.constant 64 : i32
        %add3A_350 = arith.addi %add3A_229, %add3A_349 : i32
        %lt3A_351 = arith.constant 390 : i32
        %lt3A_352 = arith.cmpi slt, %add3A_350, %lt3A_351 : i32
        %convert_element_type3A_353 = arith.extui %lt3A_352 : i1 to i32
        %cond3A_354 = arith.constant 0 : i32
        %cond3A_355 = arith.cmpi ne, %convert_element_type3A_353, %cond3A_354 : i32
        scf.if %cond3A_355 {
          %add3A_356 = arith.constant 64 : i32
          %add3A_357 = arith.addi %add3A_229, %add3A_356 : i32
          %mul3A_358 = arith.constant 256 : i32
          %mul3A_359 = arith.muli %add3A_357, %mul3A_358 : i32
          %multiple_of3A_360 = tpu.assume_multiple %mul3A_359, 256 : i32
          %dma_start3A_361 = arith.constant 0 : i32
          %dma_start3A_362 = arith.constant 0 : i32
          %dma_start3A_363 = tpu.memref_slice %arg4[%add3A_357, %dma_start3A_361, %dma_start3A_362] : memref<391x2x128xi32, #tpu.memory_space<hbm>> -> memref<1x2x128xi32, #tpu.memory_space<hbm>>
          %dma_start3A_364 = tpu.memref_squeeze %dma_start3A_363 : memref<1x2x128xi32, #tpu.memory_space<hbm>> -> memref<2x128xi32, #tpu.memory_space<hbm>>
          %dma_start3A_365 = arith.constant 0 : i32
          %dma_start3A_366 = arith.constant 0 : i32
          %dma_start3A_367 = tpu.memref_slice %arg4[%add3A_357, %dma_start3A_365, %dma_start3A_366] : memref<391x2x128xi32, #tpu.memory_space<hbm>> -> memref<1x2x128xi32, #tpu.memory_space<hbm>>
          %dma_start3A_368 = tpu.memref_squeeze %dma_start3A_367 : memref<1x2x128xi32, #tpu.memory_space<hbm>> -> memref<2x128xi32, #tpu.memory_space<hbm>>
          tpu.enqueue_dma source(%dma_start3A_368 : memref<2x128xi32, #tpu.memory_space<hbm>>) target(%arg17 : memref<2x128xi32, #tpu.memory_space<vmem>>) target_semaphore(%arg23 : memref<!tpu.dma_semaphore, #tpu.memory_space<semaphore_mem>>)
          %dma_start3A_369 = arith.constant 0 : i32
          %dma_start3A_370 = tpu.memref_slice %arg2[%multiple_of3A_360, %dma_start3A_369] : memref<100000x128xf32, #tpu.memory_space<hbm>> -> memref<256x128xf32, #tpu.memory_space<hbm>>
          %dma_start3A_371 = arith.constant 0 : i32
          %dma_start3A_372 = tpu.memref_slice %arg2[%multiple_of3A_360, %dma_start3A_371] : memref<100000x128xf32, #tpu.memory_space<hbm>> -> memref<256x128xf32, #tpu.memory_space<hbm>>
          tpu.enqueue_dma source(%dma_start3A_372 : memref<256x128xf32, #tpu.memory_space<hbm>>) target(%arg15 : memref<256x128xf32, #tpu.memory_space<vmem>>) target_semaphore(%arg24 : memref<!tpu.dma_semaphore, #tpu.memory_space<semaphore_mem>>)
        } else {
        }
      } else {
      }
    }
    %lt3A_37 = arith.constant 195 : i32
    %lt3A_38 = arith.cmpi slt, %add3A, %lt3A_37 : i32
    %convert_element_type3A_39 = arith.extui %lt3A_38 : i1 to i32
    %cond3A_40 = arith.constant 0 : i32
    %cond3A_41 = arith.cmpi ne, %convert_element_type3A_39, %cond3A_40 : i32
    scf.if %cond3A_41 {
      %mul3A_96 = arith.constant 256 : i32
      %mul3A_97 = arith.muli %add3A, %mul3A_96 : i32
      %multiple_of3A = tpu.assume_multiple %mul3A_97, 256 : i32
      %dma_start3A = arith.constant 0 : i32
      %dma_start3A_98 = arith.constant 0 : i32
      %dma_start3A_99 = tpu.memref_slice %arg5[%add3A, %dma_start3A, %dma_start3A_98] : memref<196x2x128xi32, #tpu.memory_space<hbm>> -> memref<1x2x128xi32, #tpu.memory_space<hbm>>
      %dma_start3A_100 = tpu.memref_squeeze %dma_start3A_99 : memref<1x2x128xi32, #tpu.memory_space<hbm>> -> memref<2x128xi32, #tpu.memory_space<hbm>>
      %dma_start3A_101 = arith.constant 0 : i32
      %dma_start3A_102 = arith.constant 0 : i32
      %dma_start3A_103 = tpu.memref_slice %arg5[%add3A, %dma_start3A_101, %dma_start3A_102] : memref<196x2x128xi32, #tpu.memory_space<hbm>> -> memref<1x2x128xi32, #tpu.memory_space<hbm>>
      %dma_start3A_104 = tpu.memref_squeeze %dma_start3A_103 : memref<1x2x128xi32, #tpu.memory_space<hbm>> -> memref<2x128xi32, #tpu.memory_space<hbm>>
      tpu.enqueue_dma source(%dma_start3A_104 : memref<2x128xi32, #tpu.memory_space<hbm>>) target(%arg16 : memref<2x128xi32, #tpu.memory_space<vmem>>) target_semaphore(%arg21 : memref<!tpu.dma_semaphore, #tpu.memory_space<semaphore_mem>>)
      %dma_start3A_105 = arith.constant 0 : i32
      %dma_start3A_106 = tpu.memref_slice %arg3[%multiple_of3A, %dma_start3A_105] : memref<50000x128xf32, #tpu.memory_space<hbm>> -> memref<256x128xf32, #tpu.memory_space<hbm>>
      %dma_start3A_107 = arith.constant 0 : i32
      %dma_start3A_108 = tpu.memref_slice %arg3[%multiple_of3A, %dma_start3A_107] : memref<50000x128xf32, #tpu.memory_space<hbm>> -> memref<256x128xf32, #tpu.memory_space<hbm>>
      tpu.enqueue_dma source(%dma_start3A_108 : memref<256x128xf32, #tpu.memory_space<hbm>>) target(%arg14 : memref<256x128xf32, #tpu.memory_space<vmem>>) target_semaphore(%arg22 : memref<!tpu.dma_semaphore, #tpu.memory_space<semaphore_mem>>)
    } else {
    }
    %add3A_42 = arith.constant 32 : i32
    %add3A_43 = arith.addi %add3A, %add3A_42 : i32
    %lt3A_44 = arith.constant 195 : i32
    %lt3A_45 = arith.cmpi slt, %add3A_43, %lt3A_44 : i32
    %convert_element_type3A_46 = arith.extui %lt3A_45 : i1 to i32
    %cond3A_47 = arith.constant 0 : i32
    %cond3A_48 = arith.cmpi ne, %convert_element_type3A_46, %cond3A_47 : i32
    scf.if %cond3A_48 {
      %add3A_96 = arith.constant 32 : i32
      %add3A_97 = arith.addi %add3A, %add3A_96 : i32
      %mul3A_98 = arith.constant 256 : i32
      %mul3A_99 = arith.muli %add3A_97, %mul3A_98 : i32
      %multiple_of3A = tpu.assume_multiple %mul3A_99, 256 : i32
      %dma_start3A = arith.constant 0 : i32
      %dma_start3A_100 = arith.constant 0 : i32
      %dma_start3A_101 = tpu.memref_slice %arg5[%add3A_97, %dma_start3A, %dma_start3A_100] : memref<196x2x128xi32, #tpu.memory_space<hbm>> -> memref<1x2x128xi32, #tpu.memory_space<hbm>>
      %dma_start3A_102 = tpu.memref_squeeze %dma_start3A_101 : memref<1x2x128xi32, #tpu.memory_space<hbm>> -> memref<2x128xi32, #tpu.memory_space<hbm>>
      %dma_start3A_103 = arith.constant 0 : i32
      %dma_start3A_104 = arith.constant 0 : i32
      %dma_start3A_105 = tpu.memref_slice %arg5[%add3A_97, %dma_start3A_103, %dma_start3A_104] : memref<196x2x128xi32, #tpu.memory_space<hbm>> -> memref<1x2x128xi32, #tpu.memory_space<hbm>>
      %dma_start3A_106 = tpu.memref_squeeze %dma_start3A_105 : memref<1x2x128xi32, #tpu.memory_space<hbm>> -> memref<2x128xi32, #tpu.memory_space<hbm>>
      tpu.enqueue_dma source(%dma_start3A_106 : memref<2x128xi32, #tpu.memory_space<hbm>>) target(%arg17 : memref<2x128xi32, #tpu.memory_space<vmem>>) target_semaphore(%arg23 : memref<!tpu.dma_semaphore, #tpu.memory_space<semaphore_mem>>)
      %dma_start3A_107 = arith.constant 0 : i32
      %dma_start3A_108 = tpu.memref_slice %arg3[%multiple_of3A, %dma_start3A_107] : memref<50000x128xf32, #tpu.memory_space<hbm>> -> memref<256x128xf32, #tpu.memory_space<hbm>>
      %dma_start3A_109 = arith.constant 0 : i32
      %dma_start3A_110 = tpu.memref_slice %arg3[%multiple_of3A, %dma_start3A_109] : memref<50000x128xf32, #tpu.memory_space<hbm>> -> memref<256x128xf32, #tpu.memory_space<hbm>>
      tpu.enqueue_dma source(%dma_start3A_110 : memref<256x128xf32, #tpu.memory_space<hbm>>) target(%arg15 : memref<256x128xf32, #tpu.memory_space<vmem>>) target_semaphore(%arg24 : memref<!tpu.dma_semaphore, #tpu.memory_space<semaphore_mem>>)
    } else {
    }
    %sub3A_49 = arith.constant 195 : i32
    %sub3A_50 = arith.subi %sub3A_49, %add3A : i32
    %sub3A_51 = arith.constant 64 : i32
    %sub3A_52 = arith.constant 1 : i32
    %sub3A_53 = arith.subi %sub3A_51, %sub3A_52 : i32
    %add3A_54 = arith.addi %sub3A_50, %sub3A_53 : i32
    %div3A_55 = arith.constant 64 : i32
    %div3A_56 = arith.divsi %add3A_54, %div3A_55 : i32
    %while3A_57 = arith.constant 64 : i32
    %while3A_58 = arith.constant 0 : i32
    %while3A_59 = arith.subi %div3A_56, %while3A_58 : i32
    %while3A_60 = arith.addi %while3A_58, %while3A_59 : i32
    %while3A_61 = arith.constant 1 : i32
    %while3A_62 = arith.divsi %while3A_59, %while3A_61 : i32
    %while3A_63 = arith.muli %while3A_62, %while3A_61 : i32
    %while3A_64 = arith.addi %while3A_58, %while3A_63 : i32
    %while3A_65 = arith.constant 1 : i32
    scf.for %while3A_96 = %while3A_58 to %while3A_64 step %while3A_65  : i32 {
      %mul3A_97 = arith.muli %while3A_96, %while3A_57 : i32
      %add3A_98 = arith.addi %add3A, %mul3A_97 : i32
      %mul3A_99 = arith.constant 256 : i32
      %mul3A_100 = arith.muli %add3A_98, %mul3A_99 : i32
      %multiple_of3A = tpu.assume_multiple %mul3A_100, 256 : i32
      %dma_wait3A = arith.constant 0 : i32
      %dma_wait3A_101 = arith.constant 0 : i32
      %dma_wait3A_102 = tpu.memref_slice %arg5[%add3A_98, %dma_wait3A, %dma_wait3A_101] : memref<196x2x128xi32, #tpu.memory_space<hbm>> -> memref<1x2x128xi32, #tpu.memory_space<hbm>>
      %dma_wait3A_103 = tpu.memref_squeeze %dma_wait3A_102 : memref<1x2x128xi32, #tpu.memory_space<hbm>> -> memref<2x128xi32, #tpu.memory_space<hbm>>
      %dma_wait3A_104 = arith.constant 0 : i32
      %dma_wait3A_105 = arith.constant 0 : i32
      %dma_wait3A_106 = tpu.memref_slice %arg5[%add3A_98, %dma_wait3A_104, %dma_wait3A_105] : memref<196x2x128xi32, #tpu.memory_space<hbm>> -> memref<1x2x128xi32, #tpu.memory_space<hbm>>
      %dma_wait3A_107 = tpu.memref_squeeze %dma_wait3A_106 : memref<1x2x128xi32, #tpu.memory_space<hbm>> -> memref<2x128xi32, #tpu.memory_space<hbm>>
      tpu.wait_dma2 semaphore(%arg21 : memref<!tpu.dma_semaphore, #tpu.memory_space<semaphore_mem>>) src(%dma_wait3A_107 : memref<2x128xi32, #tpu.memory_space<hbm>>) dst(%arg16 : memref<2x128xi32, #tpu.memory_space<vmem>>)
      %dma_wait3A_108 = arith.constant 0 : i32
      %dma_wait3A_109 = tpu.memref_slice %arg3[%multiple_of3A, %dma_wait3A_108] : memref<50000x128xf32, #tpu.memory_space<hbm>> -> memref<256x128xf32, #tpu.memory_space<hbm>>
      %dma_wait3A_110 = arith.constant 0 : i32
      %dma_wait3A_111 = tpu.memref_slice %arg3[%multiple_of3A, %dma_wait3A_110] : memref<50000x128xf32, #tpu.memory_space<hbm>> -> memref<256x128xf32, #tpu.memory_space<hbm>>
      tpu.wait_dma2 semaphore(%arg22 : memref<!tpu.dma_semaphore, #tpu.memory_space<semaphore_mem>>) src(%dma_wait3A_111 : memref<256x128xf32, #tpu.memory_space<hbm>>) dst(%arg14 : memref<256x128xf32, #tpu.memory_space<vmem>>)
      %dma_start3A = arith.constant 0 : i32
      %dma_start3A_112 = arith.constant 0 : i32
      %dma_start3A_113 = arith.constant 0 : i32
      %dma_start3A_114 = tpu.memref_slice %arg14[%dma_start3A_112, %dma_start3A_113] : memref<256x128xf32, #tpu.memory_space<vmem>> -> memref<128x128xf32, #tpu.memory_space<vmem>>
      %dma_start3A_115 = arith.constant 0 : i32
      %dma_start3A_116 = tpu.memref_slice %arg16[%dma_start3A, %dma_start3A_115] : memref<2x128xi32, #tpu.memory_space<vmem>> -> memref<1x128xi32, #tpu.memory_space<vmem>>
      %dma_start3A_117 = tpu.memref_squeeze %dma_start3A_116 : memref<1x128xi32, #tpu.memory_space<vmem>> -> memref<128xi32, #tpu.memory_space<vmem>>
      %dma_start3A_118 = arith.constant 0 : i32
      %dma_start3A_119 = arith.constant 0 : i32
      %dma_start3A_120 = tpu.memref_slice %arg13[%dma_start3A_118, %dma_start3A_119] : memref<16x128xf32, #tpu.memory_space<vmem_shared>> -> memref<16x128xf32, #tpu.memory_space<vmem_shared>>
      tpu.enqueue_indirect_dma source(%dma_start3A_114 : memref<128x128xf32, #tpu.memory_space<vmem>>) target(%dma_start3A_120 : memref<16x128xf32, #tpu.memory_space<vmem_shared>>) offsets(%dma_start3A_117 : memref<128xi32, #tpu.memory_space<vmem>>) semaphore(%arg25 : memref<!tpu.dma_semaphore, #tpu.memory_space<semaphore_mem>>) {add = true}
      %dma_start3A_121 = arith.constant 1 : i32
      %dma_start3A_122 = arith.constant 128 : i32
      %dma_start3A_123 = arith.constant 0 : i32
      %dma_start3A_124 = tpu.memref_slice %arg14[%dma_start3A_122, %dma_start3A_123] : memref<256x128xf32, #tpu.memory_space<vmem>> -> memref<128x128xf32, #tpu.memory_space<vmem>>
      %dma_start3A_125 = arith.constant 0 : i32
      %dma_start3A_126 = tpu.memref_slice %arg16[%dma_start3A_121, %dma_start3A_125] : memref<2x128xi32, #tpu.memory_space<vmem>> -> memref<1x128xi32, #tpu.memory_space<vmem>>
      %dma_start3A_127 = tpu.memref_squeeze %dma_start3A_126 : memref<1x128xi32, #tpu.memory_space<vmem>> -> memref<128xi32, #tpu.memory_space<vmem>>
      %dma_start3A_128 = arith.constant 0 : i32
      %dma_start3A_129 = arith.constant 0 : i32
      %dma_start3A_130 = tpu.memref_slice %arg13[%dma_start3A_128, %dma_start3A_129] : memref<16x128xf32, #tpu.memory_space<vmem_shared>> -> memref<16x128xf32, #tpu.memory_space<vmem_shared>>
      tpu.enqueue_indirect_dma source(%dma_start3A_124 : memref<128x128xf32, #tpu.memory_space<vmem>>) target(%dma_start3A_130 : memref<16x128xf32, #tpu.memory_space<vmem_shared>>) offsets(%dma_start3A_127 : memref<128xi32, #tpu.memory_space<vmem>>) semaphore(%arg25 : memref<!tpu.dma_semaphore, #tpu.memory_space<semaphore_mem>>) {add = true}
      %get3A = arith.constant 0 : i32
      %get3A_131 = arith.index_cast %get3A : i32 to index
      %get3A_132 = arith.constant 0 : index
      %get3A_133 = tpu.vector_load %arg16[%get3A_131, %get3A_132] {strides = array<i32>} : memref<2x128xi32, #tpu.memory_space<vmem>>, vector<16xi32>,
      tpu.vector_store_idx %arg19[%get3A_133], %broadcast_in_dim3A_1 {add = true} : memref<16xf32, #tpu.memory_space<vmem>>[vector<16xi32>], vector<16xf32>,
      %get3A_134 = arith.constant 0 : i32
      %get3A_135 = arith.index_cast %get3A_134 : i32 to index
      %get3A_136 = arith.constant 16 : index
      %get3A_137 = tpu.vector_load %arg16[%get3A_135, %get3A_136] {strides = array<i32>} : memref<2x128xi32, #tpu.memory_space<vmem>>, vector<16xi32>,
      tpu.vector_store_idx %arg19[%get3A_137], %broadcast_in_dim3A_1 {add = true} : memref<16xf32, #tpu.memory_space<vmem>>[vector<16xi32>], vector<16xf32>,
      %get3A_138 = arith.constant 0 : i32
      %get3A_139 = arith.index_cast %get3A_138 : i32 to index
      %get3A_140 = arith.constant 32 : index
      %get3A_141 = tpu.vector_load %arg16[%get3A_139, %get3A_140] {strides = array<i32>} : memref<2x128xi32, #tpu.memory_space<vmem>>, vector<16xi32>,
      tpu.vector_store_idx %arg19[%get3A_141], %broadcast_in_dim3A_1 {add = true} : memref<16xf32, #tpu.memory_space<vmem>>[vector<16xi32>], vector<16xf32>,
      %get3A_142 = arith.constant 0 : i32
      %get3A_143 = arith.index_cast %get3A_142 : i32 to index
      %get3A_144 = arith.constant 48 : index
      %get3A_145 = tpu.vector_load %arg16[%get3A_143, %get3A_144] {strides = array<i32>} : memref<2x128xi32, #tpu.memory_space<vmem>>, vector<16xi32>,
      tpu.vector_store_idx %arg19[%get3A_145], %broadcast_in_dim3A_1 {add = true} : memref<16xf32, #tpu.memory_space<vmem>>[vector<16xi32>], vector<16xf32>,
      %get3A_146 = arith.constant 0 : i32
      %get3A_147 = arith.index_cast %get3A_146 : i32 to index
      %get3A_148 = arith.constant 64 : index
      %get3A_149 = tpu.vector_load %arg16[%get3A_147, %get3A_148] {strides = array<i32>} : memref<2x128xi32, #tpu.memory_space<vmem>>, vector<16xi32>,
      tpu.vector_store_idx %arg19[%get3A_149], %broadcast_in_dim3A_1 {add = true} : memref<16xf32, #tpu.memory_space<vmem>>[vector<16xi32>], vector<16xf32>,
      %get3A_150 = arith.constant 0 : i32
      %get3A_151 = arith.index_cast %get3A_150 : i32 to index
      %get3A_152 = arith.constant 80 : index
      %get3A_153 = tpu.vector_load %arg16[%get3A_151, %get3A_152] {strides = array<i32>} : memref<2x128xi32, #tpu.memory_space<vmem>>, vector<16xi32>,
      tpu.vector_store_idx %arg19[%get3A_153], %broadcast_in_dim3A_1 {add = true} : memref<16xf32, #tpu.memory_space<vmem>>[vector<16xi32>], vector<16xf32>,
      %get3A_154 = arith.constant 0 : i32
      %get3A_155 = arith.index_cast %get3A_154 : i32 to index
      %get3A_156 = arith.constant 96 : index
      %get3A_157 = tpu.vector_load %arg16[%get3A_155, %get3A_156] {strides = array<i32>} : memref<2x128xi32, #tpu.memory_space<vmem>>, vector<16xi32>,
      tpu.vector_store_idx %arg19[%get3A_157], %broadcast_in_dim3A_1 {add = true} : memref<16xf32, #tpu.memory_space<vmem>>[vector<16xi32>], vector<16xf32>,
      %get3A_158 = arith.constant 0 : i32
      %get3A_159 = arith.index_cast %get3A_158 : i32 to index
      %get3A_160 = arith.constant 112 : index
      %get3A_161 = tpu.vector_load %arg16[%get3A_159, %get3A_160] {strides = array<i32>} : memref<2x128xi32, #tpu.memory_space<vmem>>, vector<16xi32>,
      tpu.vector_store_idx %arg19[%get3A_161], %broadcast_in_dim3A_1 {add = true} : memref<16xf32, #tpu.memory_space<vmem>>[vector<16xi32>], vector<16xf32>,
      %get3A_162 = arith.constant 1 : i32
      %get3A_163 = arith.index_cast %get3A_162 : i32 to index
      %get3A_164 = arith.constant 0 : index
      %get3A_165 = tpu.vector_load %arg16[%get3A_163, %get3A_164] {strides = array<i32>} : memref<2x128xi32, #tpu.memory_space<vmem>>, vector<16xi32>,
      tpu.vector_store_idx %arg19[%get3A_165], %broadcast_in_dim3A_1 {add = true} : memref<16xf32, #tpu.memory_space<vmem>>[vector<16xi32>], vector<16xf32>,
      %get3A_166 = arith.constant 1 : i32
      %get3A_167 = arith.index_cast %get3A_166 : i32 to index
      %get3A_168 = arith.constant 16 : index
      %get3A_169 = tpu.vector_load %arg16[%get3A_167, %get3A_168] {strides = array<i32>} : memref<2x128xi32, #tpu.memory_space<vmem>>, vector<16xi32>,
      tpu.vector_store_idx %arg19[%get3A_169], %broadcast_in_dim3A_1 {add = true} : memref<16xf32, #tpu.memory_space<vmem>>[vector<16xi32>], vector<16xf32>,
      %get3A_170 = arith.constant 1 : i32
      %get3A_171 = arith.index_cast %get3A_170 : i32 to index
      %get3A_172 = arith.constant 32 : index
      %get3A_173 = tpu.vector_load %arg16[%get3A_171, %get3A_172] {strides = array<i32>} : memref<2x128xi32, #tpu.memory_space<vmem>>, vector<16xi32>,
      tpu.vector_store_idx %arg19[%get3A_173], %broadcast_in_dim3A_1 {add = true} : memref<16xf32, #tpu.memory_space<vmem>>[vector<16xi32>], vector<16xf32>,
      %get3A_174 = arith.constant 1 : i32
      %get3A_175 = arith.index_cast %get3A_174 : i32 to index
      %get3A_176 = arith.constant 48 : index
      %get3A_177 = tpu.vector_load %arg16[%get3A_175, %get3A_176] {strides = array<i32>} : memref<2x128xi32, #tpu.memory_space<vmem>>, vector<16xi32>,
      tpu.vector_store_idx %arg19[%get3A_177], %broadcast_in_dim3A_1 {add = true} : memref<16xf32, #tpu.memory_space<vmem>>[vector<16xi32>], vector<16xf32>,
      %get3A_178 = arith.constant 1 : i32
      %get3A_179 = arith.index_cast %get3A_178 : i32 to index
      %get3A_180 = arith.constant 64 : index
      %get3A_181 = tpu.vector_load %arg16[%get3A_179, %get3A_180] {strides = array<i32>} : memref<2x128xi32, #tpu.memory_space<vmem>>, vector<16xi32>,
      tpu.vector_store_idx %arg19[%get3A_181], %broadcast_in_dim3A_1 {add = true} : memref<16xf32, #tpu.memory_space<vmem>>[vector<16xi32>], vector<16xf32>,
      %get3A_182 = arith.constant 1 : i32
      %get3A_183 = arith.index_cast %get3A_182 : i32 to index
      %get3A_184 = arith.constant 80 : index
      %get3A_185 = tpu.vector_load %arg16[%get3A_183, %get3A_184] {strides = array<i32>} : memref<2x128xi32, #tpu.memory_space<vmem>>, vector<16xi32>,
      tpu.vector_store_idx %arg19[%get3A_185], %broadcast_in_dim3A_1 {add = true} : memref<16xf32, #tpu.memory_space<vmem>>[vector<16xi32>], vector<16xf32>,
      %get3A_186 = arith.constant 1 : i32
      %get3A_187 = arith.index_cast %get3A_186 : i32 to index
      %get3A_188 = arith.constant 96 : index
      %get3A_189 = tpu.vector_load %arg16[%get3A_187, %get3A_188] {strides = array<i32>} : memref<2x128xi32, #tpu.memory_space<vmem>>, vector<16xi32>,
      tpu.vector_store_idx %arg19[%get3A_189], %broadcast_in_dim3A_1 {add = true} : memref<16xf32, #tpu.memory_space<vmem>>[vector<16xi32>], vector<16xf32>,
      %get3A_190 = arith.constant 1 : i32
      %get3A_191 = arith.index_cast %get3A_190 : i32 to index
      %get3A_192 = arith.constant 112 : index
      %get3A_193 = tpu.vector_load %arg16[%get3A_191, %get3A_192] {strides = array<i32>} : memref<2x128xi32, #tpu.memory_space<vmem>>, vector<16xi32>,
      tpu.vector_store_idx %arg19[%get3A_193], %broadcast_in_dim3A_1 {add = true} : memref<16xf32, #tpu.memory_space<vmem>>[vector<16xi32>], vector<16xf32>,
      %dma_wait3A_194 = arith.constant 0 : i32
      %dma_wait3A_195 = arith.constant 0 : i32
      %dma_wait3A_196 = arith.constant 0 : i32
      %dma_wait3A_197 = tpu.memref_slice %arg14[%dma_wait3A_195, %dma_wait3A_196] : memref<256x128xf32, #tpu.memory_space<vmem>> -> memref<128x128xf32, #tpu.memory_space<vmem>>
      %dma_wait3A_198 = arith.constant 0 : i32
      %dma_wait3A_199 = tpu.memref_slice %arg16[%dma_wait3A_194, %dma_wait3A_198] : memref<2x128xi32, #tpu.memory_space<vmem>> -> memref<1x128xi32, #tpu.memory_space<vmem>>
      %dma_wait3A_200 = tpu.memref_squeeze %dma_wait3A_199 : memref<1x128xi32, #tpu.memory_space<vmem>> -> memref<128xi32, #tpu.memory_space<vmem>>
      %dma_wait3A_201 = arith.constant 0 : i32
      %dma_wait3A_202 = arith.constant 0 : i32
      %dma_wait3A_203 = tpu.memref_slice %arg13[%dma_wait3A_201, %dma_wait3A_202] : memref<16x128xf32, #tpu.memory_space<vmem_shared>> -> memref<16x128xf32, #tpu.memory_space<vmem_shared>>
      tpu.wait_indirect_dma semaphore(%arg25 : memref<!tpu.dma_semaphore, #tpu.memory_space<semaphore_mem>>) src(%dma_wait3A_197 : memref<128x128xf32, #tpu.memory_space<vmem>>) dst(%dma_wait3A_203 : memref<16x128xf32, #tpu.memory_space<vmem_shared>>)
      %dma_wait3A_204 = arith.constant 1 : i32
      %dma_wait3A_205 = arith.constant 128 : i32
      %dma_wait3A_206 = arith.constant 0 : i32
      %dma_wait3A_207 = tpu.memref_slice %arg14[%dma_wait3A_205, %dma_wait3A_206] : memref<256x128xf32, #tpu.memory_space<vmem>> -> memref<128x128xf32, #tpu.memory_space<vmem>>
      %dma_wait3A_208 = arith.constant 0 : i32
      %dma_wait3A_209 = tpu.memref_slice %arg16[%dma_wait3A_204, %dma_wait3A_208] : memref<2x128xi32, #tpu.memory_space<vmem>> -> memref<1x128xi32, #tpu.memory_space<vmem>>
      %dma_wait3A_210 = tpu.memref_squeeze %dma_wait3A_209 : memref<1x128xi32, #tpu.memory_space<vmem>> -> memref<128xi32, #tpu.memory_space<vmem>>
      %dma_wait3A_211 = arith.constant 0 : i32
      %dma_wait3A_212 = arith.constant 0 : i32
      %dma_wait3A_213 = tpu.memref_slice %arg13[%dma_wait3A_211, %dma_wait3A_212] : memref<16x128xf32, #tpu.memory_space<vmem_shared>> -> memref<16x128xf32, #tpu.memory_space<vmem_shared>>
      tpu.wait_indirect_dma semaphore(%arg25 : memref<!tpu.dma_semaphore, #tpu.memory_space<semaphore_mem>>) src(%dma_wait3A_207 : memref<128x128xf32, #tpu.memory_space<vmem>>) dst(%dma_wait3A_213 : memref<16x128xf32, #tpu.memory_space<vmem_shared>>)
      %add3A_214 = arith.constant 64 : i32
      %add3A_215 = arith.addi %add3A_98, %add3A_214 : i32
      %lt3A_216 = arith.constant 195 : i32
      %lt3A_217 = arith.cmpi slt, %add3A_215, %lt3A_216 : i32
      %convert_element_type3A_218 = arith.extui %lt3A_217 : i1 to i32
      %cond3A_219 = arith.constant 0 : i32
      %cond3A_220 = arith.cmpi ne, %convert_element_type3A_218, %cond3A_219 : i32
      scf.if %cond3A_220 {
        %add3A_228 = arith.constant 64 : i32
        %add3A_229 = arith.addi %add3A_98, %add3A_228 : i32
        %mul3A_230 = arith.constant 256 : i32
        %mul3A_231 = arith.muli %add3A_229, %mul3A_230 : i32
        %multiple_of3A_232 = tpu.assume_multiple %mul3A_231, 256 : i32
        %dma_start3A_233 = arith.constant 0 : i32
        %dma_start3A_234 = arith.constant 0 : i32
        %dma_start3A_235 = tpu.memref_slice %arg5[%add3A_229, %dma_start3A_233, %dma_start3A_234] : memref<196x2x128xi32, #tpu.memory_space<hbm>> -> memref<1x2x128xi32, #tpu.memory_space<hbm>>
        %dma_start3A_236 = tpu.memref_squeeze %dma_start3A_235 : memref<1x2x128xi32, #tpu.memory_space<hbm>> -> memref<2x128xi32, #tpu.memory_space<hbm>>
        %dma_start3A_237 = arith.constant 0 : i32
        %dma_start3A_238 = arith.constant 0 : i32
        %dma_start3A_239 = tpu.memref_slice %arg5[%add3A_229, %dma_start3A_237, %dma_start3A_238] : memref<196x2x128xi32, #tpu.memory_space<hbm>> -> memref<1x2x128xi32, #tpu.memory_space<hbm>>
        %dma_start3A_240 = tpu.memref_squeeze %dma_start3A_239 : memref<1x2x128xi32, #tpu.memory_space<hbm>> -> memref<2x128xi32, #tpu.memory_space<hbm>>
        tpu.enqueue_dma source(%dma_start3A_240 : memref<2x128xi32, #tpu.memory_space<hbm>>) target(%arg16 : memref<2x128xi32, #tpu.memory_space<vmem>>) target_semaphore(%arg21 : memref<!tpu.dma_semaphore, #tpu.memory_space<semaphore_mem>>)
        %dma_start3A_241 = arith.constant 0 : i32
        %dma_start3A_242 = tpu.memref_slice %arg3[%multiple_of3A_232, %dma_start3A_241] : memref<50000x128xf32, #tpu.memory_space<hbm>> -> memref<256x128xf32, #tpu.memory_space<hbm>>
        %dma_start3A_243 = arith.constant 0 : i32
        %dma_start3A_244 = tpu.memref_slice %arg3[%multiple_of3A_232, %dma_start3A_243] : memref<50000x128xf32, #tpu.memory_space<hbm>> -> memref<256x128xf32, #tpu.memory_space<hbm>>
        tpu.enqueue_dma source(%dma_start3A_244 : memref<256x128xf32, #tpu.memory_space<hbm>>) target(%arg14 : memref<256x128xf32, #tpu.memory_space<vmem>>) target_semaphore(%arg22 : memref<!tpu.dma_semaphore, #tpu.memory_space<semaphore_mem>>)
      } else {
      }
      %add3A_221 = arith.constant 32 : i32
      %add3A_222 = arith.addi %add3A_98, %add3A_221 : i32
      %lt3A_223 = arith.constant 195 : i32
      %lt3A_224 = arith.cmpi slt, %add3A_222, %lt3A_223 : i32
      %convert_element_type3A_225 = arith.extui %lt3A_224 : i1 to i32
      %cond3A_226 = arith.constant 0 : i32
      %cond3A_227 = arith.cmpi ne, %convert_element_type3A_225, %cond3A_226 : i32
      scf.if %cond3A_227 {
        %add3A_228 = arith.constant 32 : i32
        %add3A_229 = arith.addi %add3A_98, %add3A_228 : i32
        %mul3A_230 = arith.constant 256 : i32
        %mul3A_231 = arith.muli %add3A_229, %mul3A_230 : i32
        %multiple_of3A_232 = tpu.assume_multiple %mul3A_231, 256 : i32
        %dma_wait3A_233 = arith.constant 0 : i32
        %dma_wait3A_234 = arith.constant 0 : i32
        %dma_wait3A_235 = tpu.memref_slice %arg5[%add3A_229, %dma_wait3A_233, %dma_wait3A_234] : memref<196x2x128xi32, #tpu.memory_space<hbm>> -> memref<1x2x128xi32, #tpu.memory_space<hbm>>
        %dma_wait3A_236 = tpu.memref_squeeze %dma_wait3A_235 : memref<1x2x128xi32, #tpu.memory_space<hbm>> -> memref<2x128xi32, #tpu.memory_space<hbm>>
        %dma_wait3A_237 = arith.constant 0 : i32
        %dma_wait3A_238 = arith.constant 0 : i32
        %dma_wait3A_239 = tpu.memref_slice %arg5[%add3A_229, %dma_wait3A_237, %dma_wait3A_238] : memref<196x2x128xi32, #tpu.memory_space<hbm>> -> memref<1x2x128xi32, #tpu.memory_space<hbm>>
        %dma_wait3A_240 = tpu.memref_squeeze %dma_wait3A_239 : memref<1x2x128xi32, #tpu.memory_space<hbm>> -> memref<2x128xi32, #tpu.memory_space<hbm>>
        tpu.wait_dma2 semaphore(%arg23 : memref<!tpu.dma_semaphore, #tpu.memory_space<semaphore_mem>>) src(%dma_wait3A_240 : memref<2x128xi32, #tpu.memory_space<hbm>>) dst(%arg17 : memref<2x128xi32, #tpu.memory_space<vmem>>)
        %dma_wait3A_241 = arith.constant 0 : i32
        %dma_wait3A_242 = tpu.memref_slice %arg3[%multiple_of3A_232, %dma_wait3A_241] : memref<50000x128xf32, #tpu.memory_space<hbm>> -> memref<256x128xf32, #tpu.memory_space<hbm>>
        %dma_wait3A_243 = arith.constant 0 : i32
        %dma_wait3A_244 = tpu.memref_slice %arg3[%multiple_of3A_232, %dma_wait3A_243] : memref<50000x128xf32, #tpu.memory_space<hbm>> -> memref<256x128xf32, #tpu.memory_space<hbm>>
        tpu.wait_dma2 semaphore(%arg24 : memref<!tpu.dma_semaphore, #tpu.memory_space<semaphore_mem>>) src(%dma_wait3A_244 : memref<256x128xf32, #tpu.memory_space<hbm>>) dst(%arg15 : memref<256x128xf32, #tpu.memory_space<vmem>>)
        %dma_start3A_245 = arith.constant 0 : i32
        %dma_start3A_246 = arith.constant 0 : i32
        %dma_start3A_247 = arith.constant 0 : i32
        %dma_start3A_248 = tpu.memref_slice %arg15[%dma_start3A_246, %dma_start3A_247] : memref<256x128xf32, #tpu.memory_space<vmem>> -> memref<128x128xf32, #tpu.memory_space<vmem>>
        %dma_start3A_249 = arith.constant 0 : i32
        %dma_start3A_250 = tpu.memref_slice %arg17[%dma_start3A_245, %dma_start3A_249] : memref<2x128xi32, #tpu.memory_space<vmem>> -> memref<1x128xi32, #tpu.memory_space<vmem>>
        %dma_start3A_251 = tpu.memref_squeeze %dma_start3A_250 : memref<1x128xi32, #tpu.memory_space<vmem>> -> memref<128xi32, #tpu.memory_space<vmem>>
        %dma_start3A_252 = arith.constant 0 : i32
        %dma_start3A_253 = arith.constant 0 : i32
        %dma_start3A_254 = tpu.memref_slice %arg13[%dma_start3A_252, %dma_start3A_253] : memref<16x128xf32, #tpu.memory_space<vmem_shared>> -> memref<16x128xf32, #tpu.memory_space<vmem_shared>>
        tpu.enqueue_indirect_dma source(%dma_start3A_248 : memref<128x128xf32, #tpu.memory_space<vmem>>) target(%dma_start3A_254 : memref<16x128xf32, #tpu.memory_space<vmem_shared>>) offsets(%dma_start3A_251 : memref<128xi32, #tpu.memory_space<vmem>>) semaphore(%arg26 : memref<!tpu.dma_semaphore, #tpu.memory_space<semaphore_mem>>) {add = true}
        %dma_start3A_255 = arith.constant 1 : i32
        %dma_start3A_256 = arith.constant 128 : i32
        %dma_start3A_257 = arith.constant 0 : i32
        %dma_start3A_258 = tpu.memref_slice %arg15[%dma_start3A_256, %dma_start3A_257] : memref<256x128xf32, #tpu.memory_space<vmem>> -> memref<128x128xf32, #tpu.memory_space<vmem>>
        %dma_start3A_259 = arith.constant 0 : i32
        %dma_start3A_260 = tpu.memref_slice %arg17[%dma_start3A_255, %dma_start3A_259] : memref<2x128xi32, #tpu.memory_space<vmem>> -> memref<1x128xi32, #tpu.memory_space<vmem>>
        %dma_start3A_261 = tpu.memref_squeeze %dma_start3A_260 : memref<1x128xi32, #tpu.memory_space<vmem>> -> memref<128xi32, #tpu.memory_space<vmem>>
        %dma_start3A_262 = arith.constant 0 : i32
        %dma_start3A_263 = arith.constant 0 : i32
        %dma_start3A_264 = tpu.memref_slice %arg13[%dma_start3A_262, %dma_start3A_263] : memref<16x128xf32, #tpu.memory_space<vmem_shared>> -> memref<16x128xf32, #tpu.memory_space<vmem_shared>>
        tpu.enqueue_indirect_dma source(%dma_start3A_258 : memref<128x128xf32, #tpu.memory_space<vmem>>) target(%dma_start3A_264 : memref<16x128xf32, #tpu.memory_space<vmem_shared>>) offsets(%dma_start3A_261 : memref<128xi32, #tpu.memory_space<vmem>>) semaphore(%arg26 : memref<!tpu.dma_semaphore, #tpu.memory_space<semaphore_mem>>) {add = true}
        %get3A_265 = arith.constant 0 : i32
        %get3A_266 = arith.index_cast %get3A_265 : i32 to index
        %get3A_267 = arith.constant 0 : index
        %get3A_268 = tpu.vector_load %arg17[%get3A_266, %get3A_267] {strides = array<i32>} : memref<2x128xi32, #tpu.memory_space<vmem>>, vector<16xi32>,
        tpu.vector_store_idx %arg19[%get3A_268], %broadcast_in_dim3A_1 {add = true} : memref<16xf32, #tpu.memory_space<vmem>>[vector<16xi32>], vector<16xf32>,
        %get3A_269 = arith.constant 0 : i32
        %get3A_270 = arith.index_cast %get3A_269 : i32 to index
        %get3A_271 = arith.constant 16 : index
        %get3A_272 = tpu.vector_load %arg17[%get3A_270, %get3A_271] {strides = array<i32>} : memref<2x128xi32, #tpu.memory_space<vmem>>, vector<16xi32>,
        tpu.vector_store_idx %arg19[%get3A_272], %broadcast_in_dim3A_1 {add = true} : memref<16xf32, #tpu.memory_space<vmem>>[vector<16xi32>], vector<16xf32>,
        %get3A_273 = arith.constant 0 : i32
        %get3A_274 = arith.index_cast %get3A_273 : i32 to index
        %get3A_275 = arith.constant 32 : index
        %get3A_276 = tpu.vector_load %arg17[%get3A_274, %get3A_275] {strides = array<i32>} : memref<2x128xi32, #tpu.memory_space<vmem>>, vector<16xi32>,
        tpu.vector_store_idx %arg19[%get3A_276], %broadcast_in_dim3A_1 {add = true} : memref<16xf32, #tpu.memory_space<vmem>>[vector<16xi32>], vector<16xf32>,
        %get3A_277 = arith.constant 0 : i32
        %get3A_278 = arith.index_cast %get3A_277 : i32 to index
        %get3A_279 = arith.constant 48 : index
        %get3A_280 = tpu.vector_load %arg17[%get3A_278, %get3A_279] {strides = array<i32>} : memref<2x128xi32, #tpu.memory_space<vmem>>, vector<16xi32>,
        tpu.vector_store_idx %arg19[%get3A_280], %broadcast_in_dim3A_1 {add = true} : memref<16xf32, #tpu.memory_space<vmem>>[vector<16xi32>], vector<16xf32>,
        %get3A_281 = arith.constant 0 : i32
        %get3A_282 = arith.index_cast %get3A_281 : i32 to index
        %get3A_283 = arith.constant 64 : index
        %get3A_284 = tpu.vector_load %arg17[%get3A_282, %get3A_283] {strides = array<i32>} : memref<2x128xi32, #tpu.memory_space<vmem>>, vector<16xi32>,
        tpu.vector_store_idx %arg19[%get3A_284], %broadcast_in_dim3A_1 {add = true} : memref<16xf32, #tpu.memory_space<vmem>>[vector<16xi32>], vector<16xf32>,
        %get3A_285 = arith.constant 0 : i32
        %get3A_286 = arith.index_cast %get3A_285 : i32 to index
        %get3A_287 = arith.constant 80 : index
        %get3A_288 = tpu.vector_load %arg17[%get3A_286, %get3A_287] {strides = array<i32>} : memref<2x128xi32, #tpu.memory_space<vmem>>, vector<16xi32>,
        tpu.vector_store_idx %arg19[%get3A_288], %broadcast_in_dim3A_1 {add = true} : memref<16xf32, #tpu.memory_space<vmem>>[vector<16xi32>], vector<16xf32>,
        %get3A_289 = arith.constant 0 : i32
        %get3A_290 = arith.index_cast %get3A_289 : i32 to index
        %get3A_291 = arith.constant 96 : index
        %get3A_292 = tpu.vector_load %arg17[%get3A_290, %get3A_291] {strides = array<i32>} : memref<2x128xi32, #tpu.memory_space<vmem>>, vector<16xi32>,
        tpu.vector_store_idx %arg19[%get3A_292], %broadcast_in_dim3A_1 {add = true} : memref<16xf32, #tpu.memory_space<vmem>>[vector<16xi32>], vector<16xf32>,
        %get3A_293 = arith.constant 0 : i32
        %get3A_294 = arith.index_cast %get3A_293 : i32 to index
        %get3A_295 = arith.constant 112 : index
        %get3A_296 = tpu.vector_load %arg17[%get3A_294, %get3A_295] {strides = array<i32>} : memref<2x128xi32, #tpu.memory_space<vmem>>, vector<16xi32>,
        tpu.vector_store_idx %arg19[%get3A_296], %broadcast_in_dim3A_1 {add = true} : memref<16xf32, #tpu.memory_space<vmem>>[vector<16xi32>], vector<16xf32>,
        %get3A_297 = arith.constant 1 : i32
        %get3A_298 = arith.index_cast %get3A_297 : i32 to index
        %get3A_299 = arith.constant 0 : index
        %get3A_300 = tpu.vector_load %arg17[%get3A_298, %get3A_299] {strides = array<i32>} : memref<2x128xi32, #tpu.memory_space<vmem>>, vector<16xi32>,
        tpu.vector_store_idx %arg19[%get3A_300], %broadcast_in_dim3A_1 {add = true} : memref<16xf32, #tpu.memory_space<vmem>>[vector<16xi32>], vector<16xf32>,
        %get3A_301 = arith.constant 1 : i32
        %get3A_302 = arith.index_cast %get3A_301 : i32 to index
        %get3A_303 = arith.constant 16 : index
        %get3A_304 = tpu.vector_load %arg17[%get3A_302, %get3A_303] {strides = array<i32>} : memref<2x128xi32, #tpu.memory_space<vmem>>, vector<16xi32>,
        tpu.vector_store_idx %arg19[%get3A_304], %broadcast_in_dim3A_1 {add = true} : memref<16xf32, #tpu.memory_space<vmem>>[vector<16xi32>], vector<16xf32>,
        %get3A_305 = arith.constant 1 : i32
        %get3A_306 = arith.index_cast %get3A_305 : i32 to index
        %get3A_307 = arith.constant 32 : index
        %get3A_308 = tpu.vector_load %arg17[%get3A_306, %get3A_307] {strides = array<i32>} : memref<2x128xi32, #tpu.memory_space<vmem>>, vector<16xi32>,
        tpu.vector_store_idx %arg19[%get3A_308], %broadcast_in_dim3A_1 {add = true} : memref<16xf32, #tpu.memory_space<vmem>>[vector<16xi32>], vector<16xf32>,
        %get3A_309 = arith.constant 1 : i32
        %get3A_310 = arith.index_cast %get3A_309 : i32 to index
        %get3A_311 = arith.constant 48 : index
        %get3A_312 = tpu.vector_load %arg17[%get3A_310, %get3A_311] {strides = array<i32>} : memref<2x128xi32, #tpu.memory_space<vmem>>, vector<16xi32>,
        tpu.vector_store_idx %arg19[%get3A_312], %broadcast_in_dim3A_1 {add = true} : memref<16xf32, #tpu.memory_space<vmem>>[vector<16xi32>], vector<16xf32>,
        %get3A_313 = arith.constant 1 : i32
        %get3A_314 = arith.index_cast %get3A_313 : i32 to index
        %get3A_315 = arith.constant 64 : index
        %get3A_316 = tpu.vector_load %arg17[%get3A_314, %get3A_315] {strides = array<i32>} : memref<2x128xi32, #tpu.memory_space<vmem>>, vector<16xi32>,
        tpu.vector_store_idx %arg19[%get3A_316], %broadcast_in_dim3A_1 {add = true} : memref<16xf32, #tpu.memory_space<vmem>>[vector<16xi32>], vector<16xf32>,
        %get3A_317 = arith.constant 1 : i32
        %get3A_318 = arith.index_cast %get3A_317 : i32 to index
        %get3A_319 = arith.constant 80 : index
        %get3A_320 = tpu.vector_load %arg17[%get3A_318, %get3A_319] {strides = array<i32>} : memref<2x128xi32, #tpu.memory_space<vmem>>, vector<16xi32>,
        tpu.vector_store_idx %arg19[%get3A_320], %broadcast_in_dim3A_1 {add = true} : memref<16xf32, #tpu.memory_space<vmem>>[vector<16xi32>], vector<16xf32>,
        %get3A_321 = arith.constant 1 : i32
        %get3A_322 = arith.index_cast %get3A_321 : i32 to index
        %get3A_323 = arith.constant 96 : index
        %get3A_324 = tpu.vector_load %arg17[%get3A_322, %get3A_323] {strides = array<i32>} : memref<2x128xi32, #tpu.memory_space<vmem>>, vector<16xi32>,
        tpu.vector_store_idx %arg19[%get3A_324], %broadcast_in_dim3A_1 {add = true} : memref<16xf32, #tpu.memory_space<vmem>>[vector<16xi32>], vector<16xf32>,
        %get3A_325 = arith.constant 1 : i32
        %get3A_326 = arith.index_cast %get3A_325 : i32 to index
        %get3A_327 = arith.constant 112 : index
        %get3A_328 = tpu.vector_load %arg17[%get3A_326, %get3A_327] {strides = array<i32>} : memref<2x128xi32, #tpu.memory_space<vmem>>, vector<16xi32>,
        tpu.vector_store_idx %arg19[%get3A_328], %broadcast_in_dim3A_1 {add = true} : memref<16xf32, #tpu.memory_space<vmem>>[vector<16xi32>], vector<16xf32>,
        %dma_wait3A_329 = arith.constant 0 : i32
        %dma_wait3A_330 = arith.constant 0 : i32
        %dma_wait3A_331 = arith.constant 0 : i32
        %dma_wait3A_332 = tpu.memref_slice %arg15[%dma_wait3A_330, %dma_wait3A_331] : memref<256x128xf32, #tpu.memory_space<vmem>> -> memref<128x128xf32, #tpu.memory_space<vmem>>
        %dma_wait3A_333 = arith.constant 0 : i32
        %dma_wait3A_334 = tpu.memref_slice %arg17[%dma_wait3A_329, %dma_wait3A_333] : memref<2x128xi32, #tpu.memory_space<vmem>> -> memref<1x128xi32, #tpu.memory_space<vmem>>
        %dma_wait3A_335 = tpu.memref_squeeze %dma_wait3A_334 : memref<1x128xi32, #tpu.memory_space<vmem>> -> memref<128xi32, #tpu.memory_space<vmem>>
        %dma_wait3A_336 = arith.constant 0 : i32
        %dma_wait3A_337 = arith.constant 0 : i32
        %dma_wait3A_338 = tpu.memref_slice %arg13[%dma_wait3A_336, %dma_wait3A_337] : memref<16x128xf32, #tpu.memory_space<vmem_shared>> -> memref<16x128xf32, #tpu.memory_space<vmem_shared>>
        tpu.wait_indirect_dma semaphore(%arg26 : memref<!tpu.dma_semaphore, #tpu.memory_space<semaphore_mem>>) src(%dma_wait3A_332 : memref<128x128xf32, #tpu.memory_space<vmem>>) dst(%dma_wait3A_338 : memref<16x128xf32, #tpu.memory_space<vmem_shared>>)
        %dma_wait3A_339 = arith.constant 1 : i32
        %dma_wait3A_340 = arith.constant 128 : i32
        %dma_wait3A_341 = arith.constant 0 : i32
        %dma_wait3A_342 = tpu.memref_slice %arg15[%dma_wait3A_340, %dma_wait3A_341] : memref<256x128xf32, #tpu.memory_space<vmem>> -> memref<128x128xf32, #tpu.memory_space<vmem>>
        %dma_wait3A_343 = arith.constant 0 : i32
        %dma_wait3A_344 = tpu.memref_slice %arg17[%dma_wait3A_339, %dma_wait3A_343] : memref<2x128xi32, #tpu.memory_space<vmem>> -> memref<1x128xi32, #tpu.memory_space<vmem>>
        %dma_wait3A_345 = tpu.memref_squeeze %dma_wait3A_344 : memref<1x128xi32, #tpu.memory_space<vmem>> -> memref<128xi32, #tpu.memory_space<vmem>>
        %dma_wait3A_346 = arith.constant 0 : i32
        %dma_wait3A_347 = arith.constant 0 : i32
        %dma_wait3A_348 = tpu.memref_slice %arg13[%dma_wait3A_346, %dma_wait3A_347] : memref<16x128xf32, #tpu.memory_space<vmem_shared>> -> memref<16x128xf32, #tpu.memory_space<vmem_shared>>
        tpu.wait_indirect_dma semaphore(%arg26 : memref<!tpu.dma_semaphore, #tpu.memory_space<semaphore_mem>>) src(%dma_wait3A_342 : memref<128x128xf32, #tpu.memory_space<vmem>>) dst(%dma_wait3A_348 : memref<16x128xf32, #tpu.memory_space<vmem_shared>>)
        %add3A_349 = arith.constant 64 : i32
        %add3A_350 = arith.addi %add3A_229, %add3A_349 : i32
        %lt3A_351 = arith.constant 195 : i32
        %lt3A_352 = arith.cmpi slt, %add3A_350, %lt3A_351 : i32
        %convert_element_type3A_353 = arith.extui %lt3A_352 : i1 to i32
        %cond3A_354 = arith.constant 0 : i32
        %cond3A_355 = arith.cmpi ne, %convert_element_type3A_353, %cond3A_354 : i32
        scf.if %cond3A_355 {
          %add3A_356 = arith.constant 64 : i32
          %add3A_357 = arith.addi %add3A_229, %add3A_356 : i32
          %mul3A_358 = arith.constant 256 : i32
          %mul3A_359 = arith.muli %add3A_357, %mul3A_358 : i32
          %multiple_of3A_360 = tpu.assume_multiple %mul3A_359, 256 : i32
          %dma_start3A_361 = arith.constant 0 : i32
          %dma_start3A_362 = arith.constant 0 : i32
          %dma_start3A_363 = tpu.memref_slice %arg5[%add3A_357, %dma_start3A_361, %dma_start3A_362] : memref<196x2x128xi32, #tpu.memory_space<hbm>> -> memref<1x2x128xi32, #tpu.memory_space<hbm>>
          %dma_start3A_364 = tpu.memref_squeeze %dma_start3A_363 : memref<1x2x128xi32, #tpu.memory_space<hbm>> -> memref<2x128xi32, #tpu.memory_space<hbm>>
          %dma_start3A_365 = arith.constant 0 : i32
          %dma_start3A_366 = arith.constant 0 : i32
          %dma_start3A_367 = tpu.memref_slice %arg5[%add3A_357, %dma_start3A_365, %dma_start3A_366] : memref<196x2x128xi32, #tpu.memory_space<hbm>> -> memref<1x2x128xi32, #tpu.memory_space<hbm>>
          %dma_start3A_368 = tpu.memref_squeeze %dma_start3A_367 : memref<1x2x128xi32, #tpu.memory_space<hbm>> -> memref<2x128xi32, #tpu.memory_space<hbm>>
          tpu.enqueue_dma source(%dma_start3A_368 : memref<2x128xi32, #tpu.memory_space<hbm>>) target(%arg17 : memref<2x128xi32, #tpu.memory_space<vmem>>) target_semaphore(%arg23 : memref<!tpu.dma_semaphore, #tpu.memory_space<semaphore_mem>>)
          %dma_start3A_369 = arith.constant 0 : i32
          %dma_start3A_370 = tpu.memref_slice %arg3[%multiple_of3A_360, %dma_start3A_369] : memref<50000x128xf32, #tpu.memory_space<hbm>> -> memref<256x128xf32, #tpu.memory_space<hbm>>
          %dma_start3A_371 = arith.constant 0 : i32
          %dma_start3A_372 = tpu.memref_slice %arg3[%multiple_of3A_360, %dma_start3A_371] : memref<50000x128xf32, #tpu.memory_space<hbm>> -> memref<256x128xf32, #tpu.memory_space<hbm>>
          tpu.enqueue_dma source(%dma_start3A_372 : memref<256x128xf32, #tpu.memory_space<hbm>>) target(%arg15 : memref<256x128xf32, #tpu.memory_space<vmem>>) target_semaphore(%arg24 : memref<!tpu.dma_semaphore, #tpu.memory_space<semaphore_mem>>)
        } else {
        }
      } else {
      }
    }
    %while3A_66 = arith.constant 1 : i32
    scf.for %while3A_96 = %while3A_64 to %while3A_60 step %while3A_66  : i32 {
      %mul3A_97 = arith.muli %while3A_96, %while3A_57 : i32
      %add3A_98 = arith.addi %add3A, %mul3A_97 : i32
      %mul3A_99 = arith.constant 256 : i32
      %mul3A_100 = arith.muli %add3A_98, %mul3A_99 : i32
      %multiple_of3A = tpu.assume_multiple %mul3A_100, 256 : i32
      %dma_wait3A = arith.constant 0 : i32
      %dma_wait3A_101 = arith.constant 0 : i32
      %dma_wait3A_102 = tpu.memref_slice %arg5[%add3A_98, %dma_wait3A, %dma_wait3A_101] : memref<196x2x128xi32, #tpu.memory_space<hbm>> -> memref<1x2x128xi32, #tpu.memory_space<hbm>>
      %dma_wait3A_103 = tpu.memref_squeeze %dma_wait3A_102 : memref<1x2x128xi32, #tpu.memory_space<hbm>> -> memref<2x128xi32, #tpu.memory_space<hbm>>
      %dma_wait3A_104 = arith.constant 0 : i32
      %dma_wait3A_105 = arith.constant 0 : i32
      %dma_wait3A_106 = tpu.memref_slice %arg5[%add3A_98, %dma_wait3A_104, %dma_wait3A_105] : memref<196x2x128xi32, #tpu.memory_space<hbm>> -> memref<1x2x128xi32, #tpu.memory_space<hbm>>
      %dma_wait3A_107 = tpu.memref_squeeze %dma_wait3A_106 : memref<1x2x128xi32, #tpu.memory_space<hbm>> -> memref<2x128xi32, #tpu.memory_space<hbm>>
      tpu.wait_dma2 semaphore(%arg21 : memref<!tpu.dma_semaphore, #tpu.memory_space<semaphore_mem>>) src(%dma_wait3A_107 : memref<2x128xi32, #tpu.memory_space<hbm>>) dst(%arg16 : memref<2x128xi32, #tpu.memory_space<vmem>>)
      %dma_wait3A_108 = arith.constant 0 : i32
      %dma_wait3A_109 = tpu.memref_slice %arg3[%multiple_of3A, %dma_wait3A_108] : memref<50000x128xf32, #tpu.memory_space<hbm>> -> memref<256x128xf32, #tpu.memory_space<hbm>>
      %dma_wait3A_110 = arith.constant 0 : i32
      %dma_wait3A_111 = tpu.memref_slice %arg3[%multiple_of3A, %dma_wait3A_110] : memref<50000x128xf32, #tpu.memory_space<hbm>> -> memref<256x128xf32, #tpu.memory_space<hbm>>
      tpu.wait_dma2 semaphore(%arg22 : memref<!tpu.dma_semaphore, #tpu.memory_space<semaphore_mem>>) src(%dma_wait3A_111 : memref<256x128xf32, #tpu.memory_space<hbm>>) dst(%arg14 : memref<256x128xf32, #tpu.memory_space<vmem>>)
      %dma_start3A = arith.constant 0 : i32
      %dma_start3A_112 = arith.constant 0 : i32
      %dma_start3A_113 = arith.constant 0 : i32
      %dma_start3A_114 = tpu.memref_slice %arg14[%dma_start3A_112, %dma_start3A_113] : memref<256x128xf32, #tpu.memory_space<vmem>> -> memref<128x128xf32, #tpu.memory_space<vmem>>
      %dma_start3A_115 = arith.constant 0 : i32
      %dma_start3A_116 = tpu.memref_slice %arg16[%dma_start3A, %dma_start3A_115] : memref<2x128xi32, #tpu.memory_space<vmem>> -> memref<1x128xi32, #tpu.memory_space<vmem>>
      %dma_start3A_117 = tpu.memref_squeeze %dma_start3A_116 : memref<1x128xi32, #tpu.memory_space<vmem>> -> memref<128xi32, #tpu.memory_space<vmem>>
      %dma_start3A_118 = arith.constant 0 : i32
      %dma_start3A_119 = arith.constant 0 : i32
      %dma_start3A_120 = tpu.memref_slice %arg13[%dma_start3A_118, %dma_start3A_119] : memref<16x128xf32, #tpu.memory_space<vmem_shared>> -> memref<16x128xf32, #tpu.memory_space<vmem_shared>>
      tpu.enqueue_indirect_dma source(%dma_start3A_114 : memref<128x128xf32, #tpu.memory_space<vmem>>) target(%dma_start3A_120 : memref<16x128xf32, #tpu.memory_space<vmem_shared>>) offsets(%dma_start3A_117 : memref<128xi32, #tpu.memory_space<vmem>>) semaphore(%arg25 : memref<!tpu.dma_semaphore, #tpu.memory_space<semaphore_mem>>) {add = true}
      %dma_start3A_121 = arith.constant 1 : i32
      %dma_start3A_122 = arith.constant 128 : i32
      %dma_start3A_123 = arith.constant 0 : i32
      %dma_start3A_124 = tpu.memref_slice %arg14[%dma_start3A_122, %dma_start3A_123] : memref<256x128xf32, #tpu.memory_space<vmem>> -> memref<128x128xf32, #tpu.memory_space<vmem>>
      %dma_start3A_125 = arith.constant 0 : i32
      %dma_start3A_126 = tpu.memref_slice %arg16[%dma_start3A_121, %dma_start3A_125] : memref<2x128xi32, #tpu.memory_space<vmem>> -> memref<1x128xi32, #tpu.memory_space<vmem>>
      %dma_start3A_127 = tpu.memref_squeeze %dma_start3A_126 : memref<1x128xi32, #tpu.memory_space<vmem>> -> memref<128xi32, #tpu.memory_space<vmem>>
      %dma_start3A_128 = arith.constant 0 : i32
      %dma_start3A_129 = arith.constant 0 : i32
      %dma_start3A_130 = tpu.memref_slice %arg13[%dma_start3A_128, %dma_start3A_129] : memref<16x128xf32, #tpu.memory_space<vmem_shared>> -> memref<16x128xf32, #tpu.memory_space<vmem_shared>>
      tpu.enqueue_indirect_dma source(%dma_start3A_124 : memref<128x128xf32, #tpu.memory_space<vmem>>) target(%dma_start3A_130 : memref<16x128xf32, #tpu.memory_space<vmem_shared>>) offsets(%dma_start3A_127 : memref<128xi32, #tpu.memory_space<vmem>>) semaphore(%arg25 : memref<!tpu.dma_semaphore, #tpu.memory_space<semaphore_mem>>) {add = true}
      %get3A = arith.constant 0 : i32
      %get3A_131 = arith.index_cast %get3A : i32 to index
      %get3A_132 = arith.constant 0 : index
      %get3A_133 = tpu.vector_load %arg16[%get3A_131, %get3A_132] {strides = array<i32>} : memref<2x128xi32, #tpu.memory_space<vmem>>, vector<16xi32>,
      tpu.vector_store_idx %arg19[%get3A_133], %broadcast_in_dim3A_1 {add = true} : memref<16xf32, #tpu.memory_space<vmem>>[vector<16xi32>], vector<16xf32>,
      %get3A_134 = arith.constant 0 : i32
      %get3A_135 = arith.index_cast %get3A_134 : i32 to index
      %get3A_136 = arith.constant 16 : index
      %get3A_137 = tpu.vector_load %arg16[%get3A_135, %get3A_136] {strides = array<i32>} : memref<2x128xi32, #tpu.memory_space<vmem>>, vector<16xi32>,
      tpu.vector_store_idx %arg19[%get3A_137], %broadcast_in_dim3A_1 {add = true} : memref<16xf32, #tpu.memory_space<vmem>>[vector<16xi32>], vector<16xf32>,
      %get3A_138 = arith.constant 0 : i32
      %get3A_139 = arith.index_cast %get3A_138 : i32 to index
      %get3A_140 = arith.constant 32 : index
      %get3A_141 = tpu.vector_load %arg16[%get3A_139, %get3A_140] {strides = array<i32>} : memref<2x128xi32, #tpu.memory_space<vmem>>, vector<16xi32>,
      tpu.vector_store_idx %arg19[%get3A_141], %broadcast_in_dim3A_1 {add = true} : memref<16xf32, #tpu.memory_space<vmem>>[vector<16xi32>], vector<16xf32>,
      %get3A_142 = arith.constant 0 : i32
      %get3A_143 = arith.index_cast %get3A_142 : i32 to index
      %get3A_144 = arith.constant 48 : index
      %get3A_145 = tpu.vector_load %arg16[%get3A_143, %get3A_144] {strides = array<i32>} : memref<2x128xi32, #tpu.memory_space<vmem>>, vector<16xi32>,
      tpu.vector_store_idx %arg19[%get3A_145], %broadcast_in_dim3A_1 {add = true} : memref<16xf32, #tpu.memory_space<vmem>>[vector<16xi32>], vector<16xf32>,
      %get3A_146 = arith.constant 0 : i32
      %get3A_147 = arith.index_cast %get3A_146 : i32 to index
      %get3A_148 = arith.constant 64 : index
      %get3A_149 = tpu.vector_load %arg16[%get3A_147, %get3A_148] {strides = array<i32>} : memref<2x128xi32, #tpu.memory_space<vmem>>, vector<16xi32>,
      tpu.vector_store_idx %arg19[%get3A_149], %broadcast_in_dim3A_1 {add = true} : memref<16xf32, #tpu.memory_space<vmem>>[vector<16xi32>], vector<16xf32>,
      %get3A_150 = arith.constant 0 : i32
      %get3A_151 = arith.index_cast %get3A_150 : i32 to index
      %get3A_152 = arith.constant 80 : index
      %get3A_153 = tpu.vector_load %arg16[%get3A_151, %get3A_152] {strides = array<i32>} : memref<2x128xi32, #tpu.memory_space<vmem>>, vector<16xi32>,
      tpu.vector_store_idx %arg19[%get3A_153], %broadcast_in_dim3A_1 {add = true} : memref<16xf32, #tpu.memory_space<vmem>>[vector<16xi32>], vector<16xf32>,
      %get3A_154 = arith.constant 0 : i32
      %get3A_155 = arith.index_cast %get3A_154 : i32 to index
      %get3A_156 = arith.constant 96 : index
      %get3A_157 = tpu.vector_load %arg16[%get3A_155, %get3A_156] {strides = array<i32>} : memref<2x128xi32, #tpu.memory_space<vmem>>, vector<16xi32>,
      tpu.vector_store_idx %arg19[%get3A_157], %broadcast_in_dim3A_1 {add = true} : memref<16xf32, #tpu.memory_space<vmem>>[vector<16xi32>], vector<16xf32>,
      %get3A_158 = arith.constant 0 : i32
      %get3A_159 = arith.index_cast %get3A_158 : i32 to index
      %get3A_160 = arith.constant 112 : index
      %get3A_161 = tpu.vector_load %arg16[%get3A_159, %get3A_160] {strides = array<i32>} : memref<2x128xi32, #tpu.memory_space<vmem>>, vector<16xi32>,
      tpu.vector_store_idx %arg19[%get3A_161], %broadcast_in_dim3A_1 {add = true} : memref<16xf32, #tpu.memory_space<vmem>>[vector<16xi32>], vector<16xf32>,
      %get3A_162 = arith.constant 1 : i32
      %get3A_163 = arith.index_cast %get3A_162 : i32 to index
      %get3A_164 = arith.constant 0 : index
      %get3A_165 = tpu.vector_load %arg16[%get3A_163, %get3A_164] {strides = array<i32>} : memref<2x128xi32, #tpu.memory_space<vmem>>, vector<16xi32>,
      tpu.vector_store_idx %arg19[%get3A_165], %broadcast_in_dim3A_1 {add = true} : memref<16xf32, #tpu.memory_space<vmem>>[vector<16xi32>], vector<16xf32>,
      %get3A_166 = arith.constant 1 : i32
      %get3A_167 = arith.index_cast %get3A_166 : i32 to index
      %get3A_168 = arith.constant 16 : index
      %get3A_169 = tpu.vector_load %arg16[%get3A_167, %get3A_168] {strides = array<i32>} : memref<2x128xi32, #tpu.memory_space<vmem>>, vector<16xi32>,
      tpu.vector_store_idx %arg19[%get3A_169], %broadcast_in_dim3A_1 {add = true} : memref<16xf32, #tpu.memory_space<vmem>>[vector<16xi32>], vector<16xf32>,
      %get3A_170 = arith.constant 1 : i32
      %get3A_171 = arith.index_cast %get3A_170 : i32 to index
      %get3A_172 = arith.constant 32 : index
      %get3A_173 = tpu.vector_load %arg16[%get3A_171, %get3A_172] {strides = array<i32>} : memref<2x128xi32, #tpu.memory_space<vmem>>, vector<16xi32>,
      tpu.vector_store_idx %arg19[%get3A_173], %broadcast_in_dim3A_1 {add = true} : memref<16xf32, #tpu.memory_space<vmem>>[vector<16xi32>], vector<16xf32>,
      %get3A_174 = arith.constant 1 : i32
      %get3A_175 = arith.index_cast %get3A_174 : i32 to index
      %get3A_176 = arith.constant 48 : index
      %get3A_177 = tpu.vector_load %arg16[%get3A_175, %get3A_176] {strides = array<i32>} : memref<2x128xi32, #tpu.memory_space<vmem>>, vector<16xi32>,
      tpu.vector_store_idx %arg19[%get3A_177], %broadcast_in_dim3A_1 {add = true} : memref<16xf32, #tpu.memory_space<vmem>>[vector<16xi32>], vector<16xf32>,
      %get3A_178 = arith.constant 1 : i32
      %get3A_179 = arith.index_cast %get3A_178 : i32 to index
      %get3A_180 = arith.constant 64 : index
      %get3A_181 = tpu.vector_load %arg16[%get3A_179, %get3A_180] {strides = array<i32>} : memref<2x128xi32, #tpu.memory_space<vmem>>, vector<16xi32>,
      tpu.vector_store_idx %arg19[%get3A_181], %broadcast_in_dim3A_1 {add = true} : memref<16xf32, #tpu.memory_space<vmem>>[vector<16xi32>], vector<16xf32>,
      %get3A_182 = arith.constant 1 : i32
      %get3A_183 = arith.index_cast %get3A_182 : i32 to index
      %get3A_184 = arith.constant 80 : index
      %get3A_185 = tpu.vector_load %arg16[%get3A_183, %get3A_184] {strides = array<i32>} : memref<2x128xi32, #tpu.memory_space<vmem>>, vector<16xi32>,
      tpu.vector_store_idx %arg19[%get3A_185], %broadcast_in_dim3A_1 {add = true} : memref<16xf32, #tpu.memory_space<vmem>>[vector<16xi32>], vector<16xf32>,
      %get3A_186 = arith.constant 1 : i32
      %get3A_187 = arith.index_cast %get3A_186 : i32 to index
      %get3A_188 = arith.constant 96 : index
      %get3A_189 = tpu.vector_load %arg16[%get3A_187, %get3A_188] {strides = array<i32>} : memref<2x128xi32, #tpu.memory_space<vmem>>, vector<16xi32>,
      tpu.vector_store_idx %arg19[%get3A_189], %broadcast_in_dim3A_1 {add = true} : memref<16xf32, #tpu.memory_space<vmem>>[vector<16xi32>], vector<16xf32>,
      %get3A_190 = arith.constant 1 : i32
      %get3A_191 = arith.index_cast %get3A_190 : i32 to index
      %get3A_192 = arith.constant 112 : index
      %get3A_193 = tpu.vector_load %arg16[%get3A_191, %get3A_192] {strides = array<i32>} : memref<2x128xi32, #tpu.memory_space<vmem>>, vector<16xi32>,
      tpu.vector_store_idx %arg19[%get3A_193], %broadcast_in_dim3A_1 {add = true} : memref<16xf32, #tpu.memory_space<vmem>>[vector<16xi32>], vector<16xf32>,
      %dma_wait3A_194 = arith.constant 0 : i32
      %dma_wait3A_195 = arith.constant 0 : i32
      %dma_wait3A_196 = arith.constant 0 : i32
      %dma_wait3A_197 = tpu.memref_slice %arg14[%dma_wait3A_195, %dma_wait3A_196] : memref<256x128xf32, #tpu.memory_space<vmem>> -> memref<128x128xf32, #tpu.memory_space<vmem>>
      %dma_wait3A_198 = arith.constant 0 : i32
      %dma_wait3A_199 = tpu.memref_slice %arg16[%dma_wait3A_194, %dma_wait3A_198] : memref<2x128xi32, #tpu.memory_space<vmem>> -> memref<1x128xi32, #tpu.memory_space<vmem>>
      %dma_wait3A_200 = tpu.memref_squeeze %dma_wait3A_199 : memref<1x128xi32, #tpu.memory_space<vmem>> -> memref<128xi32, #tpu.memory_space<vmem>>
      %dma_wait3A_201 = arith.constant 0 : i32
      %dma_wait3A_202 = arith.constant 0 : i32
      %dma_wait3A_203 = tpu.memref_slice %arg13[%dma_wait3A_201, %dma_wait3A_202] : memref<16x128xf32, #tpu.memory_space<vmem_shared>> -> memref<16x128xf32, #tpu.memory_space<vmem_shared>>
      tpu.wait_indirect_dma semaphore(%arg25 : memref<!tpu.dma_semaphore, #tpu.memory_space<semaphore_mem>>) src(%dma_wait3A_197 : memref<128x128xf32, #tpu.memory_space<vmem>>) dst(%dma_wait3A_203 : memref<16x128xf32, #tpu.memory_space<vmem_shared>>)
      %dma_wait3A_204 = arith.constant 1 : i32
      %dma_wait3A_205 = arith.constant 128 : i32
      %dma_wait3A_206 = arith.constant 0 : i32
      %dma_wait3A_207 = tpu.memref_slice %arg14[%dma_wait3A_205, %dma_wait3A_206] : memref<256x128xf32, #tpu.memory_space<vmem>> -> memref<128x128xf32, #tpu.memory_space<vmem>>
      %dma_wait3A_208 = arith.constant 0 : i32
      %dma_wait3A_209 = tpu.memref_slice %arg16[%dma_wait3A_204, %dma_wait3A_208] : memref<2x128xi32, #tpu.memory_space<vmem>> -> memref<1x128xi32, #tpu.memory_space<vmem>>
      %dma_wait3A_210 = tpu.memref_squeeze %dma_wait3A_209 : memref<1x128xi32, #tpu.memory_space<vmem>> -> memref<128xi32, #tpu.memory_space<vmem>>
      %dma_wait3A_211 = arith.constant 0 : i32
      %dma_wait3A_212 = arith.constant 0 : i32
      %dma_wait3A_213 = tpu.memref_slice %arg13[%dma_wait3A_211, %dma_wait3A_212] : memref<16x128xf32, #tpu.memory_space<vmem_shared>> -> memref<16x128xf32, #tpu.memory_space<vmem_shared>>
      tpu.wait_indirect_dma semaphore(%arg25 : memref<!tpu.dma_semaphore, #tpu.memory_space<semaphore_mem>>) src(%dma_wait3A_207 : memref<128x128xf32, #tpu.memory_space<vmem>>) dst(%dma_wait3A_213 : memref<16x128xf32, #tpu.memory_space<vmem_shared>>)
      %add3A_214 = arith.constant 64 : i32
      %add3A_215 = arith.addi %add3A_98, %add3A_214 : i32
      %lt3A_216 = arith.constant 195 : i32
      %lt3A_217 = arith.cmpi slt, %add3A_215, %lt3A_216 : i32
      %convert_element_type3A_218 = arith.extui %lt3A_217 : i1 to i32
      %cond3A_219 = arith.constant 0 : i32
      %cond3A_220 = arith.cmpi ne, %convert_element_type3A_218, %cond3A_219 : i32
      scf.if %cond3A_220 {
        %add3A_228 = arith.constant 64 : i32
        %add3A_229 = arith.addi %add3A_98, %add3A_228 : i32
        %mul3A_230 = arith.constant 256 : i32
        %mul3A_231 = arith.muli %add3A_229, %mul3A_230 : i32
        %multiple_of3A_232 = tpu.assume_multiple %mul3A_231, 256 : i32
        %dma_start3A_233 = arith.constant 0 : i32
        %dma_start3A_234 = arith.constant 0 : i32
        %dma_start3A_235 = tpu.memref_slice %arg5[%add3A_229, %dma_start3A_233, %dma_start3A_234] : memref<196x2x128xi32, #tpu.memory_space<hbm>> -> memref<1x2x128xi32, #tpu.memory_space<hbm>>
        %dma_start3A_236 = tpu.memref_squeeze %dma_start3A_235 : memref<1x2x128xi32, #tpu.memory_space<hbm>> -> memref<2x128xi32, #tpu.memory_space<hbm>>
        %dma_start3A_237 = arith.constant 0 : i32
        %dma_start3A_238 = arith.constant 0 : i32
        %dma_start3A_239 = tpu.memref_slice %arg5[%add3A_229, %dma_start3A_237, %dma_start3A_238] : memref<196x2x128xi32, #tpu.memory_space<hbm>> -> memref<1x2x128xi32, #tpu.memory_space<hbm>>
        %dma_start3A_240 = tpu.memref_squeeze %dma_start3A_239 : memref<1x2x128xi32, #tpu.memory_space<hbm>> -> memref<2x128xi32, #tpu.memory_space<hbm>>
        tpu.enqueue_dma source(%dma_start3A_240 : memref<2x128xi32, #tpu.memory_space<hbm>>) target(%arg16 : memref<2x128xi32, #tpu.memory_space<vmem>>) target_semaphore(%arg21 : memref<!tpu.dma_semaphore, #tpu.memory_space<semaphore_mem>>)
        %dma_start3A_241 = arith.constant 0 : i32
        %dma_start3A_242 = tpu.memref_slice %arg3[%multiple_of3A_232, %dma_start3A_241] : memref<50000x128xf32, #tpu.memory_space<hbm>> -> memref<256x128xf32, #tpu.memory_space<hbm>>
        %dma_start3A_243 = arith.constant 0 : i32
        %dma_start3A_244 = tpu.memref_slice %arg3[%multiple_of3A_232, %dma_start3A_243] : memref<50000x128xf32, #tpu.memory_space<hbm>> -> memref<256x128xf32, #tpu.memory_space<hbm>>
        tpu.enqueue_dma source(%dma_start3A_244 : memref<256x128xf32, #tpu.memory_space<hbm>>) target(%arg14 : memref<256x128xf32, #tpu.memory_space<vmem>>) target_semaphore(%arg22 : memref<!tpu.dma_semaphore, #tpu.memory_space<semaphore_mem>>)
      } else {
      }
      %add3A_221 = arith.constant 32 : i32
      %add3A_222 = arith.addi %add3A_98, %add3A_221 : i32
      %lt3A_223 = arith.constant 195 : i32
      %lt3A_224 = arith.cmpi slt, %add3A_222, %lt3A_223 : i32
      %convert_element_type3A_225 = arith.extui %lt3A_224 : i1 to i32
      %cond3A_226 = arith.constant 0 : i32
      %cond3A_227 = arith.cmpi ne, %convert_element_type3A_225, %cond3A_226 : i32
      scf.if %cond3A_227 {
        %add3A_228 = arith.constant 32 : i32
        %add3A_229 = arith.addi %add3A_98, %add3A_228 : i32
        %mul3A_230 = arith.constant 256 : i32
        %mul3A_231 = arith.muli %add3A_229, %mul3A_230 : i32
        %multiple_of3A_232 = tpu.assume_multiple %mul3A_231, 256 : i32
        %dma_wait3A_233 = arith.constant 0 : i32
        %dma_wait3A_234 = arith.constant 0 : i32
        %dma_wait3A_235 = tpu.memref_slice %arg5[%add3A_229, %dma_wait3A_233, %dma_wait3A_234] : memref<196x2x128xi32, #tpu.memory_space<hbm>> -> memref<1x2x128xi32, #tpu.memory_space<hbm>>
        %dma_wait3A_236 = tpu.memref_squeeze %dma_wait3A_235 : memref<1x2x128xi32, #tpu.memory_space<hbm>> -> memref<2x128xi32, #tpu.memory_space<hbm>>
        %dma_wait3A_237 = arith.constant 0 : i32
        %dma_wait3A_238 = arith.constant 0 : i32
        %dma_wait3A_239 = tpu.memref_slice %arg5[%add3A_229, %dma_wait3A_237, %dma_wait3A_238] : memref<196x2x128xi32, #tpu.memory_space<hbm>> -> memref<1x2x128xi32, #tpu.memory_space<hbm>>
        %dma_wait3A_240 = tpu.memref_squeeze %dma_wait3A_239 : memref<1x2x128xi32, #tpu.memory_space<hbm>> -> memref<2x128xi32, #tpu.memory_space<hbm>>
        tpu.wait_dma2 semaphore(%arg23 : memref<!tpu.dma_semaphore, #tpu.memory_space<semaphore_mem>>) src(%dma_wait3A_240 : memref<2x128xi32, #tpu.memory_space<hbm>>) dst(%arg17 : memref<2x128xi32, #tpu.memory_space<vmem>>)
        %dma_wait3A_241 = arith.constant 0 : i32
        %dma_wait3A_242 = tpu.memref_slice %arg3[%multiple_of3A_232, %dma_wait3A_241] : memref<50000x128xf32, #tpu.memory_space<hbm>> -> memref<256x128xf32, #tpu.memory_space<hbm>>
        %dma_wait3A_243 = arith.constant 0 : i32
        %dma_wait3A_244 = tpu.memref_slice %arg3[%multiple_of3A_232, %dma_wait3A_243] : memref<50000x128xf32, #tpu.memory_space<hbm>> -> memref<256x128xf32, #tpu.memory_space<hbm>>
        tpu.wait_dma2 semaphore(%arg24 : memref<!tpu.dma_semaphore, #tpu.memory_space<semaphore_mem>>) src(%dma_wait3A_244 : memref<256x128xf32, #tpu.memory_space<hbm>>) dst(%arg15 : memref<256x128xf32, #tpu.memory_space<vmem>>)
        %dma_start3A_245 = arith.constant 0 : i32
        %dma_start3A_246 = arith.constant 0 : i32
        %dma_start3A_247 = arith.constant 0 : i32
        %dma_start3A_248 = tpu.memref_slice %arg15[%dma_start3A_246, %dma_start3A_247] : memref<256x128xf32, #tpu.memory_space<vmem>> -> memref<128x128xf32, #tpu.memory_space<vmem>>
        %dma_start3A_249 = arith.constant 0 : i32
        %dma_start3A_250 = tpu.memref_slice %arg17[%dma_start3A_245, %dma_start3A_249] : memref<2x128xi32, #tpu.memory_space<vmem>> -> memref<1x128xi32, #tpu.memory_space<vmem>>
        %dma_start3A_251 = tpu.memref_squeeze %dma_start3A_250 : memref<1x128xi32, #tpu.memory_space<vmem>> -> memref<128xi32, #tpu.memory_space<vmem>>
        %dma_start3A_252 = arith.constant 0 : i32
        %dma_start3A_253 = arith.constant 0 : i32
        %dma_start3A_254 = tpu.memref_slice %arg13[%dma_start3A_252, %dma_start3A_253] : memref<16x128xf32, #tpu.memory_space<vmem_shared>> -> memref<16x128xf32, #tpu.memory_space<vmem_shared>>
        tpu.enqueue_indirect_dma source(%dma_start3A_248 : memref<128x128xf32, #tpu.memory_space<vmem>>) target(%dma_start3A_254 : memref<16x128xf32, #tpu.memory_space<vmem_shared>>) offsets(%dma_start3A_251 : memref<128xi32, #tpu.memory_space<vmem>>) semaphore(%arg26 : memref<!tpu.dma_semaphore, #tpu.memory_space<semaphore_mem>>) {add = true}
        %dma_start3A_255 = arith.constant 1 : i32
        %dma_start3A_256 = arith.constant 128 : i32
        %dma_start3A_257 = arith.constant 0 : i32
        %dma_start3A_258 = tpu.memref_slice %arg15[%dma_start3A_256, %dma_start3A_257] : memref<256x128xf32, #tpu.memory_space<vmem>> -> memref<128x128xf32, #tpu.memory_space<vmem>>
        %dma_start3A_259 = arith.constant 0 : i32
        %dma_start3A_260 = tpu.memref_slice %arg17[%dma_start3A_255, %dma_start3A_259] : memref<2x128xi32, #tpu.memory_space<vmem>> -> memref<1x128xi32, #tpu.memory_space<vmem>>
        %dma_start3A_261 = tpu.memref_squeeze %dma_start3A_260 : memref<1x128xi32, #tpu.memory_space<vmem>> -> memref<128xi32, #tpu.memory_space<vmem>>
        %dma_start3A_262 = arith.constant 0 : i32
        %dma_start3A_263 = arith.constant 0 : i32
        %dma_start3A_264 = tpu.memref_slice %arg13[%dma_start3A_262, %dma_start3A_263] : memref<16x128xf32, #tpu.memory_space<vmem_shared>> -> memref<16x128xf32, #tpu.memory_space<vmem_shared>>
        tpu.enqueue_indirect_dma source(%dma_start3A_258 : memref<128x128xf32, #tpu.memory_space<vmem>>) target(%dma_start3A_264 : memref<16x128xf32, #tpu.memory_space<vmem_shared>>) offsets(%dma_start3A_261 : memref<128xi32, #tpu.memory_space<vmem>>) semaphore(%arg26 : memref<!tpu.dma_semaphore, #tpu.memory_space<semaphore_mem>>) {add = true}
        %get3A_265 = arith.constant 0 : i32
        %get3A_266 = arith.index_cast %get3A_265 : i32 to index
        %get3A_267 = arith.constant 0 : index
        %get3A_268 = tpu.vector_load %arg17[%get3A_266, %get3A_267] {strides = array<i32>} : memref<2x128xi32, #tpu.memory_space<vmem>>, vector<16xi32>,
        tpu.vector_store_idx %arg19[%get3A_268], %broadcast_in_dim3A_1 {add = true} : memref<16xf32, #tpu.memory_space<vmem>>[vector<16xi32>], vector<16xf32>,
        %get3A_269 = arith.constant 0 : i32
        %get3A_270 = arith.index_cast %get3A_269 : i32 to index
        %get3A_271 = arith.constant 16 : index
        %get3A_272 = tpu.vector_load %arg17[%get3A_270, %get3A_271] {strides = array<i32>} : memref<2x128xi32, #tpu.memory_space<vmem>>, vector<16xi32>,
        tpu.vector_store_idx %arg19[%get3A_272], %broadcast_in_dim3A_1 {add = true} : memref<16xf32, #tpu.memory_space<vmem>>[vector<16xi32>], vector<16xf32>,
        %get3A_273 = arith.constant 0 : i32
        %get3A_274 = arith.index_cast %get3A_273 : i32 to index
        %get3A_275 = arith.constant 32 : index
        %get3A_276 = tpu.vector_load %arg17[%get3A_274, %get3A_275] {strides = array<i32>} : memref<2x128xi32, #tpu.memory_space<vmem>>, vector<16xi32>,
        tpu.vector_store_idx %arg19[%get3A_276], %broadcast_in_dim3A_1 {add = true} : memref<16xf32, #tpu.memory_space<vmem>>[vector<16xi32>], vector<16xf32>,
        %get3A_277 = arith.constant 0 : i32
        %get3A_278 = arith.index_cast %get3A_277 : i32 to index
        %get3A_279 = arith.constant 48 : index
        %get3A_280 = tpu.vector_load %arg17[%get3A_278, %get3A_279] {strides = array<i32>} : memref<2x128xi32, #tpu.memory_space<vmem>>, vector<16xi32>,
        tpu.vector_store_idx %arg19[%get3A_280], %broadcast_in_dim3A_1 {add = true} : memref<16xf32, #tpu.memory_space<vmem>>[vector<16xi32>], vector<16xf32>,
        %get3A_281 = arith.constant 0 : i32
        %get3A_282 = arith.index_cast %get3A_281 : i32 to index
        %get3A_283 = arith.constant 64 : index
        %get3A_284 = tpu.vector_load %arg17[%get3A_282, %get3A_283] {strides = array<i32>} : memref<2x128xi32, #tpu.memory_space<vmem>>, vector<16xi32>,
        tpu.vector_store_idx %arg19[%get3A_284], %broadcast_in_dim3A_1 {add = true} : memref<16xf32, #tpu.memory_space<vmem>>[vector<16xi32>], vector<16xf32>,
        %get3A_285 = arith.constant 0 : i32
        %get3A_286 = arith.index_cast %get3A_285 : i32 to index
        %get3A_287 = arith.constant 80 : index
        %get3A_288 = tpu.vector_load %arg17[%get3A_286, %get3A_287] {strides = array<i32>} : memref<2x128xi32, #tpu.memory_space<vmem>>, vector<16xi32>,
        tpu.vector_store_idx %arg19[%get3A_288], %broadcast_in_dim3A_1 {add = true} : memref<16xf32, #tpu.memory_space<vmem>>[vector<16xi32>], vector<16xf32>,
        %get3A_289 = arith.constant 0 : i32
        %get3A_290 = arith.index_cast %get3A_289 : i32 to index
        %get3A_291 = arith.constant 96 : index
        %get3A_292 = tpu.vector_load %arg17[%get3A_290, %get3A_291] {strides = array<i32>} : memref<2x128xi32, #tpu.memory_space<vmem>>, vector<16xi32>,
        tpu.vector_store_idx %arg19[%get3A_292], %broadcast_in_dim3A_1 {add = true} : memref<16xf32, #tpu.memory_space<vmem>>[vector<16xi32>], vector<16xf32>,
        %get3A_293 = arith.constant 0 : i32
        %get3A_294 = arith.index_cast %get3A_293 : i32 to index
        %get3A_295 = arith.constant 112 : index
        %get3A_296 = tpu.vector_load %arg17[%get3A_294, %get3A_295] {strides = array<i32>} : memref<2x128xi32, #tpu.memory_space<vmem>>, vector<16xi32>,
        tpu.vector_store_idx %arg19[%get3A_296], %broadcast_in_dim3A_1 {add = true} : memref<16xf32, #tpu.memory_space<vmem>>[vector<16xi32>], vector<16xf32>,
        %get3A_297 = arith.constant 1 : i32
        %get3A_298 = arith.index_cast %get3A_297 : i32 to index
        %get3A_299 = arith.constant 0 : index
        %get3A_300 = tpu.vector_load %arg17[%get3A_298, %get3A_299] {strides = array<i32>} : memref<2x128xi32, #tpu.memory_space<vmem>>, vector<16xi32>,
        tpu.vector_store_idx %arg19[%get3A_300], %broadcast_in_dim3A_1 {add = true} : memref<16xf32, #tpu.memory_space<vmem>>[vector<16xi32>], vector<16xf32>,
        %get3A_301 = arith.constant 1 : i32
        %get3A_302 = arith.index_cast %get3A_301 : i32 to index
        %get3A_303 = arith.constant 16 : index
        %get3A_304 = tpu.vector_load %arg17[%get3A_302, %get3A_303] {strides = array<i32>} : memref<2x128xi32, #tpu.memory_space<vmem>>, vector<16xi32>,
        tpu.vector_store_idx %arg19[%get3A_304], %broadcast_in_dim3A_1 {add = true} : memref<16xf32, #tpu.memory_space<vmem>>[vector<16xi32>], vector<16xf32>,
        %get3A_305 = arith.constant 1 : i32
        %get3A_306 = arith.index_cast %get3A_305 : i32 to index
        %get3A_307 = arith.constant 32 : index
        %get3A_308 = tpu.vector_load %arg17[%get3A_306, %get3A_307] {strides = array<i32>} : memref<2x128xi32, #tpu.memory_space<vmem>>, vector<16xi32>,
        tpu.vector_store_idx %arg19[%get3A_308], %broadcast_in_dim3A_1 {add = true} : memref<16xf32, #tpu.memory_space<vmem>>[vector<16xi32>], vector<16xf32>,
        %get3A_309 = arith.constant 1 : i32
        %get3A_310 = arith.index_cast %get3A_309 : i32 to index
        %get3A_311 = arith.constant 48 : index
        %get3A_312 = tpu.vector_load %arg17[%get3A_310, %get3A_311] {strides = array<i32>} : memref<2x128xi32, #tpu.memory_space<vmem>>, vector<16xi32>,
        tpu.vector_store_idx %arg19[%get3A_312], %broadcast_in_dim3A_1 {add = true} : memref<16xf32, #tpu.memory_space<vmem>>[vector<16xi32>], vector<16xf32>,
        %get3A_313 = arith.constant 1 : i32
        %get3A_314 = arith.index_cast %get3A_313 : i32 to index
        %get3A_315 = arith.constant 64 : index
        %get3A_316 = tpu.vector_load %arg17[%get3A_314, %get3A_315] {strides = array<i32>} : memref<2x128xi32, #tpu.memory_space<vmem>>, vector<16xi32>,
        tpu.vector_store_idx %arg19[%get3A_316], %broadcast_in_dim3A_1 {add = true} : memref<16xf32, #tpu.memory_space<vmem>>[vector<16xi32>], vector<16xf32>,
        %get3A_317 = arith.constant 1 : i32
        %get3A_318 = arith.index_cast %get3A_317 : i32 to index
        %get3A_319 = arith.constant 80 : index
        %get3A_320 = tpu.vector_load %arg17[%get3A_318, %get3A_319] {strides = array<i32>} : memref<2x128xi32, #tpu.memory_space<vmem>>, vector<16xi32>,
        tpu.vector_store_idx %arg19[%get3A_320], %broadcast_in_dim3A_1 {add = true} : memref<16xf32, #tpu.memory_space<vmem>>[vector<16xi32>], vector<16xf32>,
        %get3A_321 = arith.constant 1 : i32
        %get3A_322 = arith.index_cast %get3A_321 : i32 to index
        %get3A_323 = arith.constant 96 : index
        %get3A_324 = tpu.vector_load %arg17[%get3A_322, %get3A_323] {strides = array<i32>} : memref<2x128xi32, #tpu.memory_space<vmem>>, vector<16xi32>,
        tpu.vector_store_idx %arg19[%get3A_324], %broadcast_in_dim3A_1 {add = true} : memref<16xf32, #tpu.memory_space<vmem>>[vector<16xi32>], vector<16xf32>,
        %get3A_325 = arith.constant 1 : i32
        %get3A_326 = arith.index_cast %get3A_325 : i32 to index
        %get3A_327 = arith.constant 112 : index
        %get3A_328 = tpu.vector_load %arg17[%get3A_326, %get3A_327] {strides = array<i32>} : memref<2x128xi32, #tpu.memory_space<vmem>>, vector<16xi32>,
        tpu.vector_store_idx %arg19[%get3A_328], %broadcast_in_dim3A_1 {add = true} : memref<16xf32, #tpu.memory_space<vmem>>[vector<16xi32>], vector<16xf32>,
        %dma_wait3A_329 = arith.constant 0 : i32
        %dma_wait3A_330 = arith.constant 0 : i32
        %dma_wait3A_331 = arith.constant 0 : i32
        %dma_wait3A_332 = tpu.memref_slice %arg15[%dma_wait3A_330, %dma_wait3A_331] : memref<256x128xf32, #tpu.memory_space<vmem>> -> memref<128x128xf32, #tpu.memory_space<vmem>>
        %dma_wait3A_333 = arith.constant 0 : i32
        %dma_wait3A_334 = tpu.memref_slice %arg17[%dma_wait3A_329, %dma_wait3A_333] : memref<2x128xi32, #tpu.memory_space<vmem>> -> memref<1x128xi32, #tpu.memory_space<vmem>>
        %dma_wait3A_335 = tpu.memref_squeeze %dma_wait3A_334 : memref<1x128xi32, #tpu.memory_space<vmem>> -> memref<128xi32, #tpu.memory_space<vmem>>
        %dma_wait3A_336 = arith.constant 0 : i32
        %dma_wait3A_337 = arith.constant 0 : i32
        %dma_wait3A_338 = tpu.memref_slice %arg13[%dma_wait3A_336, %dma_wait3A_337] : memref<16x128xf32, #tpu.memory_space<vmem_shared>> -> memref<16x128xf32, #tpu.memory_space<vmem_shared>>
        tpu.wait_indirect_dma semaphore(%arg26 : memref<!tpu.dma_semaphore, #tpu.memory_space<semaphore_mem>>) src(%dma_wait3A_332 : memref<128x128xf32, #tpu.memory_space<vmem>>) dst(%dma_wait3A_338 : memref<16x128xf32, #tpu.memory_space<vmem_shared>>)
        %dma_wait3A_339 = arith.constant 1 : i32
        %dma_wait3A_340 = arith.constant 128 : i32
        %dma_wait3A_341 = arith.constant 0 : i32
        %dma_wait3A_342 = tpu.memref_slice %arg15[%dma_wait3A_340, %dma_wait3A_341] : memref<256x128xf32, #tpu.memory_space<vmem>> -> memref<128x128xf32, #tpu.memory_space<vmem>>
        %dma_wait3A_343 = arith.constant 0 : i32
        %dma_wait3A_344 = tpu.memref_slice %arg17[%dma_wait3A_339, %dma_wait3A_343] : memref<2x128xi32, #tpu.memory_space<vmem>> -> memref<1x128xi32, #tpu.memory_space<vmem>>
        %dma_wait3A_345 = tpu.memref_squeeze %dma_wait3A_344 : memref<1x128xi32, #tpu.memory_space<vmem>> -> memref<128xi32, #tpu.memory_space<vmem>>
        %dma_wait3A_346 = arith.constant 0 : i32
        %dma_wait3A_347 = arith.constant 0 : i32
        %dma_wait3A_348 = tpu.memref_slice %arg13[%dma_wait3A_346, %dma_wait3A_347] : memref<16x128xf32, #tpu.memory_space<vmem_shared>> -> memref<16x128xf32, #tpu.memory_space<vmem_shared>>
        tpu.wait_indirect_dma semaphore(%arg26 : memref<!tpu.dma_semaphore, #tpu.memory_space<semaphore_mem>>) src(%dma_wait3A_342 : memref<128x128xf32, #tpu.memory_space<vmem>>) dst(%dma_wait3A_348 : memref<16x128xf32, #tpu.memory_space<vmem_shared>>)
        %add3A_349 = arith.constant 64 : i32
        %add3A_350 = arith.addi %add3A_229, %add3A_349 : i32
        %lt3A_351 = arith.constant 195 : i32
        %lt3A_352 = arith.cmpi slt, %add3A_350, %lt3A_351 : i32
        %convert_element_type3A_353 = arith.extui %lt3A_352 : i1 to i32
        %cond3A_354 = arith.constant 0 : i32
        %cond3A_355 = arith.cmpi ne, %convert_element_type3A_353, %cond3A_354 : i32
        scf.if %cond3A_355 {
          %add3A_356 = arith.constant 64 : i32
          %add3A_357 = arith.addi %add3A_229, %add3A_356 : i32
          %mul3A_358 = arith.constant 256 : i32
          %mul3A_359 = arith.muli %add3A_357, %mul3A_358 : i32
          %multiple_of3A_360 = tpu.assume_multiple %mul3A_359, 256 : i32
          %dma_start3A_361 = arith.constant 0 : i32
          %dma_start3A_362 = arith.constant 0 : i32
          %dma_start3A_363 = tpu.memref_slice %arg5[%add3A_357, %dma_start3A_361, %dma_start3A_362] : memref<196x2x128xi32, #tpu.memory_space<hbm>> -> memref<1x2x128xi32, #tpu.memory_space<hbm>>
          %dma_start3A_364 = tpu.memref_squeeze %dma_start3A_363 : memref<1x2x128xi32, #tpu.memory_space<hbm>> -> memref<2x128xi32, #tpu.memory_space<hbm>>
          %dma_start3A_365 = arith.constant 0 : i32
          %dma_start3A_366 = arith.constant 0 : i32
          %dma_start3A_367 = tpu.memref_slice %arg5[%add3A_357, %dma_start3A_365, %dma_start3A_366] : memref<196x2x128xi32, #tpu.memory_space<hbm>> -> memref<1x2x128xi32, #tpu.memory_space<hbm>>
          %dma_start3A_368 = tpu.memref_squeeze %dma_start3A_367 : memref<1x2x128xi32, #tpu.memory_space<hbm>> -> memref<2x128xi32, #tpu.memory_space<hbm>>
          tpu.enqueue_dma source(%dma_start3A_368 : memref<2x128xi32, #tpu.memory_space<hbm>>) target(%arg17 : memref<2x128xi32, #tpu.memory_space<vmem>>) target_semaphore(%arg23 : memref<!tpu.dma_semaphore, #tpu.memory_space<semaphore_mem>>)
          %dma_start3A_369 = arith.constant 0 : i32
          %dma_start3A_370 = tpu.memref_slice %arg3[%multiple_of3A_360, %dma_start3A_369] : memref<50000x128xf32, #tpu.memory_space<hbm>> -> memref<256x128xf32, #tpu.memory_space<hbm>>
          %dma_start3A_371 = arith.constant 0 : i32
          %dma_start3A_372 = tpu.memref_slice %arg3[%multiple_of3A_360, %dma_start3A_371] : memref<50000x128xf32, #tpu.memory_space<hbm>> -> memref<256x128xf32, #tpu.memory_space<hbm>>
          tpu.enqueue_dma source(%dma_start3A_372 : memref<256x128xf32, #tpu.memory_space<hbm>>) target(%arg15 : memref<256x128xf32, #tpu.memory_space<vmem>>) target_semaphore(%arg24 : memref<!tpu.dma_semaphore, #tpu.memory_space<semaphore_mem>>)
        } else {
        }
      } else {
      }
    }
    %eq3A_67 = arith.constant 0 : i32
    %eq3A_68 = arith.cmpi eq, %arg0, %eq3A_67 : i32
    %eq3A_69 = arith.constant 2 : i32
    %eq3A_70 = arith.cmpi eq, %arg1, %eq3A_69 : i32
    %and3A = arith.andi %eq3A_68, %eq3A_70 : i1
    %convert_element_type3A_71 = arith.extui %and3A : i1 to i32
    %cond3A_72 = arith.constant 0 : i32
    %cond3A_73 = arith.cmpi ne, %convert_element_type3A_71, %cond3A_72 : i32
    scf.if %cond3A_73 {
      %run_scoped3A = arith.constant 390 : i32
      "tpu.region"() ({
        %run_scoped3A_128 = tpu.sem_alloc : memref<!tpu.dma_semaphore, #tpu.memory_space<semaphore_mem>>
        %dma_start3A = arith.constant 0 : i32
        %dma_start3A_129 = arith.constant 0 : i32
        %dma_start3A_130 = tpu.memref_slice %arg4[%run_scoped3A, %dma_start3A, %dma_start3A_129] : memref<391x2x128xi32, #tpu.memory_space<hbm>> -> memref<1x2x128xi32, #tpu.memory_space<hbm>>
        %dma_start3A_131 = tpu.memref_squeeze %dma_start3A_130 : memref<1x2x128xi32, #tpu.memory_space<hbm>> -> memref<2x128xi32, #tpu.memory_space<hbm>>
        %dma_start3A_132 = arith.constant 0 : i32
        %dma_start3A_133 = arith.constant 0 : i32
        %dma_start3A_134 = tpu.memref_slice %arg4[%run_scoped3A, %dma_start3A_132, %dma_start3A_133] : memref<391x2x128xi32, #tpu.memory_space<hbm>> -> memref<1x2x128xi32, #tpu.memory_space<hbm>>
        %dma_start3A_135 = tpu.memref_squeeze %dma_start3A_134 : memref<1x2x128xi32, #tpu.memory_space<hbm>> -> memref<2x128xi32, #tpu.memory_space<hbm>>
        tpu.enqueue_dma source(%dma_start3A_135 : memref<2x128xi32, #tpu.memory_space<hbm>>) target(%arg27 : memref<2x128xi32, #tpu.memory_space<vmem>>) target_semaphore(%run_scoped3A_128 : memref<!tpu.dma_semaphore, #tpu.memory_space<semaphore_mem>>)
        %dma_wait3A = arith.constant 0 : i32
        %dma_wait3A_136 = arith.constant 0 : i32
        %dma_wait3A_137 = tpu.memref_slice %arg4[%run_scoped3A, %dma_wait3A, %dma_wait3A_136] : memref<391x2x128xi32, #tpu.memory_space<hbm>> -> memref<1x2x128xi32, #tpu.memory_space<hbm>>
        %dma_wait3A_138 = tpu.memref_squeeze %dma_wait3A_137 : memref<1x2x128xi32, #tpu.memory_space<hbm>> -> memref<2x128xi32, #tpu.memory_space<hbm>>
        %dma_wait3A_139 = arith.constant 0 : i32
        %dma_wait3A_140 = arith.constant 0 : i32
        %dma_wait3A_141 = tpu.memref_slice %arg4[%run_scoped3A, %dma_wait3A_139, %dma_wait3A_140] : memref<391x2x128xi32, #tpu.memory_space<hbm>> -> memref<1x2x128xi32, #tpu.memory_space<hbm>>
        %dma_wait3A_142 = tpu.memref_squeeze %dma_wait3A_141 : memref<1x2x128xi32, #tpu.memory_space<hbm>> -> memref<2x128xi32, #tpu.memory_space<hbm>>
        tpu.wait_dma2 semaphore(%run_scoped3A_128 : memref<!tpu.dma_semaphore, #tpu.memory_space<semaphore_mem>>) src(%dma_wait3A_142 : memref<2x128xi32, #tpu.memory_space<hbm>>) dst(%arg27 : memref<2x128xi32, #tpu.memory_space<vmem>>)
        tpu.yield
      }) : () -> ()
      "tpu.region"() ({
        %run_scoped3A_128 = tpu.sem_alloc : memref<!tpu.dma_semaphore, #tpu.memory_space<semaphore_mem>>
        %dma_start3A = arith.constant 99840 : i32
        %dma_start3A_129 = arith.constant 0 : i32
        %dma_start3A_130 = tpu.memref_slice %arg2[%dma_start3A, %dma_start3A_129] : memref<100000x128xf32, #tpu.memory_space<hbm>> -> memref<128x128xf32, #tpu.memory_space<hbm>>
        %dma_start3A_131 = arith.constant 99840 : i32
        %dma_start3A_132 = arith.constant 0 : i32
        %dma_start3A_133 = tpu.memref_slice %arg2[%dma_start3A_131, %dma_start3A_132] : memref<100000x128xf32, #tpu.memory_space<hbm>> -> memref<128x128xf32, #tpu.memory_space<hbm>>
        tpu.enqueue_dma source(%dma_start3A_133 : memref<128x128xf32, #tpu.memory_space<hbm>>) target(%arg28 : memref<128x128xf32, #tpu.memory_space<vmem>>) target_semaphore(%run_scoped3A_128 : memref<!tpu.dma_semaphore, #tpu.memory_space<semaphore_mem>>)
        %dma_wait3A = arith.constant 99840 : i32
        %dma_wait3A_134 = arith.constant 0 : i32
        %dma_wait3A_135 = tpu.memref_slice %arg2[%dma_wait3A, %dma_wait3A_134] : memref<100000x128xf32, #tpu.memory_space<hbm>> -> memref<128x128xf32, #tpu.memory_space<hbm>>
        %dma_wait3A_136 = arith.constant 99840 : i32
        %dma_wait3A_137 = arith.constant 0 : i32
        %dma_wait3A_138 = tpu.memref_slice %arg2[%dma_wait3A_136, %dma_wait3A_137] : memref<100000x128xf32, #tpu.memory_space<hbm>> -> memref<128x128xf32, #tpu.memory_space<hbm>>
        tpu.wait_dma2 semaphore(%run_scoped3A_128 : memref<!tpu.dma_semaphore, #tpu.memory_space<semaphore_mem>>) src(%dma_wait3A_138 : memref<128x128xf32, #tpu.memory_space<hbm>>) dst(%arg28 : memref<128x128xf32, #tpu.memory_space<vmem>>)
        tpu.yield
      }) : () -> ()
      %run_scoped3A_96 = arith.constant 0 : i32
      "tpu.region"() ({
        %run_scoped3A_128 = tpu.sem_alloc : memref<!tpu.dma_semaphore, #tpu.memory_space<semaphore_mem>>
        %dma_start3A = arith.constant 0 : i32
        %dma_start3A_129 = tpu.memref_slice %arg27[%run_scoped3A_96, %dma_start3A] : memref<2x128xi32, #tpu.memory_space<vmem>> -> memref<1x128xi32, #tpu.memory_space<vmem>>
        %dma_start3A_130 = tpu.memref_squeeze %dma_start3A_129 : memref<1x128xi32, #tpu.memory_space<vmem>> -> memref<128xi32, #tpu.memory_space<vmem>>
        %dma_start3A_131 = arith.constant 0 : i32
        %dma_start3A_132 = arith.constant 0 : i32
        %dma_start3A_133 = tpu.memref_slice %arg12[%dma_start3A_131, %dma_start3A_132] : memref<16x128xf32, #tpu.memory_space<vmem_shared>> -> memref<16x128xf32, #tpu.memory_space<vmem_shared>>
        tpu.enqueue_indirect_dma source(%arg28 : memref<128x128xf32, #tpu.memory_space<vmem>>) target(%dma_start3A_133 : memref<16x128xf32, #tpu.memory_space<vmem_shared>>) offsets(%dma_start3A_130 : memref<128xi32, #tpu.memory_space<vmem>>) semaphore(%run_scoped3A_128 : memref<!tpu.dma_semaphore, #tpu.memory_space<semaphore_mem>>) {add = true}
        %dma_wait3A = arith.constant 0 : i32
        %dma_wait3A_134 = tpu.memref_slice %arg27[%run_scoped3A_96, %dma_wait3A] : memref<2x128xi32, #tpu.memory_space<vmem>> -> memref<1x128xi32, #tpu.memory_space<vmem>>
        %dma_wait3A_135 = tpu.memref_squeeze %dma_wait3A_134 : memref<1x128xi32, #tpu.memory_space<vmem>> -> memref<128xi32, #tpu.memory_space<vmem>>
        %dma_wait3A_136 = arith.constant 0 : i32
        %dma_wait3A_137 = arith.constant 0 : i32
        %dma_wait3A_138 = tpu.memref_slice %arg12[%dma_wait3A_136, %dma_wait3A_137] : memref<16x128xf32, #tpu.memory_space<vmem_shared>> -> memref<16x128xf32, #tpu.memory_space<vmem_shared>>
        tpu.wait_indirect_dma semaphore(%run_scoped3A_128 : memref<!tpu.dma_semaphore, #tpu.memory_space<semaphore_mem>>) src(%arg28 : memref<128x128xf32, #tpu.memory_space<vmem>>) dst(%dma_wait3A_138 : memref<16x128xf32, #tpu.memory_space<vmem_shared>>)
        tpu.yield
      }) : () -> ()
      %get3A = arith.constant 0 : i32
      %get3A_97 = arith.index_cast %get3A : i32 to index
      %get3A_98 = arith.constant 0 : index
      %get3A_99 = tpu.vector_load %arg27[%get3A_97, %get3A_98] {strides = array<i32>} : memref<2x128xi32, #tpu.memory_space<vmem>>, vector<16xi32>,
      tpu.vector_store_idx %arg18[%get3A_99], %broadcast_in_dim3A_1 {add = true} : memref<16xf32, #tpu.memory_space<vmem>>[vector<16xi32>], vector<16xf32>,
      %get3A_100 = arith.constant 0 : i32
      %get3A_101 = arith.index_cast %get3A_100 : i32 to index
      %get3A_102 = arith.constant 16 : index
      %get3A_103 = tpu.vector_load %arg27[%get3A_101, %get3A_102] {strides = array<i32>} : memref<2x128xi32, #tpu.memory_space<vmem>>, vector<16xi32>,
      tpu.vector_store_idx %arg18[%get3A_103], %broadcast_in_dim3A_1 {add = true} : memref<16xf32, #tpu.memory_space<vmem>>[vector<16xi32>], vector<16xf32>,
      %get3A_104 = arith.constant 0 : i32
      %get3A_105 = arith.index_cast %get3A_104 : i32 to index
      %get3A_106 = arith.constant 32 : index
      %get3A_107 = tpu.vector_load %arg27[%get3A_105, %get3A_106] {strides = array<i32>} : memref<2x128xi32, #tpu.memory_space<vmem>>, vector<16xi32>,
      tpu.vector_store_idx %arg18[%get3A_107], %broadcast_in_dim3A_1 {add = true} : memref<16xf32, #tpu.memory_space<vmem>>[vector<16xi32>], vector<16xf32>,
      %get3A_108 = arith.constant 0 : i32
      %get3A_109 = arith.index_cast %get3A_108 : i32 to index
      %get3A_110 = arith.constant 48 : index
      %get3A_111 = tpu.vector_load %arg27[%get3A_109, %get3A_110] {strides = array<i32>} : memref<2x128xi32, #tpu.memory_space<vmem>>, vector<16xi32>,
      tpu.vector_store_idx %arg18[%get3A_111], %broadcast_in_dim3A_1 {add = true} : memref<16xf32, #tpu.memory_space<vmem>>[vector<16xi32>], vector<16xf32>,
      %get3A_112 = arith.constant 0 : i32
      %get3A_113 = arith.index_cast %get3A_112 : i32 to index
      %get3A_114 = arith.constant 64 : index
      %get3A_115 = tpu.vector_load %arg27[%get3A_113, %get3A_114] {strides = array<i32>} : memref<2x128xi32, #tpu.memory_space<vmem>>, vector<16xi32>,
      tpu.vector_store_idx %arg18[%get3A_115], %broadcast_in_dim3A_1 {add = true} : memref<16xf32, #tpu.memory_space<vmem>>[vector<16xi32>], vector<16xf32>,
      %get3A_116 = arith.constant 0 : i32
      %get3A_117 = arith.index_cast %get3A_116 : i32 to index
      %get3A_118 = arith.constant 80 : index
      %get3A_119 = tpu.vector_load %arg27[%get3A_117, %get3A_118] {strides = array<i32>} : memref<2x128xi32, #tpu.memory_space<vmem>>, vector<16xi32>,
      tpu.vector_store_idx %arg18[%get3A_119], %broadcast_in_dim3A_1 {add = true} : memref<16xf32, #tpu.memory_space<vmem>>[vector<16xi32>], vector<16xf32>,
      %get3A_120 = arith.constant 0 : i32
      %get3A_121 = arith.index_cast %get3A_120 : i32 to index
      %get3A_122 = arith.constant 96 : index
      %get3A_123 = tpu.vector_load %arg27[%get3A_121, %get3A_122] {strides = array<i32>} : memref<2x128xi32, #tpu.memory_space<vmem>>, vector<16xi32>,
      tpu.vector_store_idx %arg18[%get3A_123], %broadcast_in_dim3A_1 {add = true} : memref<16xf32, #tpu.memory_space<vmem>>[vector<16xi32>], vector<16xf32>,
      %get3A_124 = arith.constant 0 : i32
      %get3A_125 = arith.index_cast %get3A_124 : i32 to index
      %get3A_126 = arith.constant 112 : index
      %get3A_127 = tpu.vector_load %arg27[%get3A_125, %get3A_126] {strides = array<i32>} : memref<2x128xi32, #tpu.memory_space<vmem>>, vector<16xi32>,
      tpu.vector_store_idx %arg18[%get3A_127], %broadcast_in_dim3A_1 {add = true} : memref<16xf32, #tpu.memory_space<vmem>>[vector<16xi32>], vector<16xf32>,
    } else {
    }
    %eq3A_74 = arith.constant 0 : i32
    %eq3A_75 = arith.cmpi eq, %arg0, %eq3A_74 : i32
    %eq3A_76 = arith.constant 1 : i32
    %eq3A_77 = arith.cmpi eq, %arg1, %eq3A_76 : i32
    %and3A_78 = arith.andi %eq3A_75, %eq3A_77 : i1
    %convert_element_type3A_79 = arith.extui %and3A_78 : i1 to i32
    %cond3A_80 = arith.constant 0 : i32
    %cond3A_81 = arith.cmpi ne, %convert_element_type3A_79, %cond3A_80 : i32
    scf.if %cond3A_81 {
      %run_scoped3A = arith.constant 0 : i32
      "tpu.region"() ({
        %run_scoped3A_99 = tpu.sem_alloc : memref<!tpu.dma_semaphore, #tpu.memory_space<semaphore_mem>>
        %dma_start3A = arith.constant 99968 : i32
        %dma_start3A_100 = tpu.memref_slice %arg6[%run_scoped3A, %dma_start3A] : memref<1x100000xi32, #tpu.memory_space<hbm>> -> memref<1x32xi32, #tpu.memory_space<hbm>>
        %dma_start3A_101 = tpu.memref_squeeze %dma_start3A_100 : memref<1x32xi32, #tpu.memory_space<hbm>> -> memref<32xi32, #tpu.memory_space<hbm>>
        %dma_start3A_102 = arith.constant 99968 : i32
        %dma_start3A_103 = tpu.memref_slice %arg6[%run_scoped3A, %dma_start3A_102] : memref<1x100000xi32, #tpu.memory_space<hbm>> -> memref<1x32xi32, #tpu.memory_space<hbm>>
        %dma_start3A_104 = tpu.memref_squeeze %dma_start3A_103 : memref<1x32xi32, #tpu.memory_space<hbm>> -> memref<32xi32, #tpu.memory_space<hbm>>
        tpu.enqueue_dma source(%dma_start3A_104 : memref<32xi32, #tpu.memory_space<hbm>>) target(%arg29 : memref<32xi32, #tpu.memory_space<vmem>>) target_semaphore(%run_scoped3A_99 : memref<!tpu.dma_semaphore, #tpu.memory_space<semaphore_mem>>)
        %dma_wait3A = arith.constant 99968 : i32
        %dma_wait3A_105 = tpu.memref_slice %arg6[%run_scoped3A, %dma_wait3A] : memref<1x100000xi32, #tpu.memory_space<hbm>> -> memref<1x32xi32, #tpu.memory_space<hbm>>
        %dma_wait3A_106 = tpu.memref_squeeze %dma_wait3A_105 : memref<1x32xi32, #tpu.memory_space<hbm>> -> memref<32xi32, #tpu.memory_space<hbm>>
        %dma_wait3A_107 = arith.constant 99968 : i32
        %dma_wait3A_108 = tpu.memref_slice %arg6[%run_scoped3A, %dma_wait3A_107] : memref<1x100000xi32, #tpu.memory_space<hbm>> -> memref<1x32xi32, #tpu.memory_space<hbm>>
        %dma_wait3A_109 = tpu.memref_squeeze %dma_wait3A_108 : memref<1x32xi32, #tpu.memory_space<hbm>> -> memref<32xi32, #tpu.memory_space<hbm>>
        tpu.wait_dma2 semaphore(%run_scoped3A_99 : memref<!tpu.dma_semaphore, #tpu.memory_space<semaphore_mem>>) src(%dma_wait3A_109 : memref<32xi32, #tpu.memory_space<hbm>>) dst(%arg29 : memref<32xi32, #tpu.memory_space<vmem>>)
        tpu.yield
      }) : () -> ()
      "tpu.region"() ({
        %run_scoped3A_99 = tpu.sem_alloc : memref<!tpu.dma_semaphore, #tpu.memory_space<semaphore_mem>>
        %dma_start3A = arith.constant 99968 : i32
        %dma_start3A_100 = arith.constant 0 : i32
        %dma_start3A_101 = tpu.memref_slice %arg2[%dma_start3A, %dma_start3A_100] : memref<100000x128xf32, #tpu.memory_space<hbm>> -> memref<32x128xf32, #tpu.memory_space<hbm>>
        %dma_start3A_102 = arith.constant 99968 : i32
        %dma_start3A_103 = arith.constant 0 : i32
        %dma_start3A_104 = tpu.memref_slice %arg2[%dma_start3A_102, %dma_start3A_103] : memref<100000x128xf32, #tpu.memory_space<hbm>> -> memref<32x128xf32, #tpu.memory_space<hbm>>
        tpu.enqueue_dma source(%dma_start3A_104 : memref<32x128xf32, #tpu.memory_space<hbm>>) target(%arg30 : memref<32x128xf32, #tpu.memory_space<vmem>>) target_semaphore(%run_scoped3A_99 : memref<!tpu.dma_semaphore, #tpu.memory_space<semaphore_mem>>)
        %dma_wait3A = arith.constant 99968 : i32
        %dma_wait3A_105 = arith.constant 0 : i32
        %dma_wait3A_106 = tpu.memref_slice %arg2[%dma_wait3A, %dma_wait3A_105] : memref<100000x128xf32, #tpu.memory_space<hbm>> -> memref<32x128xf32, #tpu.memory_space<hbm>>
        %dma_wait3A_107 = arith.constant 99968 : i32
        %dma_wait3A_108 = arith.constant 0 : i32
        %dma_wait3A_109 = tpu.memref_slice %arg2[%dma_wait3A_107, %dma_wait3A_108] : memref<100000x128xf32, #tpu.memory_space<hbm>> -> memref<32x128xf32, #tpu.memory_space<hbm>>
        tpu.wait_dma2 semaphore(%run_scoped3A_99 : memref<!tpu.dma_semaphore, #tpu.memory_space<semaphore_mem>>) src(%dma_wait3A_109 : memref<32x128xf32, #tpu.memory_space<hbm>>) dst(%arg30 : memref<32x128xf32, #tpu.memory_space<vmem>>)
        tpu.yield
      }) : () -> ()
      "tpu.region"() ({
        %run_scoped3A_99 = tpu.sem_alloc : memref<!tpu.dma_semaphore, #tpu.memory_space<semaphore_mem>>
        %dma_start3A = arith.constant 0 : i32
        %dma_start3A_100 = arith.constant 0 : i32
        %dma_start3A_101 = tpu.memref_slice %arg12[%dma_start3A, %dma_start3A_100] : memref<16x128xf32, #tpu.memory_space<vmem_shared>> -> memref<16x128xf32, #tpu.memory_space<vmem_shared>>
        tpu.enqueue_indirect_dma source(%arg30 : memref<32x128xf32, #tpu.memory_space<vmem>>) target(%dma_start3A_101 : memref<16x128xf32, #tpu.memory_space<vmem_shared>>) offsets(%arg29 : memref<32xi32, #tpu.memory_space<vmem>>) semaphore(%run_scoped3A_99 : memref<!tpu.dma_semaphore, #tpu.memory_space<semaphore_mem>>) {add = true}
        %dma_wait3A = arith.constant 0 : i32
        %dma_wait3A_102 = arith.constant 0 : i32
        %dma_wait3A_103 = tpu.memref_slice %arg12[%dma_wait3A, %dma_wait3A_102] : memref<16x128xf32, #tpu.memory_space<vmem_shared>> -> memref<16x128xf32, #tpu.memory_space<vmem_shared>>
        tpu.wait_indirect_dma semaphore(%run_scoped3A_99 : memref<!tpu.dma_semaphore, #tpu.memory_space<semaphore_mem>>) src(%arg30 : memref<32x128xf32, #tpu.memory_space<vmem>>) dst(%dma_wait3A_103 : memref<16x128xf32, #tpu.memory_space<vmem_shared>>)
        tpu.yield
      }) : () -> ()
      %get3A = arith.constant 0 : index
      %get3A_96 = tpu.vector_load %arg29[%get3A] {strides = array<i32>} : memref<32xi32, #tpu.memory_space<vmem>>, vector<16xi32>,
      tpu.vector_store_idx %arg18[%get3A_96], %broadcast_in_dim3A_1 {add = true} : memref<16xf32, #tpu.memory_space<vmem>>[vector<16xi32>], vector<16xf32>,
      %get3A_97 = arith.constant 16 : index
      %get3A_98 = tpu.vector_load %arg29[%get3A_97] {strides = array<i32>} : memref<32xi32, #tpu.memory_space<vmem>>, vector<16xi32>,
      tpu.vector_store_idx %arg18[%get3A_98], %broadcast_in_dim3A_1 {add = true} : memref<16xf32, #tpu.memory_space<vmem>>[vector<16xi32>], vector<16xf32>,
    } else {
    }
    %eq3A_82 = arith.constant 1 : i32
    %eq3A_83 = arith.cmpi eq, %arg0, %eq3A_82 : i32
    %eq3A_84 = arith.constant 1 : i32
    %eq3A_85 = arith.cmpi eq, %arg1, %eq3A_84 : i32
    %and3A_86 = arith.andi %eq3A_83, %eq3A_85 : i1
    %convert_element_type3A_87 = arith.extui %and3A_86 : i1 to i32
    %cond3A_88 = arith.constant 0 : i32
    %cond3A_89 = arith.cmpi ne, %convert_element_type3A_87, %cond3A_88 : i32
    scf.if %cond3A_89 {
      %run_scoped3A = arith.constant 0 : i32
      "tpu.region"() ({
        %run_scoped3A_105 = tpu.sem_alloc : memref<!tpu.dma_semaphore, #tpu.memory_space<semaphore_mem>>
        %dma_start3A = arith.constant 49920 : i32
        %dma_start3A_106 = tpu.memref_slice %arg7[%run_scoped3A, %dma_start3A] : memref<1x50000xi32, #tpu.memory_space<hbm>> -> memref<1x80xi32, #tpu.memory_space<hbm>>
        %dma_start3A_107 = tpu.memref_squeeze %dma_start3A_106 : memref<1x80xi32, #tpu.memory_space<hbm>> -> memref<80xi32, #tpu.memory_space<hbm>>
        %dma_start3A_108 = arith.constant 49920 : i32
        %dma_start3A_109 = tpu.memref_slice %arg7[%run_scoped3A, %dma_start3A_108] : memref<1x50000xi32, #tpu.memory_space<hbm>> -> memref<1x80xi32, #tpu.memory_space<hbm>>
        %dma_start3A_110 = tpu.memref_squeeze %dma_start3A_109 : memref<1x80xi32, #tpu.memory_space<hbm>> -> memref<80xi32, #tpu.memory_space<hbm>>
        tpu.enqueue_dma source(%dma_start3A_110 : memref<80xi32, #tpu.memory_space<hbm>>) target(%arg31 : memref<80xi32, #tpu.memory_space<vmem>>) target_semaphore(%run_scoped3A_105 : memref<!tpu.dma_semaphore, #tpu.memory_space<semaphore_mem>>)
        %dma_wait3A = arith.constant 49920 : i32
        %dma_wait3A_111 = tpu.memref_slice %arg7[%run_scoped3A, %dma_wait3A] : memref<1x50000xi32, #tpu.memory_space<hbm>> -> memref<1x80xi32, #tpu.memory_space<hbm>>
        %dma_wait3A_112 = tpu.memref_squeeze %dma_wait3A_111 : memref<1x80xi32, #tpu.memory_space<hbm>> -> memref<80xi32, #tpu.memory_space<hbm>>
        %dma_wait3A_113 = arith.constant 49920 : i32
        %dma_wait3A_114 = tpu.memref_slice %arg7[%run_scoped3A, %dma_wait3A_113] : memref<1x50000xi32, #tpu.memory_space<hbm>> -> memref<1x80xi32, #tpu.memory_space<hbm>>
        %dma_wait3A_115 = tpu.memref_squeeze %dma_wait3A_114 : memref<1x80xi32, #tpu.memory_space<hbm>> -> memref<80xi32, #tpu.memory_space<hbm>>
        tpu.wait_dma2 semaphore(%run_scoped3A_105 : memref<!tpu.dma_semaphore, #tpu.memory_space<semaphore_mem>>) src(%dma_wait3A_115 : memref<80xi32, #tpu.memory_space<hbm>>) dst(%arg31 : memref<80xi32, #tpu.memory_space<vmem>>)
        tpu.yield
      }) : () -> ()
      "tpu.region"() ({
        %run_scoped3A_105 = tpu.sem_alloc : memref<!tpu.dma_semaphore, #tpu.memory_space<semaphore_mem>>
        %dma_start3A = arith.constant 49920 : i32
        %dma_start3A_106 = arith.constant 0 : i32
        %dma_start3A_107 = tpu.memref_slice %arg3[%dma_start3A, %dma_start3A_106] : memref<50000x128xf32, #tpu.memory_space<hbm>> -> memref<80x128xf32, #tpu.memory_space<hbm>>
        %dma_start3A_108 = arith.constant 49920 : i32
        %dma_start3A_109 = arith.constant 0 : i32
        %dma_start3A_110 = tpu.memref_slice %arg3[%dma_start3A_108, %dma_start3A_109] : memref<50000x128xf32, #tpu.memory_space<hbm>> -> memref<80x128xf32, #tpu.memory_space<hbm>>
        tpu.enqueue_dma source(%dma_start3A_110 : memref<80x128xf32, #tpu.memory_space<hbm>>) target(%arg32 : memref<80x128xf32, #tpu.memory_space<vmem>>) target_semaphore(%run_scoped3A_105 : memref<!tpu.dma_semaphore, #tpu.memory_space<semaphore_mem>>)
        %dma_wait3A = arith.constant 49920 : i32
        %dma_wait3A_111 = arith.constant 0 : i32
        %dma_wait3A_112 = tpu.memref_slice %arg3[%dma_wait3A, %dma_wait3A_111] : memref<50000x128xf32, #tpu.memory_space<hbm>> -> memref<80x128xf32, #tpu.memory_space<hbm>>
        %dma_wait3A_113 = arith.constant 49920 : i32
        %dma_wait3A_114 = arith.constant 0 : i32
        %dma_wait3A_115 = tpu.memref_slice %arg3[%dma_wait3A_113, %dma_wait3A_114] : memref<50000x128xf32, #tpu.memory_space<hbm>> -> memref<80x128xf32, #tpu.memory_space<hbm>>
        tpu.wait_dma2 semaphore(%run_scoped3A_105 : memref<!tpu.dma_semaphore, #tpu.memory_space<semaphore_mem>>) src(%dma_wait3A_115 : memref<80x128xf32, #tpu.memory_space<hbm>>) dst(%arg32 : memref<80x128xf32, #tpu.memory_space<vmem>>)
        tpu.yield
      }) : () -> ()
      "tpu.region"() ({
        %run_scoped3A_105 = tpu.sem_alloc : memref<!tpu.dma_semaphore, #tpu.memory_space<semaphore_mem>>
        %dma_start3A = arith.constant 0 : i32
        %dma_start3A_106 = arith.constant 0 : i32
        %dma_start3A_107 = tpu.memref_slice %arg13[%dma_start3A, %dma_start3A_106] : memref<16x128xf32, #tpu.memory_space<vmem_shared>> -> memref<16x128xf32, #tpu.memory_space<vmem_shared>>
        tpu.enqueue_indirect_dma source(%arg32 : memref<80x128xf32, #tpu.memory_space<vmem>>) target(%dma_start3A_107 : memref<16x128xf32, #tpu.memory_space<vmem_shared>>) offsets(%arg31 : memref<80xi32, #tpu.memory_space<vmem>>) semaphore(%run_scoped3A_105 : memref<!tpu.dma_semaphore, #tpu.memory_space<semaphore_mem>>) {add = true}
        %dma_wait3A = arith.constant 0 : i32
        %dma_wait3A_108 = arith.constant 0 : i32
        %dma_wait3A_109 = tpu.memref_slice %arg13[%dma_wait3A, %dma_wait3A_108] : memref<16x128xf32, #tpu.memory_space<vmem_shared>> -> memref<16x128xf32, #tpu.memory_space<vmem_shared>>
        tpu.wait_indirect_dma semaphore(%run_scoped3A_105 : memref<!tpu.dma_semaphore, #tpu.memory_space<semaphore_mem>>) src(%arg32 : memref<80x128xf32, #tpu.memory_space<vmem>>) dst(%dma_wait3A_109 : memref<16x128xf32, #tpu.memory_space<vmem_shared>>)
        tpu.yield
      }) : () -> ()
      %get3A = arith.constant 0 : index
      %get3A_96 = tpu.vector_load %arg31[%get3A] {strides = array<i32>} : memref<80xi32, #tpu.memory_space<vmem>>, vector<16xi32>,
      tpu.vector_store_idx %arg19[%get3A_96], %broadcast_in_dim3A_1 {add = true} : memref<16xf32, #tpu.memory_space<vmem>>[vector<16xi32>], vector<16xf32>,
      %get3A_97 = arith.constant 16 : index
      %get3A_98 = tpu.vector_load %arg31[%get3A_97] {strides = array<i32>} : memref<80xi32, #tpu.memory_space<vmem>>, vector<16xi32>,
      tpu.vector_store_idx %arg19[%get3A_98], %broadcast_in_dim3A_1 {add = true} : memref<16xf32, #tpu.memory_space<vmem>>[vector<16xi32>], vector<16xf32>,
      %get3A_99 = arith.constant 32 : index
      %get3A_100 = tpu.vector_load %arg31[%get3A_99] {strides = array<i32>} : memref<80xi32, #tpu.memory_space<vmem>>, vector<16xi32>,
      tpu.vector_store_idx %arg19[%get3A_100], %broadcast_in_dim3A_1 {add = true} : memref<16xf32, #tpu.memory_space<vmem>>[vector<16xi32>], vector<16xf32>,
      %get3A_101 = arith.constant 48 : index
      %get3A_102 = tpu.vector_load %arg31[%get3A_101] {strides = array<i32>} : memref<80xi32, #tpu.memory_space<vmem>>, vector<16xi32>,
      tpu.vector_store_idx %arg19[%get3A_102], %broadcast_in_dim3A_1 {add = true} : memref<16xf32, #tpu.memory_space<vmem>>[vector<16xi32>], vector<16xf32>,
      %get3A_103 = arith.constant 64 : index
      %get3A_104 = tpu.vector_load %arg31[%get3A_103] {strides = array<i32>} : memref<80xi32, #tpu.memory_space<vmem>>, vector<16xi32>,
      tpu.vector_store_idx %arg19[%get3A_104], %broadcast_in_dim3A_1 {add = true} : memref<16xf32, #tpu.memory_space<vmem>>[vector<16xi32>], vector<16xf32>,
    } else {
    }
    "tpu.region"() ({
      %run_scoped3A = tpu.sem_alloc : memref<!tpu.dma_semaphore, #tpu.memory_space<semaphore_mem>>
      %dma_start3A = arith.constant 0 : i32
      %dma_start3A_96 = tpu.memref_slice %arg9[%arg0, %arg1, %dma_start3A] : memref<2x16x16xf32, #tpu.memory_space<hbm>> -> memref<1x1x16xf32, #tpu.memory_space<hbm>>
      %dma_start3A_97 = tpu.memref_squeeze %dma_start3A_96 : memref<1x1x16xf32, #tpu.memory_space<hbm>> -> memref<16xf32, #tpu.memory_space<hbm>>
      %dma_start3A_98 = arith.constant 0 : i32
      %dma_start3A_99 = tpu.memref_slice %arg9[%arg0, %arg1, %dma_start3A_98] : memref<2x16x16xf32, #tpu.memory_space<hbm>> -> memref<1x1x16xf32, #tpu.memory_space<hbm>>
      %dma_start3A_100 = tpu.memref_squeeze %dma_start3A_99 : memref<1x1x16xf32, #tpu.memory_space<hbm>> -> memref<16xf32, #tpu.memory_space<hbm>>
      tpu.enqueue_dma source(%arg18 : memref<16xf32, #tpu.memory_space<vmem>>) target(%dma_start3A_100 : memref<16xf32, #tpu.memory_space<hbm>>) target_semaphore(%run_scoped3A : memref<!tpu.dma_semaphore, #tpu.memory_space<semaphore_mem>>)
      %dma_wait3A = arith.constant 0 : i32
      %dma_wait3A_101 = tpu.memref_slice %arg9[%arg0, %arg1, %dma_wait3A] : memref<2x16x16xf32, #tpu.memory_space<hbm>> -> memref<1x1x16xf32, #tpu.memory_space<hbm>>
      %dma_wait3A_102 = tpu.memref_squeeze %dma_wait3A_101 : memref<1x1x16xf32, #tpu.memory_space<hbm>> -> memref<16xf32, #tpu.memory_space<hbm>>
      %dma_wait3A_103 = arith.constant 0 : i32
      %dma_wait3A_104 = tpu.memref_slice %arg9[%arg0, %arg1, %dma_wait3A_103] : memref<2x16x16xf32, #tpu.memory_space<hbm>> -> memref<1x1x16xf32, #tpu.memory_space<hbm>>
      %dma_wait3A_105 = tpu.memref_squeeze %dma_wait3A_104 : memref<1x1x16xf32, #tpu.memory_space<hbm>> -> memref<16xf32, #tpu.memory_space<hbm>>
      tpu.wait_dma2 semaphore(%run_scoped3A : memref<!tpu.dma_semaphore, #tpu.memory_space<semaphore_mem>>) src(%arg18 : memref<16xf32, #tpu.memory_space<vmem>>) dst(%dma_wait3A_105 : memref<16xf32, #tpu.memory_space<hbm>>)
      tpu.yield
    }) : () -> ()
    "tpu.region"() ({
      %run_scoped3A = tpu.sem_alloc : memref<!tpu.dma_semaphore, #tpu.memory_space<semaphore_mem>>
      %dma_start3A = arith.constant 0 : i32
      %dma_start3A_96 = tpu.memref_slice %arg11[%arg0, %arg1, %dma_start3A] : memref<2x16x16xf32, #tpu.memory_space<hbm>> -> memref<1x1x16xf32, #tpu.memory_space<hbm>>
      %dma_start3A_97 = tpu.memref_squeeze %dma_start3A_96 : memref<1x1x16xf32, #tpu.memory_space<hbm>> -> memref<16xf32, #tpu.memory_space<hbm>>
      %dma_start3A_98 = arith.constant 0 : i32
      %dma_start3A_99 = tpu.memref_slice %arg11[%arg0, %arg1, %dma_start3A_98] : memref<2x16x16xf32, #tpu.memory_space<hbm>> -> memref<1x1x16xf32, #tpu.memory_space<hbm>>
      %dma_start3A_100 = tpu.memref_squeeze %dma_start3A_99 : memref<1x1x16xf32, #tpu.memory_space<hbm>> -> memref<16xf32, #tpu.memory_space<hbm>>
      tpu.enqueue_dma source(%arg19 : memref<16xf32, #tpu.memory_space<vmem>>) target(%dma_start3A_100 : memref<16xf32, #tpu.memory_space<hbm>>) target_semaphore(%run_scoped3A : memref<!tpu.dma_semaphore, #tpu.memory_space<semaphore_mem>>)
      %dma_wait3A = arith.constant 0 : i32
      %dma_wait3A_101 = tpu.memref_slice %arg11[%arg0, %arg1, %dma_wait3A] : memref<2x16x16xf32, #tpu.memory_space<hbm>> -> memref<1x1x16xf32, #tpu.memory_space<hbm>>
      %dma_wait3A_102 = tpu.memref_squeeze %dma_wait3A_101 : memref<1x1x16xf32, #tpu.memory_space<hbm>> -> memref<16xf32, #tpu.memory_space<hbm>>
      %dma_wait3A_103 = arith.constant 0 : i32
      %dma_wait3A_104 = tpu.memref_slice %arg11[%arg0, %arg1, %dma_wait3A_103] : memref<2x16x16xf32, #tpu.memory_space<hbm>> -> memref<1x1x16xf32, #tpu.memory_space<hbm>>
      %dma_wait3A_105 = tpu.memref_squeeze %dma_wait3A_104 : memref<1x1x16xf32, #tpu.memory_space<hbm>> -> memref<16xf32, #tpu.memory_space<hbm>>
      tpu.wait_dma2 semaphore(%run_scoped3A : memref<!tpu.dma_semaphore, #tpu.memory_space<semaphore_mem>>) src(%arg19 : memref<16xf32, #tpu.memory_space<vmem>>) dst(%dma_wait3A_105 : memref<16xf32, #tpu.memory_space<hbm>>)
      tpu.yield
    }) : () -> ()
    %barrier3A_90 = arith.constant 0 : index
    tpu.barrier barrier_id(%barrier3A_90)
    %eq3A_91 = arith.constant 0 : i32
    %eq3A_92 = arith.cmpi eq, %arg1, %eq3A_91 : i32
    %convert_element_type3A_93 = arith.extui %eq3A_92 : i1 to i32
    %cond3A_94 = arith.constant 0 : i32
    %cond3A_95 = arith.cmpi ne, %convert_element_type3A_93, %cond3A_94 : i32
    scf.if %cond3A_95 {
      "tpu.region"() ({
        %run_scoped3A = tpu.sem_alloc : memref<!tpu.dma_semaphore, #tpu.memory_space<semaphore_mem>>
        %dma_start3A = arith.constant 0 : i32
        %dma_start3A_96 = arith.constant 0 : i32
        %dma_start3A_97 = tpu.memref_slice %arg8[%arg0, %dma_start3A, %dma_start3A_96] : memref<2x16x128xf32, #tpu.memory_space<hbm>> -> memref<1x16x128xf32, #tpu.memory_space<hbm>>
        %dma_start3A_98 = tpu.memref_squeeze %dma_start3A_97 : memref<1x16x128xf32, #tpu.memory_space<hbm>> -> memref<16x128xf32, #tpu.memory_space<hbm>>
        tpu.enqueue_dma source(%arg12 : memref<16x128xf32, #tpu.memory_space<vmem_shared>>) target(%dma_start3A_98 : memref<16x128xf32, #tpu.memory_space<hbm>>) target_semaphore(%run_scoped3A : memref<!tpu.dma_semaphore, #tpu.memory_space<semaphore_mem>>)
        %dma_wait3A = arith.constant 0 : i32
        %dma_wait3A_99 = arith.constant 0 : i32
        %dma_wait3A_100 = tpu.memref_slice %arg8[%arg0, %dma_wait3A, %dma_wait3A_99] : memref<2x16x128xf32, #tpu.memory_space<hbm>> -> memref<1x16x128xf32, #tpu.memory_space<hbm>>
        %dma_wait3A_101 = tpu.memref_squeeze %dma_wait3A_100 : memref<1x16x128xf32, #tpu.memory_space<hbm>> -> memref<16x128xf32, #tpu.memory_space<hbm>>
        tpu.wait_dma2 semaphore(%run_scoped3A : memref<!tpu.dma_semaphore, #tpu.memory_space<semaphore_mem>>) src(%arg12 : memref<16x128xf32, #tpu.memory_space<vmem_shared>>) dst(%dma_wait3A_101 : memref<16x128xf32, #tpu.memory_space<hbm>>)
        tpu.yield
      }) : () -> ()
      "tpu.region"() ({
        %run_scoped3A = tpu.sem_alloc : memref<!tpu.dma_semaphore, #tpu.memory_space<semaphore_mem>>
        %dma_start3A = arith.constant 0 : i32
        %dma_start3A_96 = arith.constant 0 : i32
        %dma_start3A_97 = tpu.memref_slice %arg10[%arg0, %dma_start3A, %dma_start3A_96] : memref<2x16x128xf32, #tpu.memory_space<hbm>> -> memref<1x16x128xf32, #tpu.memory_space<hbm>>
        %dma_start3A_98 = tpu.memref_squeeze %dma_start3A_97 : memref<1x16x128xf32, #tpu.memory_space<hbm>> -> memref<16x128xf32, #tpu.memory_space<hbm>>
        tpu.enqueue_dma source(%arg13 : memref<16x128xf32, #tpu.memory_space<vmem_shared>>) target(%dma_start3A_98 : memref<16x128xf32, #tpu.memory_space<hbm>>) target_semaphore(%run_scoped3A : memref<!tpu.dma_semaphore, #tpu.memory_space<semaphore_mem>>)
        %dma_wait3A = arith.constant 0 : i32
        %dma_wait3A_99 = arith.constant 0 : i32
        %dma_wait3A_100 = tpu.memref_slice %arg10[%arg0, %dma_wait3A, %dma_wait3A_99] : memref<2x16x128xf32, #tpu.memory_space<hbm>> -> memref<1x16x128xf32, #tpu.memory_space<hbm>>
        %dma_wait3A_101 = tpu.memref_squeeze %dma_wait3A_100 : memref<1x16x128xf32, #tpu.memory_space<hbm>> -> memref<16x128xf32, #tpu.memory_space<hbm>>
        tpu.wait_dma2 semaphore(%run_scoped3A : memref<!tpu.dma_semaphore, #tpu.memory_space<semaphore_mem>>) src(%arg13 : memref<16x128xf32, #tpu.memory_space<vmem_shared>>) dst(%dma_wait3A_101 : memref<16x128xf32, #tpu.memory_space<hbm>>)
        tpu.yield
      }) : () -> ()
    } else {
    }
    return
  }
}

module attributes {stable_mosaic.version = 14 : i64} {
  func.func @body(%arg0: memref<2x16x128xf32, #tpu.memory_space<vmem>>, %arg1: memref<2x16x16xf32, #tpu.memory_space<vmem>>, %arg2: memref<2x16x128xf32, #tpu.memory_space<vmem>>, %arg3: memref<2x16x16xf32, #tpu.memory_space<vmem>>, %arg4: memref<16x128xf32, #tpu.memory_space<vmem>>, %arg5: memref<16x128xf32, #tpu.memory_space<vmem>>, %arg6: memref<384x128xf32, #tpu.memory_space<vmem>>, %arg7: memref<1x384xf32, #tpu.memory_space<vmem>>, %arg8: memref<128x128xf32, #tpu.memory_space<vmem>>, %arg9: memref<1x128xf32, #tpu.memory_space<vmem>>, %arg10: memref<384x128xf32, #tpu.memory_space<vmem>>, %arg11: memref<1x384xf32, #tpu.memory_space<vmem>>, %arg12: memref<128x128xf32, #tpu.memory_space<vmem>>, %arg13: memref<1x128xf32, #tpu.memory_space<vmem>>, %arg14: memref<16x128xf32, #tpu.memory_space<vmem>>, %arg15: memref<16x128xf32, #tpu.memory_space<vmem>>) attributes {dimension_semantics = [], scalar_prefetch = 0 : i64, scratch_operands = 0 : i64, tpu.core_type = #tpu.core_type<tc>} {
    %get3A = arith.constant 0 : index
    %get3A_0 = arith.constant 0 : index
    %get3A_1 = vector.load %arg4[%get3A, %get3A_0] : memref<16x128xf32, #tpu.memory_space<vmem>>, vector<16x128xf32>
    %get3A_2 = arith.constant 0 : index
    %get3A_3 = arith.constant 0 : index
    %get3A_4 = arith.constant 0 : index
    %get3A_5 = vector.load %arg0[%get3A_2, %get3A_3, %get3A_4] : memref<2x16x128xf32, #tpu.memory_space<vmem>>, vector<2x16x128xf32>
    %get3A_6 = arith.constant 0 : index
    %get3A_7 = arith.constant 0 : index
    %get3A_8 = arith.constant 0 : index
    %get3A_9 = vector.load %arg1[%get3A_6, %get3A_7, %get3A_8] : memref<2x16x16xf32, #tpu.memory_space<vmem>>, vector<2x16x16xf32>
    %get3A_10 = arith.constant 0 : index
    %get3A_11 = arith.constant 0 : index
    %get3A_12 = vector.load %arg6[%get3A_10, %get3A_11] : memref<384x128xf32, #tpu.memory_space<vmem>>, vector<384x128xf32>
    %get3A_13 = arith.constant 0 : index
    %get3A_14 = arith.constant 0 : index
    %get3A_15 = vector.load %arg7[%get3A_13, %get3A_14] : memref<1x384xf32, #tpu.memory_space<vmem>>, vector<1x384xf32>
    %get3A_16 = arith.constant 0 : index
    %get3A_17 = arith.constant 0 : index
    %get3A_18 = vector.load %arg8[%get3A_16, %get3A_17] : memref<128x128xf32, #tpu.memory_space<vmem>>, vector<128x128xf32>
    %get3A_19 = arith.constant 0 : index
    %get3A_20 = arith.constant 0 : index
    %get3A_21 = vector.load %arg9[%get3A_19, %get3A_20] : memref<1x128xf32, #tpu.memory_space<vmem>>, vector<1x128xf32>
    %slice3A = vector.extract_strided_slice %get3A_5 {offsets = [0, 0, 0], sizes = [1, 16, 128], strides = [1, 1, 1]} : vector<2x16x128xf32> to vector<1x16x128xf32>
    %squeeze3A = vector.shape_cast %slice3A : vector<1x16x128xf32> to vector<16x128xf32>
    %slice3A_22 = vector.extract_strided_slice %get3A_5 {offsets = [1, 0, 0], sizes = [1, 16, 128], strides = [1, 1, 1]} : vector<2x16x128xf32> to vector<1x16x128xf32>
    %squeeze3A_23 = vector.shape_cast %slice3A_22 : vector<1x16x128xf32> to vector<16x128xf32>
    %add3A = arith.addf %squeeze3A, %squeeze3A_23 : vector<16x128xf32>
    %slice3A_24 = vector.extract_strided_slice %get3A_9 {offsets = [0, 0, 0], sizes = [1, 16, 16], strides = [1, 1, 1]} : vector<2x16x16xf32> to vector<1x16x16xf32>
    %squeeze3A_25 = vector.shape_cast %slice3A_24 : vector<1x16x16xf32> to vector<16x16xf32>
    %slice3A_26 = vector.extract_strided_slice %get3A_9 {offsets = [1, 0, 0], sizes = [1, 16, 16], strides = [1, 1, 1]} : vector<2x16x16xf32> to vector<1x16x16xf32>
    %squeeze3A_27 = vector.shape_cast %slice3A_26 : vector<1x16x16xf32> to vector<16x16xf32>
    %add3A_28 = arith.addf %squeeze3A_25, %squeeze3A_27 : vector<16x16xf32>
    %reduce_sum3A = arith.constant dense<0.000000e+00> : vector<16xf32>
    %reduce_sum3A_29 = vector.multi_reduction <add>, %add3A_28, %reduce_sum3A [1] : vector<16x16xf32> to vector<16xf32>
    %broadcast_in_dim3A = vector.shape_cast %reduce_sum3A_29 : vector<16xf32> to vector<16x1xf32>
    %add3A_30 = arith.constant 9.99999993E-9 : f32
    %add3A_31 = vector.broadcast %add3A_30 : f32 to vector<16x1xf32>
    %add3A_32 = arith.addf %broadcast_in_dim3A, %add3A_31 : vector<16x1xf32>
    %div3A = vector.broadcast %add3A_32 : vector<16x1xf32> to vector<16x128xf32>
    %div3A_33 = arith.divf %add3A, %div3A : vector<16x128xf32>
    %slice3A_34 = vector.extract_strided_slice %get3A_12 {offsets = [0, 0], sizes = [128, 128], strides = [1, 1]} : vector<384x128xf32> to vector<128x128xf32>
    %dot_general3A = arith.constant dense<0.000000e+00> : vector<16x128xf32>
    %dot_general3A_35 = tpu.matmul %get3A_1, %slice3A_34, %dot_general3A {dimension_numbers = #tpu.dot_dimension_numbers<[1], [1], [0], [0], [0, 0, 1, 0], [], []>, transpose_lhs_hint = false} : vector<16x128xf32>, vector<128x128xf32>, vector<16x128xf32> -> vector<16x128xf32>
    %slice3A_36 = vector.extract_strided_slice %get3A_15 {offsets = [0, 0], sizes = [1, 128], strides = [1, 1]} : vector<1x384xf32> to vector<1x128xf32>
    %squeeze3A_37 = vector.shape_cast %slice3A_36 : vector<1x128xf32> to vector<128xf32>
    %broadcast_in_dim3A_38 = vector.shape_cast %squeeze3A_37 : vector<128xf32> to vector<1x128xf32>
    %add3A_39 = vector.broadcast %broadcast_in_dim3A_38 : vector<1x128xf32> to vector<16x128xf32>
    %add3A_40 = arith.addf %dot_general3A_35, %add3A_39 : vector<16x128xf32>
    %slice3A_41 = vector.extract_strided_slice %get3A_12 {offsets = [128, 0], sizes = [128, 128], strides = [1, 1]} : vector<384x128xf32> to vector<128x128xf32>
    %dot_general3A_42 = arith.constant dense<0.000000e+00> : vector<16x128xf32>
    %dot_general3A_43 = tpu.matmul %div3A_33, %slice3A_41, %dot_general3A_42 {dimension_numbers = #tpu.dot_dimension_numbers<[1], [1], [0], [0], [0, 0, 1, 0], [], []>, transpose_lhs_hint = false} : vector<16x128xf32>, vector<128x128xf32>, vector<16x128xf32> -> vector<16x128xf32>
    %slice3A_44 = vector.extract_strided_slice %get3A_15 {offsets = [0, 128], sizes = [1, 128], strides = [1, 1]} : vector<1x384xf32> to vector<1x128xf32>
    %squeeze3A_45 = vector.shape_cast %slice3A_44 : vector<1x128xf32> to vector<128xf32>
    %broadcast_in_dim3A_46 = vector.shape_cast %squeeze3A_45 : vector<128xf32> to vector<1x128xf32>
    %add3A_47 = vector.broadcast %broadcast_in_dim3A_46 : vector<1x128xf32> to vector<16x128xf32>
    %add3A_48 = arith.addf %dot_general3A_43, %add3A_47 : vector<16x128xf32>
    %slice3A_49 = vector.extract_strided_slice %get3A_12 {offsets = [256, 0], sizes = [128, 128], strides = [1, 1]} : vector<384x128xf32> to vector<128x128xf32>
    %dot_general3A_50 = arith.constant dense<0.000000e+00> : vector<16x128xf32>
    %dot_general3A_51 = tpu.matmul %div3A_33, %slice3A_49, %dot_general3A_50 {dimension_numbers = #tpu.dot_dimension_numbers<[1], [1], [0], [0], [0, 0, 1, 0], [], []>, transpose_lhs_hint = false} : vector<16x128xf32>, vector<128x128xf32>, vector<16x128xf32> -> vector<16x128xf32>
    %slice3A_52 = vector.extract_strided_slice %get3A_15 {offsets = [0, 256], sizes = [1, 128], strides = [1, 1]} : vector<1x384xf32> to vector<1x128xf32>
    %squeeze3A_53 = vector.shape_cast %slice3A_52 : vector<1x128xf32> to vector<128xf32>
    %broadcast_in_dim3A_54 = vector.shape_cast %squeeze3A_53 : vector<128xf32> to vector<1x128xf32>
    %add3A_55 = vector.broadcast %broadcast_in_dim3A_54 : vector<1x128xf32> to vector<16x128xf32>
    %add3A_56 = arith.addf %dot_general3A_51, %add3A_55 : vector<16x128xf32>
    %slice3A_57 = vector.extract_strided_slice %add3A_40 {offsets = [0, 0], sizes = [16, 32], strides = [1, 1]} : vector<16x128xf32> to vector<16x32xf32>
    %slice3A_58 = vector.extract_strided_slice %add3A_48 {offsets = [0, 0], sizes = [16, 32], strides = [1, 1]} : vector<16x128xf32> to vector<16x32xf32>
    %slice3A_59 = vector.extract_strided_slice %add3A_56 {offsets = [0, 0], sizes = [16, 32], strides = [1, 1]} : vector<16x128xf32> to vector<16x32xf32>
    %dot_general3A_60 = arith.constant dense<0.000000e+00> : vector<16x16xf32>
    %dot_general3A_61 = tpu.matmul %slice3A_57, %slice3A_58, %dot_general3A_60 {dimension_numbers = #tpu.dot_dimension_numbers<[1], [1], [0], [0], [0, 0, 1, 0], [], []>, transpose_lhs_hint = false} : vector<16x32xf32>, vector<16x32xf32>, vector<16x16xf32> -> vector<16x16xf32>
    %mul3A = arith.constant 0.176776692 : f32
    %mul3A_62 = vector.broadcast %mul3A : f32 to vector<16x16xf32>
    %mul3A_63 = arith.mulf %dot_general3A_61, %mul3A_62 : vector<16x16xf32>
    %reduce_max3A = arith.constant dense<0xFF800000> : vector<16xf32>
    %reduce_max3A_64 = vector.multi_reduction <maximumf>, %mul3A_63, %reduce_max3A [1] : vector<16x16xf32> to vector<16xf32>
    %broadcast_in_dim3A_65 = vector.shape_cast %reduce_max3A_64 : vector<16xf32> to vector<16x1xf32>
    %sub3A = vector.broadcast %broadcast_in_dim3A_65 : vector<16x1xf32> to vector<16x16xf32>
    %sub3A_66 = arith.subf %mul3A_63, %sub3A : vector<16x16xf32>
    %exp3A = math.exp %sub3A_66 : vector<16x16xf32>
    %reduce_sum3A_67 = arith.constant dense<0.000000e+00> : vector<16xf32>
    %reduce_sum3A_68 = vector.multi_reduction <add>, %exp3A, %reduce_sum3A_67 [1] : vector<16x16xf32> to vector<16xf32>
    %broadcast_in_dim3A_69 = vector.shape_cast %reduce_sum3A_68 : vector<16xf32> to vector<16x1xf32>
    %div3A_70 = vector.broadcast %broadcast_in_dim3A_69 : vector<16x1xf32> to vector<16x16xf32>
    %div3A_71 = arith.divf %exp3A, %div3A_70 : vector<16x16xf32>
    %dot_general3A_72 = arith.constant dense<0.000000e+00> : vector<16x32xf32>
    %dot_general3A_73 = tpu.matmul %div3A_71, %slice3A_59, %dot_general3A_72 {dimension_numbers = #tpu.dot_dimension_numbers<[1], [0], [0], [1], [0, 0, 1, 1], [], []>, transpose_lhs_hint = false} : vector<16x16xf32>, vector<16x32xf32>, vector<16x32xf32> -> vector<16x32xf32>
    %slice3A_74 = vector.extract_strided_slice %add3A_40 {offsets = [0, 32], sizes = [16, 32], strides = [1, 1]} : vector<16x128xf32> to vector<16x32xf32>
    %slice3A_75 = vector.extract_strided_slice %add3A_48 {offsets = [0, 32], sizes = [16, 32], strides = [1, 1]} : vector<16x128xf32> to vector<16x32xf32>
    %slice3A_76 = vector.extract_strided_slice %add3A_56 {offsets = [0, 32], sizes = [16, 32], strides = [1, 1]} : vector<16x128xf32> to vector<16x32xf32>
    %dot_general3A_77 = arith.constant dense<0.000000e+00> : vector<16x16xf32>
    %dot_general3A_78 = tpu.matmul %slice3A_74, %slice3A_75, %dot_general3A_77 {dimension_numbers = #tpu.dot_dimension_numbers<[1], [1], [0], [0], [0, 0, 1, 0], [], []>, transpose_lhs_hint = false} : vector<16x32xf32>, vector<16x32xf32>, vector<16x16xf32> -> vector<16x16xf32>
    %mul3A_79 = arith.constant 0.176776692 : f32
    %mul3A_80 = vector.broadcast %mul3A_79 : f32 to vector<16x16xf32>
    %mul3A_81 = arith.mulf %dot_general3A_78, %mul3A_80 : vector<16x16xf32>
    %reduce_max3A_82 = arith.constant dense<0xFF800000> : vector<16xf32>
    %reduce_max3A_83 = vector.multi_reduction <maximumf>, %mul3A_81, %reduce_max3A_82 [1] : vector<16x16xf32> to vector<16xf32>
    %broadcast_in_dim3A_84 = vector.shape_cast %reduce_max3A_83 : vector<16xf32> to vector<16x1xf32>
    %sub3A_85 = vector.broadcast %broadcast_in_dim3A_84 : vector<16x1xf32> to vector<16x16xf32>
    %sub3A_86 = arith.subf %mul3A_81, %sub3A_85 : vector<16x16xf32>
    %exp3A_87 = math.exp %sub3A_86 : vector<16x16xf32>
    %reduce_sum3A_88 = arith.constant dense<0.000000e+00> : vector<16xf32>
    %reduce_sum3A_89 = vector.multi_reduction <add>, %exp3A_87, %reduce_sum3A_88 [1] : vector<16x16xf32> to vector<16xf32>
    %broadcast_in_dim3A_90 = vector.shape_cast %reduce_sum3A_89 : vector<16xf32> to vector<16x1xf32>
    %div3A_91 = vector.broadcast %broadcast_in_dim3A_90 : vector<16x1xf32> to vector<16x16xf32>
    %div3A_92 = arith.divf %exp3A_87, %div3A_91 : vector<16x16xf32>
    %dot_general3A_93 = arith.constant dense<0.000000e+00> : vector<16x32xf32>
    %dot_general3A_94 = tpu.matmul %div3A_92, %slice3A_76, %dot_general3A_93 {dimension_numbers = #tpu.dot_dimension_numbers<[1], [0], [0], [1], [0, 0, 1, 1], [], []>, transpose_lhs_hint = false} : vector<16x16xf32>, vector<16x32xf32>, vector<16x32xf32> -> vector<16x32xf32>
    %slice3A_95 = vector.extract_strided_slice %add3A_40 {offsets = [0, 64], sizes = [16, 32], strides = [1, 1]} : vector<16x128xf32> to vector<16x32xf32>
    %slice3A_96 = vector.extract_strided_slice %add3A_48 {offsets = [0, 64], sizes = [16, 32], strides = [1, 1]} : vector<16x128xf32> to vector<16x32xf32>
    %slice3A_97 = vector.extract_strided_slice %add3A_56 {offsets = [0, 64], sizes = [16, 32], strides = [1, 1]} : vector<16x128xf32> to vector<16x32xf32>
    %dot_general3A_98 = arith.constant dense<0.000000e+00> : vector<16x16xf32>
    %dot_general3A_99 = tpu.matmul %slice3A_95, %slice3A_96, %dot_general3A_98 {dimension_numbers = #tpu.dot_dimension_numbers<[1], [1], [0], [0], [0, 0, 1, 0], [], []>, transpose_lhs_hint = false} : vector<16x32xf32>, vector<16x32xf32>, vector<16x16xf32> -> vector<16x16xf32>
    %mul3A_100 = arith.constant 0.176776692 : f32
    %mul3A_101 = vector.broadcast %mul3A_100 : f32 to vector<16x16xf32>
    %mul3A_102 = arith.mulf %dot_general3A_99, %mul3A_101 : vector<16x16xf32>
    %reduce_max3A_103 = arith.constant dense<0xFF800000> : vector<16xf32>
    %reduce_max3A_104 = vector.multi_reduction <maximumf>, %mul3A_102, %reduce_max3A_103 [1] : vector<16x16xf32> to vector<16xf32>
    %broadcast_in_dim3A_105 = vector.shape_cast %reduce_max3A_104 : vector<16xf32> to vector<16x1xf32>
    %sub3A_106 = vector.broadcast %broadcast_in_dim3A_105 : vector<16x1xf32> to vector<16x16xf32>
    %sub3A_107 = arith.subf %mul3A_102, %sub3A_106 : vector<16x16xf32>
    %exp3A_108 = math.exp %sub3A_107 : vector<16x16xf32>
    %reduce_sum3A_109 = arith.constant dense<0.000000e+00> : vector<16xf32>
    %reduce_sum3A_110 = vector.multi_reduction <add>, %exp3A_108, %reduce_sum3A_109 [1] : vector<16x16xf32> to vector<16xf32>
    %broadcast_in_dim3A_111 = vector.shape_cast %reduce_sum3A_110 : vector<16xf32> to vector<16x1xf32>
    %div3A_112 = vector.broadcast %broadcast_in_dim3A_111 : vector<16x1xf32> to vector<16x16xf32>
    %div3A_113 = arith.divf %exp3A_108, %div3A_112 : vector<16x16xf32>
    %dot_general3A_114 = arith.constant dense<0.000000e+00> : vector<16x32xf32>
    %dot_general3A_115 = tpu.matmul %div3A_113, %slice3A_97, %dot_general3A_114 {dimension_numbers = #tpu.dot_dimension_numbers<[1], [0], [0], [1], [0, 0, 1, 1], [], []>, transpose_lhs_hint = false} : vector<16x16xf32>, vector<16x32xf32>, vector<16x32xf32> -> vector<16x32xf32>
    %slice3A_116 = vector.extract_strided_slice %add3A_40 {offsets = [0, 96], sizes = [16, 32], strides = [1, 1]} : vector<16x128xf32> to vector<16x32xf32>
    %slice3A_117 = vector.extract_strided_slice %add3A_48 {offsets = [0, 96], sizes = [16, 32], strides = [1, 1]} : vector<16x128xf32> to vector<16x32xf32>
    %slice3A_118 = vector.extract_strided_slice %add3A_56 {offsets = [0, 96], sizes = [16, 32], strides = [1, 1]} : vector<16x128xf32> to vector<16x32xf32>
    %dot_general3A_119 = arith.constant dense<0.000000e+00> : vector<16x16xf32>
    %dot_general3A_120 = tpu.matmul %slice3A_116, %slice3A_117, %dot_general3A_119 {dimension_numbers = #tpu.dot_dimension_numbers<[1], [1], [0], [0], [0, 0, 1, 0], [], []>, transpose_lhs_hint = false} : vector<16x32xf32>, vector<16x32xf32>, vector<16x16xf32> -> vector<16x16xf32>
    %mul3A_121 = arith.constant 0.176776692 : f32
    %mul3A_122 = vector.broadcast %mul3A_121 : f32 to vector<16x16xf32>
    %mul3A_123 = arith.mulf %dot_general3A_120, %mul3A_122 : vector<16x16xf32>
    %reduce_max3A_124 = arith.constant dense<0xFF800000> : vector<16xf32>
    %reduce_max3A_125 = vector.multi_reduction <maximumf>, %mul3A_123, %reduce_max3A_124 [1] : vector<16x16xf32> to vector<16xf32>
    %broadcast_in_dim3A_126 = vector.shape_cast %reduce_max3A_125 : vector<16xf32> to vector<16x1xf32>
    %sub3A_127 = vector.broadcast %broadcast_in_dim3A_126 : vector<16x1xf32> to vector<16x16xf32>
    %sub3A_128 = arith.subf %mul3A_123, %sub3A_127 : vector<16x16xf32>
    %exp3A_129 = math.exp %sub3A_128 : vector<16x16xf32>
    %reduce_sum3A_130 = arith.constant dense<0.000000e+00> : vector<16xf32>
    %reduce_sum3A_131 = vector.multi_reduction <add>, %exp3A_129, %reduce_sum3A_130 [1] : vector<16x16xf32> to vector<16xf32>
    %broadcast_in_dim3A_132 = vector.shape_cast %reduce_sum3A_131 : vector<16xf32> to vector<16x1xf32>
    %div3A_133 = vector.broadcast %broadcast_in_dim3A_132 : vector<16x1xf32> to vector<16x16xf32>
    %div3A_134 = arith.divf %exp3A_129, %div3A_133 : vector<16x16xf32>
    %dot_general3A_135 = arith.constant dense<0.000000e+00> : vector<16x32xf32>
    %dot_general3A_136 = tpu.matmul %div3A_134, %slice3A_118, %dot_general3A_135 {dimension_numbers = #tpu.dot_dimension_numbers<[1], [0], [0], [1], [0, 0, 1, 1], [], []>, transpose_lhs_hint = false} : vector<16x16xf32>, vector<16x32xf32>, vector<16x32xf32> -> vector<16x32xf32>
    %concatenate3A = tpu.concatenate %dot_general3A_73, %dot_general3A_94, %dot_general3A_115, %dot_general3A_136 in 1 : vector<16x32xf32>, vector<16x32xf32>, vector<16x32xf32>, vector<16x32xf32> -> vector<16x128xf32>
    %dot_general3A_137 = arith.constant dense<0.000000e+00> : vector<16x128xf32>
    %dot_general3A_138 = tpu.matmul %concatenate3A, %get3A_18, %dot_general3A_137 {dimension_numbers = #tpu.dot_dimension_numbers<[1], [1], [0], [0], [0, 0, 1, 0], [], []>, transpose_lhs_hint = false} : vector<16x128xf32>, vector<128x128xf32>, vector<16x128xf32> -> vector<16x128xf32>
    %squeeze3A_139 = vector.shape_cast %get3A_21 : vector<1x128xf32> to vector<128xf32>
    %broadcast_in_dim3A_140 = vector.shape_cast %squeeze3A_139 : vector<128xf32> to vector<1x128xf32>
    %add3A_141 = vector.broadcast %broadcast_in_dim3A_140 : vector<1x128xf32> to vector<16x128xf32>
    %add3A_142 = arith.addf %dot_general3A_138, %add3A_141 : vector<16x128xf32>
    %swap3A = arith.constant 0 : index
    %swap3A_143 = arith.constant 0 : index
    %swap3A_144 = vector.load %arg14[%swap3A, %swap3A_143] : memref<16x128xf32, #tpu.memory_space<vmem>>, vector<16x128xf32>
    tpu.vector_store %arg14[%swap3A, %swap3A_143], %add3A_142 {strides = array<i32>} : memref<16x128xf32, #tpu.memory_space<vmem>>, vector<16x128xf32>,
    %get3A_145 = arith.constant 0 : index
    %get3A_146 = arith.constant 0 : index
    %get3A_147 = vector.load %arg5[%get3A_145, %get3A_146] : memref<16x128xf32, #tpu.memory_space<vmem>>, vector<16x128xf32>
    %get3A_148 = arith.constant 0 : index
    %get3A_149 = arith.constant 0 : index
    %get3A_150 = arith.constant 0 : index
    %get3A_151 = vector.load %arg2[%get3A_148, %get3A_149, %get3A_150] : memref<2x16x128xf32, #tpu.memory_space<vmem>>, vector<2x16x128xf32>
    %get3A_152 = arith.constant 0 : index
    %get3A_153 = arith.constant 0 : index
    %get3A_154 = arith.constant 0 : index
    %get3A_155 = vector.load %arg3[%get3A_152, %get3A_153, %get3A_154] : memref<2x16x16xf32, #tpu.memory_space<vmem>>, vector<2x16x16xf32>
    %get3A_156 = arith.constant 0 : index
    %get3A_157 = arith.constant 0 : index
    %get3A_158 = vector.load %arg10[%get3A_156, %get3A_157] : memref<384x128xf32, #tpu.memory_space<vmem>>, vector<384x128xf32>
    %get3A_159 = arith.constant 0 : index
    %get3A_160 = arith.constant 0 : index
    %get3A_161 = vector.load %arg11[%get3A_159, %get3A_160] : memref<1x384xf32, #tpu.memory_space<vmem>>, vector<1x384xf32>
    %get3A_162 = arith.constant 0 : index
    %get3A_163 = arith.constant 0 : index
    %get3A_164 = vector.load %arg12[%get3A_162, %get3A_163] : memref<128x128xf32, #tpu.memory_space<vmem>>, vector<128x128xf32>
    %get3A_165 = arith.constant 0 : index
    %get3A_166 = arith.constant 0 : index
    %get3A_167 = vector.load %arg13[%get3A_165, %get3A_166] : memref<1x128xf32, #tpu.memory_space<vmem>>, vector<1x128xf32>
    %slice3A_168 = vector.extract_strided_slice %get3A_151 {offsets = [0, 0, 0], sizes = [1, 16, 128], strides = [1, 1, 1]} : vector<2x16x128xf32> to vector<1x16x128xf32>
    %squeeze3A_169 = vector.shape_cast %slice3A_168 : vector<1x16x128xf32> to vector<16x128xf32>
    %slice3A_170 = vector.extract_strided_slice %get3A_151 {offsets = [1, 0, 0], sizes = [1, 16, 128], strides = [1, 1, 1]} : vector<2x16x128xf32> to vector<1x16x128xf32>
    %squeeze3A_171 = vector.shape_cast %slice3A_170 : vector<1x16x128xf32> to vector<16x128xf32>
    %add3A_172 = arith.addf %squeeze3A_169, %squeeze3A_171 : vector<16x128xf32>
    %slice3A_173 = vector.extract_strided_slice %get3A_155 {offsets = [0, 0, 0], sizes = [1, 16, 16], strides = [1, 1, 1]} : vector<2x16x16xf32> to vector<1x16x16xf32>
    %squeeze3A_174 = vector.shape_cast %slice3A_173 : vector<1x16x16xf32> to vector<16x16xf32>
    %slice3A_175 = vector.extract_strided_slice %get3A_155 {offsets = [1, 0, 0], sizes = [1, 16, 16], strides = [1, 1, 1]} : vector<2x16x16xf32> to vector<1x16x16xf32>
    %squeeze3A_176 = vector.shape_cast %slice3A_175 : vector<1x16x16xf32> to vector<16x16xf32>
    %add3A_177 = arith.addf %squeeze3A_174, %squeeze3A_176 : vector<16x16xf32>
    %reduce_sum3A_178 = arith.constant dense<0.000000e+00> : vector<16xf32>
    %reduce_sum3A_179 = vector.multi_reduction <add>, %add3A_177, %reduce_sum3A_178 [1] : vector<16x16xf32> to vector<16xf32>
    %broadcast_in_dim3A_180 = vector.shape_cast %reduce_sum3A_179 : vector<16xf32> to vector<16x1xf32>
    %add3A_181 = arith.constant 9.99999993E-9 : f32
    %add3A_182 = vector.broadcast %add3A_181 : f32 to vector<16x1xf32>
    %add3A_183 = arith.addf %broadcast_in_dim3A_180, %add3A_182 : vector<16x1xf32>
    %div3A_184 = vector.broadcast %add3A_183 : vector<16x1xf32> to vector<16x128xf32>
    %div3A_185 = arith.divf %add3A_172, %div3A_184 : vector<16x128xf32>
    %slice3A_186 = vector.extract_strided_slice %get3A_158 {offsets = [0, 0], sizes = [128, 128], strides = [1, 1]} : vector<384x128xf32> to vector<128x128xf32>
    %dot_general3A_187 = arith.constant dense<0.000000e+00> : vector<16x128xf32>
    %dot_general3A_188 = tpu.matmul %get3A_147, %slice3A_186, %dot_general3A_187 {dimension_numbers = #tpu.dot_dimension_numbers<[1], [1], [0], [0], [0, 0, 1, 0], [], []>, transpose_lhs_hint = false} : vector<16x128xf32>, vector<128x128xf32>, vector<16x128xf32> -> vector<16x128xf32>
    %slice3A_189 = vector.extract_strided_slice %get3A_161 {offsets = [0, 0], sizes = [1, 128], strides = [1, 1]} : vector<1x384xf32> to vector<1x128xf32>
    %squeeze3A_190 = vector.shape_cast %slice3A_189 : vector<1x128xf32> to vector<128xf32>
    %broadcast_in_dim3A_191 = vector.shape_cast %squeeze3A_190 : vector<128xf32> to vector<1x128xf32>
    %add3A_192 = vector.broadcast %broadcast_in_dim3A_191 : vector<1x128xf32> to vector<16x128xf32>
    %add3A_193 = arith.addf %dot_general3A_188, %add3A_192 : vector<16x128xf32>
    %slice3A_194 = vector.extract_strided_slice %get3A_158 {offsets = [128, 0], sizes = [128, 128], strides = [1, 1]} : vector<384x128xf32> to vector<128x128xf32>
    %dot_general3A_195 = arith.constant dense<0.000000e+00> : vector<16x128xf32>
    %dot_general3A_196 = tpu.matmul %div3A_185, %slice3A_194, %dot_general3A_195 {dimension_numbers = #tpu.dot_dimension_numbers<[1], [1], [0], [0], [0, 0, 1, 0], [], []>, transpose_lhs_hint = false} : vector<16x128xf32>, vector<128x128xf32>, vector<16x128xf32> -> vector<16x128xf32>
    %slice3A_197 = vector.extract_strided_slice %get3A_161 {offsets = [0, 128], sizes = [1, 128], strides = [1, 1]} : vector<1x384xf32> to vector<1x128xf32>
    %squeeze3A_198 = vector.shape_cast %slice3A_197 : vector<1x128xf32> to vector<128xf32>
    %broadcast_in_dim3A_199 = vector.shape_cast %squeeze3A_198 : vector<128xf32> to vector<1x128xf32>
    %add3A_200 = vector.broadcast %broadcast_in_dim3A_199 : vector<1x128xf32> to vector<16x128xf32>
    %add3A_201 = arith.addf %dot_general3A_196, %add3A_200 : vector<16x128xf32>
    %slice3A_202 = vector.extract_strided_slice %get3A_158 {offsets = [256, 0], sizes = [128, 128], strides = [1, 1]} : vector<384x128xf32> to vector<128x128xf32>
    %dot_general3A_203 = arith.constant dense<0.000000e+00> : vector<16x128xf32>
    %dot_general3A_204 = tpu.matmul %div3A_185, %slice3A_202, %dot_general3A_203 {dimension_numbers = #tpu.dot_dimension_numbers<[1], [1], [0], [0], [0, 0, 1, 0], [], []>, transpose_lhs_hint = false} : vector<16x128xf32>, vector<128x128xf32>, vector<16x128xf32> -> vector<16x128xf32>
    %slice3A_205 = vector.extract_strided_slice %get3A_161 {offsets = [0, 256], sizes = [1, 128], strides = [1, 1]} : vector<1x384xf32> to vector<1x128xf32>
    %squeeze3A_206 = vector.shape_cast %slice3A_205 : vector<1x128xf32> to vector<128xf32>
    %broadcast_in_dim3A_207 = vector.shape_cast %squeeze3A_206 : vector<128xf32> to vector<1x128xf32>
    %add3A_208 = vector.broadcast %broadcast_in_dim3A_207 : vector<1x128xf32> to vector<16x128xf32>
    %add3A_209 = arith.addf %dot_general3A_204, %add3A_208 : vector<16x128xf32>
    %slice3A_210 = vector.extract_strided_slice %add3A_193 {offsets = [0, 0], sizes = [16, 32], strides = [1, 1]} : vector<16x128xf32> to vector<16x32xf32>
    %slice3A_211 = vector.extract_strided_slice %add3A_201 {offsets = [0, 0], sizes = [16, 32], strides = [1, 1]} : vector<16x128xf32> to vector<16x32xf32>
    %slice3A_212 = vector.extract_strided_slice %add3A_209 {offsets = [0, 0], sizes = [16, 32], strides = [1, 1]} : vector<16x128xf32> to vector<16x32xf32>
    %dot_general3A_213 = arith.constant dense<0.000000e+00> : vector<16x16xf32>
    %dot_general3A_214 = tpu.matmul %slice3A_210, %slice3A_211, %dot_general3A_213 {dimension_numbers = #tpu.dot_dimension_numbers<[1], [1], [0], [0], [0, 0, 1, 0], [], []>, transpose_lhs_hint = false} : vector<16x32xf32>, vector<16x32xf32>, vector<16x16xf32> -> vector<16x16xf32>
    %mul3A_215 = arith.constant 0.176776692 : f32
    %mul3A_216 = vector.broadcast %mul3A_215 : f32 to vector<16x16xf32>
    %mul3A_217 = arith.mulf %dot_general3A_214, %mul3A_216 : vector<16x16xf32>
    %reduce_max3A_218 = arith.constant dense<0xFF800000> : vector<16xf32>
    %reduce_max3A_219 = vector.multi_reduction <maximumf>, %mul3A_217, %reduce_max3A_218 [1] : vector<16x16xf32> to vector<16xf32>
    %broadcast_in_dim3A_220 = vector.shape_cast %reduce_max3A_219 : vector<16xf32> to vector<16x1xf32>
    %sub3A_221 = vector.broadcast %broadcast_in_dim3A_220 : vector<16x1xf32> to vector<16x16xf32>
    %sub3A_222 = arith.subf %mul3A_217, %sub3A_221 : vector<16x16xf32>
    %exp3A_223 = math.exp %sub3A_222 : vector<16x16xf32>
    %reduce_sum3A_224 = arith.constant dense<0.000000e+00> : vector<16xf32>
    %reduce_sum3A_225 = vector.multi_reduction <add>, %exp3A_223, %reduce_sum3A_224 [1] : vector<16x16xf32> to vector<16xf32>
    %broadcast_in_dim3A_226 = vector.shape_cast %reduce_sum3A_225 : vector<16xf32> to vector<16x1xf32>
    %div3A_227 = vector.broadcast %broadcast_in_dim3A_226 : vector<16x1xf32> to vector<16x16xf32>
    %div3A_228 = arith.divf %exp3A_223, %div3A_227 : vector<16x16xf32>
    %dot_general3A_229 = arith.constant dense<0.000000e+00> : vector<16x32xf32>
    %dot_general3A_230 = tpu.matmul %div3A_228, %slice3A_212, %dot_general3A_229 {dimension_numbers = #tpu.dot_dimension_numbers<[1], [0], [0], [1], [0, 0, 1, 1], [], []>, transpose_lhs_hint = false} : vector<16x16xf32>, vector<16x32xf32>, vector<16x32xf32> -> vector<16x32xf32>
    %slice3A_231 = vector.extract_strided_slice %add3A_193 {offsets = [0, 32], sizes = [16, 32], strides = [1, 1]} : vector<16x128xf32> to vector<16x32xf32>
    %slice3A_232 = vector.extract_strided_slice %add3A_201 {offsets = [0, 32], sizes = [16, 32], strides = [1, 1]} : vector<16x128xf32> to vector<16x32xf32>
    %slice3A_233 = vector.extract_strided_slice %add3A_209 {offsets = [0, 32], sizes = [16, 32], strides = [1, 1]} : vector<16x128xf32> to vector<16x32xf32>
    %dot_general3A_234 = arith.constant dense<0.000000e+00> : vector<16x16xf32>
    %dot_general3A_235 = tpu.matmul %slice3A_231, %slice3A_232, %dot_general3A_234 {dimension_numbers = #tpu.dot_dimension_numbers<[1], [1], [0], [0], [0, 0, 1, 0], [], []>, transpose_lhs_hint = false} : vector<16x32xf32>, vector<16x32xf32>, vector<16x16xf32> -> vector<16x16xf32>
    %mul3A_236 = arith.constant 0.176776692 : f32
    %mul3A_237 = vector.broadcast %mul3A_236 : f32 to vector<16x16xf32>
    %mul3A_238 = arith.mulf %dot_general3A_235, %mul3A_237 : vector<16x16xf32>
    %reduce_max3A_239 = arith.constant dense<0xFF800000> : vector<16xf32>
    %reduce_max3A_240 = vector.multi_reduction <maximumf>, %mul3A_238, %reduce_max3A_239 [1] : vector<16x16xf32> to vector<16xf32>
    %broadcast_in_dim3A_241 = vector.shape_cast %reduce_max3A_240 : vector<16xf32> to vector<16x1xf32>
    %sub3A_242 = vector.broadcast %broadcast_in_dim3A_241 : vector<16x1xf32> to vector<16x16xf32>
    %sub3A_243 = arith.subf %mul3A_238, %sub3A_242 : vector<16x16xf32>
    %exp3A_244 = math.exp %sub3A_243 : vector<16x16xf32>
    %reduce_sum3A_245 = arith.constant dense<0.000000e+00> : vector<16xf32>
    %reduce_sum3A_246 = vector.multi_reduction <add>, %exp3A_244, %reduce_sum3A_245 [1] : vector<16x16xf32> to vector<16xf32>
    %broadcast_in_dim3A_247 = vector.shape_cast %reduce_sum3A_246 : vector<16xf32> to vector<16x1xf32>
    %div3A_248 = vector.broadcast %broadcast_in_dim3A_247 : vector<16x1xf32> to vector<16x16xf32>
    %div3A_249 = arith.divf %exp3A_244, %div3A_248 : vector<16x16xf32>
    %dot_general3A_250 = arith.constant dense<0.000000e+00> : vector<16x32xf32>
    %dot_general3A_251 = tpu.matmul %div3A_249, %slice3A_233, %dot_general3A_250 {dimension_numbers = #tpu.dot_dimension_numbers<[1], [0], [0], [1], [0, 0, 1, 1], [], []>, transpose_lhs_hint = false} : vector<16x16xf32>, vector<16x32xf32>, vector<16x32xf32> -> vector<16x32xf32>
    %slice3A_252 = vector.extract_strided_slice %add3A_193 {offsets = [0, 64], sizes = [16, 32], strides = [1, 1]} : vector<16x128xf32> to vector<16x32xf32>
    %slice3A_253 = vector.extract_strided_slice %add3A_201 {offsets = [0, 64], sizes = [16, 32], strides = [1, 1]} : vector<16x128xf32> to vector<16x32xf32>
    %slice3A_254 = vector.extract_strided_slice %add3A_209 {offsets = [0, 64], sizes = [16, 32], strides = [1, 1]} : vector<16x128xf32> to vector<16x32xf32>
    %dot_general3A_255 = arith.constant dense<0.000000e+00> : vector<16x16xf32>
    %dot_general3A_256 = tpu.matmul %slice3A_252, %slice3A_253, %dot_general3A_255 {dimension_numbers = #tpu.dot_dimension_numbers<[1], [1], [0], [0], [0, 0, 1, 0], [], []>, transpose_lhs_hint = false} : vector<16x32xf32>, vector<16x32xf32>, vector<16x16xf32> -> vector<16x16xf32>
    %mul3A_257 = arith.constant 0.176776692 : f32
    %mul3A_258 = vector.broadcast %mul3A_257 : f32 to vector<16x16xf32>
    %mul3A_259 = arith.mulf %dot_general3A_256, %mul3A_258 : vector<16x16xf32>
    %reduce_max3A_260 = arith.constant dense<0xFF800000> : vector<16xf32>
    %reduce_max3A_261 = vector.multi_reduction <maximumf>, %mul3A_259, %reduce_max3A_260 [1] : vector<16x16xf32> to vector<16xf32>
    %broadcast_in_dim3A_262 = vector.shape_cast %reduce_max3A_261 : vector<16xf32> to vector<16x1xf32>
    %sub3A_263 = vector.broadcast %broadcast_in_dim3A_262 : vector<16x1xf32> to vector<16x16xf32>
    %sub3A_264 = arith.subf %mul3A_259, %sub3A_263 : vector<16x16xf32>
    %exp3A_265 = math.exp %sub3A_264 : vector<16x16xf32>
    %reduce_sum3A_266 = arith.constant dense<0.000000e+00> : vector<16xf32>
    %reduce_sum3A_267 = vector.multi_reduction <add>, %exp3A_265, %reduce_sum3A_266 [1] : vector<16x16xf32> to vector<16xf32>
    %broadcast_in_dim3A_268 = vector.shape_cast %reduce_sum3A_267 : vector<16xf32> to vector<16x1xf32>
    %div3A_269 = vector.broadcast %broadcast_in_dim3A_268 : vector<16x1xf32> to vector<16x16xf32>
    %div3A_270 = arith.divf %exp3A_265, %div3A_269 : vector<16x16xf32>
    %dot_general3A_271 = arith.constant dense<0.000000e+00> : vector<16x32xf32>
    %dot_general3A_272 = tpu.matmul %div3A_270, %slice3A_254, %dot_general3A_271 {dimension_numbers = #tpu.dot_dimension_numbers<[1], [0], [0], [1], [0, 0, 1, 1], [], []>, transpose_lhs_hint = false} : vector<16x16xf32>, vector<16x32xf32>, vector<16x32xf32> -> vector<16x32xf32>
    %slice3A_273 = vector.extract_strided_slice %add3A_193 {offsets = [0, 96], sizes = [16, 32], strides = [1, 1]} : vector<16x128xf32> to vector<16x32xf32>
    %slice3A_274 = vector.extract_strided_slice %add3A_201 {offsets = [0, 96], sizes = [16, 32], strides = [1, 1]} : vector<16x128xf32> to vector<16x32xf32>
    %slice3A_275 = vector.extract_strided_slice %add3A_209 {offsets = [0, 96], sizes = [16, 32], strides = [1, 1]} : vector<16x128xf32> to vector<16x32xf32>
    %dot_general3A_276 = arith.constant dense<0.000000e+00> : vector<16x16xf32>
    %dot_general3A_277 = tpu.matmul %slice3A_273, %slice3A_274, %dot_general3A_276 {dimension_numbers = #tpu.dot_dimension_numbers<[1], [1], [0], [0], [0, 0, 1, 0], [], []>, transpose_lhs_hint = false} : vector<16x32xf32>, vector<16x32xf32>, vector<16x16xf32> -> vector<16x16xf32>
    %mul3A_278 = arith.constant 0.176776692 : f32
    %mul3A_279 = vector.broadcast %mul3A_278 : f32 to vector<16x16xf32>
    %mul3A_280 = arith.mulf %dot_general3A_277, %mul3A_279 : vector<16x16xf32>
    %reduce_max3A_281 = arith.constant dense<0xFF800000> : vector<16xf32>
    %reduce_max3A_282 = vector.multi_reduction <maximumf>, %mul3A_280, %reduce_max3A_281 [1] : vector<16x16xf32> to vector<16xf32>
    %broadcast_in_dim3A_283 = vector.shape_cast %reduce_max3A_282 : vector<16xf32> to vector<16x1xf32>
    %sub3A_284 = vector.broadcast %broadcast_in_dim3A_283 : vector<16x1xf32> to vector<16x16xf32>
    %sub3A_285 = arith.subf %mul3A_280, %sub3A_284 : vector<16x16xf32>
    %exp3A_286 = math.exp %sub3A_285 : vector<16x16xf32>
    %reduce_sum3A_287 = arith.constant dense<0.000000e+00> : vector<16xf32>
    %reduce_sum3A_288 = vector.multi_reduction <add>, %exp3A_286, %reduce_sum3A_287 [1] : vector<16x16xf32> to vector<16xf32>
    %broadcast_in_dim3A_289 = vector.shape_cast %reduce_sum3A_288 : vector<16xf32> to vector<16x1xf32>
    %div3A_290 = vector.broadcast %broadcast_in_dim3A_289 : vector<16x1xf32> to vector<16x16xf32>
    %div3A_291 = arith.divf %exp3A_286, %div3A_290 : vector<16x16xf32>
    %dot_general3A_292 = arith.constant dense<0.000000e+00> : vector<16x32xf32>
    %dot_general3A_293 = tpu.matmul %div3A_291, %slice3A_275, %dot_general3A_292 {dimension_numbers = #tpu.dot_dimension_numbers<[1], [0], [0], [1], [0, 0, 1, 1], [], []>, transpose_lhs_hint = false} : vector<16x16xf32>, vector<16x32xf32>, vector<16x32xf32> -> vector<16x32xf32>
    %concatenate3A_294 = tpu.concatenate %dot_general3A_230, %dot_general3A_251, %dot_general3A_272, %dot_general3A_293 in 1 : vector<16x32xf32>, vector<16x32xf32>, vector<16x32xf32>, vector<16x32xf32> -> vector<16x128xf32>
    %dot_general3A_295 = arith.constant dense<0.000000e+00> : vector<16x128xf32>
    %dot_general3A_296 = tpu.matmul %concatenate3A_294, %get3A_164, %dot_general3A_295 {dimension_numbers = #tpu.dot_dimension_numbers<[1], [1], [0], [0], [0, 0, 1, 0], [], []>, transpose_lhs_hint = false} : vector<16x128xf32>, vector<128x128xf32>, vector<16x128xf32> -> vector<16x128xf32>
    %squeeze3A_297 = vector.shape_cast %get3A_167 : vector<1x128xf32> to vector<128xf32>
    %broadcast_in_dim3A_298 = vector.shape_cast %squeeze3A_297 : vector<128xf32> to vector<1x128xf32>
    %add3A_299 = vector.broadcast %broadcast_in_dim3A_298 : vector<1x128xf32> to vector<16x128xf32>
    %add3A_300 = arith.addf %dot_general3A_296, %add3A_299 : vector<16x128xf32>
    %swap3A_301 = arith.constant 0 : index
    %swap3A_302 = arith.constant 0 : index
    %swap3A_303 = vector.load %arg15[%swap3A_301, %swap3A_302] : memref<16x128xf32, #tpu.memory_space<vmem>>, vector<16x128xf32>
    tpu.vector_store %arg15[%swap3A_301, %swap3A_302], %add3A_300 {strides = array<i32>} : memref<16x128xf32, #tpu.memory_space<vmem>>, vector<16x128xf32>,
    return
  }
}

</mosaic_0001>

<sc_bundles>
// kernel: kernel.5.cloned.1.call-start
scs
__scs_entry_jumppad:
0x0: {  	(pc) =	sbr.rel $0x88, $3  }
0x1: {  	(tag) =	ssettag $0x0;
	lr =	simm.s32 $0x1  }
0x2: {  	[smem:$0x3F93] =	sst lr;
	_ =	strace $0xD0000000  }
0x3: {  	_ = 	snop  }
0x4: {  	_ = 	snop  }
0x5: {  	_ = 	snop  }
0x6: {  	_ = 	snop  }
0x7: {  	_ = 	snop  }
__scs_overlays_trampoline_lowered:
0x8: {  	[smem:$0x3FA2] =	sst s0  }
0x9: {  	[smem:$0x3FA3] =	sst s1  }
0xa: {  	[smem:$0x3FA4] =	sst s2  }
0xb: {  	[smem:$0x3FA5] =	sst s3  }
0xc: {  	[smem:$0x3FA6] =	sst s4  }
0xd: {  	[smem:$0x3FA7] =	sst s5  }
0xe: {  	[smem:$0x3FA8] =	sst s6  }
0xf: {  	[smem:$0x3FA9] =	sst s7  }
0x10: {  	[smem:$0x3FAA] =	sst s8  }
0x11: {  	[smem:$0x3FAB] =	sst s9;
	s0 =	simm.s32 @!p0 $0x0  }
0x12: {  	s1 =	sld [smem:$0x3F91];
	s0 =	simm.s32 @p0 $0x1  }
0x13: {  	[smem:$0x3FAC] =	sst s0;
	s0 =	simm.s32 @!p1 $0x0  }
0x14: {  	s2 =	sld [smem:$0x3F90];
	s0 =	simm.s32 @p1 $0x1  }
0x15: {  	[smem:$0x3FAD] =	sst s0;
	s0 =	simm.s32 @!p2 $0x0  }
0x16: {  	s3 =	sld [smem:$0x3FDB];
	s0 =	simm.s32 @p2 $0x1  }
0x17: {  	s4 =	simm.s32 $0x1BF5;
	[smem:$0x3FAF] =	sst s0  }
0x18: {  	s0 =	sld [smem:$0x3F92];
	_ =	swait.ge [sflag:s4], $0x0  }
0x19: {  	s7 =	sld [smem:$0x3F93]  }
0x1a: {  	s8 =	sadd.s32 $0xFFFFE003, lr  }
0x1b: {  	s9 =	sadd.s32 $0xFFFFFEF7, lr;
	s5 =	simm.s32 $0xFFFFFFFF;
	p2 =	slt.u32 s8, $0xFFFFF086  }
0x1c: {  	p1 =	slt.u32 s9, $0xF7A;
	s5 =	simm.s32 @!p2 $0x0  }
0x1d: {  	s5 =	simm.s32 @p1 $0x1;
	p0 =	seq.s32 s7, s2  }
0x1e: {  	s7 =	smul.u32 @!p0 $0xF7A, s2;
	p2 =	seq.s32 @!p0 s5, $0x0  }
0x1f: {  	s9 =	smul.u32 $0xF7A, s1;
	s8 =	simm.s32 @!p0 $0x1BF5;
	p2 =	por !p2, p0  }
0x20: {  	[sflag:s8] =	ssyncset.s32 @!p0 $0xFFFFF086;
	s6 =	sadd.s32 @!p0 s3, s7;
	s7 =	simm.s32 @!p0 $0x108  }
0x21: {  	s3 =	sadd.s32 s3, s9;
	s6 =	sadd.s32 @!p0 $0x88, s6;
	s7 =	simm.s32 @p2 $0x1082  }
0x22: {  	[simem:s7], [sflag:s8] =	dma.local @!p0 [hbm:s6], $0xF7A  }
0x23: {  	s9 =	sor.u32 $0xD0000000, s2;
	s6 =	simm.s32 $0x108;
	_ =	swait.ge @!p0 [sflag:s8], $0x0  }
0x24: {  	s3 =	sadd.s32 $0x88, s3;
	s6 =	simm.s32 @!p1 $0x1082;
	[sflag:s4] =	ssyncset.s32 $0xFFFFF086  }
0x25: {  	[simem:s6], [sflag:s4] =	dma.local [hbm:s3], $0xF7A  }
0x26: {  	[smem:$0x3F93] =	sst s1;
	(tag) =	ssettag s2;
	_ =	strace s9  }
0x27: {  	s1 =	sld [smem:$0x3FA3]  }
0x28: {  	s2 =	sld [smem:$0x3FA4]  }
0x29: {  	s4 =	sld [smem:$0x3FA6]  }
0x2a: {  	p0 =	seq.s32 s5, $0x0;
	s5 =	sld [smem:$0x3FA7]  }
0x2b: {  	s6 =	sld [smem:$0x3FA8]  }
0x2c: {  	s7 =	sld [smem:$0x3FA9]  }
0x2d: {  	s3 =	simm.s32 $0x108;
	s8 =	sld [smem:$0x3FAA]  }
0x2e: {  	s3 =	simm.s32 @!p0 $0x1082;
	s9 =	sld [smem:$0x3FAB]  }
0x2f: {  	lr =	sadd.s32 s0, s3;
	s0 =	sld [smem:$0x3FA2]  }
0x30: {  	s3 =	sld [smem:$0x3FA5]  }
0x31: {  	[smem:$0x3FAE] =	sst s10  }
0x32: {  	s10 =	sld [smem:$0x3FAC];
	_ =	sdelay $0x3  }
0x33: {  	p0 =	seq.s32 s10, $0x1;
	s10 =	sld [smem:$0x3FAE];
	_ =	sdelay $0x3  }
0x34: {  	[smem:$0x3FAE] =	sst s10  }
0x35: {  	s10 =	sld [smem:$0x3FAD];
	_ =	sdelay $0x3  }
0x36: {  	p1 =	seq.s32 s10, $0x1;
	s10 =	sld [smem:$0x3FAE];
	_ =	sdelay $0x3  }
0x37: {  	[smem:$0x3FAE] =	sst s10  }
0x38: {  	s10 =	sld [smem:$0x3FAF]  }
0x39: {  	_ = 	snop;
	(pc) =	sbr.ind lr, $3  }
0x3a: {  	_ = 	snop  }
0x3b: {  	_ = 	snop  }
0x3c: {  	p2 =	seq.s32 s10, $0x1;
	s10 =	sld [smem:$0x3FAE]  }
0x3d: {  	_ =	shalt  }
0x3e: {  	_ =	shalt  }
0x3f: {  	_ =	shalt  }
0x40: {  	_ =	shalt  }
0x41: {  	_ =	shalt  }
0x42: {  	_ =	shalt  }
0x43: {  	_ =	shalt  }
0x44: {  	_ =	shalt  }
0x45: {  	_ =	shalt  }
0x46: {  	_ =	shalt  }
0x47: {  	_ =	shalt  }
0x48: {  	_ =	shalt  }
0x49: {  	_ =	shalt  }
0x4a: {  	_ =	shalt  }
0x4b: {  	_ =	shalt  }
0x4c: {  	_ =	shalt  }
0x4d: {  	_ =	shalt  }
0x4e: {  	_ =	shalt  }
0x4f: {  	_ =	shalt  }
0x50: {  	_ =	shalt  }
0x51: {  	_ =	shalt  }
0x52: {  	_ =	shalt  }
0x53: {  	_ =	shalt  }
0x54: {  	_ =	shalt  }
0x55: {  	_ =	shalt  }
0x56: {  	_ =	shalt  }
0x57: {  	_ =	shalt  }
0x58: {  	_ =	shalt  }
0x59: {  	_ =	shalt  }
0x5a: {  	_ =	shalt  }
0x5b: {  	_ =	shalt  }
0x5c: {  	_ =	shalt  }
0x5d: {  	_ =	shalt  }
0x5e: {  	_ =	shalt  }
0x5f: {  	_ =	shalt  }
0x60: {  	_ =	shalt  }
0x61: {  	_ =	shalt  }
0x62: {  	_ =	shalt  }
0x63: {  	_ =	shalt  }
0x64: {  	_ =	shalt  }
0x65: {  	_ =	shalt  }
0x66: {  	_ =	shalt  }
0x67: {  	_ =	shalt  }
0x68: {  	_ =	shalt  }
0x69: {  	_ =	shalt  }
0x6a: {  	_ =	shalt  }
0x6b: {  	_ =	shalt  }
0x6c: {  	_ =	shalt  }
0x6d: {  	_ =	shalt  }
0x6e: {  	_ =	shalt  }
0x6f: {  	_ =	shalt  }
0x70: {  	_ =	shalt  }
0x71: {  	_ =	shalt  }
0x72: {  	_ =	shalt  }
0x73: {  	_ =	shalt  }
0x74: {  	_ =	shalt  }
0x75: {  	_ =	shalt  }
0x76: {  	_ =	shalt  }
0x77: {  	_ =	shalt  }
0x78: {  	_ =	shalt  }
0x79: {  	_ =	shalt  }
0x7a: {  	_ =	shalt  }
0x7b: {  	_ =	shalt  }
0x7c: {  	_ =	shalt  }
0x7d: {  	_ =	shalt  }
0x7e: {  	_ =	shalt  }
0x7f: {  	_ =	shalt  }
0x80: {  	_ =	shalt  }
0x81: {  	_ =	shalt  }
0x82: {  	_ =	shalt  }
0x83: {  	_ =	shalt  }
0x84: {  	_ =	shalt  }
0x85: {  	_ =	shalt  }
0x86: {  	_ =	shalt  }
0x87: {  	_ =	shalt  }
.Lfunc_end0:
.L_simem_size_0:
called_computation_lowered:
.L_overlay_start_0:
0x88: {  	s2 =	sld [smem:$0x3FD9]  }
0x89: {  	s3 =	sld [smem:$0x3FFE];
	_ =	sdelay $0x1  }
0x8a: {  	s1 =	srdreg.scid  }
0x8b: {  	s0 =	sand.u32 $0x1, s1  }
0x8c: {  	s14 =	sshll.u32 s0, $0xA;
	s2 =	sadd.s32 s3, s2  }
0x8d: {  	s2 =	sadd.s32 s2, s14  }
0x8e: {  	[smem:$0x3FBA] =	sst s2  }
0x8f: {  	_ = 	snop  }
0x90: {  	s2 =	sld [smem:$0x3FD0];
	_ =	sdelay $0x1  }
0x91: {  	s15 =	sld [smem:$0x3FC9]  }
0x92: {  	s5 =	simm.s32 $0xA;
	s6 =	simm.s32 $0x10;
	s4 =	sld [smem:$0x3FC8]  }
0x93: {  	[smem:s6], [sflag:s5] =	dma.local [hbm:s2], $0x1  }
0x94: {  	_ =	swait.eq [sflag:s5], $0x1  }
0x95: {  	[sflag:s5] =	ssyncset.done $0x0  }
0x96: {  	s16 =	sld [smem:$0x10];
	[sflag:s5] =	ssyncadd.s32 $0xFFFFFFFF  }
0x97: {  	s17 =	sld [smem:$0x11];
	(tm) =	ssettm $0x1  }
0x98: {  	s18 =	sld [smem:$0x3FFB];
	_ =	sdelay $0x3  }
0x99: {  	_ =	strace s18  }
0x9a: {  	s6 =	sld [smem:$0x3FFC];
	_ =	sdelay $0x3  }
0x9b: {  	_ =	strace s6  }
0x9c: {  	s6 =	sld [smem:$0x3FFD];
	_ =	sdelay $0x3  }
0x9d: {  	_ =	strace s6  }
0x9e: {  	_ =	strace $0x8FFFFFFF  }
0x9f: {  	s19 =	sld [smem:$0x3FDB];
	_ =	sdelay $0x1  }
0xa0: {  	s7 =	simm.s32 $_scs_section_size  }
0xa1: {  	s8 =	simm.s32 $_size__tile_overlayer_lowered;
	s9 =	simm.s32 $_tile_overlayer_lowered  }
0xa2: {  	s22 =	simm.s32 $0x1BFF;
	s21 =	sshll.u32 s9, $0x1;
	s6 =	sadd.s32 s7, s19  }
0xa3: {  	s10 =	simm.s32 $0x0;
	s20 =	sshll.u32 s8, $0x1;
	s8 =	sadd.s32 s21, s6  }
0xa4: {  	[timem:s10], [sflag:s22] =	dma.local [hbm:s8], s20  }
0xa5: {  	_ =	swait.ge [sflag:s22], s20  }
0xa6: {  	s7 =	ssub.s32 $0x0, s20;
	[sflag:s22] =	ssyncset.done $0x0  }
0xa7: {  	[sflag:s22] =	ssyncadd.s32 s7;
	_ =	sdelay $0x1  }
0xa8: {  	s23 =	simm.s32 $0x1B8B  }
0xa9: {  	_ =	swait.ge [sflag:s23], $0x1  }
0xaa: {  	[sflag:s23] =	ssyncset.done $0x0  }
0xab: {  	s25 =	simm.s32 $0x1B8E;
	s24 =	sld [smem:$0x3FFE];
	[sflag:s23] =	ssyncadd.s32 $0xFFFFFFFF  }
0xac: {  	s26 =	simm.s32 $execute0_lowered;
	[smem:$0x3FD2] =	sst s25  }
0xad: {  	s8 =	sshll.u32 s26, $0x1;
	_ =	strace $0x80000046;
	[dreg:$0x1] =	wrdreg $0xFFFFFFFF  }
0xae: {  	s28 =	simm.s32 $_size_execute0_lowered;
	s6 =	sadd.s32 s6, s8;
	[dreg:$0x0] =	wrdreg $0x0  }
0xaf: {  	s8 =	sshll.u32 s28, $0x1;
	[dreg:$0x2] =	wrdreg s6  }
0xb0: {  	[dreg:$0x3] =	wrdreg s8  }
0xb1: {  	[dreg:$0x4] =	wrdreg $0xC0  }
0xb2: {  	_ =	task [dreg:s10], $0x5FFFF  }
0xb3: {  	[dreg:$0x1] =	wrdreg $0xFFFFFFFF  }
0xb4: {  	[dreg:$0x0] =	wrdreg $0x60  }
0xb5: {  	[dreg:$0x2] =	wrdreg s15  }
0xb6: {  	[dreg:$0x3] =	wrdreg s4  }
0xb7: {  	[dreg:$0x4] =	wrdreg s24  }
0xb8: {  	[dreg:$0x5] =	wrdreg s17  }
0xb9: {  	[dreg:$0x6] =	wrdreg s16  }
0xba: {  	[dreg:$0x7] =	wrdreg $0x0  }
0xbb: {  	[dreg:$0x8] =	wrdreg $0x800  }
0xbc: {  	[dreg:$0x9] =	wrdreg $0x9  }
0xbd: {  	_ =	task.clear_ibuf [dreg:s10], $0xAFFFF;
	_ =	strace $0x90000046  }
0xbe: {  	s29 =	simm.s32 $0x9;
	_ =	strace $0x80000048  }
0xbf: {  	_ =	swait.ge [sflag:s29], $0x1  }
0xc0: {  	[sflag:s29] =	ssyncadd.s32 $0xFFFFFFFF  }
0xc1: {  	_ =	strace $0x90000048  }
0xc2: {  	_ =	sfence  }
0xc3: {  	s30 =	sld [smem:$0x0];
	_ =	sdelay $0x2  }
0xc4: {  	s31 =	sshll.u32 s1, $0xD;
	s1 =	sshrl.u32 s1, $0x2  }
0xc5: {  	s3 =	sand.u32 $0x4000, s31;
	s1 =	sadd.s32 s1, s30  }
0xc6: {  	s0 =	sor.u32 s3, s0;
	s1 =	sshll.u32 s1, $0x11  }
0xc7: {  	s0 =	sor.u32 s1, s0  }
0xc8: {  	s0 =	sadd.s32 $0x8F2B, s0  }
0xc9: {  	[sflag:s0] =	ssyncadd.remote.s32 $0x1  }
0xca: {  	_ =	sfence.sel $0xFFFF  }
0xcb: {  	[dreg:$0x0] =	wrdreg $0xFFFFFFFF;
	(pc) =	sbr.abs _section_cstart, $3  }
0xcc: {  	[dreg:$0x1] =	wrdreg $0xFFFFFFFF  }
0xcd: {  	_ =	task.clear_ibuf [dreg:s10], $0x2FFFF;
	_ =	strace $0x9FFFFFFF  }
0xce: {  	(tm) =	ssettm $0x7FFFFFFF  }
0xcf: {  	_ =	shalt  }
tec
execute0_lowered:
.L_overlay_start_1:
0x0: {  	(tag) =	ssettag $0x1  }
0x1: {  	s0 =	rddreg [dreg:$0x0]  }
0x2: {  	s1 =	rddreg [dreg:$0x1]  }
0x3: {  	s2 =	rddreg [dreg:$0x2]  }
0x4: {  	s8 =	rddreg [dreg:$0x3]  }
0x5: {  	s9 =	rddreg [dreg:$0x4]  }
0x6: {  	s3 =	rddreg [dreg:$0x5]  }
0x7: {  	s4 =	rddreg [dreg:$0x6]  }
0x8: {  	s5 =	simm.s32 $0x0;
	s6 =	srdreg.scid;
	s13 =	stileid.u32  }
0x9: {  	s30 =	simm.s32 $0x6;
	s31 =	simm.s32 $0x10380;
	[smem:$0x7FF] =	sst s5  }
0xa: {  	s10 =	sand.u32 $0x1, s6;
	s6 =	sadd.s32 $0x9200, s2;
	s7 =	sadd.s32 $0x4600, s2  }
0xb: {  	s14 =	sshll.u32 s13, $0x4;
	s16 =	sshll.u32 s13, $0x1;
	s24 =	sshll.u32 s13, $0x6  }
0xc: {  	s26 =	sshll.u32 s13, $0xD;
	p2 =	seq.s32 s13, $0x2;
	_ =	strace $0x80000047  }
0xd: {  	s11 =	sshll.u32 s10, $0x8;
	s15 =	ssub.s32 $0x2, s10;
	s5 =	sor.u32 s10, s16  }
0xe: {  	p1 =	seq.s32 s10, $0x0;
	p0 =	seq.s32 s10, $0x1;
	s25 =	sshll.u32 s10, $0x5  }
0xf: {  	s28 =	sshll.u32 s10, $0xC;
	s12 =	sadd.s32 s11, s2;
	s14 =	sor.u32 s14, s11  }
0x10: {  	s17 =	sshrl.u32 s15, $0x1;
	s21 =	sshll.u32 s5, $0x5;
	s22 =	sshll.u32 s5, $0xC  }
0x11: {  	s19 =	sor.u32 $0x20, s5;
	s8 =	sadd.s32 s8, s11;
	[dreg:$0x8] =	wrdreg s5  }
0x12: {  	p3 =	por !p1, !p2;
	s18 =	sadd.s32 s6, s21;
	[dreg:$0xc] =	wrdreg s8  }
0x13: {  	p2 =	seq.s32 s13, $0x1;
	s20 =	sadd.s32 s0, s22;
	[dreg:$0x9] =	wrdreg s18  }
0x14: {  	s16 =	sadd.s32 s14, s2;
	s9 =	sadd.s32 s9, s14;
	[dreg:$0xa] =	wrdreg s20  }
0x15: {  	s15 =	ssub.s32 s15, s17;
	s8 =	sor.u32 s25, s24;
	[dreg:$0xb] =	wrdreg s9  }
0x16: {  	s23 =	sshll.u32 s19, $0x5;
	s10 =	sadd.s32 s7, s21;
	[dreg:$0xd] =	wrdreg s8  }
0x17: {  	s19 =	sshll.u32 s19, $0xC;
	s11 =	sadd.s32 s1, s22;
	[dreg:$0x11] =	wrdreg s10  }
0x18: {  	p3 =	por !p3, !p3;
	s21 =	sadd.s32 $0xC600, s12;
	[dreg:$0x12] =	wrdreg s11  }
0x19: {  	p1 =	por !p1, !p2;
	s29 =	sadd.s32 s6, s23;
	[dreg:$0x19] =	wrdreg s21  }
0x1a: {  	s22 =	ssub.s32 $0x1C5, s5;
	s8 =	sor.u32 s28, s26;
	[dreg:$0xe] =	wrdreg s29  }
0x1b: {  	s12 =	simm.s32 $0x10200;
	s9 =	sadd.s32 s0, s19;
	[dreg:$0xf] =	wrdreg s8  }
0x1c: {  	s14 =	sadd.s32 s7, s23;
	s17 =	sadd.s32 s1, s19;
	[dreg:$0x10] =	wrdreg s9  }
0x1d: {  	p4 =	por !p1, !p1;
	p1 =	sne.s32 s13, $0x0;
	[dreg:$0x13] =	wrdreg s14  }
0x1e: {  	s18 =	sadd.s32 $0x90D0, s2;
	s19 =	sadd.s32 $0xC2C0, s2;
	[dreg:$0x14] =	wrdreg s17  }
0x1f: {  	s2 =	sadd.s32 $0x4460, s2;
	s20 =	sadd.s32 $0xC400, s16;
	[dreg:$0x15] =	wrdreg s18  }
0x20: {  	s23 =	ssub.s32 $0x102, s5;
	s24 =	smax.u32 s15, $0x1;
	[dreg:$0x16] =	wrdreg s19  }
0x21: {  	s26 =	sadd.s32 $0x186800, s0;
	s28 =	sadd.s32 $0x186000, s0;
	[dreg:$0x17] =	wrdreg s2  }
0x22: {  	s10 =	simm.s32 $0x10100;
	s11 =	simm.s32 $0x100;
	[dreg:$0x18] =	wrdreg s20  }
0x23: {  	s16 =	simm.s32 $0x1;
	s21 =	simm.s32 $0x10300;
	[dreg:$0x1a] =	wrdreg s24  }
0x24: {  	s2 =	sshrl.u32 s22, $0x6;
	s25 =	sshrl.u32 s23, $0x6;
	[dreg:$0x1d] =	wrdreg s26  }
0x25: {  	p4 =	por !p4, p3;
	[dreg:$0x1e] =	wrdreg s28;
	s29 =	sadd.s32 $0xC3000, s1  }
.Ltmp0:
0x26: {  	s14 =	simm.s32 $0x8100;
	s17 =	simm.s32 $0x2;
	(pc) =	sbr.rel .LBB2_1-.Ltmp0, $4  }
0x27: {  	s18 =	simm.s32 $0x80;
	s19 =	simm.s32 $0x10180;
	s20 =	simm.s32 $0x4100  }
0x28: {  	s22 =	simm.s32 $0x5;
	s23 =	simm.s32 $0x3;
	[dreg:$0x1b] =	wrdreg s2  }
0x29: {  	s24 =	simm.s32 $0x4;
	s26 =	simm.s32 $0xC100;
	[dreg:$0x1c] =	wrdreg s25  }
0x2a: {  	v0 =	vimm.f32 $0.0e+00;
	v1 =	vimm.f32 $1.000000000e+00;
	s8 =	simm.s32 $0x0;
	[dreg:$0x1f] =	wrdreg s29;
	s25 =	simm.s32 $0x10280  }
.LBB2_13:
0x2b: {  	s2 =	simm.s32 @!p4 $0x0;
	s5 =	simm.s32 @!p4 $0x14D00;
	s8 =	rddreg [dreg:$0x15]  }
0x2c: {  	[tilespmem:s5], [sflag:$0x7] =	stream.linear.gather @!p4 [hbm4b:s8+s2], $0x80, $0x38;
	[tilespmem:$0x18600] =	vst v63  }
0x2d: {  	s8 =	simm.s32 @!p4 $0x7  }
0x2e: {  	_ =	swait.ge @!p4 [sflag:s8], $0x80  }
0x2f: {  	[sflag:s8] =	ssyncset.done @!p4 $0x0  }
0x30: {  	s9 =	simm.s32 @!p4 $0x14D80;
	s13 =	rddreg [dreg:$0x1d];
	[sflag:s8] =	ssyncadd.s32 @!p4 $0xFFFFFF80  }
0x31: {  	[tilespmem:s9], [sflag:$0x7] =	stream.linear.gather @!p4 [hbm4b:s13+s2], $0x1000, $0x38;
	[tilespmem:$0x18600] =	vst v63  }
0x32: {  	_ =	swait.ge @!p4 [sflag:s8], $0x1000  }
0x33: {  	[sflag:s8] =	ssyncset.done @!p4 $0x0  }
0x34: {  	s2 =	simm.s32 @!p4 $0x20;
	[sflag:s8] =	ssyncadd.s32 @!p4 $0xFFFFF000  }
0x35: {  	[spmem:s3] =	stream.indirect.scatter.add.f32 @!p4 [tilespmem:s9], [sflag:$0x7], $0x80, s5, s2, $0xb8;
	[tilespmem:$0x18600] =	vst v63  }
0x36: {  	_ =	swait.ge @!p4 [sflag:s8], $0x1000  }
0x37: {  	[sflag:s8] =	ssyncset.done @!p4 $0x0  }
0x38: {  	[sflag:s8] =	ssyncadd.s32 @!p4 $0xFFFFF000  }
0x39: {  	v2 =	vld @!p4 [tilespmem:$0x14D00];
	_ =	sdelay $0x6  }
0x3a: {  	v3 =	vimm.f32 @!p4 $1.000000000e+00;
	s2 =	simm.s32 @!p4 $0x10300  }
0x3b: {  	[tilespmem:v2+s2+$0x0] =	vst.idx.add.f32.msk @!p4 $0xffff, v3  }
0x3c: {  	v2 =	vld @!p4 [tilespmem:$0x14D10];
	_ =	sdelay $0x2  }
0x3d: {  	p5 =	por @!p4 $0x1, $0x1;
	p6 =	por p2, p2  }
0x3e: {  	p6 =	por @!p4 p5, p5  }
0x3f: {  	p5 =	por @!p3 !p6, !p0  }
0x40: {  	p5 =	por @!p3 !p5, !p5  }
0x41: {  	p5 =	por !p5, p3  }
0x42: {  	s5 =	simm.s32 @!p5 $0x15D80;
	s8 =	rddreg [dreg:$0x17];
	[tilespmem:v2+s2+$0x0] =	vst.idx.add.f32.msk @!p4 $0xffff, v3;
	s2 =	simm.s32 @!p5 $0x0  }
0x43: {  	[tilespmem:s5], [sflag:$0x7] =	stream.linear.gather @!p5 [hbm4b:s8+s2], $0x80, $0x38;
	[tilespmem:$0x18600] =	vst v63  }
0x44: {  	s8 =	simm.s32 @!p5 $0x7  }
0x45: {  	_ =	swait.ge @!p5 [sflag:s8], $0x80  }
0x46: {  	[sflag:s8] =	ssyncset.done @!p5 $0x0  }
0x47: {  	s9 =	simm.s32 @!p5 $0x15E00;
	s13 =	rddreg [dreg:$0x1f];
	[sflag:s8] =	ssyncadd.s32 @!p5 $0xFFFFFF80  }
0x48: {  	[tilespmem:s9], [sflag:$0x7] =	stream.linear.gather @!p5 [hbm4b:s13+s2], $0x2800, $0x38;
	[tilespmem:$0x18600] =	vst v63  }
0x49: {  	_ =	swait.ge @!p5 [sflag:s8], $0x2800  }
0x4a: {  	[sflag:s8] =	ssyncset.done @!p5 $0x0  }
0x4b: {  	s2 =	simm.s32 @!p5 $0x50;
	[sflag:s8] =	ssyncadd.s32 @!p5 $0xFFFFD800  }
0x4c: {  	[spmem:s4] =	stream.indirect.scatter.add.f32 @!p5 [tilespmem:s9], [sflag:$0x7], $0x80, s5, s2, $0xb8;
	[tilespmem:$0x18600] =	vst v63  }
0x4d: {  	_ =	swait.ge @!p5 [sflag:s8], $0x2800  }
0x4e: {  	[sflag:s8] =	ssyncset.done @!p5 $0x0  }
0x4f: {  	[sflag:s8] =	ssyncadd.s32 @!p5 $0xFFFFD800  }
0x50: {  	v2 =	vld @!p5 [tilespmem:$0x15D80];
	_ =	sdelay $0x6  }
0x51: {  	v3 =	vimm.f32 @!p5 $1.000000000e+00;
	s2 =	simm.s32 @!p5 $0x10380  }
0x52: {  	[tilespmem:v2+s2+$0x0] =	vst.idx.add.f32.msk @!p5 $0xffff, v3  }
0x53: {  	v2 =	vld @!p5 [tilespmem:$0x15D90];
	_ =	sdelay $0x7  }
0x54: {  	[tilespmem:v2+s2+$0x0] =	vst.idx.add.f32.msk @!p5 $0xffff, v3  }
0x55: {  	v2 =	vld @!p5 [tilespmem:$0x15DA0];
	_ =	sdelay $0x7  }
0x56: {  	[tilespmem:v2+s2+$0x0] =	vst.idx.add.f32.msk @!p5 $0xffff, v3  }
0x57: {  	v2 =	vld @!p5 [tilespmem:$0x15DB0];
	_ =	sdelay $0x7  }
0x58: {  	[tilespmem:v2+s2+$0x0] =	vst.idx.add.f32.msk @!p5 $0xffff, v3  }
0x59: {  	v2 =	vld @!p5 [tilespmem:$0x15DC0];
	_ =	sdelay $0x7  }
0x5a: {  	s5 =	simm.s32 @p3 $0x10C00;
	s8 =	rddreg [dreg:$0x16];
	[tilespmem:v2+s2+$0x0] =	vst.idx.add.f32.msk @!p5 $0xffff, v3;
	s2 =	simm.s32 @p3 $0x0  }
0x5b: {  	[tilespmem:s5], [sflag:$0x7] =	stream.linear.gather @p3 [hbm4b:s8+s2], $0x100, $0x38;
	[tilespmem:$0x18600] =	vst v63  }
0x5c: {  	s8 =	simm.s32 @p3 $0x7  }
0x5d: {  	_ =	swait.ge @p3 [sflag:s8], $0x100  }
0x5e: {  	[sflag:s8] =	ssyncset.done @p3 $0x0  }
0x5f: {  	s9 =	simm.s32 @p3 $0x10D00;
	s13 =	rddreg [dreg:$0x1e];
	[sflag:s8] =	ssyncadd.s32 @p3 $0xFFFFFF00  }
0x60: {  	[tilespmem:s9], [sflag:$0x7] =	stream.linear.gather @p3 [hbm4b:s13+s2], $0x4000, $0x38;
	[tilespmem:$0x18600] =	vst v63  }
0x61: {  	_ =	swait.ge @p3 [sflag:s8], $0x4000  }
0x62: {  	[sflag:s8] =	ssyncset.done @p3 $0x0  }
0x63: {  	s2 =	simm.s32 @p3 $0x80;
	[sflag:s8] =	ssyncadd.s32 @p3 $0xFFFFC000  }
0x64: {  	[spmem:s3] =	stream.indirect.scatter.add.f32 @p3 [tilespmem:s9], [sflag:$0x7], $0x80, s5, s2, $0xb8;
	[tilespmem:$0x18600] =	vst v63  }
0x65: {  	_ =	swait.ge @p3 [sflag:s8], $0x4000  }
0x66: {  	[sflag:s8] =	ssyncset.done @p3 $0x0  }
0x67: {  	[sflag:s8] =	ssyncadd.s32 @p3 $0xFFFFC000  }
0x68: {  	v2 =	vld @p3 [tilespmem:$0x10C00];
	_ =	sdelay $0x6  }
0x69: {  	v3 =	vimm.f32 @p3 $1.000000000e+00;
	s2 =	simm.s32 @p3 $0x10300  }
0x6a: {  	[tilespmem:v2+s2+$0x0] =	vst.idx.add.f32.msk @p3 $0xffff, v3  }
0x6b: {  	v2 =	vld @p3 [tilespmem:$0x10C10];
	_ =	sdelay $0x7  }
0x6c: {  	[tilespmem:v2+s2+$0x0] =	vst.idx.add.f32.msk @p3 $0xffff, v3  }
0x6d: {  	v2 =	vld @p3 [tilespmem:$0x10C20];
	_ =	sdelay $0x7  }
0x6e: {  	[tilespmem:v2+s2+$0x0] =	vst.idx.add.f32.msk @p3 $0xffff, v3  }
0x6f: {  	v2 =	vld @p3 [tilespmem:$0x10C30];
	_ =	sdelay $0x7  }
0x70: {  	[tilespmem:v2+s2+$0x0] =	vst.idx.add.f32.msk @p3 $0xffff, v3  }
0x71: {  	v2 =	vld @p3 [tilespmem:$0x10C40];
	_ =	sdelay $0x7  }
0x72: {  	[tilespmem:v2+s2+$0x0] =	vst.idx.add.f32.msk @p3 $0xffff, v3  }
0x73: {  	v2 =	vld @p3 [tilespmem:$0x10C50];
	_ =	sdelay $0x7  }
0x74: {  	[tilespmem:v2+s2+$0x0] =	vst.idx.add.f32.msk @p3 $0xffff, v3  }
0x75: {  	v2 =	vld @p3 [tilespmem:$0x10C60];
	_ =	sdelay $0x7  }
0x76: {  	[tilespmem:v2+s2+$0x0] =	vst.idx.add.f32.msk @p3 $0xffff, v3  }
0x77: {  	v2 =	vld @p3 [tilespmem:$0x10C70];
	_ =	sdelay $0x7  }
0x78: {  	s13 =	simm.s32 $0x7;
	s9 =	rddreg [dreg:$0xb];
	s8 =	simm.s32 $0x0;
	[tilespmem:v2+s2+$0x0] =	vst.idx.add.f32.msk @p3 $0xffff, v3  }
0x79: {  	[hbm4b:s9+s8] =	stream.linear.scatter [tilespmem:s21], [sflag:$0x7], $0x80, $0x38;
	[tilespmem:$0x18600] =	vst v63  }
0x7a: {  	_ =	swait.ge [sflag:s13], $0x80  }
0x7b: {  	[sflag:s13] =	ssyncset.done $0x0  }
0x7c: {  	s15 =	rddreg [dreg:$0x18];
	[sflag:s13] =	ssyncadd.s32 $0xFFFFFF80  }
0x7d: {  	[hbm4b:s15+s8] =	stream.linear.scatter [tilespmem:s31], [sflag:$0x7], $0x80, $0x38;
	[tilespmem:$0x18600] =	vst v63  }
0x7e: {  	_ =	swait.ge [sflag:s13], $0x80  }
0x7f: {  	[sflag:s13] =	ssyncset.done $0x0  }
0x80: {  	[sflag:s13] =	ssyncadd.s32 $0xFFFFFF80  }
0x81: {  	[bflag:$0x0] =	sbarrier.arrive $0xFFFF  }
0x82: {  	s5 =	simm.s32 @!p1 $0x1C07;
	s2 =	sshrl.u32 @!p1 s3, $0x3;
	s8 =	rddreg [dreg:$0xc]  }
0x83: {  	[hbm:s8], [sflag:s5] =	dma.local @!p1 [spmem:s2], $0x100  }
0x84: {  	s2 =	simm.s32 @!p1 $0x7  }
0x85: {  	_ =	swait.ge @!p1 [sflag:s2], $0x100  }
0x86: {  	[sflag:s2] =	ssyncset.done @!p1 $0x0  }
0x87: {  	s8 =	sshrl.u32 @!p1 s4, $0x3;
	s9 =	rddreg [dreg:$0x19];
	[sflag:s2] =	ssyncadd.s32 @!p1 $0xFFFFFF00  }
0x88: {  	[hbm:s9], [sflag:s5] =	dma.local @!p1 [spmem:s8], $0x100  }
0x89: {  	_ =	swait.ge @!p1 [sflag:s2], $0x100  }
0x8a: {  	s28 =	sld [smem:$0x7FD];
	_ =	sdelay $0x2  }
0x8b: {  	s29 =	rddreg [dreg:$0x1a];
	s8 =	sadd.s32 $0x1, s28  }
0x8c: {  	p5 =	sne.s32 s8, s29  }
.Ltmp1:
0x8d: {  	_ = 	snop;
	(pc) =	sbr.rel @!p5 .LBB2_14-.Ltmp1, $3  }
0x8e: {  	_ =	sdelay $0x1  }
0x8f: {  	[sflag:s2] =	ssyncset.done @!p1 $0x0  }
0x90: {  	[sflag:s2] =	ssyncadd.s32 @!p1 $0xFFFFFF00  }
.LBB2_1:
.Ltmp2:
0x91: {  	(pc) =	sbr.rel @p1 .LBB2_5-.Ltmp2, $3  }
0x92: {  	_ =	sdelay $0x1  }
0x93: {  	[tilespmem:$0x10300] =	vst v0  }
0x94: {  	[smem:$0x7FD] =	sst s8;
	[tilespmem:$0x10380] =	vst v0  }
0x95: {  	s5 =	simm.s32 $0x0  }
0x96: {  	s2 =	sshra.s32 s5, $0x2;
	s8 =	sadd.s32 $0x200, s5  }
.LBB2_3:
0x97: {  	p5 =	sne.s32 s8, $0x1E00;
	[tilespmem:s2+$0x10470] =	vst v0  }
0x98: {  	[tilespmem:s2+$0x10400] =	vst v0  }
0x99: {  	[tilespmem:s2+$0x10410] =	vst v0  }
.Ltmp3:
0x9a: {  	[tilespmem:s2+$0x10420] =	vst v0;
	(pc) =	sbr.rel @p5 .LBB2_3-.Ltmp3, $4  }
0x9b: {  	[tilespmem:s2+$0x10430] =	vst v0  }
0x9c: {  	[tilespmem:s2+$0x10440] =	vst v0  }
0x9d: {  	[tilespmem:s2+$0x10450] =	vst v0  }
0x9e: {  	[tilespmem:s2+$0x10460] =	vst v0;
	s2 =	sshra.s32 s8, $0x2;
	s8 =	sadd.s32 $0x200, s8  }
0x9f: {  	[tilespmem:s2+$0x10470] =	vst v0  }
0xa0: {  	[tilespmem:s2+$0x10400] =	vst v0  }
0xa1: {  	[tilespmem:s2+$0x10410] =	vst v0  }
0xa2: {  	[tilespmem:s2+$0x10420] =	vst v0  }
0xa3: {  	[tilespmem:s2+$0x10430] =	vst v0  }
0xa4: {  	[tilespmem:s2+$0x10440] =	vst v0  }
0xa5: {  	[tilespmem:s2+$0x10450] =	vst v0  }
0xa6: {  	[tilespmem:s2+$0x10460] =	vst v0;
	s29 =	simm.s32 $0x10400;
	s5 =	simm.s32 $0x7  }
0xa7: {  	[spmem:s3] =	stream.linear.scatter [tilespmem:s29], [sflag:$0x7], $0x800, $0x38;
	[tilespmem:$0x18600] =	vst v63  }
0xa8: {  	_ =	swait.ge [sflag:s5], $0x800  }
0xa9: {  	[sflag:s5] =	ssyncset.done $0x0  }
0xaa: {  	[sflag:s5] =	ssyncadd.s32 $0xFFFFF800  }
0xab: {  	[spmem:s4] =	stream.linear.scatter [tilespmem:s29], [sflag:$0x7], $0x800, $0x38;
	[tilespmem:$0x18600] =	vst v63  }
0xac: {  	_ =	swait.ge [sflag:s5], $0x800  }
0xad: {  	[sflag:s5] =	ssyncset.done $0x0  }
0xae: {  	[sflag:s5] =	ssyncadd.s32 $0xFFFFF800  }
.LBB2_5:
0xaf: {  	[bflag:$0x0] =	sbarrier.arrive $0xFFFF  }
0xb0: {  	s5 =	rddreg [dreg:$0x9]  }
0xb1: {  	s13 =	rddreg [dreg:$0xa]  }
0xb2: {  	s15 =	rddreg [dreg:$0xe]  }
0xb3: {  	s2 =	simm.s32 $0x0;
	s28 =	rddreg [dreg:$0x10]  }
0xb4: {  	[tilespmem:s10], [sflag:$0x1] =	stream.linear.gather [hbm4b:s5+s2], $0x100, $0x38;
	[tilespmem:$0x18600] =	vst v63  }
0xb5: {  	s8 =	rddreg [dreg:$0x8]  }
0xb6: {  	[tilespmem:s11], [sflag:$0x2] =	stream.linear.gather [hbm4b:s13+s2], $0x8000, $0x38;
	[tilespmem:$0x18600] =	vst v63  }
.Ltmp4:
0xb7: {  	s29 =	rddreg [dreg:$0x1b];
	(pc) =	sbr.rel .LBB2_6-.Ltmp4, $4  }
0xb8: {  	s13 =	rddreg [dreg:$0xd]  }
0xb9: {  	[tilespmem:s12], [sflag:$0x3] =	stream.linear.gather [hbm4b:s15+s2], $0x100, $0x38;
	[tilespmem:$0x18600] =	vst v63  }
0xba: {  	s15 =	rddreg [dreg:$0xf]  }
0xbb: {  	[tilespmem:s14], [sflag:$0x4] =	stream.linear.gather [hbm4b:s28+s2], $0x8000, $0x38;
	[tilespmem:$0x18600] =	vst v63  }
.LBB2_8:
0xbc: {  	s29 =	sadd.s32 $0xFFFFFFFF, s29  }
0xbd: {  	p5 =	sne.s32 s29, $0x0  }
.Ltmp5:
0xbe: {  	_ = 	snop;
	(pc) =	sbr.rel @!p5 .LBB2_9-.Ltmp5, $2  }
0xbf: {  	_ =	sdelay $0x2  }
0xc0: {  	s13 =	sadd.s32 $0x800, s13;
	s15 =	sadd.s32 $0x40000, s15;
	s8 =	smov.u32 s2  }
.LBB2_6:
0xc1: {  	_ =	swait.ge [sflag:s16], $0x100  }
0xc2: {  	[sflag:s16] =	ssyncset.done $0x0  }
0xc3: {  	[sflag:s16] =	ssyncadd.s32 $0xFFFFFF00  }
0xc4: {  	_ =	swait.ge [sflag:s17], $0x8000  }
0xc5: {  	[sflag:s17] =	ssyncset.done $0x0  }
0xc6: {  	[sflag:s17] =	ssyncadd.s32 $0xFFFF8000  }
0xc7: {  	[spmem:s3] =	stream.indirect.scatter.add.f32 [tilespmem:s11], [sflag:$0x5], $0x80, s10, s18, $0xb8;
	[tilespmem:$0x18600] =	vst v63  }
0xc8: {  	_ = 	snop  }
0xc9: {  	[spmem:s3] =	stream.indirect.scatter.add.f32 [tilespmem:s20], [sflag:$0x5], $0x80, s19, s18, $0xb8;
	[tilespmem:$0x18600] =	vst v63  }
0xca: {  	v2 =	vld [tilespmem:$0x10100];
	_ =	sdelay $0x7  }
0xcb: {  	[tilespmem:v2+s21+$0x0] =	vst.idx.add.f32.msk $0xffff, v1  }
0xcc: {  	v2 =	vld [tilespmem:$0x10110];
	_ =	sdelay $0x7  }
0xcd: {  	[tilespmem:v2+s21+$0x0] =	vst.idx.add.f32.msk $0xffff, v1  }
0xce: {  	v2 =	vld [tilespmem:$0x10120];
	_ =	sdelay $0x7  }
0xcf: {  	[tilespmem:v2+s21+$0x0] =	vst.idx.add.f32.msk $0xffff, v1  }
0xd0: {  	v2 =	vld [tilespmem:$0x10130];
	_ =	sdelay $0x7  }
0xd1: {  	[tilespmem:v2+s21+$0x0] =	vst.idx.add.f32.msk $0xffff, v1  }
0xd2: {  	v2 =	vld [tilespmem:$0x10140];
	_ =	sdelay $0x7  }
0xd3: {  	[tilespmem:v2+s21+$0x0] =	vst.idx.add.f32.msk $0xffff, v1  }
0xd4: {  	v2 =	vld [tilespmem:$0x10150];
	_ =	sdelay $0x7  }
0xd5: {  	[tilespmem:v2+s21+$0x0] =	vst.idx.add.f32.msk $0xffff, v1  }
0xd6: {  	v2 =	vld [tilespmem:$0x10160];
	_ =	sdelay $0x7  }
0xd7: {  	[tilespmem:v2+s21+$0x0] =	vst.idx.add.f32.msk $0xffff, v1  }
0xd8: {  	v2 =	vld [tilespmem:$0x10170];
	_ =	sdelay $0x7  }
0xd9: {  	[tilespmem:v2+s21+$0x0] =	vst.idx.add.f32.msk $0xffff, v1  }
0xda: {  	v2 =	vld [tilespmem:$0x10180];
	_ =	sdelay $0x7  }
0xdb: {  	[tilespmem:v2+s21+$0x0] =	vst.idx.add.f32.msk $0xffff, v1  }
0xdc: {  	v2 =	vld [tilespmem:$0x10190];
	_ =	sdelay $0x7  }
0xdd: {  	[tilespmem:v2+s21+$0x0] =	vst.idx.add.f32.msk $0xffff, v1  }
0xde: {  	v2 =	vld [tilespmem:$0x101A0];
	_ =	sdelay $0x7  }
0xdf: {  	[tilespmem:v2+s21+$0x0] =	vst.idx.add.f32.msk $0xffff, v1  }
0xe0: {  	v2 =	vld [tilespmem:$0x101B0];
	_ =	sdelay $0x7  }
0xe1: {  	[tilespmem:v2+s21+$0x0] =	vst.idx.add.f32.msk $0xffff, v1  }
0xe2: {  	v2 =	vld [tilespmem:$0x101C0];
	_ =	sdelay $0x7  }
0xe3: {  	[tilespmem:v2+s21+$0x0] =	vst.idx.add.f32.msk $0xffff, v1  }
0xe4: {  	v2 =	vld [tilespmem:$0x101D0];
	_ =	sdelay $0x7  }
0xe5: {  	[tilespmem:v2+s21+$0x0] =	vst.idx.add.f32.msk $0xffff, v1  }
0xe6: {  	v2 =	vld [tilespmem:$0x101E0];
	_ =	sdelay $0x7  }
0xe7: {  	[tilespmem:v2+s21+$0x0] =	vst.idx.add.f32.msk $0xffff, v1  }
0xe8: {  	v2 =	vld [tilespmem:$0x101F0];
	_ =	sdelay $0x7  }
0xe9: {  	[tilespmem:v2+s21+$0x0] =	vst.idx.add.f32.msk $0xffff, v1  }
0xea: {  	_ =	swait.ge [sflag:s22], $0x4000  }
0xeb: {  	s2 =	sadd.s32 $0x40, s8;
	[sflag:s22] =	ssyncset.done $0x0  }
0xec: {  	p5 =	sgt.s32 s2, $0x185;
	[sflag:s22] =	ssyncadd.s32 $0xFFFFC000  }
0xed: {  	s9 =	sadd.s32 @!p5 $0x800, s13;
	_ =	swait.ge [sflag:s22], $0x4000  }
0xee: {  	s5 =	simm.s32 @!p5 $0x0;
	s9 =	sand.u32 @!p5 $0x1FFFFFE0, s9;
	[sflag:s22] =	ssyncset.done $0x0  }
0xef: {  	s28 =	simm.s32 @!p5 $0x10100;
	s9 =	sadd.s32 @!p5 s6, s9;
	[sflag:s22] =	ssyncadd.s32 $0xFFFFC000  }
0xf0: {  	[tilespmem:s28], [sflag:$0x1] =	stream.linear.gather @!p5 [hbm4b:s9+s5], $0x100, $0x38;
	[tilespmem:$0x18600] =	vst v63  }
0xf1: {  	s9 =	sadd.s32 @!p5 $0x40000, s15  }
0xf2: {  	s9 =	sand.u32 @!p5 $0x1FFFF000, s9  }
0xf3: {  	s28 =	simm.s32 @!p5 $0x100;
	s9 =	sadd.s32 @!p5 s0, s9  }
0xf4: {  	[tilespmem:s28], [sflag:$0x2] =	stream.linear.gather @!p5 [hbm4b:s9+s5], $0x8000, $0x38;
	[tilespmem:$0x18600] =	vst v63  }
0xf5: {  	p5 =	sgt.s32 s8, $0x165  }
.Ltmp6:
0xf6: {  	_ = 	snop;
	(pc) =	sbr.rel @p5 .LBB2_8-.Ltmp6, $1  }
0xf7: {  	_ =	sdelay $0x3  }
0xf8: {  	_ =	swait.ge [sflag:s23], $0x100  }
0xf9: {  	[sflag:s23] =	ssyncset.done $0x0  }
0xfa: {  	[sflag:s23] =	ssyncadd.s32 $0xFFFFFF00  }
0xfb: {  	_ =	swait.ge [sflag:s24], $0x8000  }
0xfc: {  	[sflag:s24] =	ssyncset.done $0x0  }
0xfd: {  	[sflag:s24] =	ssyncadd.s32 $0xFFFF8000  }
0xfe: {  	[spmem:s3] =	stream.indirect.scatter.add.f32 [tilespmem:s14], [sflag:$0x6], $0x80, s12, s18, $0xb8;
	[tilespmem:$0x18600] =	vst v63  }
0xff: {  	_ = 	snop  }
0x100: {  	[spmem:s3] =	stream.indirect.scatter.add.f32 [tilespmem:s26], [sflag:$0x6], $0x80, s25, s18, $0xb8;
	[tilespmem:$0x18600] =	vst v63  }
0x101: {  	v2 =	vld [tilespmem:$0x10200];
	_ =	sdelay $0x7  }
0x102: {  	[tilespmem:v2+s21+$0x0] =	vst.idx.add.f32.msk $0xffff, v1  }
0x103: {  	v2 =	vld [tilespmem:$0x10210];
	_ =	sdelay $0x7  }
0x104: {  	[tilespmem:v2+s21+$0x0] =	vst.idx.add.f32.msk $0xffff, v1  }
0x105: {  	v2 =	vld [tilespmem:$0x10220];
	_ =	sdelay $0x7  }
0x106: {  	[tilespmem:v2+s21+$0x0] =	vst.idx.add.f32.msk $0xffff, v1  }
0x107: {  	v2 =	vld [tilespmem:$0x10230];
	_ =	sdelay $0x7  }
0x108: {  	[tilespmem:v2+s21+$0x0] =	vst.idx.add.f32.msk $0xffff, v1  }
0x109: {  	v2 =	vld [tilespmem:$0x10240];
	_ =	sdelay $0x7  }
0x10a: {  	[tilespmem:v2+s21+$0x0] =	vst.idx.add.f32.msk $0xffff, v1  }
0x10b: {  	v2 =	vld [tilespmem:$0x10250];
	_ =	sdelay $0x7  }
0x10c: {  	[tilespmem:v2+s21+$0x0] =	vst.idx.add.f32.msk $0xffff, v1  }
0x10d: {  	v2 =	vld [tilespmem:$0x10260];
	_ =	sdelay $0x7  }
0x10e: {  	[tilespmem:v2+s21+$0x0] =	vst.idx.add.f32.msk $0xffff, v1  }
0x10f: {  	v2 =	vld [tilespmem:$0x10270];
	_ =	sdelay $0x7  }
0x110: {  	[tilespmem:v2+s21+$0x0] =	vst.idx.add.f32.msk $0xffff, v1  }
0x111: {  	v2 =	vld [tilespmem:$0x10280];
	_ =	sdelay $0x7  }
0x112: {  	[tilespmem:v2+s21+$0x0] =	vst.idx.add.f32.msk $0xffff, v1  }
0x113: {  	v2 =	vld [tilespmem:$0x10290];
	_ =	sdelay $0x7  }
0x114: {  	[tilespmem:v2+s21+$0x0] =	vst.idx.add.f32.msk $0xffff, v1  }
0x115: {  	v2 =	vld [tilespmem:$0x102A0];
	_ =	sdelay $0x7  }
0x116: {  	[tilespmem:v2+s21+$0x0] =	vst.idx.add.f32.msk $0xffff, v1  }
0x117: {  	v2 =	vld [tilespmem:$0x102B0];
	_ =	sdelay $0x7  }
0x118: {  	[tilespmem:v2+s21+$0x0] =	vst.idx.add.f32.msk $0xffff, v1  }
0x119: {  	v2 =	vld [tilespmem:$0x102C0];
	_ =	sdelay $0x7  }
0x11a: {  	[tilespmem:v2+s21+$0x0] =	vst.idx.add.f32.msk $0xffff, v1  }
0x11b: {  	v2 =	vld [tilespmem:$0x102D0];
	_ =	sdelay $0x7  }
0x11c: {  	[tilespmem:v2+s21+$0x0] =	vst.idx.add.f32.msk $0xffff, v1  }
0x11d: {  	v2 =	vld [tilespmem:$0x102E0];
	_ =	sdelay $0x7  }
0x11e: {  	[tilespmem:v2+s21+$0x0] =	vst.idx.add.f32.msk $0xffff, v1  }
0x11f: {  	v2 =	vld [tilespmem:$0x102F0];
	_ =	sdelay $0x7  }
0x120: {  	[tilespmem:v2+s21+$0x0] =	vst.idx.add.f32.msk $0xffff, v1  }
0x121: {  	_ =	swait.ge [sflag:s30], $0x4000  }
0x122: {  	[sflag:s30] =	ssyncset.done $0x0  }
0x123: {  	p5 =	sgt.s32 s8, $0x125;
	[sflag:s30] =	ssyncadd.s32 $0xFFFFC000  }
0x124: {  	s5 =	sadd.s32 @!p5 $0xC00, s13;
	_ =	swait.ge [sflag:s30], $0x4000  }
0x125: {  	s8 =	simm.s32 @!p5 $0x0;
	s5 =	sand.u32 @!p5 $0x1FFFFFE0, s5;
	[sflag:s30] =	ssyncset.done $0x0  }
0x126: {  	s9 =	simm.s32 @!p5 $0x10200;
	s5 =	sadd.s32 @!p5 s6, s5;
	[sflag:s30] =	ssyncadd.s32 $0xFFFFC000  }
0x127: {  	[tilespmem:s9], [sflag:$0x3] =	stream.linear.gather @!p5 [hbm4b:s5+s8], $0x100, $0x38;
	[tilespmem:$0x18600] =	vst v63  }
.Ltmp7:
0x128: {  	_ = 	snop;
	(pc) =	sbr.rel .LBB2_8-.Ltmp7, $4  }
0x129: {  	s5 =	sadd.s32 @!p5 $0x60000, s15  }
0x12a: {  	s5 =	sand.u32 @!p5 $0x1FFFF000, s5  }
0x12b: {  	s9 =	simm.s32 @!p5 $0x8100;
	s5 =	sadd.s32 @!p5 s0, s5  }
0x12c: {  	[tilespmem:s9], [sflag:$0x4] =	stream.linear.gather @!p5 [hbm4b:s5+s8], $0x8000, $0x38;
	[tilespmem:$0x18600] =	vst v63  }
.LBB2_9:
0x12d: {  	s5 =	rddreg [dreg:$0x11]  }
0x12e: {  	s13 =	rddreg [dreg:$0x12]  }
0x12f: {  	s15 =	rddreg [dreg:$0x13]  }
0x130: {  	s2 =	simm.s32 $0x0;
	s28 =	rddreg [dreg:$0x14]  }
0x131: {  	[tilespmem:s10], [sflag:$0x1] =	stream.linear.gather [hbm4b:s5+s2], $0x100, $0x38;
	[tilespmem:$0x18600] =	vst v63  }
0x132: {  	s8 =	rddreg [dreg:$0x8]  }
0x133: {  	[tilespmem:s11], [sflag:$0x2] =	stream.linear.gather [hbm4b:s13+s2], $0x8000, $0x38;
	[tilespmem:$0x18600] =	vst v63  }
.Ltmp8:
0x134: {  	s29 =	rddreg [dreg:$0x1c];
	(pc) =	sbr.rel .LBB2_10-.Ltmp8, $4  }
0x135: {  	s13 =	rddreg [dreg:$0xd]  }
0x136: {  	[tilespmem:s12], [sflag:$0x3] =	stream.linear.gather [hbm4b:s15+s2], $0x100, $0x38;
	[tilespmem:$0x18600] =	vst v63  }
0x137: {  	s15 =	rddreg [dreg:$0xf]  }
0x138: {  	[tilespmem:s14], [sflag:$0x4] =	stream.linear.gather [hbm4b:s28+s2], $0x8000, $0x38;
	[tilespmem:$0x18600] =	vst v63  }
.LBB2_12:
0x139: {  	s29 =	sadd.s32 $0xFFFFFFFF, s29  }
0x13a: {  	p5 =	sne.s32 s29, $0x0  }
.Ltmp9:
0x13b: {  	_ = 	snop;
	(pc) =	sbr.rel @!p5 .LBB2_13-.Ltmp9, $2  }
0x13c: {  	_ =	sdelay $0x2  }
0x13d: {  	s13 =	sadd.s32 $0x800, s13;
	s15 =	sadd.s32 $0x40000, s15;
	s8 =	smov.u32 s2  }
.LBB2_10:
0x13e: {  	_ =	swait.ge [sflag:s16], $0x100  }
0x13f: {  	[sflag:s16] =	ssyncset.done $0x0  }
0x140: {  	[sflag:s16] =	ssyncadd.s32 $0xFFFFFF00  }
0x141: {  	_ =	swait.ge [sflag:s17], $0x8000  }
0x142: {  	[sflag:s17] =	ssyncset.done $0x0  }
0x143: {  	[sflag:s17] =	ssyncadd.s32 $0xFFFF8000  }
0x144: {  	[spmem:s4] =	stream.indirect.scatter.add.f32 [tilespmem:s11], [sflag:$0x5], $0x80, s10, s18, $0xb8;
	[tilespmem:$0x18600] =	vst v63  }
0x145: {  	_ = 	snop  }
0x146: {  	[spmem:s4] =	stream.indirect.scatter.add.f32 [tilespmem:s20], [sflag:$0x5], $0x80, s19, s18, $0xb8;
	[tilespmem:$0x18600] =	vst v63  }
0x147: {  	v2 =	vld [tilespmem:$0x10100];
	_ =	sdelay $0x7  }
0x148: {  	[tilespmem:v2+s31+$0x0] =	vst.idx.add.f32.msk $0xffff, v1  }
0x149: {  	v2 =	vld [tilespmem:$0x10110];
	_ =	sdelay $0x7  }
0x14a: {  	[tilespmem:v2+s31+$0x0] =	vst.idx.add.f32.msk $0xffff, v1  }
0x14b: {  	v2 =	vld [tilespmem:$0x10120];
	_ =	sdelay $0x7  }
0x14c: {  	[tilespmem:v2+s31+$0x0] =	vst.idx.add.f32.msk $0xffff, v1  }
0x14d: {  	v2 =	vld [tilespmem:$0x10130];
	_ =	sdelay $0x7  }
0x14e: {  	[tilespmem:v2+s31+$0x0] =	vst.idx.add.f32.msk $0xffff, v1  }
0x14f: {  	v2 =	vld [tilespmem:$0x10140];
	_ =	sdelay $0x7  }
0x150: {  	[tilespmem:v2+s31+$0x0] =	vst.idx.add.f32.msk $0xffff, v1  }
0x151: {  	v2 =	vld [tilespmem:$0x10150];
	_ =	sdelay $0x7  }
0x152: {  	[tilespmem:v2+s31+$0x0] =	vst.idx.add.f32.msk $0xffff, v1  }
0x153: {  	v2 =	vld [tilespmem:$0x10160];
	_ =	sdelay $0x7  }
0x154: {  	[tilespmem:v2+s31+$0x0] =	vst.idx.add.f32.msk $0xffff, v1  }
0x155: {  	v2 =	vld [tilespmem:$0x10170];
	_ =	sdelay $0x7  }
0x156: {  	[tilespmem:v2+s31+$0x0] =	vst.idx.add.f32.msk $0xffff, v1  }
0x157: {  	v2 =	vld [tilespmem:$0x10180];
	_ =	sdelay $0x7  }
0x158: {  	[tilespmem:v2+s31+$0x0] =	vst.idx.add.f32.msk $0xffff, v1  }
0x159: {  	v2 =	vld [tilespmem:$0x10190];
	_ =	sdelay $0x7  }
0x15a: {  	[tilespmem:v2+s31+$0x0] =	vst.idx.add.f32.msk $0xffff, v1  }
0x15b: {  	v2 =	vld [tilespmem:$0x101A0];
	_ =	sdelay $0x7  }
0x15c: {  	[tilespmem:v2+s31+$0x0] =	vst.idx.add.f32.msk $0xffff, v1  }
0x15d: {  	v2 =	vld [tilespmem:$0x101B0];
	_ =	sdelay $0x7  }
0x15e: {  	[tilespmem:v2+s31+$0x0] =	vst.idx.add.f32.msk $0xffff, v1  }
0x15f: {  	v2 =	vld [tilespmem:$0x101C0];
	_ =	sdelay $0x7  }
0x160: {  	[tilespmem:v2+s31+$0x0] =	vst.idx.add.f32.msk $0xffff, v1  }
0x161: {  	v2 =	vld [tilespmem:$0x101D0];
	_ =	sdelay $0x7  }
0x162: {  	[tilespmem:v2+s31+$0x0] =	vst.idx.add.f32.msk $0xffff, v1  }
0x163: {  	v2 =	vld [tilespmem:$0x101E0];
	_ =	sdelay $0x7  }
0x164: {  	[tilespmem:v2+s31+$0x0] =	vst.idx.add.f32.msk $0xffff, v1  }
0x165: {  	v2 =	vld [tilespmem:$0x101F0];
	_ =	sdelay $0x7  }
0x166: {  	[tilespmem:v2+s31+$0x0] =	vst.idx.add.f32.msk $0xffff, v1  }
0x167: {  	_ =	swait.ge [sflag:s22], $0x4000  }
0x168: {  	s2 =	sadd.s32 $0x40, s8;
	[sflag:s22] =	ssyncset.done $0x0  }
0x169: {  	p5 =	sgt.s32 s2, $0xC2;
	[sflag:s22] =	ssyncadd.s32 $0xFFFFC000  }
0x16a: {  	s5 =	sadd.s32 @!p5 $0x800, s13;
	_ =	swait.ge [sflag:s22], $0x4000  }
0x16b: {  	s9 =	simm.s32 @!p5 $0x0;
	s5 =	sand.u32 @!p5 $0x1FFFFFE0, s5;
	[sflag:s22] =	ssyncset.done $0x0  }
0x16c: {  	s28 =	simm.s32 @!p5 $0x10100;
	s5 =	sadd.s32 @!p5 s7, s5;
	[sflag:s22] =	ssyncadd.s32 $0xFFFFC000  }
0x16d: {  	[tilespmem:s28], [sflag:$0x1] =	stream.linear.gather @!p5 [hbm4b:s5+s9], $0x100, $0x38;
	[tilespmem:$0x18600] =	vst v63  }
0x16e: {  	s5 =	sadd.s32 @!p5 $0x40000, s15  }
0x16f: {  	s5 =	sand.u32 @!p5 $0x1FFFF000, s5  }
0x170: {  	s28 =	simm.s32 @!p5 $0x100;
	s5 =	sadd.s32 @!p5 s1, s5  }
0x171: {  	[tilespmem:s28], [sflag:$0x2] =	stream.linear.gather @!p5 [hbm4b:s5+s9], $0x8000, $0x38;
	[tilespmem:$0x18600] =	vst v63  }
0x172: {  	p5 =	sgt.s32 s8, $0xA2  }
.Ltmp10:
0x173: {  	_ = 	snop;
	(pc) =	sbr.rel @p5 .LBB2_12-.Ltmp10, $1  }
0x174: {  	_ =	sdelay $0x3  }
0x175: {  	_ =	swait.ge [sflag:s23], $0x100  }
0x176: {  	[sflag:s23] =	ssyncset.done $0x0  }
0x177: {  	[sflag:s23] =	ssyncadd.s32 $0xFFFFFF00  }
0x178: {  	_ =	swait.ge [sflag:s24], $0x8000  }
0x179: {  	[sflag:s24] =	ssyncset.done $0x0  }
0x17a: {  	[sflag:s24] =	ssyncadd.s32 $0xFFFF8000  }
0x17b: {  	[spmem:s4] =	stream.indirect.scatter.add.f32 [tilespmem:s14], [sflag:$0x6], $0x80, s12, s18, $0xb8;
	[tilespmem:$0x18600] =	vst v63  }
0x17c: {  	_ = 	snop  }
0x17d: {  	[spmem:s4] =	stream.indirect.scatter.add.f32 [tilespmem:s26], [sflag:$0x6], $0x80, s25, s18, $0xb8;
	[tilespmem:$0x18600] =	vst v63  }
0x17e: {  	v2 =	vld [tilespmem:$0x10200];
	_ =	sdelay $0x7  }
0x17f: {  	[tilespmem:v2+s31+$0x0] =	vst.idx.add.f32.msk $0xffff, v1  }
0x180: {  	v2 =	vld [tilespmem:$0x10210];
	_ =	sdelay $0x7  }
0x181: {  	[tilespmem:v2+s31+$0x0] =	vst.idx.add.f32.msk $0xffff, v1  }
0x182: {  	v2 =	vld [tilespmem:$0x10220];
	_ =	sdelay $0x7  }
0x183: {  	[tilespmem:v2+s31+$0x0] =	vst.idx.add.f32.msk $0xffff, v1  }
0x184: {  	v2 =	vld [tilespmem:$0x10230];
	_ =	sdelay $0x7  }
0x185: {  	[tilespmem:v2+s31+$0x0] =	vst.idx.add.f32.msk $0xffff, v1  }
0x186: {  	v2 =	vld [tilespmem:$0x10240];
	_ =	sdelay $0x7  }
0x187: {  	[tilespmem:v2+s31+$0x0] =	vst.idx.add.f32.msk $0xffff, v1  }
0x188: {  	v2 =	vld [tilespmem:$0x10250];
	_ =	sdelay $0x7  }
0x189: {  	[tilespmem:v2+s31+$0x0] =	vst.idx.add.f32.msk $0xffff, v1  }
0x18a: {  	v2 =	vld [tilespmem:$0x10260];
	_ =	sdelay $0x7  }
0x18b: {  	[tilespmem:v2+s31+$0x0] =	vst.idx.add.f32.msk $0xffff, v1  }
0x18c: {  	v2 =	vld [tilespmem:$0x10270];
	_ =	sdelay $0x7  }
0x18d: {  	[tilespmem:v2+s31+$0x0] =	vst.idx.add.f32.msk $0xffff, v1  }
0x18e: {  	v2 =	vld [tilespmem:$0x10280];
	_ =	sdelay $0x7  }
0x18f: {  	[tilespmem:v2+s31+$0x0] =	vst.idx.add.f32.msk $0xffff, v1  }
0x190: {  	v2 =	vld [tilespmem:$0x10290];
	_ =	sdelay $0x7  }
0x191: {  	[tilespmem:v2+s31+$0x0] =	vst.idx.add.f32.msk $0xffff, v1  }
0x192: {  	v2 =	vld [tilespmem:$0x102A0];
	_ =	sdelay $0x7  }
0x193: {  	[tilespmem:v2+s31+$0x0] =	vst.idx.add.f32.msk $0xffff, v1  }
0x194: {  	v2 =	vld [tilespmem:$0x102B0];
	_ =	sdelay $0x7  }
0x195: {  	[tilespmem:v2+s31+$0x0] =	vst.idx.add.f32.msk $0xffff, v1  }
0x196: {  	v2 =	vld [tilespmem:$0x102C0];
	_ =	sdelay $0x7  }
0x197: {  	[tilespmem:v2+s31+$0x0] =	vst.idx.add.f32.msk $0xffff, v1  }
0x198: {  	v2 =	vld [tilespmem:$0x102D0];
	_ =	sdelay $0x7  }
0x199: {  	[tilespmem:v2+s31+$0x0] =	vst.idx.add.f32.msk $0xffff, v1  }
0x19a: {  	v2 =	vld [tilespmem:$0x102E0];
	_ =	sdelay $0x7  }
0x19b: {  	[tilespmem:v2+s31+$0x0] =	vst.idx.add.f32.msk $0xffff, v1  }
0x19c: {  	v2 =	vld [tilespmem:$0x102F0];
	_ =	sdelay $0x7  }
0x19d: {  	[tilespmem:v2+s31+$0x0] =	vst.idx.add.f32.msk $0xffff, v1  }
0x19e: {  	_ =	swait.ge [sflag:s30], $0x4000  }
0x19f: {  	[sflag:s30] =	ssyncset.done $0x0  }
0x1a0: {  	p5 =	sgt.s32 s8, $0x62;
	[sflag:s30] =	ssyncadd.s32 $0xFFFFC000  }
0x1a1: {  	s5 =	sadd.s32 @!p5 $0xC00, s13;
	_ =	swait.ge [sflag:s30], $0x4000  }
0x1a2: {  	s8 =	simm.s32 @!p5 $0x0;
	s5 =	sand.u32 @!p5 $0x1FFFFFE0, s5;
	[sflag:s30] =	ssyncset.done $0x0  }
0x1a3: {  	s9 =	simm.s32 @!p5 $0x10200;
	s5 =	sadd.s32 @!p5 s7, s5;
	[sflag:s30] =	ssyncadd.s32 $0xFFFFC000  }
0x1a4: {  	[tilespmem:s9], [sflag:$0x3] =	stream.linear.gather @!p5 [hbm4b:s5+s8], $0x100, $0x38;
	[tilespmem:$0x18600] =	vst v63  }
.Ltmp11:
0x1a5: {  	_ = 	snop;
	(pc) =	sbr.rel .LBB2_12-.Ltmp11, $4  }
0x1a6: {  	s5 =	sadd.s32 @!p5 $0x60000, s15  }
0x1a7: {  	s5 =	sand.u32 @!p5 $0x1FFFF000, s5  }
0x1a8: {  	s9 =	simm.s32 @!p5 $0x8100;
	s5 =	sadd.s32 @!p5 s1, s5  }
0x1a9: {  	[tilespmem:s9], [sflag:$0x4] =	stream.linear.gather @!p5 [hbm4b:s5+s8], $0x8000, $0x38;
	[tilespmem:$0x18600] =	vst v63  }
.LBB2_14:
0x1aa: {  	_ =	sfence.sel $0x180000  }
0x1ab: {  	[bflag:$0x0] =	sbarrier.arrive $0xFFFF  }
0x1ac: {  	_ =	strace $0x90000047  }
0x1ad: {  	[bflag:$0x2] =	sbarrier.arrive $0xFFFF  }
0x1ae: {  	s0 =	rddreg [dreg:$0x7]  }
0x1af: {  	s0 =	sadd.s32 @!p1 $0x100000, s0  }
0x1b0: {  	[sflag:s0] =	ssyncadd.tile.s32 @!p1 $0x1;
	_ =	shalt  }
.Lfunc_end2:
_tile_overlayer_lowered:
.L_overlay_start_2:
0x1b1: {  	(tag) =	ssettag $0x2  }
0x1b2: {  	s0 =	rddreg [dreg:$0x0];
	s2 =	stileid.u32  }
0x1b3: {  	s1 =	rddreg [dreg:$0x1];
	p0 =	sne.s32 s2, $0x0  }
0x1b4: {  	s3 =	rddreg [dreg:$0x2];
	[bflag:$0x3] =	sbarrier.arrive $0xFFFF;
	s2 =	simm.s32 @!p0 $0x1C07  }
0x1b5: {  	[timem:s3], [sflag:s2] =	dma.local @!p0 [hbm:s0], s1  }
0x1b6: {  	s0 =	simm.s32 @!p0 $0x7  }
0x1b7: {  	_ =	swait.ge @!p0 [sflag:s0], s1  }
0x1b8: {  	s1 =	ssub.s32 @!p0 $0x0, s1;
	[sflag:s0] =	ssyncset.done @!p0 $0x0  }
0x1b9: {  	[sflag:s0] =	ssyncadd.s32 @!p0 s1  }
0x1ba: {  	[bflag:$0x3] =	sbarrier.arrive $0xFFFF  }
0x1bb: {  	_ =	shalt  }

// kernel: kernel.8.cloned.1.call-start
scs
__scs_entry_jumppad:
0x0: {  	(pc) =	sbr.rel $0x88, $3  }
0x1: {  	(tag) =	ssettag $0x0;
	lr =	simm.s32 $0x1  }
0x2: {  	[smem:$0x3F93] =	sst lr;
	_ =	strace $0xD0000000  }
0x3: {  	_ = 	snop  }
0x4: {  	_ = 	snop  }
0x5: {  	_ = 	snop  }
0x6: {  	_ = 	snop  }
0x7: {  	_ = 	snop  }
__scs_overlays_trampoline_lowered:
0x8: {  	[smem:$0x3FA2] =	sst s0  }
0x9: {  	[smem:$0x3FA3] =	sst s1  }
0xa: {  	[smem:$0x3FA4] =	sst s2  }
0xb: {  	[smem:$0x3FA5] =	sst s3  }
0xc: {  	[smem:$0x3FA6] =	sst s4  }
0xd: {  	[smem:$0x3FA7] =	sst s5  }
0xe: {  	[smem:$0x3FA8] =	sst s6  }
0xf: {  	[smem:$0x3FA9] =	sst s7  }
0x10: {  	[smem:$0x3FAA] =	sst s8  }
0x11: {  	[smem:$0x3FAB] =	sst s9;
	s0 =	simm.s32 @!p0 $0x0  }
0x12: {  	s1 =	sld [smem:$0x3F91];
	s0 =	simm.s32 @p0 $0x1  }
0x13: {  	[smem:$0x3FAC] =	sst s0;
	s0 =	simm.s32 @!p1 $0x0  }
0x14: {  	s2 =	sld [smem:$0x3F90];
	s0 =	simm.s32 @p1 $0x1  }
0x15: {  	[smem:$0x3FAD] =	sst s0;
	s0 =	simm.s32 @!p2 $0x0  }
0x16: {  	s3 =	sld [smem:$0x3FDB];
	s0 =	simm.s32 @p2 $0x1  }
0x17: {  	s4 =	simm.s32 $0x1BF5;
	[smem:$0x3FAF] =	sst s0  }
0x18: {  	s0 =	sld [smem:$0x3F92];
	_ =	swait.ge [sflag:s4], $0x0  }
0x19: {  	s7 =	sld [smem:$0x3F93]  }
0x1a: {  	s8 =	sadd.s32 $0xFFFFE003, lr  }
0x1b: {  	s9 =	sadd.s32 $0xFFFFFEF7, lr;
	s5 =	simm.s32 $0xFFFFFFFF;
	p2 =	slt.u32 s8, $0xFFFFF086  }
0x1c: {  	p1 =	slt.u32 s9, $0xF7A;
	s5 =	simm.s32 @!p2 $0x0  }
0x1d: {  	s5 =	simm.s32 @p1 $0x1;
	p0 =	seq.s32 s7, s2  }
0x1e: {  	s7 =	smul.u32 @!p0 $0xF7A, s2;
	p2 =	seq.s32 @!p0 s5, $0x0  }
0x1f: {  	s9 =	smul.u32 $0xF7A, s1;
	s8 =	simm.s32 @!p0 $0x1BF5;
	p2 =	por !p2, p0  }
0x20: {  	[sflag:s8] =	ssyncset.s32 @!p0 $0xFFFFF086;
	s6 =	sadd.s32 @!p0 s3, s7;
	s7 =	simm.s32 @!p0 $0x108  }
0x21: {  	s3 =	sadd.s32 s3, s9;
	s6 =	sadd.s32 @!p0 $0x88, s6;
	s7 =	simm.s32 @p2 $0x1082  }
0x22: {  	[simem:s7], [sflag:s8] =	dma.local @!p0 [hbm:s6], $0xF7A  }
0x23: {  	s9 =	sor.u32 $0xD0000000, s2;
	s6 =	simm.s32 $0x108;
	_ =	swait.ge @!p0 [sflag:s8], $0x0  }
0x24: {  	s3 =	sadd.s32 $0x88, s3;
	s6 =	simm.s32 @!p1 $0x1082;
	[sflag:s4] =	ssyncset.s32 $0xFFFFF086  }
0x25: {  	[simem:s6], [sflag:s4] =	dma.local [hbm:s3], $0xF7A  }
0x26: {  	[smem:$0x3F93] =	sst s1;
	(tag) =	ssettag s2;
	_ =	strace s9  }
0x27: {  	s1 =	sld [smem:$0x3FA3]  }
0x28: {  	s2 =	sld [smem:$0x3FA4]  }
0x29: {  	s4 =	sld [smem:$0x3FA6]  }
0x2a: {  	p0 =	seq.s32 s5, $0x0;
	s5 =	sld [smem:$0x3FA7]  }
0x2b: {  	s6 =	sld [smem:$0x3FA8]  }
0x2c: {  	s7 =	sld [smem:$0x3FA9]  }
0x2d: {  	s3 =	simm.s32 $0x108;
	s8 =	sld [smem:$0x3FAA]  }
0x2e: {  	s3 =	simm.s32 @!p0 $0x1082;
	s9 =	sld [smem:$0x3FAB]  }
0x2f: {  	lr =	sadd.s32 s0, s3;
	s0 =	sld [smem:$0x3FA2]  }
0x30: {  	s3 =	sld [smem:$0x3FA5]  }
0x31: {  	[smem:$0x3FAE] =	sst s10  }
0x32: {  	s10 =	sld [smem:$0x3FAC];
	_ =	sdelay $0x3  }
0x33: {  	p0 =	seq.s32 s10, $0x1;
	s10 =	sld [smem:$0x3FAE];
	_ =	sdelay $0x3  }
0x34: {  	[smem:$0x3FAE] =	sst s10  }
0x35: {  	s10 =	sld [smem:$0x3FAD];
	_ =	sdelay $0x3  }
0x36: {  	p1 =	seq.s32 s10, $0x1;
	s10 =	sld [smem:$0x3FAE];
	_ =	sdelay $0x3  }
0x37: {  	[smem:$0x3FAE] =	sst s10  }
0x38: {  	s10 =	sld [smem:$0x3FAF]  }
0x39: {  	_ = 	snop;
	(pc) =	sbr.ind lr, $3  }
0x3a: {  	_ = 	snop  }
0x3b: {  	_ = 	snop  }
0x3c: {  	p2 =	seq.s32 s10, $0x1;
	s10 =	sld [smem:$0x3FAE]  }
0x3d: {  	_ =	shalt  }
0x3e: {  	_ =	shalt  }
0x3f: {  	_ =	shalt  }
0x40: {  	_ =	shalt  }
0x41: {  	_ =	shalt  }
0x42: {  	_ =	shalt  }
0x43: {  	_ =	shalt  }
0x44: {  	_ =	shalt  }
0x45: {  	_ =	shalt  }
0x46: {  	_ =	shalt  }
0x47: {  	_ =	shalt  }
0x48: {  	_ =	shalt  }
0x49: {  	_ =	shalt  }
0x4a: {  	_ =	shalt  }
0x4b: {  	_ =	shalt  }
0x4c: {  	_ =	shalt  }
0x4d: {  	_ =	shalt  }
0x4e: {  	_ =	shalt  }
0x4f: {  	_ =	shalt  }
0x50: {  	_ =	shalt  }
0x51: {  	_ =	shalt  }
0x52: {  	_ =	shalt  }
0x53: {  	_ =	shalt  }
0x54: {  	_ =	shalt  }
0x55: {  	_ =	shalt  }
0x56: {  	_ =	shalt  }
0x57: {  	_ =	shalt  }
0x58: {  	_ =	shalt  }
0x59: {  	_ =	shalt  }
0x5a: {  	_ =	shalt  }
0x5b: {  	_ =	shalt  }
0x5c: {  	_ =	shalt  }
0x5d: {  	_ =	shalt  }
0x5e: {  	_ =	shalt  }
0x5f: {  	_ =	shalt  }
0x60: {  	_ =	shalt  }
0x61: {  	_ =	shalt  }
0x62: {  	_ =	shalt  }
0x63: {  	_ =	shalt  }
0x64: {  	_ =	shalt  }
0x65: {  	_ =	shalt  }
0x66: {  	_ =	shalt  }
0x67: {  	_ =	shalt  }
0x68: {  	_ =	shalt  }
0x69: {  	_ =	shalt  }
0x6a: {  	_ =	shalt  }
0x6b: {  	_ =	shalt  }
0x6c: {  	_ =	shalt  }
0x6d: {  	_ =	shalt  }
0x6e: {  	_ =	shalt  }
0x6f: {  	_ =	shalt  }
0x70: {  	_ =	shalt  }
0x71: {  	_ =	shalt  }
0x72: {  	_ =	shalt  }
0x73: {  	_ =	shalt  }
0x74: {  	_ =	shalt  }
0x75: {  	_ =	shalt  }
0x76: {  	_ =	shalt  }
0x77: {  	_ =	shalt  }
0x78: {  	_ =	shalt  }
0x79: {  	_ =	shalt  }
0x7a: {  	_ =	shalt  }
0x7b: {  	_ =	shalt  }
0x7c: {  	_ =	shalt  }
0x7d: {  	_ =	shalt  }
0x7e: {  	_ =	shalt  }
0x7f: {  	_ =	shalt  }
0x80: {  	_ =	shalt  }
0x81: {  	_ =	shalt  }
0x82: {  	_ =	shalt  }
0x83: {  	_ =	shalt  }
0x84: {  	_ =	shalt  }
0x85: {  	_ =	shalt  }
0x86: {  	_ =	shalt  }
0x87: {  	_ =	shalt  }
.Lfunc_end0:
.L_simem_size_0:
called_computation.1_lowered:
.L_overlay_start_0:
0x88: {  	s2 =	sld [smem:$0x3FD9]  }
0x89: {  	s3 =	sld [smem:$0x3FFE];
	_ =	sdelay $0x1  }
0x8a: {  	s1 =	srdreg.scid  }
0x8b: {  	s0 =	sand.u32 $0x1, s1  }
0x8c: {  	s14 =	sshll.u32 s0, $0xA;
	s2 =	sadd.s32 s3, s2  }
0x8d: {  	s2 =	sadd.s32 s2, s14  }
0x8e: {  	[smem:$0x3FBA] =	sst s2  }
0x8f: {  	_ = 	snop  }
0x90: {  	s2 =	sld [smem:$0x3FD0];
	_ =	sdelay $0x2  }
0x91: {  	s15 =	simm.s32 $0xA;
	s4 =	simm.s32 $0x10  }
0x92: {  	[smem:s4], [sflag:s15] =	dma.local [hbm:s2], $0x1  }
0x93: {  	_ =	swait.eq [sflag:s15], $0x1  }
0x94: {  	[sflag:s15] =	ssyncset.done $0x0  }
0x95: {  	s16 =	sld [smem:$0x10];
	[sflag:s15] =	ssyncadd.s32 $0xFFFFFFFF  }
0x96: {  	s17 =	sld [smem:$0x11];
	(tm) =	ssettm $0x1  }
0x97: {  	s18 =	sld [smem:$0x3FFB];
	_ =	sdelay $0x3  }
0x98: {  	_ =	strace s18  }
0x99: {  	s4 =	sld [smem:$0x3FFC];
	_ =	sdelay $0x3  }
0x9a: {  	_ =	strace s4  }
0x9b: {  	s4 =	sld [smem:$0x3FFD];
	_ =	sdelay $0x3  }
0x9c: {  	_ =	strace s4  }
0x9d: {  	_ =	strace $0x8FFFFFFF  }
0x9e: {  	s19 =	sld [smem:$0x3FDB];
	_ =	sdelay $0x1  }
0x9f: {  	s5 =	simm.s32 $_scs_section_size  }
0xa0: {  	s6 =	simm.s32 $_size__tile_overlayer_lowered;
	s7 =	simm.s32 $_tile_overlayer_lowered  }
0xa1: {  	s22 =	simm.s32 $0x1BFF;
	s21 =	sshll.u32 s7, $0x1;
	s4 =	sadd.s32 s5, s19  }
0xa2: {  	s8 =	simm.s32 $0x0;
	s20 =	sshll.u32 s6, $0x1;
	s6 =	sadd.s32 s21, s4  }
0xa3: {  	[timem:s8], [sflag:s22] =	dma.local [hbm:s6], s20  }
0xa4: {  	_ =	swait.ge [sflag:s22], s20  }
0xa5: {  	s5 =	ssub.s32 $0x0, s20;
	[sflag:s22] =	ssyncset.done $0x0  }
0xa6: {  	[sflag:s22] =	ssyncadd.s32 s5;
	_ =	sdelay $0x1  }
0xa7: {  	s23 =	simm.s32 $0x1B8B  }
0xa8: {  	_ =	swait.ge [sflag:s23], $0x1  }
0xa9: {  	[sflag:s23] =	ssyncset.done $0x0  }
0xaa: {  	s25 =	simm.s32 $0x1B8E;
	s24 =	sld [smem:$0x3FFE];
	[sflag:s23] =	ssyncadd.s32 $0xFFFFFFFF  }
0xab: {  	s26 =	simm.s32 $execute0_lowered;
	[smem:$0x3FD2] =	sst s25  }
0xac: {  	s6 =	sshll.u32 s26, $0x1;
	_ =	strace $0x80000049;
	[dreg:$0x1] =	wrdreg $0xFFFFFFFF  }
0xad: {  	s28 =	simm.s32 $_size_execute0_lowered;
	s4 =	sadd.s32 s4, s6;
	[dreg:$0x0] =	wrdreg $0x0  }
0xae: {  	s6 =	sshll.u32 s28, $0x1;
	[dreg:$0x2] =	wrdreg s4  }
0xaf: {  	[dreg:$0x3] =	wrdreg s6  }
0xb0: {  	[dreg:$0x4] =	wrdreg $0xC0  }
0xb1: {  	_ =	task [dreg:s8], $0x5FFFF  }
0xb2: {  	[dreg:$0x1] =	wrdreg $0xFFFFFFFF  }
0xb3: {  	[dreg:$0x0] =	wrdreg $0x60  }
0xb4: {  	[dreg:$0x2] =	wrdreg s24  }
0xb5: {  	[dreg:$0x3] =	wrdreg s16  }
0xb6: {  	[dreg:$0x4] =	wrdreg s17  }
0xb7: {  	[dreg:$0x5] =	wrdreg $0x0  }
0xb8: {  	[dreg:$0x6] =	wrdreg $0x800  }
0xb9: {  	[dreg:$0x7] =	wrdreg $0x9  }
0xba: {  	_ =	task.clear_ibuf [dreg:s8], $0x8FFFF;
	_ =	strace $0x90000049  }
0xbb: {  	s29 =	simm.s32 $0x9;
	_ =	strace $0x8000004B  }
0xbc: {  	_ =	swait.ge [sflag:s29], $0x1  }
0xbd: {  	[sflag:s29] =	ssyncadd.s32 $0xFFFFFFFF  }
0xbe: {  	_ =	strace $0x9000004B  }
0xbf: {  	_ =	sfence  }
0xc0: {  	s30 =	sld [smem:$0x0];
	_ =	sdelay $0x2  }
0xc1: {  	s31 =	sshll.u32 s1, $0xD;
	s1 =	sshrl.u32 s1, $0x2  }
0xc2: {  	s3 =	sand.u32 $0x4000, s31;
	s1 =	sadd.s32 s1, s30  }
0xc3: {  	s0 =	sor.u32 s3, s0;
	s1 =	sshll.u32 s1, $0x11  }
0xc4: {  	s0 =	sor.u32 s1, s0  }
0xc5: {  	s0 =	sadd.s32 $0x8F2B, s0  }
0xc6: {  	[sflag:s0] =	ssyncadd.remote.s32 $0x1  }
0xc7: {  	_ =	sfence.sel $0xFFFF  }
0xc8: {  	[dreg:$0x0] =	wrdreg $0xFFFFFFFF;
	(pc) =	sbr.abs _section_cstart, $3  }
0xc9: {  	[dreg:$0x1] =	wrdreg $0xFFFFFFFF  }
0xca: {  	_ =	task.clear_ibuf [dreg:s8], $0x2FFFF;
	_ =	strace $0x9FFFFFFF  }
0xcb: {  	(tm) =	ssettm $0x7FFFFFFF  }
tec
execute0_lowered:
.L_overlay_start_1:
0x0: {  	(tag) =	ssettag $0x1  }
0x1: {  	s0 =	rddreg [dreg:$0x0]  }
0x2: {  	s1 =	rddreg [dreg:$0x1]  }
0x3: {  	s2 =	rddreg [dreg:$0x2]  }
0x4: {  	s3 =	rddreg [dreg:$0x3]  }
0x5: {  	s4 =	rddreg [dreg:$0x4]  }
0x6: {  	s5 =	simm.s32 $0x0;
	s6 =	srdreg.scid;
	s7 =	stileid.u32  }
0x7: {  	s29 =	simm.s32 $0x1;
	s30 =	simm.s32 $0x80;
	s31 =	simm.s32 $0x100  }
0x8: {  	[smem:$0x7FF] =	sst s5;
	s8 =	sadd.s32 $0xC400, s0;
	s6 =	sand.u32 $0x1, s6  }
0x9: {  	s26 =	sshll.u32 s7, $0x1;
	s9 =	sadd.s32 $0xC600, s0;
	s10 =	sadd.s32 $0x4600, s0  }
0xa: {  	p1 =	seq.s32 s7, $0x2;
	p2 =	seq.s32 s7, $0x1;
	s16 =	sadd.s32 $0x90D0, s0  }
0xb: {  	s17 =	sadd.s32 $0x186800, s1;
	s18 =	sadd.s32 $0xC2C0, s0;
	s19 =	sadd.s32 $0x186000, s1  }
0xc: {  	s20 =	sshll.u32 s7, $0xD;
	_ =	strace $0x8000004A;
	[dreg:$0x6] =	wrdreg s8  }
0xd: {  	s22 =	sshll.u32 s7, $0x6;
	s23 =	sadd.s32 $0xC3000, s2;
	[dreg:$0x7] =	wrdreg s9  }
0xe: {  	p3 =	sne.s32 s7, $0x0;
	s7 =	simm.s32 $0x3;
	[dreg:$0xc] =	wrdreg s16  }
0xf: {  	s11 =	ssub.s32 $0x2, s6;
	s8 =	sor.u32 s6, s26;
	[dreg:$0xd] =	wrdreg s17  }
0x10: {  	s9 =	sadd.s32 $0x9200, s0;
	p0 =	seq.s32 s6, $0x0;
	[dreg:$0xe] =	wrdreg s18  }
0x11: {  	[dreg:$0xf] =	wrdreg s19;
	s0 =	sadd.s32 $0x4460, s0;
	s21 =	sshll.u32 s6, $0xC  }
0x12: {  	[dreg:$0x11] =	wrdreg s23;
	s12 =	sshrl.u32 s11, $0x1;
	s13 =	sshll.u32 s8, $0x5  }
0x13: {  	p1 =	por !p0, !p1;
	p0 =	por !p0, !p2;
	[dreg:$0x10] =	wrdreg s0  }
0x14: {  	s20 =	sor.u32 s21, s20;
	s24 =	ssub.s32 $0x1C5, s8;
	s25 =	ssub.s32 $0x102, s8  }
0x15: {  	s11 =	ssub.s32 s11, s12;
	s28 =	sor.u32 $0x400, s13;
	s14 =	sadd.s32 s9, s13  }
0x16: {  	s13 =	sadd.s32 s10, s13;
	p1 =	por !p1, !p1;
	[dreg:$0x8] =	wrdreg s14  }
0x17: {  	p0 =	por !p0, !p0;
	s0 =	sshrl.u32 s24, $0x6;
	[dreg:$0xa] =	wrdreg s13  }
0x18: {  	s15 =	sadd.s32 s9, s28;
	s12 =	sadd.s32 s10, s28;
	[dreg:$0x13] =	wrdreg s0  }
0x19: {  	s26 =	smax.u32 s11, $0x1;
	s28 =	sshrl.u32 s25, $0x6;
	[dreg:$0x9] =	wrdreg s15  }
0x1a: {  	p4 =	por !p0, p1;
	s25 =	simm.s32 $0x10200;
	[dreg:$0xb] =	wrdreg s12  }
0x1b: {  	s0 =	simm.s32 $0x10180;
	s12 =	simm.s32 @!p2 $0x0;
	[dreg:$0x12] =	wrdreg s26  }
0x1c: {  	[dreg:$0x14] =	wrdreg s28;
	s12 =	simm.s32 @p2 $0x1;
	p2 =	seq.s32 s6, $0x1  }
0x1d: {  	s13 =	simm.s32 $0x0;
	[smem:$0x7FC] =	sst s12;
	s12 =	simm.s32 @!p2 $0x0  }
0x1e: {  	s26 =	simm.s32 $0x10100;
	s6 =	sshll.u32 s6, $0x5;
	s12 =	simm.s32 @p2 $0x1  }
0x1f: {  	s22 =	sor.u32 s6, s22;
	s6 =	simm.s32 $0x4100;
	[smem:$0x7FD] =	sst s12  }
.LBB2_1:
0x20: {  	s14 =	sshrl.u32 @!p3 s3, $0x3;
	s15 =	simm.s32 @!p3 $0x1C07;
	s11 =	rddreg [dreg:$0x6]  }
0x21: {  	[spmem:s14], [sflag:s15] =	dma.local @!p3 [hbm:s11], $0x100  }
0x22: {  	s14 =	simm.s32 @!p3 $0x7  }
0x23: {  	_ =	swait.ge @!p3 [sflag:s14], $0x100  }
0x24: {  	[sflag:s14] =	ssyncset.done @!p3 $0x0  }
0x25: {  	s16 =	sshrl.u32 @!p3 s4, $0x3;
	s11 =	rddreg [dreg:$0x7];
	[sflag:s14] =	ssyncadd.s32 @!p3 $0xFFFFFF00  }
0x26: {  	[spmem:s16], [sflag:s15] =	dma.local @!p3 [hbm:s11], $0x100  }
0x27: {  	_ =	swait.ge @!p3 [sflag:s14], $0x100  }
0x28: {  	[sflag:s14] =	ssyncset.done @!p3 $0x0  }
0x29: {  	[sflag:s14] =	ssyncadd.s32 @!p3 $0xFFFFFF00  }
0x2a: {  	[bflag:$0x0] =	sbarrier.arrive $0xFFFF  }
0x2b: {  	s19 =	rddreg [dreg:$0x8]  }
0x2c: {  	[tilespmem:s26], [sflag:$0x1] =	stream.linear.gather [hbm4b:s19+s5], $0x100, $0x38;
	[tilespmem:$0x17D00] =	vst v63  }
0x2d: {  	s21 =	rddreg [dreg:$0x9]  }
0x2e: {  	[tilespmem:s25], [sflag:$0x2] =	stream.linear.gather [hbm4b:s21+s5], $0x100, $0x38;
	[tilespmem:$0x17D00] =	vst v63  }
0x2f: {  	_ =	swait.ge [sflag:s29], $0x100  }
0x30: {  	p0 =	por $0x1, $0x1;
	[sflag:s29] =	ssyncset.done $0x0  }
0x31: {  	s14 =	simm.s32 @!p0 $0x5;
	[sflag:s29] =	ssyncadd.s32 $0xFFFFFF00  }
0x32: {  	_ =	swait.ge @!p0 [sflag:s14], $0x8000  }
0x33: {  	[sflag:s14] =	ssyncset.done @!p0 $0x0  }
0x34: {  	[sflag:s14] =	ssyncadd.s32 @!p0 $0xFFFF8000  }
0x35: {  	[tilespmem:s31], [sflag:$0x3] =	stream.indirect.gather [spmem:s3], $0x80, s26, s30, $0xb8;
	[tilespmem:$0x17D00] =	vst v63  }
0x36: {  	s23 =	sadd.s32 $0x0, s8  }
0x37: {  	[tilespmem:s6], [sflag:$0x3] =	stream.indirect.gather [spmem:s3], $0x80, s0, s30, $0xb8;
	[tilespmem:$0x17D00] =	vst v63  }
0x38: {  	s15 =	sadd.s32 $0x20, s23;
	_ =	swait.ge [sflag:s7], $0x4000  }
0x39: {  	s24 =	sadd.s32 $0x40, s23;
	p5 =	sgt.s32 s15, $0x185;
	[sflag:s7] =	ssyncset.done $0x0  }
0x3a: {  	s18 =	simm.s32 @!p5 $0x2;
	s28 =	simm.s32 @!p5 $0x4;
	[sflag:s7] =	ssyncadd.s32 $0xFFFFC000  }
0x3b: {  	s19 =	simm.s32 @!p5 $0x8100;
	p0 =	sgt.s32 s24, $0x185;
	_ =	swait.ge [sflag:s7], $0x4000  }
0x3c: {  	s14 =	sand.u32 $0x1FFDF000, s20;
	s15 =	sadd.s32 @!p0 $0x800, s22;
	[sflag:s7] =	ssyncset.done $0x0  }
0x3d: {  	s17 =	sadd.s32 s1, s14;
	s15 =	sand.u32 @!p0 $0x1FFFFFE0, s15;
	[sflag:s7] =	ssyncadd.s32 $0xFFFFC000  }
0x3e: {  	[hbm4b:s17+s5] =	stream.linear.scatter [tilespmem:s31], [sflag:$0x5], $0x8000, $0x38;
	[tilespmem:$0x17D00] =	vst v63  }
0x3f: {  	s16 =	simm.s32 @!p0 $0x0;
	s15 =	sadd.s32 @!p0 s9, s15;
	s17 =	simm.s32 @!p0 $0x10100  }
0x40: {  	[tilespmem:s17], [sflag:$0x1] =	stream.linear.gather @!p0 [hbm4b:s15+s16], $0x100, $0x38;
	[tilespmem:$0x17D00] =	vst v63  }
0x41: {  	s25 =	rddreg [dreg:$0x13];
	p0 =	por @!p5 $0x1, $0x1;
	_ =	swait.ge @!p5 [sflag:s18], $0x100  }
0x42: {  	s21 =	simm.s32 @!p5 $0x10280;
	p0 =	por p0, p5;
	[sflag:s18] =	ssyncset.done @!p5 $0x0  }
0x43: {  	s16 =	sadd.s32 @!p5 $0x0, s8;
	s17 =	simm.s32 @!p0 $0x6;
	[sflag:s18] =	ssyncadd.s32 @!p5 $0xFFFFFF00  }
0x44: {  	s24 =	simm.s32 @!p5 $0x0;
	s16 =	sadd.s32 @!p5 $0x60, s16;
	_ =	swait.ge @!p0 [sflag:s17], $0x8000  }
0x45: {  	s15 =	sadd.s32 $0xFFFFFFFF, s25;
	p2 =	sgt.s32 @!p5 s16, $0x185;
	[sflag:s17] =	ssyncset.done @!p0 $0x0  }
0x46: {  	s16 =	simm.s32 @!p5 $0x80;
	s18 =	simm.s32 @!p5 $0x10200;
	[sflag:s17] =	ssyncadd.s32 @!p0 $0xFFFF8000  }
0x47: {  	[tilespmem:s19], [sflag:$0x4] =	stream.indirect.gather @!p5 [spmem:s3], $0x80, s18, s16, $0xb8;
	[tilespmem:$0x17D00] =	vst v63  }
0x48: {  	p6 =	sne.s32 s15, $0x0;
	p2 =	por p2, p5;
	s17 =	simm.s32 @!p5 $0xC100  }
0x49: {  	[tilespmem:s17], [sflag:$0x4] =	stream.indirect.gather @!p5 [spmem:s3], $0x80, s21, s16, $0xb8;
	[tilespmem:$0x17D00] =	vst v63  }
.Ltmp0:
0x4a: {  	s18 =	simm.s32 $0x40;
	_ =	swait.ge @!p5 [sflag:s28], $0x4000;
	(pc) =	sbr.rel @!p6 .LBB2_3-.Ltmp0, $4  }
0x4b: {  	s16 =	sadd.s32 @!p5 $0x20000, s20;
	s17 =	sadd.s32 @!p2 $0xC00, s22;
	[sflag:s28] =	ssyncset.done @!p5 $0x0  }
0x4c: {  	s16 =	sand.u32 @!p5 $0x1FFFF000, s16;
	s17 =	sand.u32 @!p2 $0x1FFFFFE0, s17;
	[sflag:s28] =	ssyncadd.s32 @!p5 $0xFFFFC000  }
0x4d: {  	s21 =	sadd.s32 @!p5 s1, s16;
	s23 =	sadd.s32 @!p2 s9, s17;
	_ =	swait.ge @!p5 [sflag:s28], $0x4000  }
0x4e: {  	s16 =	sadd.s32 $0x40000, s20;
	s17 =	sadd.s32 $0x800, s22;
	[sflag:s28] =	ssyncset.done @!p5 $0x0  }
.LBB2_2:
0x4f: {  	[sflag:s28] =	ssyncadd.s32 @!p5 $0xFFFFC000;
	s28 =	simm.s32 @!p2 $0x0;
	s25 =	simm.s32 @!p2 $0x10200  }
0x50: {  	[hbm4b:s21+s24] =	stream.linear.scatter @!p5 [tilespmem:s19], [sflag:$0x6], $0x8000, $0x38;
	[tilespmem:$0x17D00] =	vst v63  }
0x51: {  	s15 =	sadd.s32 $0xFFFFFFFF, s15  }
0x52: {  	[tilespmem:s25], [sflag:$0x2] =	stream.linear.gather @!p2 [hbm4b:s23+s28], $0x100, $0x38;
	[tilespmem:$0x17D00] =	vst v63  }
0x53: {  	p6 =	sne.s32 s15, $0x0;
	_ =	swait.ge [sflag:s29], $0x100  }
0x54: {  	p0 =	slt.s32 s18, $0x40;
	[sflag:s29] =	ssyncset.done $0x0  }
0x55: {  	s19 =	simm.s32 @!p0 $0x5;
	[sflag:s29] =	ssyncadd.s32 $0xFFFFFF00  }
0x56: {  	_ =	swait.ge @!p0 [sflag:s19], $0x8000  }
0x57: {  	[sflag:s19] =	ssyncset.done @!p0 $0x0  }
0x58: {  	[sflag:s19] =	ssyncadd.s32 @!p0 $0xFFFF8000  }
0x59: {  	[tilespmem:s31], [sflag:$0x3] =	stream.indirect.gather [spmem:s3], $0x80, s26, s30, $0xb8;
	[tilespmem:$0x17D00] =	vst v63  }
0x5a: {  	s21 =	sadd.s32 s18, s8;
	s19 =	sand.u32 $0x1FFDF000, s16  }
0x5b: {  	[tilespmem:s6], [sflag:$0x3] =	stream.indirect.gather [spmem:s3], $0x80, s0, s30, $0xb8;
	[tilespmem:$0x17D00] =	vst v63  }
0x5c: {  	s23 =	sadd.s32 $0x40, s21;
	s21 =	sadd.s32 $0x20, s21;
	_ =	swait.ge [sflag:s7], $0x4000  }
0x5d: {  	p2 =	sgt.s32 s23, $0x185;
	p5 =	sgt.s32 s21, $0x185;
	[sflag:s7] =	ssyncset.done $0x0  }
0x5e: {  	s21 =	sadd.s32 @!p2 $0x800, s17;
	s23 =	simm.s32 @!p2 $0x0;
	[sflag:s7] =	ssyncadd.s32 $0xFFFFC000  }
0x5f: {  	s24 =	simm.s32 @!p2 $0x10100;
	s21 =	sand.u32 @!p2 $0x1FFFFFE0, s21;
	_ =	swait.ge [sflag:s7], $0x4000  }
0x60: {  	s21 =	sadd.s32 @!p2 s9, s21;
	s19 =	sadd.s32 s1, s19;
	[sflag:s7] =	ssyncset.done $0x0  }
0x61: {  	s25 =	sadd.s32 @!p5 s18, s8;
	p0 =	slt.s32 @!p5 s18, $0x20;
	[sflag:s7] =	ssyncadd.s32 $0xFFFFC000  }
0x62: {  	[hbm4b:s19+s5] =	stream.linear.scatter [tilespmem:s31], [sflag:$0x5], $0x8000, $0x38;
	[tilespmem:$0x17D00] =	vst v63  }
0x63: {  	s28 =	simm.s32 @!p5 $0x2;
	p0 =	por p0, p5;
	s19 =	sadd.s32 @!p5 $0x60, s25  }
0x64: {  	[tilespmem:s24], [sflag:$0x1] =	stream.linear.gather @!p2 [hbm4b:s21+s23], $0x100, $0x38;
	[tilespmem:$0x17D00] =	vst v63  }
0x65: {  	s21 =	sadd.s32 @!p5 $0x20000, s16;
	p2 =	sgt.s32 @!p5 s19, $0x185;
	_ =	swait.ge @!p5 [sflag:s28], $0x100  }
0x66: {  	s23 =	simm.s32 @!p0 $0x6;
	s19 =	simm.s32 @!p5 $0x8100;
	[sflag:s28] =	ssyncset.done @!p5 $0x0  }
0x67: {  	s25 =	simm.s32 @!p5 $0x10200;
	s24 =	simm.s32 @!p5 $0x80;
	[sflag:s28] =	ssyncadd.s32 @!p5 $0xFFFFFF00  }
0x68: {  	s11 =	simm.s32 @!p5 $0x10280;
	s12 =	simm.s32 @!p5 $0xC100;
	_ =	swait.ge @!p0 [sflag:s23], $0x8000  }
0x69: {  	s21 =	sand.u32 @!p5 $0x1FFFF000, s21;
	p2 =	por p2, p5;
	[sflag:s23] =	ssyncset.done @!p0 $0x0  }
0x6a: {  	s21 =	sadd.s32 @!p5 s1, s21;
	[sflag:s23] =	ssyncadd.s32 @!p0 $0xFFFF8000;
	s23 =	sadd.s32 @!p2 $0xC00, s17  }
0x6b: {  	[tilespmem:s19], [sflag:$0x4] =	stream.indirect.gather @!p5 [spmem:s3], $0x80, s25, s24, $0xb8;
	[tilespmem:$0x17D00] =	vst v63  }
0x6c: {  	s28 =	simm.s32 @!p5 $0x4;
	s23 =	sand.u32 @!p2 $0x1FFFFFE0, s23  }
0x6d: {  	[tilespmem:s12], [sflag:$0x4] =	stream.indirect.gather @!p5 [spmem:s3], $0x80, s11, s24, $0xb8;
	[tilespmem:$0x17D00] =	vst v63  }
.Ltmp1:
0x6e: {  	s23 =	sadd.s32 @!p2 s9, s23;
	_ =	swait.ge @!p5 [sflag:s28], $0x4000;
	(pc) =	sbr.rel @p6 .LBB2_2-.Ltmp1, $4  }
0x6f: {  	[sflag:s28] =	ssyncset.done @!p5 $0x0  }
0x70: {  	[sflag:s28] =	ssyncadd.s32 @!p5 $0xFFFFC000  }
0x71: {  	s16 =	sadd.s32 $0x40000, s16;
	s17 =	sadd.s32 $0x800, s17;
	_ =	swait.ge @!p5 [sflag:s28], $0x4000  }
0x72: {  	s18 =	sadd.s32 $0x40, s18;
	s24 =	simm.s32 @!p5 $0x0;
	[sflag:s28] =	ssyncset.done @!p5 $0x0  }
.LBB2_3:
0x73: {  	[sflag:s28] =	ssyncadd.s32 @!p5 $0xFFFFC000  }
0x74: {  	[hbm4b:s21+s24] =	stream.linear.scatter @!p5 [tilespmem:s19], [sflag:$0x6], $0x8000, $0x38;
	[tilespmem:$0x17D00] =	vst v63  }
0x75: {  	s11 =	simm.s32 @!p2 $0x0;
	s12 =	simm.s32 @!p2 $0x10200;
	s28 =	simm.s32 $0x5  }
0x76: {  	[tilespmem:s12], [sflag:$0x2] =	stream.linear.gather @!p2 [hbm4b:s23+s11], $0x100, $0x38;
	[tilespmem:$0x17D00] =	vst v63  }
0x77: {  	_ =	swait.ge [sflag:s28], $0x8000  }
0x78: {  	[sflag:s28] =	ssyncset.done $0x0  }
0x79: {  	s16 =	simm.s32 $0x6;
	[sflag:s28] =	ssyncadd.s32 $0xFFFF8000  }
0x7a: {  	_ =	swait.ge [sflag:s16], $0x8000  }
0x7b: {  	[sflag:s16] =	ssyncset.done $0x0  }
0x7c: {  	s17 =	simm.s32 $0x0;
	s18 =	rddreg [dreg:$0xa];
	[sflag:s16] =	ssyncadd.s32 $0xFFFF8000  }
0x7d: {  	[tilespmem:s26], [sflag:$0x1] =	stream.linear.gather [hbm4b:s18+s17], $0x100, $0x38;
	[tilespmem:$0x17D00] =	vst v63  }
0x7e: {  	s25 =	simm.s32 $0x10200;
	s19 =	rddreg [dreg:$0xb]  }
0x7f: {  	[tilespmem:s25], [sflag:$0x2] =	stream.linear.gather [hbm4b:s19+s17], $0x100, $0x38;
	[tilespmem:$0x17D00] =	vst v63  }
0x80: {  	_ =	swait.ge [sflag:s29], $0x100  }
0x81: {  	p0 =	por $0x1, $0x1;
	[sflag:s29] =	ssyncset.done $0x0  }
0x82: {  	s11 =	simm.s32 @!p0 $0x5;
	[sflag:s29] =	ssyncadd.s32 $0xFFFFFF00  }
0x83: {  	_ =	swait.ge @!p0 [sflag:s11], $0x8000  }
0x84: {  	[sflag:s11] =	ssyncset.done @!p0 $0x0  }
0x85: {  	[sflag:s11] =	ssyncadd.s32 @!p0 $0xFFFF8000  }
0x86: {  	[tilespmem:s31], [sflag:$0x3] =	stream.indirect.gather [spmem:s4], $0x80, s26, s30, $0xb8;
	[tilespmem:$0x17D00] =	vst v63  }
0x87: {  	_ = 	snop  }
0x88: {  	[tilespmem:s6], [sflag:$0x3] =	stream.indirect.gather [spmem:s4], $0x80, s0, s30, $0xb8;
	[tilespmem:$0x17D00] =	vst v63  }
0x89: {  	s21 =	sadd.s32 $0x0, s8;
	_ =	swait.ge [sflag:s7], $0x4000  }
0x8a: {  	s14 =	sadd.s32 s2, s14;
	s23 =	sadd.s32 $0x40, s21;
	[sflag:s7] =	ssyncset.done $0x0  }
0x8b: {  	s17 =	simm.s32 $0x40;
	s11 =	sadd.s32 $0x20, s21;
	[sflag:s7] =	ssyncadd.s32 $0xFFFFC000  }
0x8c: {  	p0 =	sgt.s32 s23, $0xC2;
	p5 =	sgt.s32 s11, $0xC2;
	_ =	swait.ge [sflag:s7], $0x4000  }
0x8d: {  	s11 =	sadd.s32 @!p0 $0x800, s22;
	s12 =	simm.s32 @!p0 $0x0;
	[sflag:s7] =	ssyncset.done $0x0  }
0x8e: {  	s11 =	sand.u32 @!p0 $0x1FFFFFE0, s11;
	s15 =	simm.s32 @!p5 $0x2;
	[sflag:s7] =	ssyncadd.s32 $0xFFFFC000  }
0x8f: {  	[hbm4b:s14+s5] =	stream.linear.scatter [tilespmem:s31], [sflag:$0x5], $0x8000, $0x38;
	[tilespmem:$0x17D00] =	vst v63  }
0x90: {  	s18 =	simm.s32 @!p5 $0x8100;
	s11 =	sadd.s32 @!p0 s10, s11;
	s14 =	simm.s32 @!p0 $0x10100  }
0x91: {  	[tilespmem:s14], [sflag:$0x1] =	stream.linear.gather @!p0 [hbm4b:s11+s12], $0x100, $0x38;
	[tilespmem:$0x17D00] =	vst v63  }
0x92: {  	s24 =	rddreg [dreg:$0x14];
	p0 =	por @!p5 $0x1, $0x1;
	_ =	swait.ge @!p5 [sflag:s15], $0x100  }
0x93: {  	s16 =	simm.s32 @!p5 $0x10280;
	p0 =	por p0, p5;
	[sflag:s15] =	ssyncset.done @!p5 $0x0  }
0x94: {  	s11 =	sadd.s32 @!p5 $0x0, s8;
	s12 =	simm.s32 @!p0 $0x6;
	[sflag:s15] =	ssyncadd.s32 @!p5 $0xFFFFFF00  }
0x95: {  	s21 =	simm.s32 @!p5 $0x4;
	s11 =	sadd.s32 @!p5 $0x60, s11;
	_ =	swait.ge @!p0 [sflag:s12], $0x8000  }
0x96: {  	s14 =	sadd.s32 $0xFFFFFFFF, s24;
	p2 =	sgt.s32 @!p5 s11, $0xC2;
	[sflag:s12] =	ssyncset.done @!p0 $0x0  }
0x97: {  	s11 =	simm.s32 @!p5 $0x80;
	s15 =	simm.s32 @!p5 $0x10200;
	[sflag:s12] =	ssyncadd.s32 @!p0 $0xFFFF8000  }
0x98: {  	[tilespmem:s18], [sflag:$0x4] =	stream.indirect.gather @!p5 [spmem:s4], $0x80, s15, s11, $0xb8;
	[tilespmem:$0x17D00] =	vst v63  }
0x99: {  	s24 =	simm.s32 @!p5 $0x0;
	p6 =	sne.s32 s14, $0x0;
	s12 =	simm.s32 @!p5 $0xC100  }
0x9a: {  	[tilespmem:s12], [sflag:$0x4] =	stream.indirect.gather @!p5 [spmem:s4], $0x80, s16, s11, $0xb8;
	[tilespmem:$0x17D00] =	vst v63  }
.Ltmp2:
0x9b: {  	p2 =	por p2, p5;
	_ =	swait.ge @!p5 [sflag:s21], $0x4000;
	(pc) =	sbr.rel @!p6 .LBB2_5-.Ltmp2, $4  }
0x9c: {  	s15 =	sadd.s32 $0x40000, s20;
	s11 =	sadd.s32 @!p5 $0x20000, s20;
	[sflag:s21] =	ssyncset.done @!p5 $0x0  }
0x9d: {  	s12 =	sadd.s32 @!p2 $0xC00, s22;
	s16 =	sadd.s32 $0x800, s22;
	[sflag:s21] =	ssyncadd.s32 @!p5 $0xFFFFC000  }
0x9e: {  	s11 =	sand.u32 @!p5 $0x1FFFF000, s11;
	s12 =	sand.u32 @!p2 $0x1FFFFFE0, s12;
	_ =	swait.ge @!p5 [sflag:s21], $0x4000  }
0x9f: {  	s19 =	sadd.s32 @!p5 s2, s11;
	s23 =	sadd.s32 @!p2 s10, s12;
	[sflag:s21] =	ssyncset.done @!p5 $0x0  }
.LBB2_4:
0xa0: {  	[sflag:s21] =	ssyncadd.s32 @!p5 $0xFFFFC000;
	s11 =	simm.s32 @!p2 $0x0;
	s12 =	simm.s32 @!p2 $0x10200  }
0xa1: {  	[hbm4b:s19+s24] =	stream.linear.scatter @!p5 [tilespmem:s18], [sflag:$0x6], $0x8000, $0x38;
	[tilespmem:$0x17D00] =	vst v63  }
0xa2: {  	s14 =	sadd.s32 $0xFFFFFFFF, s14  }
0xa3: {  	[tilespmem:s12], [sflag:$0x2] =	stream.linear.gather @!p2 [hbm4b:s23+s11], $0x100, $0x38;
	[tilespmem:$0x17D00] =	vst v63  }
0xa4: {  	p6 =	sne.s32 s14, $0x0;
	_ =	swait.ge [sflag:s29], $0x100  }
0xa5: {  	p0 =	slt.s32 s17, $0x40;
	[sflag:s29] =	ssyncset.done $0x0  }
0xa6: {  	s11 =	simm.s32 @!p0 $0x5;
	[sflag:s29] =	ssyncadd.s32 $0xFFFFFF00  }
0xa7: {  	_ =	swait.ge @!p0 [sflag:s11], $0x8000  }
0xa8: {  	[sflag:s11] =	ssyncset.done @!p0 $0x0  }
0xa9: {  	[sflag:s11] =	ssyncadd.s32 @!p0 $0xFFFF8000  }
0xaa: {  	[tilespmem:s31], [sflag:$0x3] =	stream.indirect.gather [spmem:s4], $0x80, s26, s30, $0xb8;
	[tilespmem:$0x17D00] =	vst v63  }
0xab: {  	s12 =	sadd.s32 s17, s8;
	s11 =	sand.u32 $0x1FFDF000, s15  }
0xac: {  	[tilespmem:s6], [sflag:$0x3] =	stream.indirect.gather [spmem:s4], $0x80, s0, s30, $0xb8;
	[tilespmem:$0x17D00] =	vst v63  }
0xad: {  	s18 =	sadd.s32 $0x40, s12;
	s12 =	sadd.s32 $0x20, s12;
	_ =	swait.ge [sflag:s7], $0x4000  }
0xae: {  	p2 =	sgt.s32 s18, $0xC2;
	p5 =	sgt.s32 s12, $0xC2;
	[sflag:s7] =	ssyncset.done $0x0  }
0xaf: {  	s12 =	sadd.s32 @!p2 $0x800, s16;
	s18 =	simm.s32 @!p2 $0x0;
	[sflag:s7] =	ssyncadd.s32 $0xFFFFC000  }
0xb0: {  	s19 =	simm.s32 @!p2 $0x10100;
	s12 =	sand.u32 @!p2 $0x1FFFFFE0, s12;
	_ =	swait.ge [sflag:s7], $0x4000  }
0xb1: {  	s12 =	sadd.s32 @!p2 s10, s12;
	s11 =	sadd.s32 s2, s11;
	[sflag:s7] =	ssyncset.done $0x0  }
0xb2: {  	s21 =	sadd.s32 @!p5 s17, s8;
	p0 =	slt.s32 @!p5 s17, $0x20;
	[sflag:s7] =	ssyncadd.s32 $0xFFFFC000  }
0xb3: {  	[hbm4b:s11+s5] =	stream.linear.scatter [tilespmem:s31], [sflag:$0x5], $0x8000, $0x38;
	[tilespmem:$0x17D00] =	vst v63  }
0xb4: {  	s21 =	sadd.s32 @!p5 $0x60, s21;
	p0 =	por p0, p5;
	s11 =	simm.s32 @!p5 $0x2  }
0xb5: {  	[tilespmem:s19], [sflag:$0x1] =	stream.linear.gather @!p2 [hbm4b:s12+s18], $0x100, $0x38;
	[tilespmem:$0x17D00] =	vst v63  }
0xb6: {  	s12 =	sadd.s32 @!p5 $0x20000, s15;
	p2 =	sgt.s32 @!p5 s21, $0xC2;
	_ =	swait.ge @!p5 [sflag:s11], $0x100  }
0xb7: {  	s19 =	simm.s32 @!p0 $0x6;
	s18 =	simm.s32 @!p5 $0x8100;
	[sflag:s11] =	ssyncset.done @!p5 $0x0  }
0xb8: {  	s21 =	simm.s32 @!p5 $0x10200;
	[sflag:s11] =	ssyncadd.s32 @!p5 $0xFFFFFF00;
	s11 =	simm.s32 @!p5 $0x80  }
0xb9: {  	s23 =	simm.s32 @!p5 $0x10280;
	s24 =	simm.s32 @!p5 $0xC100;
	_ =	swait.ge @!p0 [sflag:s19], $0x8000  }
0xba: {  	s12 =	sand.u32 @!p5 $0x1FFFF000, s12;
	p2 =	por p2, p5;
	[sflag:s19] =	ssyncset.done @!p0 $0x0  }
0xbb: {  	[sflag:s19] =	ssyncadd.s32 @!p0 $0xFFFF8000;
	s19 =	sadd.s32 @!p5 s2, s12;
	s12 =	sadd.s32 @!p2 $0xC00, s16  }
0xbc: {  	[tilespmem:s18], [sflag:$0x4] =	stream.indirect.gather @!p5 [spmem:s4], $0x80, s21, s11, $0xb8;
	[tilespmem:$0x17D00] =	vst v63  }
0xbd: {  	s21 =	simm.s32 @!p5 $0x4;
	s12 =	sand.u32 @!p2 $0x1FFFFFE0, s12  }
0xbe: {  	[tilespmem:s24], [sflag:$0x4] =	stream.indirect.gather @!p5 [spmem:s4], $0x80, s23, s11, $0xb8;
	[tilespmem:$0x17D00] =	vst v63  }
.Ltmp3:
0xbf: {  	s23 =	sadd.s32 @!p2 s10, s12;
	_ =	swait.ge @!p5 [sflag:s21], $0x4000;
	(pc) =	sbr.rel @p6 .LBB2_4-.Ltmp3, $4  }
0xc0: {  	[sflag:s21] =	ssyncset.done @!p5 $0x0  }
0xc1: {  	[sflag:s21] =	ssyncadd.s32 @!p5 $0xFFFFC000  }
0xc2: {  	s15 =	sadd.s32 $0x40000, s15;
	s16 =	sadd.s32 $0x800, s16;
	_ =	swait.ge @!p5 [sflag:s21], $0x4000  }
0xc3: {  	s17 =	sadd.s32 $0x40, s17;
	s24 =	simm.s32 @!p5 $0x0;
	[sflag:s21] =	ssyncset.done @!p5 $0x0  }
.LBB2_5:
0xc4: {  	[sflag:s21] =	ssyncadd.s32 @!p5 $0xFFFFC000  }
0xc5: {  	[hbm4b:s19+s24] =	stream.linear.scatter @!p5 [tilespmem:s18], [sflag:$0x6], $0x8000, $0x38;
	[tilespmem:$0x17D00] =	vst v63  }
0xc6: {  	s11 =	simm.s32 @!p2 $0x0;
	s12 =	simm.s32 @!p2 $0x10200  }
0xc7: {  	[tilespmem:s12], [sflag:$0x2] =	stream.linear.gather @!p2 [hbm4b:s23+s11], $0x100, $0x38;
	[tilespmem:$0x17D00] =	vst v63  }
0xc8: {  	_ =	swait.ge [sflag:s28], $0x8000  }
0xc9: {  	[sflag:s28] =	ssyncset.done $0x0  }
0xca: {  	s21 =	simm.s32 $0x6;
	[sflag:s28] =	ssyncadd.s32 $0xFFFF8000  }
0xcb: {  	_ =	swait.ge [sflag:s21], $0x8000  }
0xcc: {  	s11 =	simm.s32 @!p4 $0x0;
	[sflag:s21] =	ssyncset.done $0x0  }
0xcd: {  	s12 =	simm.s32 @!p4 $0x14400;
	s14 =	rddreg [dreg:$0xc];
	[sflag:s21] =	ssyncadd.s32 $0xFFFF8000  }
0xce: {  	[tilespmem:s12], [sflag:$0x7] =	stream.linear.gather @!p4 [hbm4b:s14+s11], $0x80, $0x38;
	[tilespmem:$0x17D00] =	vst v63  }
0xcf: {  	s14 =	simm.s32 @!p4 $0x7  }
0xd0: {  	_ =	swait.ge @!p4 [sflag:s14], $0x80  }
0xd1: {  	[sflag:s14] =	ssyncset.done @!p4 $0x0  }
0xd2: {  	s15 =	simm.s32 @!p4 $0x20;
	s16 =	simm.s32 @!p4 $0x14480;
	[sflag:s14] =	ssyncadd.s32 @!p4 $0xFFFFFF80  }
0xd3: {  	[tilespmem:s16], [sflag:$0x7] =	stream.indirect.gather @!p4 [spmem:s3], $0x80, s12, s15, $0xb8;
	[tilespmem:$0x17D00] =	vst v63  }
0xd4: {  	_ =	swait.ge @!p4 [sflag:s14], $0x1000  }
0xd5: {  	s12 =	rddreg [dreg:$0xd]  }
0xd6: {  	[sflag:s14] =	ssyncset.done @!p4 $0x0;
	s23 =	sld [smem:$0x7FC]  }
0xd7: {  	s24 =	sld [smem:$0x7FD];
	[sflag:s14] =	ssyncadd.s32 @!p4 $0xFFFFF000  }
0xd8: {  	[hbm4b:s12+s11] =	stream.linear.scatter @!p4 [tilespmem:s16], [sflag:$0x7], $0x1000, $0x38;
	[tilespmem:$0x17D00] =	vst v63  }
0xd9: {  	p0 =	por @!p4 $0x1, $0x1;
	p2 =	seq.s32 s23, $0x1  }
0xda: {  	p2 =	por @!p4 p0, p0;
	p0 =	seq.s32 s24, $0x1  }
0xdb: {  	_ =	swait.ge @!p4 [sflag:s14], $0x1000;
	p0 =	por @!p1 !p2, !p0  }
0xdc: {  	[sflag:s14] =	ssyncset.done @!p4 $0x0;
	p0 =	por @!p1 !p0, !p0  }
0xdd: {  	[sflag:s14] =	ssyncadd.s32 @!p4 $0xFFFFF000;
	p0 =	por !p0, p1  }
0xde: {  	s14 =	rddreg [dreg:$0x10];
	s11 =	simm.s32 @!p0 $0x0;
	s12 =	simm.s32 @!p0 $0x15480  }
0xdf: {  	[tilespmem:s12], [sflag:$0x7] =	stream.linear.gather @!p0 [hbm4b:s14+s11], $0x80, $0x38;
	[tilespmem:$0x17D00] =	vst v63  }
0xe0: {  	s14 =	simm.s32 @!p0 $0x7  }
0xe1: {  	_ =	swait.ge @!p0 [sflag:s14], $0x80  }
0xe2: {  	[sflag:s14] =	ssyncset.done @!p0 $0x0  }
0xe3: {  	s15 =	simm.s32 @!p0 $0x50;
	s16 =	simm.s32 @!p0 $0x15500;
	[sflag:s14] =	ssyncadd.s32 @!p0 $0xFFFFFF80  }
0xe4: {  	[tilespmem:s16], [sflag:$0x7] =	stream.indirect.gather @!p0 [spmem:s4], $0x80, s12, s15, $0xb8;
	[tilespmem:$0x17D00] =	vst v63  }
0xe5: {  	_ =	swait.ge @!p0 [sflag:s14], $0x2800  }
0xe6: {  	[sflag:s14] =	ssyncset.done @!p0 $0x0  }
0xe7: {  	s12 =	rddreg [dreg:$0x11];
	[sflag:s14] =	ssyncadd.s32 @!p0 $0xFFFFD800  }
0xe8: {  	[hbm4b:s12+s11] =	stream.linear.scatter @!p0 [tilespmem:s16], [sflag:$0x7], $0x2800, $0x38;
	[tilespmem:$0x17D00] =	vst v63  }
0xe9: {  	_ =	swait.ge @!p0 [sflag:s14], $0x2800  }
0xea: {  	s11 =	simm.s32 @p1 $0x0;
	[sflag:s14] =	ssyncset.done @!p0 $0x0  }
0xeb: {  	s12 =	simm.s32 @p1 $0x10300;
	[sflag:s14] =	ssyncadd.s32 @!p0 $0xFFFFD800;
	s14 =	rddreg [dreg:$0xe]  }
0xec: {  	[tilespmem:s12], [sflag:$0x7] =	stream.linear.gather @p1 [hbm4b:s14+s11], $0x100, $0x38;
	[tilespmem:$0x17D00] =	vst v63  }
0xed: {  	s14 =	simm.s32 @p1 $0x7  }
0xee: {  	_ =	swait.ge @p1 [sflag:s14], $0x100  }
0xef: {  	[sflag:s14] =	ssyncset.done @p1 $0x0  }
0xf0: {  	s15 =	simm.s32 @p1 $0x80;
	s16 =	simm.s32 @p1 $0x10400;
	[sflag:s14] =	ssyncadd.s32 @p1 $0xFFFFFF00  }
0xf1: {  	[tilespmem:s16], [sflag:$0x7] =	stream.indirect.gather @p1 [spmem:s3], $0x80, s12, s15, $0xb8;
	[tilespmem:$0x17D00] =	vst v63  }
0xf2: {  	_ =	swait.ge @p1 [sflag:s14], $0x4000  }
0xf3: {  	[sflag:s14] =	ssyncset.done @p1 $0x0  }
0xf4: {  	s12 =	rddreg [dreg:$0xf];
	[sflag:s14] =	ssyncadd.s32 @p1 $0xFFFFC000  }
0xf5: {  	[hbm4b:s12+s11] =	stream.linear.scatter @p1 [tilespmem:s16], [sflag:$0x7], $0x4000, $0x38;
	[tilespmem:$0x17D00] =	vst v63  }
0xf6: {  	_ =	swait.ge @p1 [sflag:s14], $0x4000  }
0xf7: {  	s13 =	sadd.s32 $0x1, s13;
	s28 =	rddreg [dreg:$0x12]  }
0xf8: {  	p0 =	sne.s32 s13, s28  }
.Ltmp4:
0xf9: {  	_ = 	snop;
	(pc) =	sbr.rel @p0 .LBB2_1-.Ltmp4, $3  }
0xfa: {  	_ =	sdelay $0x1  }
0xfb: {  	[sflag:s14] =	ssyncset.done @p1 $0x0  }
0xfc: {  	[sflag:s14] =	ssyncadd.s32 @p1 $0xFFFFC000  }
0xfd: {  	_ =	sfence.sel $0x180000  }
0xfe: {  	[bflag:$0x0] =	sbarrier.arrive $0xFFFF  }
0xff: {  	_ =	strace $0x9000004A  }
0x100: {  	[bflag:$0x2] =	sbarrier.arrive $0xFFFF  }
0x101: {  	s0 =	rddreg [dreg:$0x5]  }
0x102: {  	s0 =	sadd.s32 @!p3 $0x100000, s0  }
0x103: {  	[sflag:s0] =	ssyncadd.tile.s32 @!p3 $0x1;
	_ =	shalt  }
.Lfunc_end2:
_tile_overlayer_lowered:
.L_overlay_start_2:
0x104: {  	(tag) =	ssettag $0x2  }
0x105: {  	s0 =	rddreg [dreg:$0x0];
	s2 =	stileid.u32  }
0x106: {  	s1 =	rddreg [dreg:$0x1];
	p0 =	sne.s32 s2, $0x0  }
0x107: {  	s3 =	rddreg [dreg:$0x2];
	[bflag:$0x3] =	sbarrier.arrive $0xFFFF;
	s2 =	simm.s32 @!p0 $0x1C07  }
0x108: {  	[timem:s3], [sflag:s2] =	dma.local @!p0 [hbm:s0], s1  }
0x109: {  	s0 =	simm.s32 @!p0 $0x7  }
0x10a: {  	_ =	swait.ge @!p0 [sflag:s0], s1  }
0x10b: {  	s1 =	ssub.s32 @!p0 $0x0, s1;
	[sflag:s0] =	ssyncset.done @!p0 $0x0  }
0x10c: {  	[sflag:s0] =	ssyncadd.s32 @!p0 s1  }
0x10d: {  	[bflag:$0x3] =	sbarrier.arrive $0xFFFF  }
0x10e: {  	_ =	shalt  }

</sc_bundles>
